<compile_context>
chip_gen: v7x
topology: tpu7x:2x2x1
jax: 0.10.2.dev20260603
libtpu: 0.0.44.dev20260713+nightly
codegen_flags: <defaults>
</compile_context>

<pallas_src>
import jax
import jax.numpy as jnp
from jax import lax
from jax.experimental import pallas as pl
from jax.experimental.pallas import tpu as pltpu
from jax.experimental.pallas import tpu_sc as plsc

B = 8
N_FINE = 40962
D = 128
K = 7
N_COARSE = 10242

NW = 32
CHUNK = 2
NCHUNKS = N_COARSE // CHUNK
PER_W = NCHUNKS // NW
IDX_C = CHUNK * K
IDX_P = 16
NBUF = 4
NQ = PER_W // NBUF + 1
DBLK = D // 16
STAGE_W = (PER_W + 1) * IDX_P


def _tree_max7(rows):
    t0 = jnp.maximum(rows[0], rows[1])
    t1 = jnp.maximum(rows[2], rows[3])
    t2 = jnp.maximum(rows[4], rows[5])
    return jnp.maximum(jnp.maximum(t0, t1), jnp.maximum(t2, rows[6]))


def _pool_body(x_hbm, idxm_hbm, out_hbm,
               idx_v, gbuf0, gbuf1, gbuf2, gbuf3,
               obuf0, obuf1, obuf2, obuf3,
               semG0, semG1, semG2, semG3, semS):
    gbufs = (gbuf0, gbuf1, gbuf2, gbuf3)
    obufs = (obuf0, obuf1, obuf2, obuf3)
    semGs = (semG0, semG1, semG2, semG3)
    wid = lax.axis_index("s") * 2 + lax.axis_index("c")
    base_chunk = wid * PER_W
    nc = jnp.where(wid == NW - 1, PER_W + 1, PER_W)
    pltpu.sync_copy(idxm_hbm.at[pl.ds(wid * (PER_W * IDX_P), STAGE_W)], idx_v)

    def fire(p, j):
        idx_slice = idx_v.at[pl.ds(j * IDX_P, IDX_C)]
        pltpu.async_copy(x_hbm.at[idx_slice], gbufs[p], semGs[p])

    def wait_gather(p):
        idx_slice = idx_v.at[pl.ds(0, IDX_C)]
        pltpu.make_async_copy(x_hbm.at[idx_slice], gbufs[p], semGs[p]).wait()

    def wait_store(p):
        pltpu.make_async_copy(obufs[p], out_hbm.at[pl.ds(0, CHUNK)],
                              semS).wait()

    def compute(p):
        gbuf = gbufs[p]
        obuf = obufs[p]

        @plsc.parallel_loop(0, CHUNK * B, 1, unroll=2)
        def _(i):
            c = lax.shift_right_logical(i, 3)
            b = lax.bitwise_and(i, 7)
            for dblk in range(DBLK):
                o = pl.ds(dblk * 16, 16)
                m = _tree_max7([gbuf[K * c + k2, b, o] for k2 in range(K)])
                obuf[c, b, o] = m

    for p in range(NBUF):
        fire(p, p)

    def ring_body(j4, carry):
        @pl.when(j4 >= 1)
        def _():
            for p in range(NBUF):
                wait_store(p)

        for p in range(NBUF):
            c = NBUF * j4 + p

            @pl.when(c < nc)
            def _():
                wait_gather(p)
                compute(p)
                pltpu.async_copy(
                    obufs[p],
                    out_hbm.at[pl.ds((base_chunk + c) * CHUNK, CHUNK)],
                    semS)

            @pl.when(c + NBUF < nc)
            def _():
                fire(p, c + NBUF)

        return carry

    lax.fori_loop(0, NQ, ring_body, 0)
    for p in range(NBUF):
        @pl.when(NBUF * (NQ - 1) + p < nc)
        def _():
            wait_store(p)


def kernel(x, pool_idx):
    idx = pool_idx.astype(jnp.int32)
    idx_main = jnp.pad(idx.reshape(NCHUNKS, IDX_C),
                       ((0, 0), (0, IDX_P - IDX_C))).reshape(-1)
    x_t = jnp.transpose(x, (1, 0, 2))

    mesh = plsc.VectorSubcoreMesh(core_axis_name="c", subcore_axis_name="s")
    f = pl.kernel(
        _pool_body,
        mesh=mesh,
        out_type=jax.ShapeDtypeStruct((N_COARSE, B, D), jnp.float32),
        scratch_types=[
            pltpu.VMEM((STAGE_W,), jnp.int32),
            pltpu.VMEM((IDX_C, B, D), jnp.float32),
            pltpu.VMEM((IDX_C, B, D), jnp.float32),
            pltpu.VMEM((IDX_C, B, D), jnp.float32),
            pltpu.VMEM((IDX_C, B, D), jnp.float32),
            pltpu.VMEM((CHUNK, B, D), jnp.float32),
            pltpu.VMEM((CHUNK, B, D), jnp.float32),
            pltpu.VMEM((CHUNK, B, D), jnp.float32),
            pltpu.VMEM((CHUNK, B, D), jnp.float32),
            pltpu.SemaphoreType.DMA,
            pltpu.SemaphoreType.DMA,
            pltpu.SemaphoreType.DMA,
            pltpu.SemaphoreType.DMA,
            pltpu.SemaphoreType.DMA,
        ],
    )
    out_t = f(x_t, idx_main)
    return jnp.transpose(out_t, (1, 0, 2))

# --- scband reference (transcript-rebuilt; emitter-appended) ---
"""Pipeline reference for scband-graph-pooling-627065225607 (READ-ONLY COPY).

The authoritative reference and input builder live on the scoring server;
editing this copy changes nothing except your own understanding.
"""

import jax, jax.numpy as jnp
import numpy as np

N_FINE = 40962
N_COARSE = 10242
D = 128
B = 8
K_NEIGH = 7

def setup_inputs(seed: int = 0) -> dict:
    key = jax.random.key(seed)
    k1, k2 = jax.random.split(key)
    x = jax.random.normal(k1, (B, N_FINE, D), dtype=jnp.float32)
    # mesh_info: for each coarse vertex, indices of itself + 6 fine-mesh neighbors
    pool_idx = jax.random.randint(k2, (N_COARSE, K_NEIGH), 0, N_FINE, dtype=jnp.int64)
    return {"x": x, "pool_idx": pool_idx}

def reference(x, pool_idx):
    # utils.pool: gather the 7-vertex stencil for each coarse vertex and max-reduce
    gathered = jnp.take(x, pool_idx, axis=1)      # [B, N_COARSE, 7, D]
    pooled = jnp.max(gathered, axis=2)            # [B, N_COARSE, D]
    # new_mesh = {'order': current_order - 1, 'adjacency': ...} is pure metadata;
    # the tensor output of forward is the pooled feature map.
    return pooled

if __name__ == "__main__":
    import jax
    _d = setup_inputs()
    print(jax.jit(kernel)(*tuple(_d.values())))

</pallas_src>

<mosaic_0001>
#map = affine_map<(d0, d1) -> (0, 0, 0)>
#map1 = affine_map<(d0, d1) -> (0)>
module attributes {stable_mosaic.version = 14 : i64} {
  func.func @_pool_body(%arg0: i32, %arg1: i32, %arg2: memref<40962x8x128xf32, #tpu.memory_space<hbm>>, %arg3: memref<81936xi32, #tpu.memory_space<hbm>>, %arg4: memref<10242x8x128xf32, #tpu.memory_space<hbm>>, %arg5: memref<2576xi32, #tpu.memory_space<vmem>>, %arg6: memref<14x8x128xf32, #tpu.memory_space<vmem>>, %arg7: memref<14x8x128xf32, #tpu.memory_space<vmem>>, %arg8: memref<14x8x128xf32, #tpu.memory_space<vmem>>, %arg9: memref<14x8x128xf32, #tpu.memory_space<vmem>>, %arg10: memref<2x8x128xf32, #tpu.memory_space<vmem>>, %arg11: memref<2x8x128xf32, #tpu.memory_space<vmem>>, %arg12: memref<2x8x128xf32, #tpu.memory_space<vmem>>, %arg13: memref<2x8x128xf32, #tpu.memory_space<vmem>>, %arg14: memref<!tpu.dma_semaphore, #tpu.memory_space<semaphore_mem>>, %arg15: memref<!tpu.dma_semaphore, #tpu.memory_space<semaphore_mem>>, %arg16: memref<!tpu.dma_semaphore, #tpu.memory_space<semaphore_mem>>, %arg17: memref<!tpu.dma_semaphore, #tpu.memory_space<semaphore_mem>>, %arg18: memref<!tpu.dma_semaphore, #tpu.memory_space<semaphore_mem>>) attributes {dimension_semantics = [#tpu.dimension_semantics<core_parallel>, #tpu.dimension_semantics<subcore_parallel>], iteration_bounds = array<i64: 2, 16>, scalar_prefetch = 0 : i64, scratch_operands = 14 : i64, tpu.core_type = #tpu.core_type<sc_vector_subcore>, window_params = [{transform_indices = #map}, {transform_indices = #map1}, {transform_indices = #map}]} {
    %mul3A = arith.constant 2 : i32
    %mul3A_0 = arith.muli %arg1, %mul3A : i32
    %add3A = arith.addi %mul3A_0, %arg0 : i32
    %mul3A_1 = arith.constant 160 : i32
    %mul3A_2 = arith.muli %add3A, %mul3A_1 : i32
    %eq3A = arith.constant 31 : i32
    %eq3A_3 = arith.cmpi eq, %add3A, %eq3A : i32
    %jit3A = arith.constant 161 : i32
    %jit3A_4 = arith.constant 160 : i32
    %select_n3A = arith.select %eq3A_3, %jit3A, %jit3A_4 : i32
    %mul3A_5 = arith.constant 2560 : i32
    %mul3A_6 = arith.muli %add3A, %mul3A_5 : i32
    "tpu.region"() ({
      %run_scoped3A = tpu.sem_alloc : memref<!tpu.dma_semaphore, #tpu.memory_space<semaphore_mem>>
      %dma_start3A_52 = tpu.memref_slice %arg3[%mul3A_6] : memref<81936xi32, #tpu.memory_space<hbm>> -> memref<2576xi32, #tpu.memory_space<hbm>>
      %dma_start3A_53 = tpu.memref_slice %arg3[%mul3A_6] : memref<81936xi32, #tpu.memory_space<hbm>> -> memref<2576xi32, #tpu.memory_space<hbm>>
      tpu.enqueue_dma source(%dma_start3A_53 : memref<2576xi32, #tpu.memory_space<hbm>>) target(%arg5 : memref<2576xi32, #tpu.memory_space<vmem>>) target_semaphore(%run_scoped3A : memref<!tpu.dma_semaphore, #tpu.memory_space<semaphore_mem>>)
      %dma_wait3A = tpu.memref_slice %arg3[%mul3A_6] : memref<81936xi32, #tpu.memory_space<hbm>> -> memref<2576xi32, #tpu.memory_space<hbm>>
      %dma_wait3A_54 = tpu.memref_slice %arg3[%mul3A_6] : memref<81936xi32, #tpu.memory_space<hbm>> -> memref<2576xi32, #tpu.memory_space<hbm>>
      tpu.wait_dma2 semaphore(%run_scoped3A : memref<!tpu.dma_semaphore, #tpu.memory_space<semaphore_mem>>) src(%dma_wait3A_54 : memref<2576xi32, #tpu.memory_space<hbm>>) dst(%arg5 : memref<2576xi32, #tpu.memory_space<vmem>>)
      tpu.yield
    }) : () -> ()
    %dma_start3A = arith.constant 0 : i32
    %dma_start3A_7 = tpu.memref_slice %arg5[%dma_start3A] : memref<2576xi32, #tpu.memory_space<vmem>> -> memref<14xi32, #tpu.memory_space<vmem>>
    %dma_start3A_8 = arith.constant 0 : i32
    %dma_start3A_9 = arith.constant 0 : i32
    %dma_start3A_10 = arith.constant 0 : i32
    %dma_start3A_11 = tpu.memref_slice %arg2[%dma_start3A_8, %dma_start3A_9, %dma_start3A_10] : memref<40962x8x128xf32, #tpu.memory_space<hbm>> -> memref<40962x8x128xf32, #tpu.memory_space<hbm>>
    tpu.enqueue_indirect_dma source(%dma_start3A_11 : memref<40962x8x128xf32, #tpu.memory_space<hbm>>) target(%arg6 : memref<14x8x128xf32, #tpu.memory_space<vmem>>) offsets(%dma_start3A_7 : memref<14xi32, #tpu.memory_space<vmem>>) semaphore(%arg14 : memref<!tpu.dma_semaphore, #tpu.memory_space<semaphore_mem>>)
    %dma_start3A_12 = arith.constant 16 : i32
    %dma_start3A_13 = tpu.memref_slice %arg5[%dma_start3A_12] : memref<2576xi32, #tpu.memory_space<vmem>> -> memref<14xi32, #tpu.memory_space<vmem>>
    %dma_start3A_14 = arith.constant 0 : i32
    %dma_start3A_15 = arith.constant 0 : i32
    %dma_start3A_16 = arith.constant 0 : i32
    %dma_start3A_17 = tpu.memref_slice %arg2[%dma_start3A_14, %dma_start3A_15, %dma_start3A_16] : memref<40962x8x128xf32, #tpu.memory_space<hbm>> -> memref<40962x8x128xf32, #tpu.memory_space<hbm>>
    tpu.enqueue_indirect_dma source(%dma_start3A_17 : memref<40962x8x128xf32, #tpu.memory_space<hbm>>) target(%arg7 : memref<14x8x128xf32, #tpu.memory_space<vmem>>) offsets(%dma_start3A_13 : memref<14xi32, #tpu.memory_space<vmem>>) semaphore(%arg15 : memref<!tpu.dma_semaphore, #tpu.memory_space<semaphore_mem>>)
    %dma_start3A_18 = arith.constant 32 : i32
    %dma_start3A_19 = tpu.memref_slice %arg5[%dma_start3A_18] : memref<2576xi32, #tpu.memory_space<vmem>> -> memref<14xi32, #tpu.memory_space<vmem>>
    %dma_start3A_20 = arith.constant 0 : i32
    %dma_start3A_21 = arith.constant 0 : i32
    %dma_start3A_22 = arith.constant 0 : i32
    %dma_start3A_23 = tpu.memref_slice %arg2[%dma_start3A_20, %dma_start3A_21, %dma_start3A_22] : memref<40962x8x128xf32, #tpu.memory_space<hbm>> -> memref<40962x8x128xf32, #tpu.memory_space<hbm>>
    tpu.enqueue_indirect_dma source(%dma_start3A_23 : memref<40962x8x128xf32, #tpu.memory_space<hbm>>) target(%arg8 : memref<14x8x128xf32, #tpu.memory_space<vmem>>) offsets(%dma_start3A_19 : memref<14xi32, #tpu.memory_space<vmem>>) semaphore(%arg16 : memref<!tpu.dma_semaphore, #tpu.memory_space<semaphore_mem>>)
    %dma_start3A_24 = arith.constant 48 : i32
    %dma_start3A_25 = tpu.memref_slice %arg5[%dma_start3A_24] : memref<2576xi32, #tpu.memory_space<vmem>> -> memref<14xi32, #tpu.memory_space<vmem>>
    %dma_start3A_26 = arith.constant 0 : i32
    %dma_start3A_27 = arith.constant 0 : i32
    %dma_start3A_28 = arith.constant 0 : i32
    %dma_start3A_29 = tpu.memref_slice %arg2[%dma_start3A_26, %dma_start3A_27, %dma_start3A_28] : memref<40962x8x128xf32, #tpu.memory_space<hbm>> -> memref<40962x8x128xf32, #tpu.memory_space<hbm>>
    tpu.enqueue_indirect_dma source(%dma_start3A_29 : memref<40962x8x128xf32, #tpu.memory_space<hbm>>) target(%arg9 : memref<14x8x128xf32, #tpu.memory_space<vmem>>) offsets(%dma_start3A_25 : memref<14xi32, #tpu.memory_space<vmem>>) semaphore(%arg17 : memref<!tpu.dma_semaphore, #tpu.memory_space<semaphore_mem>>)
    %scan3A = arith.constant 0 : i32
    %scan3A_30 = arith.constant 0 : i32
    %scan3A_31 = arith.constant 41 : i32
    %scan3A_32 = arith.addi %scan3A_30, %scan3A_31 : i32
    %scan3A_33 = arith.constant 1 : i32
    scf.for %scan3A_52 = %scan3A_30 to %scan3A_32 step %scan3A_33  : i32 {
      %ge3A = arith.constant 1 : i32
      %ge3A_53 = arith.cmpi sge, %scan3A_52, %ge3A : i32
      %convert_element_type3A_54 = arith.extui %ge3A_53 : i1 to i32
      %cond3A_55 = arith.constant 0 : i32
      %cond3A_56 = arith.cmpi ne, %convert_element_type3A_54, %cond3A_55 : i32
      scf.if %cond3A_56 {
        %dma_wait3A = arith.constant 0 : i32
        %dma_wait3A_112 = arith.constant 0 : i32
        %dma_wait3A_113 = arith.constant 0 : i32
        %dma_wait3A_114 = tpu.memref_slice %arg4[%dma_wait3A, %dma_wait3A_112, %dma_wait3A_113] : memref<10242x8x128xf32, #tpu.memory_space<hbm>> -> memref<2x8x128xf32, #tpu.memory_space<hbm>>
        %dma_wait3A_115 = arith.constant 0 : i32
        %dma_wait3A_116 = arith.constant 0 : i32
        %dma_wait3A_117 = arith.constant 0 : i32
        %dma_wait3A_118 = tpu.memref_slice %arg4[%dma_wait3A_115, %dma_wait3A_116, %dma_wait3A_117] : memref<10242x8x128xf32, #tpu.memory_space<hbm>> -> memref<2x8x128xf32, #tpu.memory_space<hbm>>
        tpu.wait_dma2 semaphore(%arg18 : memref<!tpu.dma_semaphore, #tpu.memory_space<semaphore_mem>>) src(%arg10 : memref<2x8x128xf32, #tpu.memory_space<vmem>>) dst(%dma_wait3A_118 : memref<2x8x128xf32, #tpu.memory_space<hbm>>)
        %dma_wait3A_119 = arith.constant 0 : i32
        %dma_wait3A_120 = arith.constant 0 : i32
        %dma_wait3A_121 = arith.constant 0 : i32
        %dma_wait3A_122 = tpu.memref_slice %arg4[%dma_wait3A_119, %dma_wait3A_120, %dma_wait3A_121] : memref<10242x8x128xf32, #tpu.memory_space<hbm>> -> memref<2x8x128xf32, #tpu.memory_space<hbm>>
        %dma_wait3A_123 = arith.constant 0 : i32
        %dma_wait3A_124 = arith.constant 0 : i32
        %dma_wait3A_125 = arith.constant 0 : i32
        %dma_wait3A_126 = tpu.memref_slice %arg4[%dma_wait3A_123, %dma_wait3A_124, %dma_wait3A_125] : memref<10242x8x128xf32, #tpu.memory_space<hbm>> -> memref<2x8x128xf32, #tpu.memory_space<hbm>>
        tpu.wait_dma2 semaphore(%arg18 : memref<!tpu.dma_semaphore, #tpu.memory_space<semaphore_mem>>) src(%arg11 : memref<2x8x128xf32, #tpu.memory_space<vmem>>) dst(%dma_wait3A_126 : memref<2x8x128xf32, #tpu.memory_space<hbm>>)
        %dma_wait3A_127 = arith.constant 0 : i32
        %dma_wait3A_128 = arith.constant 0 : i32
        %dma_wait3A_129 = arith.constant 0 : i32
        %dma_wait3A_130 = tpu.memref_slice %arg4[%dma_wait3A_127, %dma_wait3A_128, %dma_wait3A_129] : memref<10242x8x128xf32, #tpu.memory_space<hbm>> -> memref<2x8x128xf32, #tpu.memory_space<hbm>>
        %dma_wait3A_131 = arith.constant 0 : i32
        %dma_wait3A_132 = arith.constant 0 : i32
        %dma_wait3A_133 = arith.constant 0 : i32
        %dma_wait3A_134 = tpu.memref_slice %arg4[%dma_wait3A_131, %dma_wait3A_132, %dma_wait3A_133] : memref<10242x8x128xf32, #tpu.memory_space<hbm>> -> memref<2x8x128xf32, #tpu.memory_space<hbm>>
        tpu.wait_dma2 semaphore(%arg18 : memref<!tpu.dma_semaphore, #tpu.memory_space<semaphore_mem>>) src(%arg12 : memref<2x8x128xf32, #tpu.memory_space<vmem>>) dst(%dma_wait3A_134 : memref<2x8x128xf32, #tpu.memory_space<hbm>>)
        %dma_wait3A_135 = arith.constant 0 : i32
        %dma_wait3A_136 = arith.constant 0 : i32
        %dma_wait3A_137 = arith.constant 0 : i32
        %dma_wait3A_138 = tpu.memref_slice %arg4[%dma_wait3A_135, %dma_wait3A_136, %dma_wait3A_137] : memref<10242x8x128xf32, #tpu.memory_space<hbm>> -> memref<2x8x128xf32, #tpu.memory_space<hbm>>
        %dma_wait3A_139 = arith.constant 0 : i32
        %dma_wait3A_140 = arith.constant 0 : i32
        %dma_wait3A_141 = arith.constant 0 : i32
        %dma_wait3A_142 = tpu.memref_slice %arg4[%dma_wait3A_139, %dma_wait3A_140, %dma_wait3A_141] : memref<10242x8x128xf32, #tpu.memory_space<hbm>> -> memref<2x8x128xf32, #tpu.memory_space<hbm>>
        tpu.wait_dma2 semaphore(%arg18 : memref<!tpu.dma_semaphore, #tpu.memory_space<semaphore_mem>>) src(%arg13 : memref<2x8x128xf32, #tpu.memory_space<vmem>>) dst(%dma_wait3A_142 : memref<2x8x128xf32, #tpu.memory_space<hbm>>)
      } else {
      }
      %mul3A_57 = arith.constant 4 : i32
      %mul3A_58 = arith.muli %mul3A_57, %scan3A_52 : i32
      %add3A_59 = arith.constant 0 : i32
      %add3A_60 = arith.addi %mul3A_58, %add3A_59 : i32
      %lt3A = arith.cmpi slt, %add3A_60, %select_n3A : i32
      %convert_element_type3A_61 = arith.extui %lt3A : i1 to i32
      %cond3A_62 = arith.constant 0 : i32
      %cond3A_63 = arith.cmpi ne, %convert_element_type3A_61, %cond3A_62 : i32
      scf.if %cond3A_63 {
        %dma_wait3A = arith.constant 0 : i32
        %dma_wait3A_112 = tpu.memref_slice %arg5[%dma_wait3A] : memref<2576xi32, #tpu.memory_space<vmem>> -> memref<14xi32, #tpu.memory_space<vmem>>
        %dma_wait3A_113 = arith.constant 0 : i32
        %dma_wait3A_114 = arith.constant 0 : i32
        %dma_wait3A_115 = arith.constant 0 : i32
        %dma_wait3A_116 = tpu.memref_slice %arg2[%dma_wait3A_113, %dma_wait3A_114, %dma_wait3A_115] : memref<40962x8x128xf32, #tpu.memory_space<hbm>> -> memref<40962x8x128xf32, #tpu.memory_space<hbm>>
        tpu.wait_indirect_dma semaphore(%arg14 : memref<!tpu.dma_semaphore, #tpu.memory_space<semaphore_mem>>) src(%dma_wait3A_116 : memref<40962x8x128xf32, #tpu.memory_space<hbm>>) dst(%arg6 : memref<14x8x128xf32, #tpu.memory_space<vmem>>)
        %parallel_loop3A = arith.constant 0 : i32
        %parallel_loop3A_117 = arith.constant 16 : i32
        %parallel_loop3A_118 = arith.constant 1 : i32
        scf.for %parallel_loop3A_128 = %parallel_loop3A to %parallel_loop3A_117 step %parallel_loop3A_118  : i32 {
          %parallel_loop3A_129 = arith.constant 3 : i32
          %parallel_loop3A_130 = arith.shrui %parallel_loop3A_128, %parallel_loop3A_129 : i32
          %parallel_loop3A_131 = arith.constant 7 : i32
          %parallel_loop3A_132 = arith.andi %parallel_loop3A_128, %parallel_loop3A_131 : i32
          %parallel_loop3A_133 = arith.constant 7 : i32
          %parallel_loop3A_134 = arith.muli %parallel_loop3A_133, %parallel_loop3A_130 : i32
          %parallel_loop3A_135 = arith.constant 0 : i32
          %parallel_loop3A_136 = arith.addi %parallel_loop3A_134, %parallel_loop3A_135 : i32
          %parallel_loop3A_137 = arith.index_cast %parallel_loop3A_136 : i32 to index
          %parallel_loop3A_138 = arith.index_cast %parallel_loop3A_132 : i32 to index
          %parallel_loop3A_139 = arith.constant 0 : index
          %parallel_loop3A_140 = tpu.vector_load %arg6[%parallel_loop3A_137, %parallel_loop3A_138, %parallel_loop3A_139] {strides = array<i32>} : memref<14x8x128xf32, #tpu.memory_space<vmem>>, vector<1x1x16xf32>,
          %parallel_loop3A_141 = vector.shape_cast %parallel_loop3A_140 : vector<1x1x16xf32> to vector<16xf32>
          %parallel_loop3A_142 = arith.constant 7 : i32
          %parallel_loop3A_143 = arith.muli %parallel_loop3A_142, %parallel_loop3A_130 : i32
          %parallel_loop3A_144 = arith.constant 1 : i32
          %parallel_loop3A_145 = arith.addi %parallel_loop3A_143, %parallel_loop3A_144 : i32
          %parallel_loop3A_146 = arith.index_cast %parallel_loop3A_145 : i32 to index
          %parallel_loop3A_147 = arith.index_cast %parallel_loop3A_132 : i32 to index
          %parallel_loop3A_148 = arith.constant 0 : index
          %parallel_loop3A_149 = tpu.vector_load %arg6[%parallel_loop3A_146, %parallel_loop3A_147, %parallel_loop3A_148] {strides = array<i32>} : memref<14x8x128xf32, #tpu.memory_space<vmem>>, vector<1x1x16xf32>,
          %parallel_loop3A_150 = vector.shape_cast %parallel_loop3A_149 : vector<1x1x16xf32> to vector<16xf32>
          %parallel_loop3A_151 = arith.constant 7 : i32
          %parallel_loop3A_152 = arith.muli %parallel_loop3A_151, %parallel_loop3A_130 : i32
          %parallel_loop3A_153 = arith.constant 2 : i32
          %parallel_loop3A_154 = arith.addi %parallel_loop3A_152, %parallel_loop3A_153 : i32
          %parallel_loop3A_155 = arith.index_cast %parallel_loop3A_154 : i32 to index
          %parallel_loop3A_156 = arith.index_cast %parallel_loop3A_132 : i32 to index
          %parallel_loop3A_157 = arith.constant 0 : index
          %parallel_loop3A_158 = tpu.vector_load %arg6[%parallel_loop3A_155, %parallel_loop3A_156, %parallel_loop3A_157] {strides = array<i32>} : memref<14x8x128xf32, #tpu.memory_space<vmem>>, vector<1x1x16xf32>,
          %parallel_loop3A_159 = vector.shape_cast %parallel_loop3A_158 : vector<1x1x16xf32> to vector<16xf32>
          %parallel_loop3A_160 = arith.constant 7 : i32
          %parallel_loop3A_161 = arith.muli %parallel_loop3A_160, %parallel_loop3A_130 : i32
          %parallel_loop3A_162 = arith.constant 3 : i32
          %parallel_loop3A_163 = arith.addi %parallel_loop3A_161, %parallel_loop3A_162 : i32
          %parallel_loop3A_164 = arith.index_cast %parallel_loop3A_163 : i32 to index
          %parallel_loop3A_165 = arith.index_cast %parallel_loop3A_132 : i32 to index
          %parallel_loop3A_166 = arith.constant 0 : index
          %parallel_loop3A_167 = tpu.vector_load %arg6[%parallel_loop3A_164, %parallel_loop3A_165, %parallel_loop3A_166] {strides = array<i32>} : memref<14x8x128xf32, #tpu.memory_space<vmem>>, vector<1x1x16xf32>,
          %parallel_loop3A_168 = vector.shape_cast %parallel_loop3A_167 : vector<1x1x16xf32> to vector<16xf32>
          %parallel_loop3A_169 = arith.constant 7 : i32
          %parallel_loop3A_170 = arith.muli %parallel_loop3A_169, %parallel_loop3A_130 : i32
          %parallel_loop3A_171 = arith.constant 4 : i32
          %parallel_loop3A_172 = arith.addi %parallel_loop3A_170, %parallel_loop3A_171 : i32
          %parallel_loop3A_173 = arith.index_cast %parallel_loop3A_172 : i32 to index
          %parallel_loop3A_174 = arith.index_cast %parallel_loop3A_132 : i32 to index
          %parallel_loop3A_175 = arith.constant 0 : index
          %parallel_loop3A_176 = tpu.vector_load %arg6[%parallel_loop3A_173, %parallel_loop3A_174, %parallel_loop3A_175] {strides = array<i32>} : memref<14x8x128xf32, #tpu.memory_space<vmem>>, vector<1x1x16xf32>,
          %parallel_loop3A_177 = vector.shape_cast %parallel_loop3A_176 : vector<1x1x16xf32> to vector<16xf32>
          %parallel_loop3A_178 = arith.constant 7 : i32
          %parallel_loop3A_179 = arith.muli %parallel_loop3A_178, %parallel_loop3A_130 : i32
          %parallel_loop3A_180 = arith.constant 5 : i32
          %parallel_loop3A_181 = arith.addi %parallel_loop3A_179, %parallel_loop3A_180 : i32
          %parallel_loop3A_182 = arith.index_cast %parallel_loop3A_181 : i32 to index
          %parallel_loop3A_183 = arith.index_cast %parallel_loop3A_132 : i32 to index
          %parallel_loop3A_184 = arith.constant 0 : index
          %parallel_loop3A_185 = tpu.vector_load %arg6[%parallel_loop3A_182, %parallel_loop3A_183, %parallel_loop3A_184] {strides = array<i32>} : memref<14x8x128xf32, #tpu.memory_space<vmem>>, vector<1x1x16xf32>,
          %parallel_loop3A_186 = vector.shape_cast %parallel_loop3A_185 : vector<1x1x16xf32> to vector<16xf32>
          %parallel_loop3A_187 = arith.constant 7 : i32
          %parallel_loop3A_188 = arith.muli %parallel_loop3A_187, %parallel_loop3A_130 : i32
          %parallel_loop3A_189 = arith.constant 6 : i32
          %parallel_loop3A_190 = arith.addi %parallel_loop3A_188, %parallel_loop3A_189 : i32
          %parallel_loop3A_191 = arith.index_cast %parallel_loop3A_190 : i32 to index
          %parallel_loop3A_192 = arith.index_cast %parallel_loop3A_132 : i32 to index
          %parallel_loop3A_193 = arith.constant 0 : index
          %parallel_loop3A_194 = tpu.vector_load %arg6[%parallel_loop3A_191, %parallel_loop3A_192, %parallel_loop3A_193] {strides = array<i32>} : memref<14x8x128xf32, #tpu.memory_space<vmem>>, vector<1x1x16xf32>,
          %parallel_loop3A_195 = vector.shape_cast %parallel_loop3A_194 : vector<1x1x16xf32> to vector<16xf32>
          %parallel_loop3A_196 = arith.maximumf %parallel_loop3A_141, %parallel_loop3A_150 : vector<16xf32>
          %parallel_loop3A_197 = arith.maximumf %parallel_loop3A_159, %parallel_loop3A_168 : vector<16xf32>
          %parallel_loop3A_198 = arith.maximumf %parallel_loop3A_177, %parallel_loop3A_186 : vector<16xf32>
          %parallel_loop3A_199 = arith.maximumf %parallel_loop3A_196, %parallel_loop3A_197 : vector<16xf32>
          %parallel_loop3A_200 = arith.maximumf %parallel_loop3A_198, %parallel_loop3A_195 : vector<16xf32>
          %parallel_loop3A_201 = arith.maximumf %parallel_loop3A_199, %parallel_loop3A_200 : vector<16xf32>
          %parallel_loop3A_202 = arith.index_cast %parallel_loop3A_130 : i32 to index
          %parallel_loop3A_203 = arith.index_cast %parallel_loop3A_132 : i32 to index
          %parallel_loop3A_204 = arith.constant 0 : index
          %parallel_loop3A_205 = tpu.vector_load %arg10[%parallel_loop3A_202, %parallel_loop3A_203, %parallel_loop3A_204] {strides = array<i32>} : memref<2x8x128xf32, #tpu.memory_space<vmem>>, vector<1x1x16xf32>,
          %parallel_loop3A_206 = vector.shape_cast %parallel_loop3A_205 : vector<1x1x16xf32> to vector<16xf32>
          %parallel_loop3A_207 = vector.shape_cast %parallel_loop3A_201 : vector<16xf32> to vector<1x1x16xf32>
          tpu.vector_store %arg10[%parallel_loop3A_202, %parallel_loop3A_203, %parallel_loop3A_204], %parallel_loop3A_207 {strides = array<i32>} : memref<2x8x128xf32, #tpu.memory_space<vmem>>, vector<1x1x16xf32>,
          %parallel_loop3A_208 = arith.constant 7 : i32
          %parallel_loop3A_209 = arith.muli %parallel_loop3A_208, %parallel_loop3A_130 : i32
          %parallel_loop3A_210 = arith.constant 0 : i32
          %parallel_loop3A_211 = arith.addi %parallel_loop3A_209, %parallel_loop3A_210 : i32
          %parallel_loop3A_212 = arith.index_cast %parallel_loop3A_211 : i32 to index
          %parallel_loop3A_213 = arith.index_cast %parallel_loop3A_132 : i32 to index
          %parallel_loop3A_214 = arith.constant 16 : index
          %parallel_loop3A_215 = tpu.vector_load %arg6[%parallel_loop3A_212, %parallel_loop3A_213, %parallel_loop3A_214] {strides = array<i32>} : memref<14x8x128xf32, #tpu.memory_space<vmem>>, vector<1x1x16xf32>,
          %parallel_loop3A_216 = vector.shape_cast %parallel_loop3A_215 : vector<1x1x16xf32> to vector<16xf32>
          %parallel_loop3A_217 = arith.constant 7 : i32
          %parallel_loop3A_218 = arith.muli %parallel_loop3A_217, %parallel_loop3A_130 : i32
          %parallel_loop3A_219 = arith.constant 1 : i32
          %parallel_loop3A_220 = arith.addi %parallel_loop3A_218, %parallel_loop3A_219 : i32
          %parallel_loop3A_221 = arith.index_cast %parallel_loop3A_220 : i32 to index
          %parallel_loop3A_222 = arith.index_cast %parallel_loop3A_132 : i32 to index
          %parallel_loop3A_223 = arith.constant 16 : index
          %parallel_loop3A_224 = tpu.vector_load %arg6[%parallel_loop3A_221, %parallel_loop3A_222, %parallel_loop3A_223] {strides = array<i32>} : memref<14x8x128xf32, #tpu.memory_space<vmem>>, vector<1x1x16xf32>,
          %parallel_loop3A_225 = vector.shape_cast %parallel_loop3A_224 : vector<1x1x16xf32> to vector<16xf32>
          %parallel_loop3A_226 = arith.constant 7 : i32
          %parallel_loop3A_227 = arith.muli %parallel_loop3A_226, %parallel_loop3A_130 : i32
          %parallel_loop3A_228 = arith.constant 2 : i32
          %parallel_loop3A_229 = arith.addi %parallel_loop3A_227, %parallel_loop3A_228 : i32
          %parallel_loop3A_230 = arith.index_cast %parallel_loop3A_229 : i32 to index
          %parallel_loop3A_231 = arith.index_cast %parallel_loop3A_132 : i32 to index
          %parallel_loop3A_232 = arith.constant 16 : index
          %parallel_loop3A_233 = tpu.vector_load %arg6[%parallel_loop3A_230, %parallel_loop3A_231, %parallel_loop3A_232] {strides = array<i32>} : memref<14x8x128xf32, #tpu.memory_space<vmem>>, vector<1x1x16xf32>,
          %parallel_loop3A_234 = vector.shape_cast %parallel_loop3A_233 : vector<1x1x16xf32> to vector<16xf32>
          %parallel_loop3A_235 = arith.constant 7 : i32
          %parallel_loop3A_236 = arith.muli %parallel_loop3A_235, %parallel_loop3A_130 : i32
          %parallel_loop3A_237 = arith.constant 3 : i32
          %parallel_loop3A_238 = arith.addi %parallel_loop3A_236, %parallel_loop3A_237 : i32
          %parallel_loop3A_239 = arith.index_cast %parallel_loop3A_238 : i32 to index
          %parallel_loop3A_240 = arith.index_cast %parallel_loop3A_132 : i32 to index
          %parallel_loop3A_241 = arith.constant 16 : index
          %parallel_loop3A_242 = tpu.vector_load %arg6[%parallel_loop3A_239, %parallel_loop3A_240, %parallel_loop3A_241] {strides = array<i32>} : memref<14x8x128xf32, #tpu.memory_space<vmem>>, vector<1x1x16xf32>,
          %parallel_loop3A_243 = vector.shape_cast %parallel_loop3A_242 : vector<1x1x16xf32> to vector<16xf32>
          %parallel_loop3A_244 = arith.constant 7 : i32
          %parallel_loop3A_245 = arith.muli %parallel_loop3A_244, %parallel_loop3A_130 : i32
          %parallel_loop3A_246 = arith.constant 4 : i32
          %parallel_loop3A_247 = arith.addi %parallel_loop3A_245, %parallel_loop3A_246 : i32
          %parallel_loop3A_248 = arith.index_cast %parallel_loop3A_247 : i32 to index
          %parallel_loop3A_249 = arith.index_cast %parallel_loop3A_132 : i32 to index
          %parallel_loop3A_250 = arith.constant 16 : index
          %parallel_loop3A_251 = tpu.vector_load %arg6[%parallel_loop3A_248, %parallel_loop3A_249, %parallel_loop3A_250] {strides = array<i32>} : memref<14x8x128xf32, #tpu.memory_space<vmem>>, vector<1x1x16xf32>,
          %parallel_loop3A_252 = vector.shape_cast %parallel_loop3A_251 : vector<1x1x16xf32> to vector<16xf32>
          %parallel_loop3A_253 = arith.constant 7 : i32
          %parallel_loop3A_254 = arith.muli %parallel_loop3A_253, %parallel_loop3A_130 : i32
          %parallel_loop3A_255 = arith.constant 5 : i32
          %parallel_loop3A_256 = arith.addi %parallel_loop3A_254, %parallel_loop3A_255 : i32
          %parallel_loop3A_257 = arith.index_cast %parallel_loop3A_256 : i32 to index
          %parallel_loop3A_258 = arith.index_cast %parallel_loop3A_132 : i32 to index
          %parallel_loop3A_259 = arith.constant 16 : index
          %parallel_loop3A_260 = tpu.vector_load %arg6[%parallel_loop3A_257, %parallel_loop3A_258, %parallel_loop3A_259] {strides = array<i32>} : memref<14x8x128xf32, #tpu.memory_space<vmem>>, vector<1x1x16xf32>,
          %parallel_loop3A_261 = vector.shape_cast %parallel_loop3A_260 : vector<1x1x16xf32> to vector<16xf32>
          %parallel_loop3A_262 = arith.constant 7 : i32
          %parallel_loop3A_263 = arith.muli %parallel_loop3A_262, %parallel_loop3A_130 : i32
          %parallel_loop3A_264 = arith.constant 6 : i32
          %parallel_loop3A_265 = arith.addi %parallel_loop3A_263, %parallel_loop3A_264 : i32
          %parallel_loop3A_266 = arith.index_cast %parallel_loop3A_265 : i32 to index
          %parallel_loop3A_267 = arith.index_cast %parallel_loop3A_132 : i32 to index
          %parallel_loop3A_268 = arith.constant 16 : index
          %parallel_loop3A_269 = tpu.vector_load %arg6[%parallel_loop3A_266, %parallel_loop3A_267, %parallel_loop3A_268] {strides = array<i32>} : memref<14x8x128xf32, #tpu.memory_space<vmem>>, vector<1x1x16xf32>,
          %parallel_loop3A_270 = vector.shape_cast %parallel_loop3A_269 : vector<1x1x16xf32> to vector<16xf32>
          %parallel_loop3A_271 = arith.maximumf %parallel_loop3A_216, %parallel_loop3A_225 : vector<16xf32>
          %parallel_loop3A_272 = arith.maximumf %parallel_loop3A_234, %parallel_loop3A_243 : vector<16xf32>
          %parallel_loop3A_273 = arith.maximumf %parallel_loop3A_252, %parallel_loop3A_261 : vector<16xf32>
          %parallel_loop3A_274 = arith.maximumf %parallel_loop3A_271, %parallel_loop3A_272 : vector<16xf32>
          %parallel_loop3A_275 = arith.maximumf %parallel_loop3A_273, %parallel_loop3A_270 : vector<16xf32>
          %parallel_loop3A_276 = arith.maximumf %parallel_loop3A_274, %parallel_loop3A_275 : vector<16xf32>
          %parallel_loop3A_277 = arith.index_cast %parallel_loop3A_130 : i32 to index
          %parallel_loop3A_278 = arith.index_cast %parallel_loop3A_132 : i32 to index
          %parallel_loop3A_279 = arith.constant 16 : index
          %parallel_loop3A_280 = tpu.vector_load %arg10[%parallel_loop3A_277, %parallel_loop3A_278, %parallel_loop3A_279] {strides = array<i32>} : memref<2x8x128xf32, #tpu.memory_space<vmem>>, vector<1x1x16xf32>,
          %parallel_loop3A_281 = vector.shape_cast %parallel_loop3A_280 : vector<1x1x16xf32> to vector<16xf32>
          %parallel_loop3A_282 = vector.shape_cast %parallel_loop3A_276 : vector<16xf32> to vector<1x1x16xf32>
          tpu.vector_store %arg10[%parallel_loop3A_277, %parallel_loop3A_278, %parallel_loop3A_279], %parallel_loop3A_282 {strides = array<i32>} : memref<2x8x128xf32, #tpu.memory_space<vmem>>, vector<1x1x16xf32>,
          %parallel_loop3A_283 = arith.constant 7 : i32
          %parallel_loop3A_284 = arith.muli %parallel_loop3A_283, %parallel_loop3A_130 : i32
          %parallel_loop3A_285 = arith.constant 0 : i32
          %parallel_loop3A_286 = arith.addi %parallel_loop3A_284, %parallel_loop3A_285 : i32
          %parallel_loop3A_287 = arith.index_cast %parallel_loop3A_286 : i32 to index
          %parallel_loop3A_288 = arith.index_cast %parallel_loop3A_132 : i32 to index
          %parallel_loop3A_289 = arith.constant 32 : index
          %parallel_loop3A_290 = tpu.vector_load %arg6[%parallel_loop3A_287, %parallel_loop3A_288, %parallel_loop3A_289] {strides = array<i32>} : memref<14x8x128xf32, #tpu.memory_space<vmem>>, vector<1x1x16xf32>,
          %parallel_loop3A_291 = vector.shape_cast %parallel_loop3A_290 : vector<1x1x16xf32> to vector<16xf32>
          %parallel_loop3A_292 = arith.constant 7 : i32
          %parallel_loop3A_293 = arith.muli %parallel_loop3A_292, %parallel_loop3A_130 : i32
          %parallel_loop3A_294 = arith.constant 1 : i32
          %parallel_loop3A_295 = arith.addi %parallel_loop3A_293, %parallel_loop3A_294 : i32
          %parallel_loop3A_296 = arith.index_cast %parallel_loop3A_295 : i32 to index
          %parallel_loop3A_297 = arith.index_cast %parallel_loop3A_132 : i32 to index
          %parallel_loop3A_298 = arith.constant 32 : index
          %parallel_loop3A_299 = tpu.vector_load %arg6[%parallel_loop3A_296, %parallel_loop3A_297, %parallel_loop3A_298] {strides = array<i32>} : memref<14x8x128xf32, #tpu.memory_space<vmem>>, vector<1x1x16xf32>,
          %parallel_loop3A_300 = vector.shape_cast %parallel_loop3A_299 : vector<1x1x16xf32> to vector<16xf32>
          %parallel_loop3A_301 = arith.constant 7 : i32
          %parallel_loop3A_302 = arith.muli %parallel_loop3A_301, %parallel_loop3A_130 : i32
          %parallel_loop3A_303 = arith.constant 2 : i32
          %parallel_loop3A_304 = arith.addi %parallel_loop3A_302, %parallel_loop3A_303 : i32
          %parallel_loop3A_305 = arith.index_cast %parallel_loop3A_304 : i32 to index
          %parallel_loop3A_306 = arith.index_cast %parallel_loop3A_132 : i32 to index
          %parallel_loop3A_307 = arith.constant 32 : index
          %parallel_loop3A_308 = tpu.vector_load %arg6[%parallel_loop3A_305, %parallel_loop3A_306, %parallel_loop3A_307] {strides = array<i32>} : memref<14x8x128xf32, #tpu.memory_space<vmem>>, vector<1x1x16xf32>,
          %parallel_loop3A_309 = vector.shape_cast %parallel_loop3A_308 : vector<1x1x16xf32> to vector<16xf32>
          %parallel_loop3A_310 = arith.constant 7 : i32
          %parallel_loop3A_311 = arith.muli %parallel_loop3A_310, %parallel_loop3A_130 : i32
          %parallel_loop3A_312 = arith.constant 3 : i32
          %parallel_loop3A_313 = arith.addi %parallel_loop3A_311, %parallel_loop3A_312 : i32
          %parallel_loop3A_314 = arith.index_cast %parallel_loop3A_313 : i32 to index
          %parallel_loop3A_315 = arith.index_cast %parallel_loop3A_132 : i32 to index
          %parallel_loop3A_316 = arith.constant 32 : index
          %parallel_loop3A_317 = tpu.vector_load %arg6[%parallel_loop3A_314, %parallel_loop3A_315, %parallel_loop3A_316] {strides = array<i32>} : memref<14x8x128xf32, #tpu.memory_space<vmem>>, vector<1x1x16xf32>,
          %parallel_loop3A_318 = vector.shape_cast %parallel_loop3A_317 : vector<1x1x16xf32> to vector<16xf32>
          %parallel_loop3A_319 = arith.constant 7 : i32
          %parallel_loop3A_320 = arith.muli %parallel_loop3A_319, %parallel_loop3A_130 : i32
          %parallel_loop3A_321 = arith.constant 4 : i32
          %parallel_loop3A_322 = arith.addi %parallel_loop3A_320, %parallel_loop3A_321 : i32
          %parallel_loop3A_323 = arith.index_cast %parallel_loop3A_322 : i32 to index
          %parallel_loop3A_324 = arith.index_cast %parallel_loop3A_132 : i32 to index
          %parallel_loop3A_325 = arith.constant 32 : index
          %parallel_loop3A_326 = tpu.vector_load %arg6[%parallel_loop3A_323, %parallel_loop3A_324, %parallel_loop3A_325] {strides = array<i32>} : memref<14x8x128xf32, #tpu.memory_space<vmem>>, vector<1x1x16xf32>,
          %parallel_loop3A_327 = vector.shape_cast %parallel_loop3A_326 : vector<1x1x16xf32> to vector<16xf32>
          %parallel_loop3A_328 = arith.constant 7 : i32
          %parallel_loop3A_329 = arith.muli %parallel_loop3A_328, %parallel_loop3A_130 : i32
          %parallel_loop3A_330 = arith.constant 5 : i32
          %parallel_loop3A_331 = arith.addi %parallel_loop3A_329, %parallel_loop3A_330 : i32
          %parallel_loop3A_332 = arith.index_cast %parallel_loop3A_331 : i32 to index
          %parallel_loop3A_333 = arith.index_cast %parallel_loop3A_132 : i32 to index
          %parallel_loop3A_334 = arith.constant 32 : index
          %parallel_loop3A_335 = tpu.vector_load %arg6[%parallel_loop3A_332, %parallel_loop3A_333, %parallel_loop3A_334] {strides = array<i32>} : memref<14x8x128xf32, #tpu.memory_space<vmem>>, vector<1x1x16xf32>,
          %parallel_loop3A_336 = vector.shape_cast %parallel_loop3A_335 : vector<1x1x16xf32> to vector<16xf32>
          %parallel_loop3A_337 = arith.constant 7 : i32
          %parallel_loop3A_338 = arith.muli %parallel_loop3A_337, %parallel_loop3A_130 : i32
          %parallel_loop3A_339 = arith.constant 6 : i32
          %parallel_loop3A_340 = arith.addi %parallel_loop3A_338, %parallel_loop3A_339 : i32
          %parallel_loop3A_341 = arith.index_cast %parallel_loop3A_340 : i32 to index
          %parallel_loop3A_342 = arith.index_cast %parallel_loop3A_132 : i32 to index
          %parallel_loop3A_343 = arith.constant 32 : index
          %parallel_loop3A_344 = tpu.vector_load %arg6[%parallel_loop3A_341, %parallel_loop3A_342, %parallel_loop3A_343] {strides = array<i32>} : memref<14x8x128xf32, #tpu.memory_space<vmem>>, vector<1x1x16xf32>,
          %parallel_loop3A_345 = vector.shape_cast %parallel_loop3A_344 : vector<1x1x16xf32> to vector<16xf32>
          %parallel_loop3A_346 = arith.maximumf %parallel_loop3A_291, %parallel_loop3A_300 : vector<16xf32>
          %parallel_loop3A_347 = arith.maximumf %parallel_loop3A_309, %parallel_loop3A_318 : vector<16xf32>
          %parallel_loop3A_348 = arith.maximumf %parallel_loop3A_327, %parallel_loop3A_336 : vector<16xf32>
          %parallel_loop3A_349 = arith.maximumf %parallel_loop3A_346, %parallel_loop3A_347 : vector<16xf32>
          %parallel_loop3A_350 = arith.maximumf %parallel_loop3A_348, %parallel_loop3A_345 : vector<16xf32>
          %parallel_loop3A_351 = arith.maximumf %parallel_loop3A_349, %parallel_loop3A_350 : vector<16xf32>
          %parallel_loop3A_352 = arith.index_cast %parallel_loop3A_130 : i32 to index
          %parallel_loop3A_353 = arith.index_cast %parallel_loop3A_132 : i32 to index
          %parallel_loop3A_354 = arith.constant 32 : index
          %parallel_loop3A_355 = tpu.vector_load %arg10[%parallel_loop3A_352, %parallel_loop3A_353, %parallel_loop3A_354] {strides = array<i32>} : memref<2x8x128xf32, #tpu.memory_space<vmem>>, vector<1x1x16xf32>,
          %parallel_loop3A_356 = vector.shape_cast %parallel_loop3A_355 : vector<1x1x16xf32> to vector<16xf32>
          %parallel_loop3A_357 = vector.shape_cast %parallel_loop3A_351 : vector<16xf32> to vector<1x1x16xf32>
          tpu.vector_store %arg10[%parallel_loop3A_352, %parallel_loop3A_353, %parallel_loop3A_354], %parallel_loop3A_357 {strides = array<i32>} : memref<2x8x128xf32, #tpu.memory_space<vmem>>, vector<1x1x16xf32>,
          %parallel_loop3A_358 = arith.constant 7 : i32
          %parallel_loop3A_359 = arith.muli %parallel_loop3A_358, %parallel_loop3A_130 : i32
          %parallel_loop3A_360 = arith.constant 0 : i32
          %parallel_loop3A_361 = arith.addi %parallel_loop3A_359, %parallel_loop3A_360 : i32
          %parallel_loop3A_362 = arith.index_cast %parallel_loop3A_361 : i32 to index
          %parallel_loop3A_363 = arith.index_cast %parallel_loop3A_132 : i32 to index
          %parallel_loop3A_364 = arith.constant 48 : index
          %parallel_loop3A_365 = tpu.vector_load %arg6[%parallel_loop3A_362, %parallel_loop3A_363, %parallel_loop3A_364] {strides = array<i32>} : memref<14x8x128xf32, #tpu.memory_space<vmem>>, vector<1x1x16xf32>,
          %parallel_loop3A_366 = vector.shape_cast %parallel_loop3A_365 : vector<1x1x16xf32> to vector<16xf32>
          %parallel_loop3A_367 = arith.constant 7 : i32
          %parallel_loop3A_368 = arith.muli %parallel_loop3A_367, %parallel_loop3A_130 : i32
          %parallel_loop3A_369 = arith.constant 1 : i32
          %parallel_loop3A_370 = arith.addi %parallel_loop3A_368, %parallel_loop3A_369 : i32
          %parallel_loop3A_371 = arith.index_cast %parallel_loop3A_370 : i32 to index
          %parallel_loop3A_372 = arith.index_cast %parallel_loop3A_132 : i32 to index
          %parallel_loop3A_373 = arith.constant 48 : index
          %parallel_loop3A_374 = tpu.vector_load %arg6[%parallel_loop3A_371, %parallel_loop3A_372, %parallel_loop3A_373] {strides = array<i32>} : memref<14x8x128xf32, #tpu.memory_space<vmem>>, vector<1x1x16xf32>,
          %parallel_loop3A_375 = vector.shape_cast %parallel_loop3A_374 : vector<1x1x16xf32> to vector<16xf32>
          %parallel_loop3A_376 = arith.constant 7 : i32
          %parallel_loop3A_377 = arith.muli %parallel_loop3A_376, %parallel_loop3A_130 : i32
          %parallel_loop3A_378 = arith.constant 2 : i32
          %parallel_loop3A_379 = arith.addi %parallel_loop3A_377, %parallel_loop3A_378 : i32
          %parallel_loop3A_380 = arith.index_cast %parallel_loop3A_379 : i32 to index
          %parallel_loop3A_381 = arith.index_cast %parallel_loop3A_132 : i32 to index
          %parallel_loop3A_382 = arith.constant 48 : index
          %parallel_loop3A_383 = tpu.vector_load %arg6[%parallel_loop3A_380, %parallel_loop3A_381, %parallel_loop3A_382] {strides = array<i32>} : memref<14x8x128xf32, #tpu.memory_space<vmem>>, vector<1x1x16xf32>,
          %parallel_loop3A_384 = vector.shape_cast %parallel_loop3A_383 : vector<1x1x16xf32> to vector<16xf32>
          %parallel_loop3A_385 = arith.constant 7 : i32
          %parallel_loop3A_386 = arith.muli %parallel_loop3A_385, %parallel_loop3A_130 : i32
          %parallel_loop3A_387 = arith.constant 3 : i32
          %parallel_loop3A_388 = arith.addi %parallel_loop3A_386, %parallel_loop3A_387 : i32
          %parallel_loop3A_389 = arith.index_cast %parallel_loop3A_388 : i32 to index
          %parallel_loop3A_390 = arith.index_cast %parallel_loop3A_132 : i32 to index
          %parallel_loop3A_391 = arith.constant 48 : index
          %parallel_loop3A_392 = tpu.vector_load %arg6[%parallel_loop3A_389, %parallel_loop3A_390, %parallel_loop3A_391] {strides = array<i32>} : memref<14x8x128xf32, #tpu.memory_space<vmem>>, vector<1x1x16xf32>,
          %parallel_loop3A_393 = vector.shape_cast %parallel_loop3A_392 : vector<1x1x16xf32> to vector<16xf32>
          %parallel_loop3A_394 = arith.constant 7 : i32
          %parallel_loop3A_395 = arith.muli %parallel_loop3A_394, %parallel_loop3A_130 : i32
          %parallel_loop3A_396 = arith.constant 4 : i32
          %parallel_loop3A_397 = arith.addi %parallel_loop3A_395, %parallel_loop3A_396 : i32
          %parallel_loop3A_398 = arith.index_cast %parallel_loop3A_397 : i32 to index
          %parallel_loop3A_399 = arith.index_cast %parallel_loop3A_132 : i32 to index
          %parallel_loop3A_400 = arith.constant 48 : index
          %parallel_loop3A_401 = tpu.vector_load %arg6[%parallel_loop3A_398, %parallel_loop3A_399, %parallel_loop3A_400] {strides = array<i32>} : memref<14x8x128xf32, #tpu.memory_space<vmem>>, vector<1x1x16xf32>,
          %parallel_loop3A_402 = vector.shape_cast %parallel_loop3A_401 : vector<1x1x16xf32> to vector<16xf32>
          %parallel_loop3A_403 = arith.constant 7 : i32
          %parallel_loop3A_404 = arith.muli %parallel_loop3A_403, %parallel_loop3A_130 : i32
          %parallel_loop3A_405 = arith.constant 5 : i32
          %parallel_loop3A_406 = arith.addi %parallel_loop3A_404, %parallel_loop3A_405 : i32
          %parallel_loop3A_407 = arith.index_cast %parallel_loop3A_406 : i32 to index
          %parallel_loop3A_408 = arith.index_cast %parallel_loop3A_132 : i32 to index
          %parallel_loop3A_409 = arith.constant 48 : index
          %parallel_loop3A_410 = tpu.vector_load %arg6[%parallel_loop3A_407, %parallel_loop3A_408, %parallel_loop3A_409] {strides = array<i32>} : memref<14x8x128xf32, #tpu.memory_space<vmem>>, vector<1x1x16xf32>,
          %parallel_loop3A_411 = vector.shape_cast %parallel_loop3A_410 : vector<1x1x16xf32> to vector<16xf32>
          %parallel_loop3A_412 = arith.constant 7 : i32
          %parallel_loop3A_413 = arith.muli %parallel_loop3A_412, %parallel_loop3A_130 : i32
          %parallel_loop3A_414 = arith.constant 6 : i32
          %parallel_loop3A_415 = arith.addi %parallel_loop3A_413, %parallel_loop3A_414 : i32
          %parallel_loop3A_416 = arith.index_cast %parallel_loop3A_415 : i32 to index
          %parallel_loop3A_417 = arith.index_cast %parallel_loop3A_132 : i32 to index
          %parallel_loop3A_418 = arith.constant 48 : index
          %parallel_loop3A_419 = tpu.vector_load %arg6[%parallel_loop3A_416, %parallel_loop3A_417, %parallel_loop3A_418] {strides = array<i32>} : memref<14x8x128xf32, #tpu.memory_space<vmem>>, vector<1x1x16xf32>,
          %parallel_loop3A_420 = vector.shape_cast %parallel_loop3A_419 : vector<1x1x16xf32> to vector<16xf32>
          %parallel_loop3A_421 = arith.maximumf %parallel_loop3A_366, %parallel_loop3A_375 : vector<16xf32>
          %parallel_loop3A_422 = arith.maximumf %parallel_loop3A_384, %parallel_loop3A_393 : vector<16xf32>
          %parallel_loop3A_423 = arith.maximumf %parallel_loop3A_402, %parallel_loop3A_411 : vector<16xf32>
          %parallel_loop3A_424 = arith.maximumf %parallel_loop3A_421, %parallel_loop3A_422 : vector<16xf32>
          %parallel_loop3A_425 = arith.maximumf %parallel_loop3A_423, %parallel_loop3A_420 : vector<16xf32>
          %parallel_loop3A_426 = arith.maximumf %parallel_loop3A_424, %parallel_loop3A_425 : vector<16xf32>
          %parallel_loop3A_427 = arith.index_cast %parallel_loop3A_130 : i32 to index
          %parallel_loop3A_428 = arith.index_cast %parallel_loop3A_132 : i32 to index
          %parallel_loop3A_429 = arith.constant 48 : index
          %parallel_loop3A_430 = tpu.vector_load %arg10[%parallel_loop3A_427, %parallel_loop3A_428, %parallel_loop3A_429] {strides = array<i32>} : memref<2x8x128xf32, #tpu.memory_space<vmem>>, vector<1x1x16xf32>,
          %parallel_loop3A_431 = vector.shape_cast %parallel_loop3A_430 : vector<1x1x16xf32> to vector<16xf32>
          %parallel_loop3A_432 = vector.shape_cast %parallel_loop3A_426 : vector<16xf32> to vector<1x1x16xf32>
          tpu.vector_store %arg10[%parallel_loop3A_427, %parallel_loop3A_428, %parallel_loop3A_429], %parallel_loop3A_432 {strides = array<i32>} : memref<2x8x128xf32, #tpu.memory_space<vmem>>, vector<1x1x16xf32>,
          %parallel_loop3A_433 = arith.constant 7 : i32
          %parallel_loop3A_434 = arith.muli %parallel_loop3A_433, %parallel_loop3A_130 : i32
          %parallel_loop3A_435 = arith.constant 0 : i32
          %parallel_loop3A_436 = arith.addi %parallel_loop3A_434, %parallel_loop3A_435 : i32
          %parallel_loop3A_437 = arith.index_cast %parallel_loop3A_436 : i32 to index
          %parallel_loop3A_438 = arith.index_cast %parallel_loop3A_132 : i32 to index
          %parallel_loop3A_439 = arith.constant 64 : index
          %parallel_loop3A_440 = tpu.vector_load %arg6[%parallel_loop3A_437, %parallel_loop3A_438, %parallel_loop3A_439] {strides = array<i32>} : memref<14x8x128xf32, #tpu.memory_space<vmem>>, vector<1x1x16xf32>,
          %parallel_loop3A_441 = vector.shape_cast %parallel_loop3A_440 : vector<1x1x16xf32> to vector<16xf32>
          %parallel_loop3A_442 = arith.constant 7 : i32
          %parallel_loop3A_443 = arith.muli %parallel_loop3A_442, %parallel_loop3A_130 : i32
          %parallel_loop3A_444 = arith.constant 1 : i32
          %parallel_loop3A_445 = arith.addi %parallel_loop3A_443, %parallel_loop3A_444 : i32
          %parallel_loop3A_446 = arith.index_cast %parallel_loop3A_445 : i32 to index
          %parallel_loop3A_447 = arith.index_cast %parallel_loop3A_132 : i32 to index
          %parallel_loop3A_448 = arith.constant 64 : index
          %parallel_loop3A_449 = tpu.vector_load %arg6[%parallel_loop3A_446, %parallel_loop3A_447, %parallel_loop3A_448] {strides = array<i32>} : memref<14x8x128xf32, #tpu.memory_space<vmem>>, vector<1x1x16xf32>,
          %parallel_loop3A_450 = vector.shape_cast %parallel_loop3A_449 : vector<1x1x16xf32> to vector<16xf32>
          %parallel_loop3A_451 = arith.constant 7 : i32
          %parallel_loop3A_452 = arith.muli %parallel_loop3A_451, %parallel_loop3A_130 : i32
          %parallel_loop3A_453 = arith.constant 2 : i32
          %parallel_loop3A_454 = arith.addi %parallel_loop3A_452, %parallel_loop3A_453 : i32
          %parallel_loop3A_455 = arith.index_cast %parallel_loop3A_454 : i32 to index
          %parallel_loop3A_456 = arith.index_cast %parallel_loop3A_132 : i32 to index
          %parallel_loop3A_457 = arith.constant 64 : index
          %parallel_loop3A_458 = tpu.vector_load %arg6[%parallel_loop3A_455, %parallel_loop3A_456, %parallel_loop3A_457] {strides = array<i32>} : memref<14x8x128xf32, #tpu.memory_space<vmem>>, vector<1x1x16xf32>,
          %parallel_loop3A_459 = vector.shape_cast %parallel_loop3A_458 : vector<1x1x16xf32> to vector<16xf32>
          %parallel_loop3A_460 = arith.constant 7 : i32
          %parallel_loop3A_461 = arith.muli %parallel_loop3A_460, %parallel_loop3A_130 : i32
          %parallel_loop3A_462 = arith.constant 3 : i32
          %parallel_loop3A_463 = arith.addi %parallel_loop3A_461, %parallel_loop3A_462 : i32
          %parallel_loop3A_464 = arith.index_cast %parallel_loop3A_463 : i32 to index
          %parallel_loop3A_465 = arith.index_cast %parallel_loop3A_132 : i32 to index
          %parallel_loop3A_466 = arith.constant 64 : index
          %parallel_loop3A_467 = tpu.vector_load %arg6[%parallel_loop3A_464, %parallel_loop3A_465, %parallel_loop3A_466] {strides = array<i32>} : memref<14x8x128xf32, #tpu.memory_space<vmem>>, vector<1x1x16xf32>,
          %parallel_loop3A_468 = vector.shape_cast %parallel_loop3A_467 : vector<1x1x16xf32> to vector<16xf32>
          %parallel_loop3A_469 = arith.constant 7 : i32
          %parallel_loop3A_470 = arith.muli %parallel_loop3A_469, %parallel_loop3A_130 : i32
          %parallel_loop3A_471 = arith.constant 4 : i32
          %parallel_loop3A_472 = arith.addi %parallel_loop3A_470, %parallel_loop3A_471 : i32
          %parallel_loop3A_473 = arith.index_cast %parallel_loop3A_472 : i32 to index
          %parallel_loop3A_474 = arith.index_cast %parallel_loop3A_132 : i32 to index
          %parallel_loop3A_475 = arith.constant 64 : index
          %parallel_loop3A_476 = tpu.vector_load %arg6[%parallel_loop3A_473, %parallel_loop3A_474, %parallel_loop3A_475] {strides = array<i32>} : memref<14x8x128xf32, #tpu.memory_space<vmem>>, vector<1x1x16xf32>,
          %parallel_loop3A_477 = vector.shape_cast %parallel_loop3A_476 : vector<1x1x16xf32> to vector<16xf32>
          %parallel_loop3A_478 = arith.constant 7 : i32
          %parallel_loop3A_479 = arith.muli %parallel_loop3A_478, %parallel_loop3A_130 : i32
          %parallel_loop3A_480 = arith.constant 5 : i32
          %parallel_loop3A_481 = arith.addi %parallel_loop3A_479, %parallel_loop3A_480 : i32
          %parallel_loop3A_482 = arith.index_cast %parallel_loop3A_481 : i32 to index
          %parallel_loop3A_483 = arith.index_cast %parallel_loop3A_132 : i32 to index
          %parallel_loop3A_484 = arith.constant 64 : index
          %parallel_loop3A_485 = tpu.vector_load %arg6[%parallel_loop3A_482, %parallel_loop3A_483, %parallel_loop3A_484] {strides = array<i32>} : memref<14x8x128xf32, #tpu.memory_space<vmem>>, vector<1x1x16xf32>,
          %parallel_loop3A_486 = vector.shape_cast %parallel_loop3A_485 : vector<1x1x16xf32> to vector<16xf32>
          %parallel_loop3A_487 = arith.constant 7 : i32
          %parallel_loop3A_488 = arith.muli %parallel_loop3A_487, %parallel_loop3A_130 : i32
          %parallel_loop3A_489 = arith.constant 6 : i32
          %parallel_loop3A_490 = arith.addi %parallel_loop3A_488, %parallel_loop3A_489 : i32
          %parallel_loop3A_491 = arith.index_cast %parallel_loop3A_490 : i32 to index
          %parallel_loop3A_492 = arith.index_cast %parallel_loop3A_132 : i32 to index
          %parallel_loop3A_493 = arith.constant 64 : index
          %parallel_loop3A_494 = tpu.vector_load %arg6[%parallel_loop3A_491, %parallel_loop3A_492, %parallel_loop3A_493] {strides = array<i32>} : memref<14x8x128xf32, #tpu.memory_space<vmem>>, vector<1x1x16xf32>,
          %parallel_loop3A_495 = vector.shape_cast %parallel_loop3A_494 : vector<1x1x16xf32> to vector<16xf32>
          %parallel_loop3A_496 = arith.maximumf %parallel_loop3A_441, %parallel_loop3A_450 : vector<16xf32>
          %parallel_loop3A_497 = arith.maximumf %parallel_loop3A_459, %parallel_loop3A_468 : vector<16xf32>
          %parallel_loop3A_498 = arith.maximumf %parallel_loop3A_477, %parallel_loop3A_486 : vector<16xf32>
          %parallel_loop3A_499 = arith.maximumf %parallel_loop3A_496, %parallel_loop3A_497 : vector<16xf32>
          %parallel_loop3A_500 = arith.maximumf %parallel_loop3A_498, %parallel_loop3A_495 : vector<16xf32>
          %parallel_loop3A_501 = arith.maximumf %parallel_loop3A_499, %parallel_loop3A_500 : vector<16xf32>
          %parallel_loop3A_502 = arith.index_cast %parallel_loop3A_130 : i32 to index
          %parallel_loop3A_503 = arith.index_cast %parallel_loop3A_132 : i32 to index
          %parallel_loop3A_504 = arith.constant 64 : index
          %parallel_loop3A_505 = tpu.vector_load %arg10[%parallel_loop3A_502, %parallel_loop3A_503, %parallel_loop3A_504] {strides = array<i32>} : memref<2x8x128xf32, #tpu.memory_space<vmem>>, vector<1x1x16xf32>,
          %parallel_loop3A_506 = vector.shape_cast %parallel_loop3A_505 : vector<1x1x16xf32> to vector<16xf32>
          %parallel_loop3A_507 = vector.shape_cast %parallel_loop3A_501 : vector<16xf32> to vector<1x1x16xf32>
          tpu.vector_store %arg10[%parallel_loop3A_502, %parallel_loop3A_503, %parallel_loop3A_504], %parallel_loop3A_507 {strides = array<i32>} : memref<2x8x128xf32, #tpu.memory_space<vmem>>, vector<1x1x16xf32>,
          %parallel_loop3A_508 = arith.constant 7 : i32
          %parallel_loop3A_509 = arith.muli %parallel_loop3A_508, %parallel_loop3A_130 : i32
          %parallel_loop3A_510 = arith.constant 0 : i32
          %parallel_loop3A_511 = arith.addi %parallel_loop3A_509, %parallel_loop3A_510 : i32
          %parallel_loop3A_512 = arith.index_cast %parallel_loop3A_511 : i32 to index
          %parallel_loop3A_513 = arith.index_cast %parallel_loop3A_132 : i32 to index
          %parallel_loop3A_514 = arith.constant 80 : index
          %parallel_loop3A_515 = tpu.vector_load %arg6[%parallel_loop3A_512, %parallel_loop3A_513, %parallel_loop3A_514] {strides = array<i32>} : memref<14x8x128xf32, #tpu.memory_space<vmem>>, vector<1x1x16xf32>,
          %parallel_loop3A_516 = vector.shape_cast %parallel_loop3A_515 : vector<1x1x16xf32> to vector<16xf32>
          %parallel_loop3A_517 = arith.constant 7 : i32
          %parallel_loop3A_518 = arith.muli %parallel_loop3A_517, %parallel_loop3A_130 : i32
          %parallel_loop3A_519 = arith.constant 1 : i32
          %parallel_loop3A_520 = arith.addi %parallel_loop3A_518, %parallel_loop3A_519 : i32
          %parallel_loop3A_521 = arith.index_cast %parallel_loop3A_520 : i32 to index
          %parallel_loop3A_522 = arith.index_cast %parallel_loop3A_132 : i32 to index
          %parallel_loop3A_523 = arith.constant 80 : index
          %parallel_loop3A_524 = tpu.vector_load %arg6[%parallel_loop3A_521, %parallel_loop3A_522, %parallel_loop3A_523] {strides = array<i32>} : memref<14x8x128xf32, #tpu.memory_space<vmem>>, vector<1x1x16xf32>,
          %parallel_loop3A_525 = vector.shape_cast %parallel_loop3A_524 : vector<1x1x16xf32> to vector<16xf32>
          %parallel_loop3A_526 = arith.constant 7 : i32
          %parallel_loop3A_527 = arith.muli %parallel_loop3A_526, %parallel_loop3A_130 : i32
          %parallel_loop3A_528 = arith.constant 2 : i32
          %parallel_loop3A_529 = arith.addi %parallel_loop3A_527, %parallel_loop3A_528 : i32
          %parallel_loop3A_530 = arith.index_cast %parallel_loop3A_529 : i32 to index
          %parallel_loop3A_531 = arith.index_cast %parallel_loop3A_132 : i32 to index
          %parallel_loop3A_532 = arith.constant 80 : index
          %parallel_loop3A_533 = tpu.vector_load %arg6[%parallel_loop3A_530, %parallel_loop3A_531, %parallel_loop3A_532] {strides = array<i32>} : memref<14x8x128xf32, #tpu.memory_space<vmem>>, vector<1x1x16xf32>,
          %parallel_loop3A_534 = vector.shape_cast %parallel_loop3A_533 : vector<1x1x16xf32> to vector<16xf32>
          %parallel_loop3A_535 = arith.constant 7 : i32
          %parallel_loop3A_536 = arith.muli %parallel_loop3A_535, %parallel_loop3A_130 : i32
          %parallel_loop3A_537 = arith.constant 3 : i32
          %parallel_loop3A_538 = arith.addi %parallel_loop3A_536, %parallel_loop3A_537 : i32
          %parallel_loop3A_539 = arith.index_cast %parallel_loop3A_538 : i32 to index
          %parallel_loop3A_540 = arith.index_cast %parallel_loop3A_132 : i32 to index
          %parallel_loop3A_541 = arith.constant 80 : index
          %parallel_loop3A_542 = tpu.vector_load %arg6[%parallel_loop3A_539, %parallel_loop3A_540, %parallel_loop3A_541] {strides = array<i32>} : memref<14x8x128xf32, #tpu.memory_space<vmem>>, vector<1x1x16xf32>,
          %parallel_loop3A_543 = vector.shape_cast %parallel_loop3A_542 : vector<1x1x16xf32> to vector<16xf32>
          %parallel_loop3A_544 = arith.constant 7 : i32
          %parallel_loop3A_545 = arith.muli %parallel_loop3A_544, %parallel_loop3A_130 : i32
          %parallel_loop3A_546 = arith.constant 4 : i32
          %parallel_loop3A_547 = arith.addi %parallel_loop3A_545, %parallel_loop3A_546 : i32
          %parallel_loop3A_548 = arith.index_cast %parallel_loop3A_547 : i32 to index
          %parallel_loop3A_549 = arith.index_cast %parallel_loop3A_132 : i32 to index
          %parallel_loop3A_550 = arith.constant 80 : index
          %parallel_loop3A_551 = tpu.vector_load %arg6[%parallel_loop3A_548, %parallel_loop3A_549, %parallel_loop3A_550] {strides = array<i32>} : memref<14x8x128xf32, #tpu.memory_space<vmem>>, vector<1x1x16xf32>,
          %parallel_loop3A_552 = vector.shape_cast %parallel_loop3A_551 : vector<1x1x16xf32> to vector<16xf32>
          %parallel_loop3A_553 = arith.constant 7 : i32
          %parallel_loop3A_554 = arith.muli %parallel_loop3A_553, %parallel_loop3A_130 : i32
          %parallel_loop3A_555 = arith.constant 5 : i32
          %parallel_loop3A_556 = arith.addi %parallel_loop3A_554, %parallel_loop3A_555 : i32
          %parallel_loop3A_557 = arith.index_cast %parallel_loop3A_556 : i32 to index
          %parallel_loop3A_558 = arith.index_cast %parallel_loop3A_132 : i32 to index
          %parallel_loop3A_559 = arith.constant 80 : index
          %parallel_loop3A_560 = tpu.vector_load %arg6[%parallel_loop3A_557, %parallel_loop3A_558, %parallel_loop3A_559] {strides = array<i32>} : memref<14x8x128xf32, #tpu.memory_space<vmem>>, vector<1x1x16xf32>,
          %parallel_loop3A_561 = vector.shape_cast %parallel_loop3A_560 : vector<1x1x16xf32> to vector<16xf32>
          %parallel_loop3A_562 = arith.constant 7 : i32
          %parallel_loop3A_563 = arith.muli %parallel_loop3A_562, %parallel_loop3A_130 : i32
          %parallel_loop3A_564 = arith.constant 6 : i32
          %parallel_loop3A_565 = arith.addi %parallel_loop3A_563, %parallel_loop3A_564 : i32
          %parallel_loop3A_566 = arith.index_cast %parallel_loop3A_565 : i32 to index
          %parallel_loop3A_567 = arith.index_cast %parallel_loop3A_132 : i32 to index
          %parallel_loop3A_568 = arith.constant 80 : index
          %parallel_loop3A_569 = tpu.vector_load %arg6[%parallel_loop3A_566, %parallel_loop3A_567, %parallel_loop3A_568] {strides = array<i32>} : memref<14x8x128xf32, #tpu.memory_space<vmem>>, vector<1x1x16xf32>,
          %parallel_loop3A_570 = vector.shape_cast %parallel_loop3A_569 : vector<1x1x16xf32> to vector<16xf32>
          %parallel_loop3A_571 = arith.maximumf %parallel_loop3A_516, %parallel_loop3A_525 : vector<16xf32>
          %parallel_loop3A_572 = arith.maximumf %parallel_loop3A_534, %parallel_loop3A_543 : vector<16xf32>
          %parallel_loop3A_573 = arith.maximumf %parallel_loop3A_552, %parallel_loop3A_561 : vector<16xf32>
          %parallel_loop3A_574 = arith.maximumf %parallel_loop3A_571, %parallel_loop3A_572 : vector<16xf32>
          %parallel_loop3A_575 = arith.maximumf %parallel_loop3A_573, %parallel_loop3A_570 : vector<16xf32>
          %parallel_loop3A_576 = arith.maximumf %parallel_loop3A_574, %parallel_loop3A_575 : vector<16xf32>
          %parallel_loop3A_577 = arith.index_cast %parallel_loop3A_130 : i32 to index
          %parallel_loop3A_578 = arith.index_cast %parallel_loop3A_132 : i32 to index
          %parallel_loop3A_579 = arith.constant 80 : index
          %parallel_loop3A_580 = tpu.vector_load %arg10[%parallel_loop3A_577, %parallel_loop3A_578, %parallel_loop3A_579] {strides = array<i32>} : memref<2x8x128xf32, #tpu.memory_space<vmem>>, vector<1x1x16xf32>,
          %parallel_loop3A_581 = vector.shape_cast %parallel_loop3A_580 : vector<1x1x16xf32> to vector<16xf32>
          %parallel_loop3A_582 = vector.shape_cast %parallel_loop3A_576 : vector<16xf32> to vector<1x1x16xf32>
          tpu.vector_store %arg10[%parallel_loop3A_577, %parallel_loop3A_578, %parallel_loop3A_579], %parallel_loop3A_582 {strides = array<i32>} : memref<2x8x128xf32, #tpu.memory_space<vmem>>, vector<1x1x16xf32>,
          %parallel_loop3A_583 = arith.constant 7 : i32
          %parallel_loop3A_584 = arith.muli %parallel_loop3A_583, %parallel_loop3A_130 : i32
          %parallel_loop3A_585 = arith.constant 0 : i32
          %parallel_loop3A_586 = arith.addi %parallel_loop3A_584, %parallel_loop3A_585 : i32
          %parallel_loop3A_587 = arith.index_cast %parallel_loop3A_586 : i32 to index
          %parallel_loop3A_588 = arith.index_cast %parallel_loop3A_132 : i32 to index
          %parallel_loop3A_589 = arith.constant 96 : index
          %parallel_loop3A_590 = tpu.vector_load %arg6[%parallel_loop3A_587, %parallel_loop3A_588, %parallel_loop3A_589] {strides = array<i32>} : memref<14x8x128xf32, #tpu.memory_space<vmem>>, vector<1x1x16xf32>,
          %parallel_loop3A_591 = vector.shape_cast %parallel_loop3A_590 : vector<1x1x16xf32> to vector<16xf32>
          %parallel_loop3A_592 = arith.constant 7 : i32
          %parallel_loop3A_593 = arith.muli %parallel_loop3A_592, %parallel_loop3A_130 : i32
          %parallel_loop3A_594 = arith.constant 1 : i32
          %parallel_loop3A_595 = arith.addi %parallel_loop3A_593, %parallel_loop3A_594 : i32
          %parallel_loop3A_596 = arith.index_cast %parallel_loop3A_595 : i32 to index
          %parallel_loop3A_597 = arith.index_cast %parallel_loop3A_132 : i32 to index
          %parallel_loop3A_598 = arith.constant 96 : index
          %parallel_loop3A_599 = tpu.vector_load %arg6[%parallel_loop3A_596, %parallel_loop3A_597, %parallel_loop3A_598] {strides = array<i32>} : memref<14x8x128xf32, #tpu.memory_space<vmem>>, vector<1x1x16xf32>,
          %parallel_loop3A_600 = vector.shape_cast %parallel_loop3A_599 : vector<1x1x16xf32> to vector<16xf32>
          %parallel_loop3A_601 = arith.constant 7 : i32
          %parallel_loop3A_602 = arith.muli %parallel_loop3A_601, %parallel_loop3A_130 : i32
          %parallel_loop3A_603 = arith.constant 2 : i32
          %parallel_loop3A_604 = arith.addi %parallel_loop3A_602, %parallel_loop3A_603 : i32
          %parallel_loop3A_605 = arith.index_cast %parallel_loop3A_604 : i32 to index
          %parallel_loop3A_606 = arith.index_cast %parallel_loop3A_132 : i32 to index
          %parallel_loop3A_607 = arith.constant 96 : index
          %parallel_loop3A_608 = tpu.vector_load %arg6[%parallel_loop3A_605, %parallel_loop3A_606, %parallel_loop3A_607] {strides = array<i32>} : memref<14x8x128xf32, #tpu.memory_space<vmem>>, vector<1x1x16xf32>,
          %parallel_loop3A_609 = vector.shape_cast %parallel_loop3A_608 : vector<1x1x16xf32> to vector<16xf32>
          %parallel_loop3A_610 = arith.constant 7 : i32
          %parallel_loop3A_611 = arith.muli %parallel_loop3A_610, %parallel_loop3A_130 : i32
          %parallel_loop3A_612 = arith.constant 3 : i32
          %parallel_loop3A_613 = arith.addi %parallel_loop3A_611, %parallel_loop3A_612 : i32
          %parallel_loop3A_614 = arith.index_cast %parallel_loop3A_613 : i32 to index
          %parallel_loop3A_615 = arith.index_cast %parallel_loop3A_132 : i32 to index
          %parallel_loop3A_616 = arith.constant 96 : index
          %parallel_loop3A_617 = tpu.vector_load %arg6[%parallel_loop3A_614, %parallel_loop3A_615, %parallel_loop3A_616] {strides = array<i32>} : memref<14x8x128xf32, #tpu.memory_space<vmem>>, vector<1x1x16xf32>,
          %parallel_loop3A_618 = vector.shape_cast %parallel_loop3A_617 : vector<1x1x16xf32> to vector<16xf32>
          %parallel_loop3A_619 = arith.constant 7 : i32
          %parallel_loop3A_620 = arith.muli %parallel_loop3A_619, %parallel_loop3A_130 : i32
          %parallel_loop3A_621 = arith.constant 4 : i32
          %parallel_loop3A_622 = arith.addi %parallel_loop3A_620, %parallel_loop3A_621 : i32
          %parallel_loop3A_623 = arith.index_cast %parallel_loop3A_622 : i32 to index
          %parallel_loop3A_624 = arith.index_cast %parallel_loop3A_132 : i32 to index
          %parallel_loop3A_625 = arith.constant 96 : index
          %parallel_loop3A_626 = tpu.vector_load %arg6[%parallel_loop3A_623, %parallel_loop3A_624, %parallel_loop3A_625] {strides = array<i32>} : memref<14x8x128xf32, #tpu.memory_space<vmem>>, vector<1x1x16xf32>,
          %parallel_loop3A_627 = vector.shape_cast %parallel_loop3A_626 : vector<1x1x16xf32> to vector<16xf32>
          %parallel_loop3A_628 = arith.constant 7 : i32
          %parallel_loop3A_629 = arith.muli %parallel_loop3A_628, %parallel_loop3A_130 : i32
          %parallel_loop3A_630 = arith.constant 5 : i32
          %parallel_loop3A_631 = arith.addi %parallel_loop3A_629, %parallel_loop3A_630 : i32
          %parallel_loop3A_632 = arith.index_cast %parallel_loop3A_631 : i32 to index
          %parallel_loop3A_633 = arith.index_cast %parallel_loop3A_132 : i32 to index
          %parallel_loop3A_634 = arith.constant 96 : index
          %parallel_loop3A_635 = tpu.vector_load %arg6[%parallel_loop3A_632, %parallel_loop3A_633, %parallel_loop3A_634] {strides = array<i32>} : memref<14x8x128xf32, #tpu.memory_space<vmem>>, vector<1x1x16xf32>,
          %parallel_loop3A_636 = vector.shape_cast %parallel_loop3A_635 : vector<1x1x16xf32> to vector<16xf32>
          %parallel_loop3A_637 = arith.constant 7 : i32
          %parallel_loop3A_638 = arith.muli %parallel_loop3A_637, %parallel_loop3A_130 : i32
          %parallel_loop3A_639 = arith.constant 6 : i32
          %parallel_loop3A_640 = arith.addi %parallel_loop3A_638, %parallel_loop3A_639 : i32
          %parallel_loop3A_641 = arith.index_cast %parallel_loop3A_640 : i32 to index
          %parallel_loop3A_642 = arith.index_cast %parallel_loop3A_132 : i32 to index
          %parallel_loop3A_643 = arith.constant 96 : index
          %parallel_loop3A_644 = tpu.vector_load %arg6[%parallel_loop3A_641, %parallel_loop3A_642, %parallel_loop3A_643] {strides = array<i32>} : memref<14x8x128xf32, #tpu.memory_space<vmem>>, vector<1x1x16xf32>,
          %parallel_loop3A_645 = vector.shape_cast %parallel_loop3A_644 : vector<1x1x16xf32> to vector<16xf32>
          %parallel_loop3A_646 = arith.maximumf %parallel_loop3A_591, %parallel_loop3A_600 : vector<16xf32>
          %parallel_loop3A_647 = arith.maximumf %parallel_loop3A_609, %parallel_loop3A_618 : vector<16xf32>
          %parallel_loop3A_648 = arith.maximumf %parallel_loop3A_627, %parallel_loop3A_636 : vector<16xf32>
          %parallel_loop3A_649 = arith.maximumf %parallel_loop3A_646, %parallel_loop3A_647 : vector<16xf32>
          %parallel_loop3A_650 = arith.maximumf %parallel_loop3A_648, %parallel_loop3A_645 : vector<16xf32>
          %parallel_loop3A_651 = arith.maximumf %parallel_loop3A_649, %parallel_loop3A_650 : vector<16xf32>
          %parallel_loop3A_652 = arith.index_cast %parallel_loop3A_130 : i32 to index
          %parallel_loop3A_653 = arith.index_cast %parallel_loop3A_132 : i32 to index
          %parallel_loop3A_654 = arith.constant 96 : index
          %parallel_loop3A_655 = tpu.vector_load %arg10[%parallel_loop3A_652, %parallel_loop3A_653, %parallel_loop3A_654] {strides = array<i32>} : memref<2x8x128xf32, #tpu.memory_space<vmem>>, vector<1x1x16xf32>,
          %parallel_loop3A_656 = vector.shape_cast %parallel_loop3A_655 : vector<1x1x16xf32> to vector<16xf32>
          %parallel_loop3A_657 = vector.shape_cast %parallel_loop3A_651 : vector<16xf32> to vector<1x1x16xf32>
          tpu.vector_store %arg10[%parallel_loop3A_652, %parallel_loop3A_653, %parallel_loop3A_654], %parallel_loop3A_657 {strides = array<i32>} : memref<2x8x128xf32, #tpu.memory_space<vmem>>, vector<1x1x16xf32>,
          %parallel_loop3A_658 = arith.constant 7 : i32
          %parallel_loop3A_659 = arith.muli %parallel_loop3A_658, %parallel_loop3A_130 : i32
          %parallel_loop3A_660 = arith.constant 0 : i32
          %parallel_loop3A_661 = arith.addi %parallel_loop3A_659, %parallel_loop3A_660 : i32
          %parallel_loop3A_662 = arith.index_cast %parallel_loop3A_661 : i32 to index
          %parallel_loop3A_663 = arith.index_cast %parallel_loop3A_132 : i32 to index
          %parallel_loop3A_664 = arith.constant 112 : index
          %parallel_loop3A_665 = tpu.vector_load %arg6[%parallel_loop3A_662, %parallel_loop3A_663, %parallel_loop3A_664] {strides = array<i32>} : memref<14x8x128xf32, #tpu.memory_space<vmem>>, vector<1x1x16xf32>,
          %parallel_loop3A_666 = vector.shape_cast %parallel_loop3A_665 : vector<1x1x16xf32> to vector<16xf32>
          %parallel_loop3A_667 = arith.constant 7 : i32
          %parallel_loop3A_668 = arith.muli %parallel_loop3A_667, %parallel_loop3A_130 : i32
          %parallel_loop3A_669 = arith.constant 1 : i32
          %parallel_loop3A_670 = arith.addi %parallel_loop3A_668, %parallel_loop3A_669 : i32
          %parallel_loop3A_671 = arith.index_cast %parallel_loop3A_670 : i32 to index
          %parallel_loop3A_672 = arith.index_cast %parallel_loop3A_132 : i32 to index
          %parallel_loop3A_673 = arith.constant 112 : index
          %parallel_loop3A_674 = tpu.vector_load %arg6[%parallel_loop3A_671, %parallel_loop3A_672, %parallel_loop3A_673] {strides = array<i32>} : memref<14x8x128xf32, #tpu.memory_space<vmem>>, vector<1x1x16xf32>,
          %parallel_loop3A_675 = vector.shape_cast %parallel_loop3A_674 : vector<1x1x16xf32> to vector<16xf32>
          %parallel_loop3A_676 = arith.constant 7 : i32
          %parallel_loop3A_677 = arith.muli %parallel_loop3A_676, %parallel_loop3A_130 : i32
          %parallel_loop3A_678 = arith.constant 2 : i32
          %parallel_loop3A_679 = arith.addi %parallel_loop3A_677, %parallel_loop3A_678 : i32
          %parallel_loop3A_680 = arith.index_cast %parallel_loop3A_679 : i32 to index
          %parallel_loop3A_681 = arith.index_cast %parallel_loop3A_132 : i32 to index
          %parallel_loop3A_682 = arith.constant 112 : index
          %parallel_loop3A_683 = tpu.vector_load %arg6[%parallel_loop3A_680, %parallel_loop3A_681, %parallel_loop3A_682] {strides = array<i32>} : memref<14x8x128xf32, #tpu.memory_space<vmem>>, vector<1x1x16xf32>,
          %parallel_loop3A_684 = vector.shape_cast %parallel_loop3A_683 : vector<1x1x16xf32> to vector<16xf32>
          %parallel_loop3A_685 = arith.constant 7 : i32
          %parallel_loop3A_686 = arith.muli %parallel_loop3A_685, %parallel_loop3A_130 : i32
          %parallel_loop3A_687 = arith.constant 3 : i32
          %parallel_loop3A_688 = arith.addi %parallel_loop3A_686, %parallel_loop3A_687 : i32
          %parallel_loop3A_689 = arith.index_cast %parallel_loop3A_688 : i32 to index
          %parallel_loop3A_690 = arith.index_cast %parallel_loop3A_132 : i32 to index
          %parallel_loop3A_691 = arith.constant 112 : index
          %parallel_loop3A_692 = tpu.vector_load %arg6[%parallel_loop3A_689, %parallel_loop3A_690, %parallel_loop3A_691] {strides = array<i32>} : memref<14x8x128xf32, #tpu.memory_space<vmem>>, vector<1x1x16xf32>,
          %parallel_loop3A_693 = vector.shape_cast %parallel_loop3A_692 : vector<1x1x16xf32> to vector<16xf32>
          %parallel_loop3A_694 = arith.constant 7 : i32
          %parallel_loop3A_695 = arith.muli %parallel_loop3A_694, %parallel_loop3A_130 : i32
          %parallel_loop3A_696 = arith.constant 4 : i32
          %parallel_loop3A_697 = arith.addi %parallel_loop3A_695, %parallel_loop3A_696 : i32
          %parallel_loop3A_698 = arith.index_cast %parallel_loop3A_697 : i32 to index
          %parallel_loop3A_699 = arith.index_cast %parallel_loop3A_132 : i32 to index
          %parallel_loop3A_700 = arith.constant 112 : index
          %parallel_loop3A_701 = tpu.vector_load %arg6[%parallel_loop3A_698, %parallel_loop3A_699, %parallel_loop3A_700] {strides = array<i32>} : memref<14x8x128xf32, #tpu.memory_space<vmem>>, vector<1x1x16xf32>,
          %parallel_loop3A_702 = vector.shape_cast %parallel_loop3A_701 : vector<1x1x16xf32> to vector<16xf32>
          %parallel_loop3A_703 = arith.constant 7 : i32
          %parallel_loop3A_704 = arith.muli %parallel_loop3A_703, %parallel_loop3A_130 : i32
          %parallel_loop3A_705 = arith.constant 5 : i32
          %parallel_loop3A_706 = arith.addi %parallel_loop3A_704, %parallel_loop3A_705 : i32
          %parallel_loop3A_707 = arith.index_cast %parallel_loop3A_706 : i32 to index
          %parallel_loop3A_708 = arith.index_cast %parallel_loop3A_132 : i32 to index
          %parallel_loop3A_709 = arith.constant 112 : index
          %parallel_loop3A_710 = tpu.vector_load %arg6[%parallel_loop3A_707, %parallel_loop3A_708, %parallel_loop3A_709] {strides = array<i32>} : memref<14x8x128xf32, #tpu.memory_space<vmem>>, vector<1x1x16xf32>,
          %parallel_loop3A_711 = vector.shape_cast %parallel_loop3A_710 : vector<1x1x16xf32> to vector<16xf32>
          %parallel_loop3A_712 = arith.constant 7 : i32
          %parallel_loop3A_713 = arith.muli %parallel_loop3A_712, %parallel_loop3A_130 : i32
          %parallel_loop3A_714 = arith.constant 6 : i32
          %parallel_loop3A_715 = arith.addi %parallel_loop3A_713, %parallel_loop3A_714 : i32
          %parallel_loop3A_716 = arith.index_cast %parallel_loop3A_715 : i32 to index
          %parallel_loop3A_717 = arith.index_cast %parallel_loop3A_132 : i32 to index
          %parallel_loop3A_718 = arith.constant 112 : index
          %parallel_loop3A_719 = tpu.vector_load %arg6[%parallel_loop3A_716, %parallel_loop3A_717, %parallel_loop3A_718] {strides = array<i32>} : memref<14x8x128xf32, #tpu.memory_space<vmem>>, vector<1x1x16xf32>,
          %parallel_loop3A_720 = vector.shape_cast %parallel_loop3A_719 : vector<1x1x16xf32> to vector<16xf32>
          %parallel_loop3A_721 = arith.maximumf %parallel_loop3A_666, %parallel_loop3A_675 : vector<16xf32>
          %parallel_loop3A_722 = arith.maximumf %parallel_loop3A_684, %parallel_loop3A_693 : vector<16xf32>
          %parallel_loop3A_723 = arith.maximumf %parallel_loop3A_702, %parallel_loop3A_711 : vector<16xf32>
          %parallel_loop3A_724 = arith.maximumf %parallel_loop3A_721, %parallel_loop3A_722 : vector<16xf32>
          %parallel_loop3A_725 = arith.maximumf %parallel_loop3A_723, %parallel_loop3A_720 : vector<16xf32>
          %parallel_loop3A_726 = arith.maximumf %parallel_loop3A_724, %parallel_loop3A_725 : vector<16xf32>
          %parallel_loop3A_727 = arith.index_cast %parallel_loop3A_130 : i32 to index
          %parallel_loop3A_728 = arith.index_cast %parallel_loop3A_132 : i32 to index
          %parallel_loop3A_729 = arith.constant 112 : index
          %parallel_loop3A_730 = tpu.vector_load %arg10[%parallel_loop3A_727, %parallel_loop3A_728, %parallel_loop3A_729] {strides = array<i32>} : memref<2x8x128xf32, #tpu.memory_space<vmem>>, vector<1x1x16xf32>,
          %parallel_loop3A_731 = vector.shape_cast %parallel_loop3A_730 : vector<1x1x16xf32> to vector<16xf32>
          %parallel_loop3A_732 = vector.shape_cast %parallel_loop3A_726 : vector<16xf32> to vector<1x1x16xf32>
          tpu.vector_store %arg10[%parallel_loop3A_727, %parallel_loop3A_728, %parallel_loop3A_729], %parallel_loop3A_732 {strides = array<i32>} : memref<2x8x128xf32, #tpu.memory_space<vmem>>, vector<1x1x16xf32>,
        } {sc.loop_unroll_factor = 2 : i64, sc.parallel_access}
        %add3A_119 = arith.addi %mul3A_2, %add3A_60 : i32
        %mul3A_120 = arith.constant 2 : i32
        %mul3A_121 = arith.muli %add3A_119, %mul3A_120 : i32
        %dma_start3A_122 = arith.constant 0 : i32
        %dma_start3A_123 = arith.constant 0 : i32
        %dma_start3A_124 = tpu.memref_slice %arg4[%mul3A_121, %dma_start3A_122, %dma_start3A_123] : memref<10242x8x128xf32, #tpu.memory_space<hbm>> -> memref<2x8x128xf32, #tpu.memory_space<hbm>>
        %dma_start3A_125 = arith.constant 0 : i32
        %dma_start3A_126 = arith.constant 0 : i32
        %dma_start3A_127 = tpu.memref_slice %arg4[%mul3A_121, %dma_start3A_125, %dma_start3A_126] : memref<10242x8x128xf32, #tpu.memory_space<hbm>> -> memref<2x8x128xf32, #tpu.memory_space<hbm>>
        tpu.enqueue_dma source(%arg10 : memref<2x8x128xf32, #tpu.memory_space<vmem>>) target(%dma_start3A_127 : memref<2x8x128xf32, #tpu.memory_space<hbm>>) target_semaphore(%arg18 : memref<!tpu.dma_semaphore, #tpu.memory_space<semaphore_mem>>)
      } else {
      }
      %add3A_64 = arith.constant 4 : i32
      %add3A_65 = arith.addi %add3A_60, %add3A_64 : i32
      %lt3A_66 = arith.cmpi slt, %add3A_65, %select_n3A : i32
      %convert_element_type3A_67 = arith.extui %lt3A_66 : i1 to i32
      %cond3A_68 = arith.constant 0 : i32
      %cond3A_69 = arith.cmpi ne, %convert_element_type3A_67, %cond3A_68 : i32
      scf.if %cond3A_69 {
        %add3A_112 = arith.constant 4 : i32
        %add3A_113 = arith.addi %add3A_60, %add3A_112 : i32
        %mul3A_114 = arith.constant 16 : i32
        %mul3A_115 = arith.muli %add3A_113, %mul3A_114 : i32
        %dma_start3A_116 = tpu.memref_slice %arg5[%mul3A_115] : memref<2576xi32, #tpu.memory_space<vmem>> -> memref<14xi32, #tpu.memory_space<vmem>>
        %dma_start3A_117 = arith.constant 0 : i32
        %dma_start3A_118 = arith.constant 0 : i32
        %dma_start3A_119 = arith.constant 0 : i32
        %dma_start3A_120 = tpu.memref_slice %arg2[%dma_start3A_117, %dma_start3A_118, %dma_start3A_119] : memref<40962x8x128xf32, #tpu.memory_space<hbm>> -> memref<40962x8x128xf32, #tpu.memory_space<hbm>>
        tpu.enqueue_indirect_dma source(%dma_start3A_120 : memref<40962x8x128xf32, #tpu.memory_space<hbm>>) target(%arg6 : memref<14x8x128xf32, #tpu.memory_space<vmem>>) offsets(%dma_start3A_116 : memref<14xi32, #tpu.memory_space<vmem>>) semaphore(%arg14 : memref<!tpu.dma_semaphore, #tpu.memory_space<semaphore_mem>>)
      } else {
      }
      %mul3A_70 = arith.constant 4 : i32
      %mul3A_71 = arith.muli %mul3A_70, %scan3A_52 : i32
      %add3A_72 = arith.constant 1 : i32
      %add3A_73 = arith.addi %mul3A_71, %add3A_72 : i32
      %lt3A_74 = arith.cmpi slt, %add3A_73, %select_n3A : i32
      %convert_element_type3A_75 = arith.extui %lt3A_74 : i1 to i32
      %cond3A_76 = arith.constant 0 : i32
      %cond3A_77 = arith.cmpi ne, %convert_element_type3A_75, %cond3A_76 : i32
      scf.if %cond3A_77 {
        %dma_wait3A = arith.constant 0 : i32
        %dma_wait3A_112 = tpu.memref_slice %arg5[%dma_wait3A] : memref<2576xi32, #tpu.memory_space<vmem>> -> memref<14xi32, #tpu.memory_space<vmem>>
        %dma_wait3A_113 = arith.constant 0 : i32
        %dma_wait3A_114 = arith.constant 0 : i32
        %dma_wait3A_115 = arith.constant 0 : i32
        %dma_wait3A_116 = tpu.memref_slice %arg2[%dma_wait3A_113, %dma_wait3A_114, %dma_wait3A_115] : memref<40962x8x128xf32, #tpu.memory_space<hbm>> -> memref<40962x8x128xf32, #tpu.memory_space<hbm>>
        tpu.wait_indirect_dma semaphore(%arg15 : memref<!tpu.dma_semaphore, #tpu.memory_space<semaphore_mem>>) src(%dma_wait3A_116 : memref<40962x8x128xf32, #tpu.memory_space<hbm>>) dst(%arg7 : memref<14x8x128xf32, #tpu.memory_space<vmem>>)
        %parallel_loop3A = arith.constant 0 : i32
        %parallel_loop3A_117 = arith.constant 16 : i32
        %parallel_loop3A_118 = arith.constant 1 : i32
        scf.for %parallel_loop3A_128 = %parallel_loop3A to %parallel_loop3A_117 step %parallel_loop3A_118  : i32 {
          %parallel_loop3A_129 = arith.constant 3 : i32
          %parallel_loop3A_130 = arith.shrui %parallel_loop3A_128, %parallel_loop3A_129 : i32
          %parallel_loop3A_131 = arith.constant 7 : i32
          %parallel_loop3A_132 = arith.andi %parallel_loop3A_128, %parallel_loop3A_131 : i32
          %parallel_loop3A_133 = arith.constant 7 : i32
          %parallel_loop3A_134 = arith.muli %parallel_loop3A_133, %parallel_loop3A_130 : i32
          %parallel_loop3A_135 = arith.constant 0 : i32
          %parallel_loop3A_136 = arith.addi %parallel_loop3A_134, %parallel_loop3A_135 : i32
          %parallel_loop3A_137 = arith.index_cast %parallel_loop3A_136 : i32 to index
          %parallel_loop3A_138 = arith.index_cast %parallel_loop3A_132 : i32 to index
          %parallel_loop3A_139 = arith.constant 0 : index
          %parallel_loop3A_140 = tpu.vector_load %arg7[%parallel_loop3A_137, %parallel_loop3A_138, %parallel_loop3A_139] {strides = array<i32>} : memref<14x8x128xf32, #tpu.memory_space<vmem>>, vector<1x1x16xf32>,
          %parallel_loop3A_141 = vector.shape_cast %parallel_loop3A_140 : vector<1x1x16xf32> to vector<16xf32>
          %parallel_loop3A_142 = arith.constant 7 : i32
          %parallel_loop3A_143 = arith.muli %parallel_loop3A_142, %parallel_loop3A_130 : i32
          %parallel_loop3A_144 = arith.constant 1 : i32
          %parallel_loop3A_145 = arith.addi %parallel_loop3A_143, %parallel_loop3A_144 : i32
          %parallel_loop3A_146 = arith.index_cast %parallel_loop3A_145 : i32 to index
          %parallel_loop3A_147 = arith.index_cast %parallel_loop3A_132 : i32 to index
          %parallel_loop3A_148 = arith.constant 0 : index
          %parallel_loop3A_149 = tpu.vector_load %arg7[%parallel_loop3A_146, %parallel_loop3A_147, %parallel_loop3A_148] {strides = array<i32>} : memref<14x8x128xf32, #tpu.memory_space<vmem>>, vector<1x1x16xf32>,
          %parallel_loop3A_150 = vector.shape_cast %parallel_loop3A_149 : vector<1x1x16xf32> to vector<16xf32>
          %parallel_loop3A_151 = arith.constant 7 : i32
          %parallel_loop3A_152 = arith.muli %parallel_loop3A_151, %parallel_loop3A_130 : i32
          %parallel_loop3A_153 = arith.constant 2 : i32
          %parallel_loop3A_154 = arith.addi %parallel_loop3A_152, %parallel_loop3A_153 : i32
          %parallel_loop3A_155 = arith.index_cast %parallel_loop3A_154 : i32 to index
          %parallel_loop3A_156 = arith.index_cast %parallel_loop3A_132 : i32 to index
          %parallel_loop3A_157 = arith.constant 0 : index
          %parallel_loop3A_158 = tpu.vector_load %arg7[%parallel_loop3A_155, %parallel_loop3A_156, %parallel_loop3A_157] {strides = array<i32>} : memref<14x8x128xf32, #tpu.memory_space<vmem>>, vector<1x1x16xf32>,
          %parallel_loop3A_159 = vector.shape_cast %parallel_loop3A_158 : vector<1x1x16xf32> to vector<16xf32>
          %parallel_loop3A_160 = arith.constant 7 : i32
          %parallel_loop3A_161 = arith.muli %parallel_loop3A_160, %parallel_loop3A_130 : i32
          %parallel_loop3A_162 = arith.constant 3 : i32
          %parallel_loop3A_163 = arith.addi %parallel_loop3A_161, %parallel_loop3A_162 : i32
          %parallel_loop3A_164 = arith.index_cast %parallel_loop3A_163 : i32 to index
          %parallel_loop3A_165 = arith.index_cast %parallel_loop3A_132 : i32 to index
          %parallel_loop3A_166 = arith.constant 0 : index
          %parallel_loop3A_167 = tpu.vector_load %arg7[%parallel_loop3A_164, %parallel_loop3A_165, %parallel_loop3A_166] {strides = array<i32>} : memref<14x8x128xf32, #tpu.memory_space<vmem>>, vector<1x1x16xf32>,
          %parallel_loop3A_168 = vector.shape_cast %parallel_loop3A_167 : vector<1x1x16xf32> to vector<16xf32>
          %parallel_loop3A_169 = arith.constant 7 : i32
          %parallel_loop3A_170 = arith.muli %parallel_loop3A_169, %parallel_loop3A_130 : i32
          %parallel_loop3A_171 = arith.constant 4 : i32
          %parallel_loop3A_172 = arith.addi %parallel_loop3A_170, %parallel_loop3A_171 : i32
          %parallel_loop3A_173 = arith.index_cast %parallel_loop3A_172 : i32 to index
          %parallel_loop3A_174 = arith.index_cast %parallel_loop3A_132 : i32 to index
          %parallel_loop3A_175 = arith.constant 0 : index
          %parallel_loop3A_176 = tpu.vector_load %arg7[%parallel_loop3A_173, %parallel_loop3A_174, %parallel_loop3A_175] {strides = array<i32>} : memref<14x8x128xf32, #tpu.memory_space<vmem>>, vector<1x1x16xf32>,
          %parallel_loop3A_177 = vector.shape_cast %parallel_loop3A_176 : vector<1x1x16xf32> to vector<16xf32>
          %parallel_loop3A_178 = arith.constant 7 : i32
          %parallel_loop3A_179 = arith.muli %parallel_loop3A_178, %parallel_loop3A_130 : i32
          %parallel_loop3A_180 = arith.constant 5 : i32
          %parallel_loop3A_181 = arith.addi %parallel_loop3A_179, %parallel_loop3A_180 : i32
          %parallel_loop3A_182 = arith.index_cast %parallel_loop3A_181 : i32 to index
          %parallel_loop3A_183 = arith.index_cast %parallel_loop3A_132 : i32 to index
          %parallel_loop3A_184 = arith.constant 0 : index
          %parallel_loop3A_185 = tpu.vector_load %arg7[%parallel_loop3A_182, %parallel_loop3A_183, %parallel_loop3A_184] {strides = array<i32>} : memref<14x8x128xf32, #tpu.memory_space<vmem>>, vector<1x1x16xf32>,
          %parallel_loop3A_186 = vector.shape_cast %parallel_loop3A_185 : vector<1x1x16xf32> to vector<16xf32>
          %parallel_loop3A_187 = arith.constant 7 : i32
          %parallel_loop3A_188 = arith.muli %parallel_loop3A_187, %parallel_loop3A_130 : i32
          %parallel_loop3A_189 = arith.constant 6 : i32
          %parallel_loop3A_190 = arith.addi %parallel_loop3A_188, %parallel_loop3A_189 : i32
          %parallel_loop3A_191 = arith.index_cast %parallel_loop3A_190 : i32 to index
          %parallel_loop3A_192 = arith.index_cast %parallel_loop3A_132 : i32 to index
          %parallel_loop3A_193 = arith.constant 0 : index
          %parallel_loop3A_194 = tpu.vector_load %arg7[%parallel_loop3A_191, %parallel_loop3A_192, %parallel_loop3A_193] {strides = array<i32>} : memref<14x8x128xf32, #tpu.memory_space<vmem>>, vector<1x1x16xf32>,
          %parallel_loop3A_195 = vector.shape_cast %parallel_loop3A_194 : vector<1x1x16xf32> to vector<16xf32>
          %parallel_loop3A_196 = arith.maximumf %parallel_loop3A_141, %parallel_loop3A_150 : vector<16xf32>
          %parallel_loop3A_197 = arith.maximumf %parallel_loop3A_159, %parallel_loop3A_168 : vector<16xf32>
          %parallel_loop3A_198 = arith.maximumf %parallel_loop3A_177, %parallel_loop3A_186 : vector<16xf32>
          %parallel_loop3A_199 = arith.maximumf %parallel_loop3A_196, %parallel_loop3A_197 : vector<16xf32>
          %parallel_loop3A_200 = arith.maximumf %parallel_loop3A_198, %parallel_loop3A_195 : vector<16xf32>
          %parallel_loop3A_201 = arith.maximumf %parallel_loop3A_199, %parallel_loop3A_200 : vector<16xf32>
          %parallel_loop3A_202 = arith.index_cast %parallel_loop3A_130 : i32 to index
          %parallel_loop3A_203 = arith.index_cast %parallel_loop3A_132 : i32 to index
          %parallel_loop3A_204 = arith.constant 0 : index
          %parallel_loop3A_205 = tpu.vector_load %arg11[%parallel_loop3A_202, %parallel_loop3A_203, %parallel_loop3A_204] {strides = array<i32>} : memref<2x8x128xf32, #tpu.memory_space<vmem>>, vector<1x1x16xf32>,
          %parallel_loop3A_206 = vector.shape_cast %parallel_loop3A_205 : vector<1x1x16xf32> to vector<16xf32>
          %parallel_loop3A_207 = vector.shape_cast %parallel_loop3A_201 : vector<16xf32> to vector<1x1x16xf32>
          tpu.vector_store %arg11[%parallel_loop3A_202, %parallel_loop3A_203, %parallel_loop3A_204], %parallel_loop3A_207 {strides = array<i32>} : memref<2x8x128xf32, #tpu.memory_space<vmem>>, vector<1x1x16xf32>,
          %parallel_loop3A_208 = arith.constant 7 : i32
          %parallel_loop3A_209 = arith.muli %parallel_loop3A_208, %parallel_loop3A_130 : i32
          %parallel_loop3A_210 = arith.constant 0 : i32
          %parallel_loop3A_211 = arith.addi %parallel_loop3A_209, %parallel_loop3A_210 : i32
          %parallel_loop3A_212 = arith.index_cast %parallel_loop3A_211 : i32 to index
          %parallel_loop3A_213 = arith.index_cast %parallel_loop3A_132 : i32 to index
          %parallel_loop3A_214 = arith.constant 16 : index
          %parallel_loop3A_215 = tpu.vector_load %arg7[%parallel_loop3A_212, %parallel_loop3A_213, %parallel_loop3A_214] {strides = array<i32>} : memref<14x8x128xf32, #tpu.memory_space<vmem>>, vector<1x1x16xf32>,
          %parallel_loop3A_216 = vector.shape_cast %parallel_loop3A_215 : vector<1x1x16xf32> to vector<16xf32>
          %parallel_loop3A_217 = arith.constant 7 : i32
          %parallel_loop3A_218 = arith.muli %parallel_loop3A_217, %parallel_loop3A_130 : i32
          %parallel_loop3A_219 = arith.constant 1 : i32
          %parallel_loop3A_220 = arith.addi %parallel_loop3A_218, %parallel_loop3A_219 : i32
          %parallel_loop3A_221 = arith.index_cast %parallel_loop3A_220 : i32 to index
          %parallel_loop3A_222 = arith.index_cast %parallel_loop3A_132 : i32 to index
          %parallel_loop3A_223 = arith.constant 16 : index
          %parallel_loop3A_224 = tpu.vector_load %arg7[%parallel_loop3A_221, %parallel_loop3A_222, %parallel_loop3A_223] {strides = array<i32>} : memref<14x8x128xf32, #tpu.memory_space<vmem>>, vector<1x1x16xf32>,
          %parallel_loop3A_225 = vector.shape_cast %parallel_loop3A_224 : vector<1x1x16xf32> to vector<16xf32>
          %parallel_loop3A_226 = arith.constant 7 : i32
          %parallel_loop3A_227 = arith.muli %parallel_loop3A_226, %parallel_loop3A_130 : i32
          %parallel_loop3A_228 = arith.constant 2 : i32
          %parallel_loop3A_229 = arith.addi %parallel_loop3A_227, %parallel_loop3A_228 : i32
          %parallel_loop3A_230 = arith.index_cast %parallel_loop3A_229 : i32 to index
          %parallel_loop3A_231 = arith.index_cast %parallel_loop3A_132 : i32 to index
          %parallel_loop3A_232 = arith.constant 16 : index
          %parallel_loop3A_233 = tpu.vector_load %arg7[%parallel_loop3A_230, %parallel_loop3A_231, %parallel_loop3A_232] {strides = array<i32>} : memref<14x8x128xf32, #tpu.memory_space<vmem>>, vector<1x1x16xf32>,
          %parallel_loop3A_234 = vector.shape_cast %parallel_loop3A_233 : vector<1x1x16xf32> to vector<16xf32>
          %parallel_loop3A_235 = arith.constant 7 : i32
          %parallel_loop3A_236 = arith.muli %parallel_loop3A_235, %parallel_loop3A_130 : i32
          %parallel_loop3A_237 = arith.constant 3 : i32
          %parallel_loop3A_238 = arith.addi %parallel_loop3A_236, %parallel_loop3A_237 : i32
          %parallel_loop3A_239 = arith.index_cast %parallel_loop3A_238 : i32 to index
          %parallel_loop3A_240 = arith.index_cast %parallel_loop3A_132 : i32 to index
          %parallel_loop3A_241 = arith.constant 16 : index
          %parallel_loop3A_242 = tpu.vector_load %arg7[%parallel_loop3A_239, %parallel_loop3A_240, %parallel_loop3A_241] {strides = array<i32>} : memref<14x8x128xf32, #tpu.memory_space<vmem>>, vector<1x1x16xf32>,
          %parallel_loop3A_243 = vector.shape_cast %parallel_loop3A_242 : vector<1x1x16xf32> to vector<16xf32>
          %parallel_loop3A_244 = arith.constant 7 : i32
          %parallel_loop3A_245 = arith.muli %parallel_loop3A_244, %parallel_loop3A_130 : i32
          %parallel_loop3A_246 = arith.constant 4 : i32
          %parallel_loop3A_247 = arith.addi %parallel_loop3A_245, %parallel_loop3A_246 : i32
          %parallel_loop3A_248 = arith.index_cast %parallel_loop3A_247 : i32 to index
          %parallel_loop3A_249 = arith.index_cast %parallel_loop3A_132 : i32 to index
          %parallel_loop3A_250 = arith.constant 16 : index
          %parallel_loop3A_251 = tpu.vector_load %arg7[%parallel_loop3A_248, %parallel_loop3A_249, %parallel_loop3A_250] {strides = array<i32>} : memref<14x8x128xf32, #tpu.memory_space<vmem>>, vector<1x1x16xf32>,
          %parallel_loop3A_252 = vector.shape_cast %parallel_loop3A_251 : vector<1x1x16xf32> to vector<16xf32>
          %parallel_loop3A_253 = arith.constant 7 : i32
          %parallel_loop3A_254 = arith.muli %parallel_loop3A_253, %parallel_loop3A_130 : i32
          %parallel_loop3A_255 = arith.constant 5 : i32
          %parallel_loop3A_256 = arith.addi %parallel_loop3A_254, %parallel_loop3A_255 : i32
          %parallel_loop3A_257 = arith.index_cast %parallel_loop3A_256 : i32 to index
          %parallel_loop3A_258 = arith.index_cast %parallel_loop3A_132 : i32 to index
          %parallel_loop3A_259 = arith.constant 16 : index
          %parallel_loop3A_260 = tpu.vector_load %arg7[%parallel_loop3A_257, %parallel_loop3A_258, %parallel_loop3A_259] {strides = array<i32>} : memref<14x8x128xf32, #tpu.memory_space<vmem>>, vector<1x1x16xf32>,
          %parallel_loop3A_261 = vector.shape_cast %parallel_loop3A_260 : vector<1x1x16xf32> to vector<16xf32>
          %parallel_loop3A_262 = arith.constant 7 : i32
          %parallel_loop3A_263 = arith.muli %parallel_loop3A_262, %parallel_loop3A_130 : i32
          %parallel_loop3A_264 = arith.constant 6 : i32
          %parallel_loop3A_265 = arith.addi %parallel_loop3A_263, %parallel_loop3A_264 : i32
          %parallel_loop3A_266 = arith.index_cast %parallel_loop3A_265 : i32 to index
          %parallel_loop3A_267 = arith.index_cast %parallel_loop3A_132 : i32 to index
          %parallel_loop3A_268 = arith.constant 16 : index
          %parallel_loop3A_269 = tpu.vector_load %arg7[%parallel_loop3A_266, %parallel_loop3A_267, %parallel_loop3A_268] {strides = array<i32>} : memref<14x8x128xf32, #tpu.memory_space<vmem>>, vector<1x1x16xf32>,
          %parallel_loop3A_270 = vector.shape_cast %parallel_loop3A_269 : vector<1x1x16xf32> to vector<16xf32>
          %parallel_loop3A_271 = arith.maximumf %parallel_loop3A_216, %parallel_loop3A_225 : vector<16xf32>
          %parallel_loop3A_272 = arith.maximumf %parallel_loop3A_234, %parallel_loop3A_243 : vector<16xf32>
          %parallel_loop3A_273 = arith.maximumf %parallel_loop3A_252, %parallel_loop3A_261 : vector<16xf32>
          %parallel_loop3A_274 = arith.maximumf %parallel_loop3A_271, %parallel_loop3A_272 : vector<16xf32>
          %parallel_loop3A_275 = arith.maximumf %parallel_loop3A_273, %parallel_loop3A_270 : vector<16xf32>
          %parallel_loop3A_276 = arith.maximumf %parallel_loop3A_274, %parallel_loop3A_275 : vector<16xf32>
          %parallel_loop3A_277 = arith.index_cast %parallel_loop3A_130 : i32 to index
          %parallel_loop3A_278 = arith.index_cast %parallel_loop3A_132 : i32 to index
          %parallel_loop3A_279 = arith.constant 16 : index
          %parallel_loop3A_280 = tpu.vector_load %arg11[%parallel_loop3A_277, %parallel_loop3A_278, %parallel_loop3A_279] {strides = array<i32>} : memref<2x8x128xf32, #tpu.memory_space<vmem>>, vector<1x1x16xf32>,
          %parallel_loop3A_281 = vector.shape_cast %parallel_loop3A_280 : vector<1x1x16xf32> to vector<16xf32>
          %parallel_loop3A_282 = vector.shape_cast %parallel_loop3A_276 : vector<16xf32> to vector<1x1x16xf32>
          tpu.vector_store %arg11[%parallel_loop3A_277, %parallel_loop3A_278, %parallel_loop3A_279], %parallel_loop3A_282 {strides = array<i32>} : memref<2x8x128xf32, #tpu.memory_space<vmem>>, vector<1x1x16xf32>,
          %parallel_loop3A_283 = arith.constant 7 : i32
          %parallel_loop3A_284 = arith.muli %parallel_loop3A_283, %parallel_loop3A_130 : i32
          %parallel_loop3A_285 = arith.constant 0 : i32
          %parallel_loop3A_286 = arith.addi %parallel_loop3A_284, %parallel_loop3A_285 : i32
          %parallel_loop3A_287 = arith.index_cast %parallel_loop3A_286 : i32 to index
          %parallel_loop3A_288 = arith.index_cast %parallel_loop3A_132 : i32 to index
          %parallel_loop3A_289 = arith.constant 32 : index
          %parallel_loop3A_290 = tpu.vector_load %arg7[%parallel_loop3A_287, %parallel_loop3A_288, %parallel_loop3A_289] {strides = array<i32>} : memref<14x8x128xf32, #tpu.memory_space<vmem>>, vector<1x1x16xf32>,
          %parallel_loop3A_291 = vector.shape_cast %parallel_loop3A_290 : vector<1x1x16xf32> to vector<16xf32>
          %parallel_loop3A_292 = arith.constant 7 : i32
          %parallel_loop3A_293 = arith.muli %parallel_loop3A_292, %parallel_loop3A_130 : i32
          %parallel_loop3A_294 = arith.constant 1 : i32
          %parallel_loop3A_295 = arith.addi %parallel_loop3A_293, %parallel_loop3A_294 : i32
          %parallel_loop3A_296 = arith.index_cast %parallel_loop3A_295 : i32 to index
          %parallel_loop3A_297 = arith.index_cast %parallel_loop3A_132 : i32 to index
          %parallel_loop3A_298 = arith.constant 32 : index
          %parallel_loop3A_299 = tpu.vector_load %arg7[%parallel_loop3A_296, %parallel_loop3A_297, %parallel_loop3A_298] {strides = array<i32>} : memref<14x8x128xf32, #tpu.memory_space<vmem>>, vector<1x1x16xf32>,
          %parallel_loop3A_300 = vector.shape_cast %parallel_loop3A_299 : vector<1x1x16xf32> to vector<16xf32>
          %parallel_loop3A_301 = arith.constant 7 : i32
          %parallel_loop3A_302 = arith.muli %parallel_loop3A_301, %parallel_loop3A_130 : i32
          %parallel_loop3A_303 = arith.constant 2 : i32
          %parallel_loop3A_304 = arith.addi %parallel_loop3A_302, %parallel_loop3A_303 : i32
          %parallel_loop3A_305 = arith.index_cast %parallel_loop3A_304 : i32 to index
          %parallel_loop3A_306 = arith.index_cast %parallel_loop3A_132 : i32 to index
          %parallel_loop3A_307 = arith.constant 32 : index
          %parallel_loop3A_308 = tpu.vector_load %arg7[%parallel_loop3A_305, %parallel_loop3A_306, %parallel_loop3A_307] {strides = array<i32>} : memref<14x8x128xf32, #tpu.memory_space<vmem>>, vector<1x1x16xf32>,
          %parallel_loop3A_309 = vector.shape_cast %parallel_loop3A_308 : vector<1x1x16xf32> to vector<16xf32>
          %parallel_loop3A_310 = arith.constant 7 : i32
          %parallel_loop3A_311 = arith.muli %parallel_loop3A_310, %parallel_loop3A_130 : i32
          %parallel_loop3A_312 = arith.constant 3 : i32
          %parallel_loop3A_313 = arith.addi %parallel_loop3A_311, %parallel_loop3A_312 : i32
          %parallel_loop3A_314 = arith.index_cast %parallel_loop3A_313 : i32 to index
          %parallel_loop3A_315 = arith.index_cast %parallel_loop3A_132 : i32 to index
          %parallel_loop3A_316 = arith.constant 32 : index
          %parallel_loop3A_317 = tpu.vector_load %arg7[%parallel_loop3A_314, %parallel_loop3A_315, %parallel_loop3A_316] {strides = array<i32>} : memref<14x8x128xf32, #tpu.memory_space<vmem>>, vector<1x1x16xf32>,
          %parallel_loop3A_318 = vector.shape_cast %parallel_loop3A_317 : vector<1x1x16xf32> to vector<16xf32>
          %parallel_loop3A_319 = arith.constant 7 : i32
          %parallel_loop3A_320 = arith.muli %parallel_loop3A_319, %parallel_loop3A_130 : i32
          %parallel_loop3A_321 = arith.constant 4 : i32
          %parallel_loop3A_322 = arith.addi %parallel_loop3A_320, %parallel_loop3A_321 : i32
          %parallel_loop3A_323 = arith.index_cast %parallel_loop3A_322 : i32 to index
          %parallel_loop3A_324 = arith.index_cast %parallel_loop3A_132 : i32 to index
          %parallel_loop3A_325 = arith.constant 32 : index
          %parallel_loop3A_326 = tpu.vector_load %arg7[%parallel_loop3A_323, %parallel_loop3A_324, %parallel_loop3A_325] {strides = array<i32>} : memref<14x8x128xf32, #tpu.memory_space<vmem>>, vector<1x1x16xf32>,
          %parallel_loop3A_327 = vector.shape_cast %parallel_loop3A_326 : vector<1x1x16xf32> to vector<16xf32>
          %parallel_loop3A_328 = arith.constant 7 : i32
          %parallel_loop3A_329 = arith.muli %parallel_loop3A_328, %parallel_loop3A_130 : i32
          %parallel_loop3A_330 = arith.constant 5 : i32
          %parallel_loop3A_331 = arith.addi %parallel_loop3A_329, %parallel_loop3A_330 : i32
          %parallel_loop3A_332 = arith.index_cast %parallel_loop3A_331 : i32 to index
          %parallel_loop3A_333 = arith.index_cast %parallel_loop3A_132 : i32 to index
          %parallel_loop3A_334 = arith.constant 32 : index
          %parallel_loop3A_335 = tpu.vector_load %arg7[%parallel_loop3A_332, %parallel_loop3A_333, %parallel_loop3A_334] {strides = array<i32>} : memref<14x8x128xf32, #tpu.memory_space<vmem>>, vector<1x1x16xf32>,
          %parallel_loop3A_336 = vector.shape_cast %parallel_loop3A_335 : vector<1x1x16xf32> to vector<16xf32>
          %parallel_loop3A_337 = arith.constant 7 : i32
          %parallel_loop3A_338 = arith.muli %parallel_loop3A_337, %parallel_loop3A_130 : i32
          %parallel_loop3A_339 = arith.constant 6 : i32
          %parallel_loop3A_340 = arith.addi %parallel_loop3A_338, %parallel_loop3A_339 : i32
          %parallel_loop3A_341 = arith.index_cast %parallel_loop3A_340 : i32 to index
          %parallel_loop3A_342 = arith.index_cast %parallel_loop3A_132 : i32 to index
          %parallel_loop3A_343 = arith.constant 32 : index
          %parallel_loop3A_344 = tpu.vector_load %arg7[%parallel_loop3A_341, %parallel_loop3A_342, %parallel_loop3A_343] {strides = array<i32>} : memref<14x8x128xf32, #tpu.memory_space<vmem>>, vector<1x1x16xf32>,
          %parallel_loop3A_345 = vector.shape_cast %parallel_loop3A_344 : vector<1x1x16xf32> to vector<16xf32>
          %parallel_loop3A_346 = arith.maximumf %parallel_loop3A_291, %parallel_loop3A_300 : vector<16xf32>
          %parallel_loop3A_347 = arith.maximumf %parallel_loop3A_309, %parallel_loop3A_318 : vector<16xf32>
          %parallel_loop3A_348 = arith.maximumf %parallel_loop3A_327, %parallel_loop3A_336 : vector<16xf32>
          %parallel_loop3A_349 = arith.maximumf %parallel_loop3A_346, %parallel_loop3A_347 : vector<16xf32>
          %parallel_loop3A_350 = arith.maximumf %parallel_loop3A_348, %parallel_loop3A_345 : vector<16xf32>
          %parallel_loop3A_351 = arith.maximumf %parallel_loop3A_349, %parallel_loop3A_350 : vector<16xf32>
          %parallel_loop3A_352 = arith.index_cast %parallel_loop3A_130 : i32 to index
          %parallel_loop3A_353 = arith.index_cast %parallel_loop3A_132 : i32 to index
          %parallel_loop3A_354 = arith.constant 32 : index
          %parallel_loop3A_355 = tpu.vector_load %arg11[%parallel_loop3A_352, %parallel_loop3A_353, %parallel_loop3A_354] {strides = array<i32>} : memref<2x8x128xf32, #tpu.memory_space<vmem>>, vector<1x1x16xf32>,
          %parallel_loop3A_356 = vector.shape_cast %parallel_loop3A_355 : vector<1x1x16xf32> to vector<16xf32>
          %parallel_loop3A_357 = vector.shape_cast %parallel_loop3A_351 : vector<16xf32> to vector<1x1x16xf32>
          tpu.vector_store %arg11[%parallel_loop3A_352, %parallel_loop3A_353, %parallel_loop3A_354], %parallel_loop3A_357 {strides = array<i32>} : memref<2x8x128xf32, #tpu.memory_space<vmem>>, vector<1x1x16xf32>,
          %parallel_loop3A_358 = arith.constant 7 : i32
          %parallel_loop3A_359 = arith.muli %parallel_loop3A_358, %parallel_loop3A_130 : i32
          %parallel_loop3A_360 = arith.constant 0 : i32
          %parallel_loop3A_361 = arith.addi %parallel_loop3A_359, %parallel_loop3A_360 : i32
          %parallel_loop3A_362 = arith.index_cast %parallel_loop3A_361 : i32 to index
          %parallel_loop3A_363 = arith.index_cast %parallel_loop3A_132 : i32 to index
          %parallel_loop3A_364 = arith.constant 48 : index
          %parallel_loop3A_365 = tpu.vector_load %arg7[%parallel_loop3A_362, %parallel_loop3A_363, %parallel_loop3A_364] {strides = array<i32>} : memref<14x8x128xf32, #tpu.memory_space<vmem>>, vector<1x1x16xf32>,
          %parallel_loop3A_366 = vector.shape_cast %parallel_loop3A_365 : vector<1x1x16xf32> to vector<16xf32>
          %parallel_loop3A_367 = arith.constant 7 : i32
          %parallel_loop3A_368 = arith.muli %parallel_loop3A_367, %parallel_loop3A_130 : i32
          %parallel_loop3A_369 = arith.constant 1 : i32
          %parallel_loop3A_370 = arith.addi %parallel_loop3A_368, %parallel_loop3A_369 : i32
          %parallel_loop3A_371 = arith.index_cast %parallel_loop3A_370 : i32 to index
          %parallel_loop3A_372 = arith.index_cast %parallel_loop3A_132 : i32 to index
          %parallel_loop3A_373 = arith.constant 48 : index
          %parallel_loop3A_374 = tpu.vector_load %arg7[%parallel_loop3A_371, %parallel_loop3A_372, %parallel_loop3A_373] {strides = array<i32>} : memref<14x8x128xf32, #tpu.memory_space<vmem>>, vector<1x1x16xf32>,
          %parallel_loop3A_375 = vector.shape_cast %parallel_loop3A_374 : vector<1x1x16xf32> to vector<16xf32>
          %parallel_loop3A_376 = arith.constant 7 : i32
          %parallel_loop3A_377 = arith.muli %parallel_loop3A_376, %parallel_loop3A_130 : i32
          %parallel_loop3A_378 = arith.constant 2 : i32
          %parallel_loop3A_379 = arith.addi %parallel_loop3A_377, %parallel_loop3A_378 : i32
          %parallel_loop3A_380 = arith.index_cast %parallel_loop3A_379 : i32 to index
          %parallel_loop3A_381 = arith.index_cast %parallel_loop3A_132 : i32 to index
          %parallel_loop3A_382 = arith.constant 48 : index
          %parallel_loop3A_383 = tpu.vector_load %arg7[%parallel_loop3A_380, %parallel_loop3A_381, %parallel_loop3A_382] {strides = array<i32>} : memref<14x8x128xf32, #tpu.memory_space<vmem>>, vector<1x1x16xf32>,
          %parallel_loop3A_384 = vector.shape_cast %parallel_loop3A_383 : vector<1x1x16xf32> to vector<16xf32>
          %parallel_loop3A_385 = arith.constant 7 : i32
          %parallel_loop3A_386 = arith.muli %parallel_loop3A_385, %parallel_loop3A_130 : i32
          %parallel_loop3A_387 = arith.constant 3 : i32
          %parallel_loop3A_388 = arith.addi %parallel_loop3A_386, %parallel_loop3A_387 : i32
          %parallel_loop3A_389 = arith.index_cast %parallel_loop3A_388 : i32 to index
          %parallel_loop3A_390 = arith.index_cast %parallel_loop3A_132 : i32 to index
          %parallel_loop3A_391 = arith.constant 48 : index
          %parallel_loop3A_392 = tpu.vector_load %arg7[%parallel_loop3A_389, %parallel_loop3A_390, %parallel_loop3A_391] {strides = array<i32>} : memref<14x8x128xf32, #tpu.memory_space<vmem>>, vector<1x1x16xf32>,
          %parallel_loop3A_393 = vector.shape_cast %parallel_loop3A_392 : vector<1x1x16xf32> to vector<16xf32>
          %parallel_loop3A_394 = arith.constant 7 : i32
          %parallel_loop3A_395 = arith.muli %parallel_loop3A_394, %parallel_loop3A_130 : i32
          %parallel_loop3A_396 = arith.constant 4 : i32
          %parallel_loop3A_397 = arith.addi %parallel_loop3A_395, %parallel_loop3A_396 : i32
          %parallel_loop3A_398 = arith.index_cast %parallel_loop3A_397 : i32 to index
          %parallel_loop3A_399 = arith.index_cast %parallel_loop3A_132 : i32 to index
          %parallel_loop3A_400 = arith.constant 48 : index
          %parallel_loop3A_401 = tpu.vector_load %arg7[%parallel_loop3A_398, %parallel_loop3A_399, %parallel_loop3A_400] {strides = array<i32>} : memref<14x8x128xf32, #tpu.memory_space<vmem>>, vector<1x1x16xf32>,
          %parallel_loop3A_402 = vector.shape_cast %parallel_loop3A_401 : vector<1x1x16xf32> to vector<16xf32>
          %parallel_loop3A_403 = arith.constant 7 : i32
          %parallel_loop3A_404 = arith.muli %parallel_loop3A_403, %parallel_loop3A_130 : i32
          %parallel_loop3A_405 = arith.constant 5 : i32
          %parallel_loop3A_406 = arith.addi %parallel_loop3A_404, %parallel_loop3A_405 : i32
          %parallel_loop3A_407 = arith.index_cast %parallel_loop3A_406 : i32 to index
          %parallel_loop3A_408 = arith.index_cast %parallel_loop3A_132 : i32 to index
          %parallel_loop3A_409 = arith.constant 48 : index
          %parallel_loop3A_410 = tpu.vector_load %arg7[%parallel_loop3A_407, %parallel_loop3A_408, %parallel_loop3A_409] {strides = array<i32>} : memref<14x8x128xf32, #tpu.memory_space<vmem>>, vector<1x1x16xf32>,
          %parallel_loop3A_411 = vector.shape_cast %parallel_loop3A_410 : vector<1x1x16xf32> to vector<16xf32>
          %parallel_loop3A_412 = arith.constant 7 : i32
          %parallel_loop3A_413 = arith.muli %parallel_loop3A_412, %parallel_loop3A_130 : i32
          %parallel_loop3A_414 = arith.constant 6 : i32
          %parallel_loop3A_415 = arith.addi %parallel_loop3A_413, %parallel_loop3A_414 : i32
          %parallel_loop3A_416 = arith.index_cast %parallel_loop3A_415 : i32 to index
          %parallel_loop3A_417 = arith.index_cast %parallel_loop3A_132 : i32 to index
          %parallel_loop3A_418 = arith.constant 48 : index
          %parallel_loop3A_419 = tpu.vector_load %arg7[%parallel_loop3A_416, %parallel_loop3A_417, %parallel_loop3A_418] {strides = array<i32>} : memref<14x8x128xf32, #tpu.memory_space<vmem>>, vector<1x1x16xf32>,
          %parallel_loop3A_420 = vector.shape_cast %parallel_loop3A_419 : vector<1x1x16xf32> to vector<16xf32>
          %parallel_loop3A_421 = arith.maximumf %parallel_loop3A_366, %parallel_loop3A_375 : vector<16xf32>
          %parallel_loop3A_422 = arith.maximumf %parallel_loop3A_384, %parallel_loop3A_393 : vector<16xf32>
          %parallel_loop3A_423 = arith.maximumf %parallel_loop3A_402, %parallel_loop3A_411 : vector<16xf32>
          %parallel_loop3A_424 = arith.maximumf %parallel_loop3A_421, %parallel_loop3A_422 : vector<16xf32>
          %parallel_loop3A_425 = arith.maximumf %parallel_loop3A_423, %parallel_loop3A_420 : vector<16xf32>
          %parallel_loop3A_426 = arith.maximumf %parallel_loop3A_424, %parallel_loop3A_425 : vector<16xf32>
          %parallel_loop3A_427 = arith.index_cast %parallel_loop3A_130 : i32 to index
          %parallel_loop3A_428 = arith.index_cast %parallel_loop3A_132 : i32 to index
          %parallel_loop3A_429 = arith.constant 48 : index
          %parallel_loop3A_430 = tpu.vector_load %arg11[%parallel_loop3A_427, %parallel_loop3A_428, %parallel_loop3A_429] {strides = array<i32>} : memref<2x8x128xf32, #tpu.memory_space<vmem>>, vector<1x1x16xf32>,
          %parallel_loop3A_431 = vector.shape_cast %parallel_loop3A_430 : vector<1x1x16xf32> to vector<16xf32>
          %parallel_loop3A_432 = vector.shape_cast %parallel_loop3A_426 : vector<16xf32> to vector<1x1x16xf32>
          tpu.vector_store %arg11[%parallel_loop3A_427, %parallel_loop3A_428, %parallel_loop3A_429], %parallel_loop3A_432 {strides = array<i32>} : memref<2x8x128xf32, #tpu.memory_space<vmem>>, vector<1x1x16xf32>,
          %parallel_loop3A_433 = arith.constant 7 : i32
          %parallel_loop3A_434 = arith.muli %parallel_loop3A_433, %parallel_loop3A_130 : i32
          %parallel_loop3A_435 = arith.constant 0 : i32
          %parallel_loop3A_436 = arith.addi %parallel_loop3A_434, %parallel_loop3A_435 : i32
          %parallel_loop3A_437 = arith.index_cast %parallel_loop3A_436 : i32 to index
          %parallel_loop3A_438 = arith.index_cast %parallel_loop3A_132 : i32 to index
          %parallel_loop3A_439 = arith.constant 64 : index
          %parallel_loop3A_440 = tpu.vector_load %arg7[%parallel_loop3A_437, %parallel_loop3A_438, %parallel_loop3A_439] {strides = array<i32>} : memref<14x8x128xf32, #tpu.memory_space<vmem>>, vector<1x1x16xf32>,
          %parallel_loop3A_441 = vector.shape_cast %parallel_loop3A_440 : vector<1x1x16xf32> to vector<16xf32>
          %parallel_loop3A_442 = arith.constant 7 : i32
          %parallel_loop3A_443 = arith.muli %parallel_loop3A_442, %parallel_loop3A_130 : i32
          %parallel_loop3A_444 = arith.constant 1 : i32
          %parallel_loop3A_445 = arith.addi %parallel_loop3A_443, %parallel_loop3A_444 : i32
          %parallel_loop3A_446 = arith.index_cast %parallel_loop3A_445 : i32 to index
          %parallel_loop3A_447 = arith.index_cast %parallel_loop3A_132 : i32 to index
          %parallel_loop3A_448 = arith.constant 64 : index
          %parallel_loop3A_449 = tpu.vector_load %arg7[%parallel_loop3A_446, %parallel_loop3A_447, %parallel_loop3A_448] {strides = array<i32>} : memref<14x8x128xf32, #tpu.memory_space<vmem>>, vector<1x1x16xf32>,
          %parallel_loop3A_450 = vector.shape_cast %parallel_loop3A_449 : vector<1x1x16xf32> to vector<16xf32>
          %parallel_loop3A_451 = arith.constant 7 : i32
          %parallel_loop3A_452 = arith.muli %parallel_loop3A_451, %parallel_loop3A_130 : i32
          %parallel_loop3A_453 = arith.constant 2 : i32
          %parallel_loop3A_454 = arith.addi %parallel_loop3A_452, %parallel_loop3A_453 : i32
          %parallel_loop3A_455 = arith.index_cast %parallel_loop3A_454 : i32 to index
          %parallel_loop3A_456 = arith.index_cast %parallel_loop3A_132 : i32 to index
          %parallel_loop3A_457 = arith.constant 64 : index
          %parallel_loop3A_458 = tpu.vector_load %arg7[%parallel_loop3A_455, %parallel_loop3A_456, %parallel_loop3A_457] {strides = array<i32>} : memref<14x8x128xf32, #tpu.memory_space<vmem>>, vector<1x1x16xf32>,
          %parallel_loop3A_459 = vector.shape_cast %parallel_loop3A_458 : vector<1x1x16xf32> to vector<16xf32>
          %parallel_loop3A_460 = arith.constant 7 : i32
          %parallel_loop3A_461 = arith.muli %parallel_loop3A_460, %parallel_loop3A_130 : i32
          %parallel_loop3A_462 = arith.constant 3 : i32
          %parallel_loop3A_463 = arith.addi %parallel_loop3A_461, %parallel_loop3A_462 : i32
          %parallel_loop3A_464 = arith.index_cast %parallel_loop3A_463 : i32 to index
          %parallel_loop3A_465 = arith.index_cast %parallel_loop3A_132 : i32 to index
          %parallel_loop3A_466 = arith.constant 64 : index
          %parallel_loop3A_467 = tpu.vector_load %arg7[%parallel_loop3A_464, %parallel_loop3A_465, %parallel_loop3A_466] {strides = array<i32>} : memref<14x8x128xf32, #tpu.memory_space<vmem>>, vector<1x1x16xf32>,
          %parallel_loop3A_468 = vector.shape_cast %parallel_loop3A_467 : vector<1x1x16xf32> to vector<16xf32>
          %parallel_loop3A_469 = arith.constant 7 : i32
          %parallel_loop3A_470 = arith.muli %parallel_loop3A_469, %parallel_loop3A_130 : i32
          %parallel_loop3A_471 = arith.constant 4 : i32
          %parallel_loop3A_472 = arith.addi %parallel_loop3A_470, %parallel_loop3A_471 : i32
          %parallel_loop3A_473 = arith.index_cast %parallel_loop3A_472 : i32 to index
          %parallel_loop3A_474 = arith.index_cast %parallel_loop3A_132 : i32 to index
          %parallel_loop3A_475 = arith.constant 64 : index
          %parallel_loop3A_476 = tpu.vector_load %arg7[%parallel_loop3A_473, %parallel_loop3A_474, %parallel_loop3A_475] {strides = array<i32>} : memref<14x8x128xf32, #tpu.memory_space<vmem>>, vector<1x1x16xf32>,
          %parallel_loop3A_477 = vector.shape_cast %parallel_loop3A_476 : vector<1x1x16xf32> to vector<16xf32>
          %parallel_loop3A_478 = arith.constant 7 : i32
          %parallel_loop3A_479 = arith.muli %parallel_loop3A_478, %parallel_loop3A_130 : i32
          %parallel_loop3A_480 = arith.constant 5 : i32
          %parallel_loop3A_481 = arith.addi %parallel_loop3A_479, %parallel_loop3A_480 : i32
          %parallel_loop3A_482 = arith.index_cast %parallel_loop3A_481 : i32 to index
          %parallel_loop3A_483 = arith.index_cast %parallel_loop3A_132 : i32 to index
          %parallel_loop3A_484 = arith.constant 64 : index
          %parallel_loop3A_485 = tpu.vector_load %arg7[%parallel_loop3A_482, %parallel_loop3A_483, %parallel_loop3A_484] {strides = array<i32>} : memref<14x8x128xf32, #tpu.memory_space<vmem>>, vector<1x1x16xf32>,
          %parallel_loop3A_486 = vector.shape_cast %parallel_loop3A_485 : vector<1x1x16xf32> to vector<16xf32>
          %parallel_loop3A_487 = arith.constant 7 : i32
          %parallel_loop3A_488 = arith.muli %parallel_loop3A_487, %parallel_loop3A_130 : i32
          %parallel_loop3A_489 = arith.constant 6 : i32
          %parallel_loop3A_490 = arith.addi %parallel_loop3A_488, %parallel_loop3A_489 : i32
          %parallel_loop3A_491 = arith.index_cast %parallel_loop3A_490 : i32 to index
          %parallel_loop3A_492 = arith.index_cast %parallel_loop3A_132 : i32 to index
          %parallel_loop3A_493 = arith.constant 64 : index
          %parallel_loop3A_494 = tpu.vector_load %arg7[%parallel_loop3A_491, %parallel_loop3A_492, %parallel_loop3A_493] {strides = array<i32>} : memref<14x8x128xf32, #tpu.memory_space<vmem>>, vector<1x1x16xf32>,
          %parallel_loop3A_495 = vector.shape_cast %parallel_loop3A_494 : vector<1x1x16xf32> to vector<16xf32>
          %parallel_loop3A_496 = arith.maximumf %parallel_loop3A_441, %parallel_loop3A_450 : vector<16xf32>
          %parallel_loop3A_497 = arith.maximumf %parallel_loop3A_459, %parallel_loop3A_468 : vector<16xf32>
          %parallel_loop3A_498 = arith.maximumf %parallel_loop3A_477, %parallel_loop3A_486 : vector<16xf32>
          %parallel_loop3A_499 = arith.maximumf %parallel_loop3A_496, %parallel_loop3A_497 : vector<16xf32>
          %parallel_loop3A_500 = arith.maximumf %parallel_loop3A_498, %parallel_loop3A_495 : vector<16xf32>
          %parallel_loop3A_501 = arith.maximumf %parallel_loop3A_499, %parallel_loop3A_500 : vector<16xf32>
          %parallel_loop3A_502 = arith.index_cast %parallel_loop3A_130 : i32 to index
          %parallel_loop3A_503 = arith.index_cast %parallel_loop3A_132 : i32 to index
          %parallel_loop3A_504 = arith.constant 64 : index
          %parallel_loop3A_505 = tpu.vector_load %arg11[%parallel_loop3A_502, %parallel_loop3A_503, %parallel_loop3A_504] {strides = array<i32>} : memref<2x8x128xf32, #tpu.memory_space<vmem>>, vector<1x1x16xf32>,
          %parallel_loop3A_506 = vector.shape_cast %parallel_loop3A_505 : vector<1x1x16xf32> to vector<16xf32>
          %parallel_loop3A_507 = vector.shape_cast %parallel_loop3A_501 : vector<16xf32> to vector<1x1x16xf32>
          tpu.vector_store %arg11[%parallel_loop3A_502, %parallel_loop3A_503, %parallel_loop3A_504], %parallel_loop3A_507 {strides = array<i32>} : memref<2x8x128xf32, #tpu.memory_space<vmem>>, vector<1x1x16xf32>,
          %parallel_loop3A_508 = arith.constant 7 : i32
          %parallel_loop3A_509 = arith.muli %parallel_loop3A_508, %parallel_loop3A_130 : i32
          %parallel_loop3A_510 = arith.constant 0 : i32
          %parallel_loop3A_511 = arith.addi %parallel_loop3A_509, %parallel_loop3A_510 : i32
          %parallel_loop3A_512 = arith.index_cast %parallel_loop3A_511 : i32 to index
          %parallel_loop3A_513 = arith.index_cast %parallel_loop3A_132 : i32 to index
          %parallel_loop3A_514 = arith.constant 80 : index
          %parallel_loop3A_515 = tpu.vector_load %arg7[%parallel_loop3A_512, %parallel_loop3A_513, %parallel_loop3A_514] {strides = array<i32>} : memref<14x8x128xf32, #tpu.memory_space<vmem>>, vector<1x1x16xf32>,
          %parallel_loop3A_516 = vector.shape_cast %parallel_loop3A_515 : vector<1x1x16xf32> to vector<16xf32>
          %parallel_loop3A_517 = arith.constant 7 : i32
          %parallel_loop3A_518 = arith.muli %parallel_loop3A_517, %parallel_loop3A_130 : i32
          %parallel_loop3A_519 = arith.constant 1 : i32
          %parallel_loop3A_520 = arith.addi %parallel_loop3A_518, %parallel_loop3A_519 : i32
          %parallel_loop3A_521 = arith.index_cast %parallel_loop3A_520 : i32 to index
          %parallel_loop3A_522 = arith.index_cast %parallel_loop3A_132 : i32 to index
          %parallel_loop3A_523 = arith.constant 80 : index
          %parallel_loop3A_524 = tpu.vector_load %arg7[%parallel_loop3A_521, %parallel_loop3A_522, %parallel_loop3A_523] {strides = array<i32>} : memref<14x8x128xf32, #tpu.memory_space<vmem>>, vector<1x1x16xf32>,
          %parallel_loop3A_525 = vector.shape_cast %parallel_loop3A_524 : vector<1x1x16xf32> to vector<16xf32>
          %parallel_loop3A_526 = arith.constant 7 : i32
          %parallel_loop3A_527 = arith.muli %parallel_loop3A_526, %parallel_loop3A_130 : i32
          %parallel_loop3A_528 = arith.constant 2 : i32
          %parallel_loop3A_529 = arith.addi %parallel_loop3A_527, %parallel_loop3A_528 : i32
          %parallel_loop3A_530 = arith.index_cast %parallel_loop3A_529 : i32 to index
          %parallel_loop3A_531 = arith.index_cast %parallel_loop3A_132 : i32 to index
          %parallel_loop3A_532 = arith.constant 80 : index
          %parallel_loop3A_533 = tpu.vector_load %arg7[%parallel_loop3A_530, %parallel_loop3A_531, %parallel_loop3A_532] {strides = array<i32>} : memref<14x8x128xf32, #tpu.memory_space<vmem>>, vector<1x1x16xf32>,
          %parallel_loop3A_534 = vector.shape_cast %parallel_loop3A_533 : vector<1x1x16xf32> to vector<16xf32>
          %parallel_loop3A_535 = arith.constant 7 : i32
          %parallel_loop3A_536 = arith.muli %parallel_loop3A_535, %parallel_loop3A_130 : i32
          %parallel_loop3A_537 = arith.constant 3 : i32
          %parallel_loop3A_538 = arith.addi %parallel_loop3A_536, %parallel_loop3A_537 : i32
          %parallel_loop3A_539 = arith.index_cast %parallel_loop3A_538 : i32 to index
          %parallel_loop3A_540 = arith.index_cast %parallel_loop3A_132 : i32 to index
          %parallel_loop3A_541 = arith.constant 80 : index
          %parallel_loop3A_542 = tpu.vector_load %arg7[%parallel_loop3A_539, %parallel_loop3A_540, %parallel_loop3A_541] {strides = array<i32>} : memref<14x8x128xf32, #tpu.memory_space<vmem>>, vector<1x1x16xf32>,
          %parallel_loop3A_543 = vector.shape_cast %parallel_loop3A_542 : vector<1x1x16xf32> to vector<16xf32>
          %parallel_loop3A_544 = arith.constant 7 : i32
          %parallel_loop3A_545 = arith.muli %parallel_loop3A_544, %parallel_loop3A_130 : i32
          %parallel_loop3A_546 = arith.constant 4 : i32
          %parallel_loop3A_547 = arith.addi %parallel_loop3A_545, %parallel_loop3A_546 : i32
          %parallel_loop3A_548 = arith.index_cast %parallel_loop3A_547 : i32 to index
          %parallel_loop3A_549 = arith.index_cast %parallel_loop3A_132 : i32 to index
          %parallel_loop3A_550 = arith.constant 80 : index
          %parallel_loop3A_551 = tpu.vector_load %arg7[%parallel_loop3A_548, %parallel_loop3A_549, %parallel_loop3A_550] {strides = array<i32>} : memref<14x8x128xf32, #tpu.memory_space<vmem>>, vector<1x1x16xf32>,
          %parallel_loop3A_552 = vector.shape_cast %parallel_loop3A_551 : vector<1x1x16xf32> to vector<16xf32>
          %parallel_loop3A_553 = arith.constant 7 : i32
          %parallel_loop3A_554 = arith.muli %parallel_loop3A_553, %parallel_loop3A_130 : i32
          %parallel_loop3A_555 = arith.constant 5 : i32
          %parallel_loop3A_556 = arith.addi %parallel_loop3A_554, %parallel_loop3A_555 : i32
          %parallel_loop3A_557 = arith.index_cast %parallel_loop3A_556 : i32 to index
          %parallel_loop3A_558 = arith.index_cast %parallel_loop3A_132 : i32 to index
          %parallel_loop3A_559 = arith.constant 80 : index
          %parallel_loop3A_560 = tpu.vector_load %arg7[%parallel_loop3A_557, %parallel_loop3A_558, %parallel_loop3A_559] {strides = array<i32>} : memref<14x8x128xf32, #tpu.memory_space<vmem>>, vector<1x1x16xf32>,
          %parallel_loop3A_561 = vector.shape_cast %parallel_loop3A_560 : vector<1x1x16xf32> to vector<16xf32>
          %parallel_loop3A_562 = arith.constant 7 : i32
          %parallel_loop3A_563 = arith.muli %parallel_loop3A_562, %parallel_loop3A_130 : i32
          %parallel_loop3A_564 = arith.constant 6 : i32
          %parallel_loop3A_565 = arith.addi %parallel_loop3A_563, %parallel_loop3A_564 : i32
          %parallel_loop3A_566 = arith.index_cast %parallel_loop3A_565 : i32 to index
          %parallel_loop3A_567 = arith.index_cast %parallel_loop3A_132 : i32 to index
          %parallel_loop3A_568 = arith.constant 80 : index
          %parallel_loop3A_569 = tpu.vector_load %arg7[%parallel_loop3A_566, %parallel_loop3A_567, %parallel_loop3A_568] {strides = array<i32>} : memref<14x8x128xf32, #tpu.memory_space<vmem>>, vector<1x1x16xf32>,
          %parallel_loop3A_570 = vector.shape_cast %parallel_loop3A_569 : vector<1x1x16xf32> to vector<16xf32>
          %parallel_loop3A_571 = arith.maximumf %parallel_loop3A_516, %parallel_loop3A_525 : vector<16xf32>
          %parallel_loop3A_572 = arith.maximumf %parallel_loop3A_534, %parallel_loop3A_543 : vector<16xf32>
          %parallel_loop3A_573 = arith.maximumf %parallel_loop3A_552, %parallel_loop3A_561 : vector<16xf32>
          %parallel_loop3A_574 = arith.maximumf %parallel_loop3A_571, %parallel_loop3A_572 : vector<16xf32>
          %parallel_loop3A_575 = arith.maximumf %parallel_loop3A_573, %parallel_loop3A_570 : vector<16xf32>
          %parallel_loop3A_576 = arith.maximumf %parallel_loop3A_574, %parallel_loop3A_575 : vector<16xf32>
          %parallel_loop3A_577 = arith.index_cast %parallel_loop3A_130 : i32 to index
          %parallel_loop3A_578 = arith.index_cast %parallel_loop3A_132 : i32 to index
          %parallel_loop3A_579 = arith.constant 80 : index
          %parallel_loop3A_580 = tpu.vector_load %arg11[%parallel_loop3A_577, %parallel_loop3A_578, %parallel_loop3A_579] {strides = array<i32>} : memref<2x8x128xf32, #tpu.memory_space<vmem>>, vector<1x1x16xf32>,
          %parallel_loop3A_581 = vector.shape_cast %parallel_loop3A_580 : vector<1x1x16xf32> to vector<16xf32>
          %parallel_loop3A_582 = vector.shape_cast %parallel_loop3A_576 : vector<16xf32> to vector<1x1x16xf32>
          tpu.vector_store %arg11[%parallel_loop3A_577, %parallel_loop3A_578, %parallel_loop3A_579], %parallel_loop3A_582 {strides = array<i32>} : memref<2x8x128xf32, #tpu.memory_space<vmem>>, vector<1x1x16xf32>,
          %parallel_loop3A_583 = arith.constant 7 : i32
          %parallel_loop3A_584 = arith.muli %parallel_loop3A_583, %parallel_loop3A_130 : i32
          %parallel_loop3A_585 = arith.constant 0 : i32
          %parallel_loop3A_586 = arith.addi %parallel_loop3A_584, %parallel_loop3A_585 : i32
          %parallel_loop3A_587 = arith.index_cast %parallel_loop3A_586 : i32 to index
          %parallel_loop3A_588 = arith.index_cast %parallel_loop3A_132 : i32 to index
          %parallel_loop3A_589 = arith.constant 96 : index
          %parallel_loop3A_590 = tpu.vector_load %arg7[%parallel_loop3A_587, %parallel_loop3A_588, %parallel_loop3A_589] {strides = array<i32>} : memref<14x8x128xf32, #tpu.memory_space<vmem>>, vector<1x1x16xf32>,
          %parallel_loop3A_591 = vector.shape_cast %parallel_loop3A_590 : vector<1x1x16xf32> to vector<16xf32>
          %parallel_loop3A_592 = arith.constant 7 : i32
          %parallel_loop3A_593 = arith.muli %parallel_loop3A_592, %parallel_loop3A_130 : i32
          %parallel_loop3A_594 = arith.constant 1 : i32
          %parallel_loop3A_595 = arith.addi %parallel_loop3A_593, %parallel_loop3A_594 : i32
          %parallel_loop3A_596 = arith.index_cast %parallel_loop3A_595 : i32 to index
          %parallel_loop3A_597 = arith.index_cast %parallel_loop3A_132 : i32 to index
          %parallel_loop3A_598 = arith.constant 96 : index
          %parallel_loop3A_599 = tpu.vector_load %arg7[%parallel_loop3A_596, %parallel_loop3A_597, %parallel_loop3A_598] {strides = array<i32>} : memref<14x8x128xf32, #tpu.memory_space<vmem>>, vector<1x1x16xf32>,
          %parallel_loop3A_600 = vector.shape_cast %parallel_loop3A_599 : vector<1x1x16xf32> to vector<16xf32>
          %parallel_loop3A_601 = arith.constant 7 : i32
          %parallel_loop3A_602 = arith.muli %parallel_loop3A_601, %parallel_loop3A_130 : i32
          %parallel_loop3A_603 = arith.constant 2 : i32
          %parallel_loop3A_604 = arith.addi %parallel_loop3A_602, %parallel_loop3A_603 : i32
          %parallel_loop3A_605 = arith.index_cast %parallel_loop3A_604 : i32 to index
          %parallel_loop3A_606 = arith.index_cast %parallel_loop3A_132 : i32 to index
          %parallel_loop3A_607 = arith.constant 96 : index
          %parallel_loop3A_608 = tpu.vector_load %arg7[%parallel_loop3A_605, %parallel_loop3A_606, %parallel_loop3A_607] {strides = array<i32>} : memref<14x8x128xf32, #tpu.memory_space<vmem>>, vector<1x1x16xf32>,
          %parallel_loop3A_609 = vector.shape_cast %parallel_loop3A_608 : vector<1x1x16xf32> to vector<16xf32>
          %parallel_loop3A_610 = arith.constant 7 : i32
          %parallel_loop3A_611 = arith.muli %parallel_loop3A_610, %parallel_loop3A_130 : i32
          %parallel_loop3A_612 = arith.constant 3 : i32
          %parallel_loop3A_613 = arith.addi %parallel_loop3A_611, %parallel_loop3A_612 : i32
          %parallel_loop3A_614 = arith.index_cast %parallel_loop3A_613 : i32 to index
          %parallel_loop3A_615 = arith.index_cast %parallel_loop3A_132 : i32 to index
          %parallel_loop3A_616 = arith.constant 96 : index
          %parallel_loop3A_617 = tpu.vector_load %arg7[%parallel_loop3A_614, %parallel_loop3A_615, %parallel_loop3A_616] {strides = array<i32>} : memref<14x8x128xf32, #tpu.memory_space<vmem>>, vector<1x1x16xf32>,
          %parallel_loop3A_618 = vector.shape_cast %parallel_loop3A_617 : vector<1x1x16xf32> to vector<16xf32>
          %parallel_loop3A_619 = arith.constant 7 : i32
          %parallel_loop3A_620 = arith.muli %parallel_loop3A_619, %parallel_loop3A_130 : i32
          %parallel_loop3A_621 = arith.constant 4 : i32
          %parallel_loop3A_622 = arith.addi %parallel_loop3A_620, %parallel_loop3A_621 : i32
          %parallel_loop3A_623 = arith.index_cast %parallel_loop3A_622 : i32 to index
          %parallel_loop3A_624 = arith.index_cast %parallel_loop3A_132 : i32 to index
          %parallel_loop3A_625 = arith.constant 96 : index
          %parallel_loop3A_626 = tpu.vector_load %arg7[%parallel_loop3A_623, %parallel_loop3A_624, %parallel_loop3A_625] {strides = array<i32>} : memref<14x8x128xf32, #tpu.memory_space<vmem>>, vector<1x1x16xf32>,
          %parallel_loop3A_627 = vector.shape_cast %parallel_loop3A_626 : vector<1x1x16xf32> to vector<16xf32>
          %parallel_loop3A_628 = arith.constant 7 : i32
          %parallel_loop3A_629 = arith.muli %parallel_loop3A_628, %parallel_loop3A_130 : i32
          %parallel_loop3A_630 = arith.constant 5 : i32
          %parallel_loop3A_631 = arith.addi %parallel_loop3A_629, %parallel_loop3A_630 : i32
          %parallel_loop3A_632 = arith.index_cast %parallel_loop3A_631 : i32 to index
          %parallel_loop3A_633 = arith.index_cast %parallel_loop3A_132 : i32 to index
          %parallel_loop3A_634 = arith.constant 96 : index
          %parallel_loop3A_635 = tpu.vector_load %arg7[%parallel_loop3A_632, %parallel_loop3A_633, %parallel_loop3A_634] {strides = array<i32>} : memref<14x8x128xf32, #tpu.memory_space<vmem>>, vector<1x1x16xf32>,
          %parallel_loop3A_636 = vector.shape_cast %parallel_loop3A_635 : vector<1x1x16xf32> to vector<16xf32>
          %parallel_loop3A_637 = arith.constant 7 : i32
          %parallel_loop3A_638 = arith.muli %parallel_loop3A_637, %parallel_loop3A_130 : i32
          %parallel_loop3A_639 = arith.constant 6 : i32
          %parallel_loop3A_640 = arith.addi %parallel_loop3A_638, %parallel_loop3A_639 : i32
          %parallel_loop3A_641 = arith.index_cast %parallel_loop3A_640 : i32 to index
          %parallel_loop3A_642 = arith.index_cast %parallel_loop3A_132 : i32 to index
          %parallel_loop3A_643 = arith.constant 96 : index
          %parallel_loop3A_644 = tpu.vector_load %arg7[%parallel_loop3A_641, %parallel_loop3A_642, %parallel_loop3A_643] {strides = array<i32>} : memref<14x8x128xf32, #tpu.memory_space<vmem>>, vector<1x1x16xf32>,
          %parallel_loop3A_645 = vector.shape_cast %parallel_loop3A_644 : vector<1x1x16xf32> to vector<16xf32>
          %parallel_loop3A_646 = arith.maximumf %parallel_loop3A_591, %parallel_loop3A_600 : vector<16xf32>
          %parallel_loop3A_647 = arith.maximumf %parallel_loop3A_609, %parallel_loop3A_618 : vector<16xf32>
          %parallel_loop3A_648 = arith.maximumf %parallel_loop3A_627, %parallel_loop3A_636 : vector<16xf32>
          %parallel_loop3A_649 = arith.maximumf %parallel_loop3A_646, %parallel_loop3A_647 : vector<16xf32>
          %parallel_loop3A_650 = arith.maximumf %parallel_loop3A_648, %parallel_loop3A_645 : vector<16xf32>
          %parallel_loop3A_651 = arith.maximumf %parallel_loop3A_649, %parallel_loop3A_650 : vector<16xf32>
          %parallel_loop3A_652 = arith.index_cast %parallel_loop3A_130 : i32 to index
          %parallel_loop3A_653 = arith.index_cast %parallel_loop3A_132 : i32 to index
          %parallel_loop3A_654 = arith.constant 96 : index
          %parallel_loop3A_655 = tpu.vector_load %arg11[%parallel_loop3A_652, %parallel_loop3A_653, %parallel_loop3A_654] {strides = array<i32>} : memref<2x8x128xf32, #tpu.memory_space<vmem>>, vector<1x1x16xf32>,
          %parallel_loop3A_656 = vector.shape_cast %parallel_loop3A_655 : vector<1x1x16xf32> to vector<16xf32>
          %parallel_loop3A_657 = vector.shape_cast %parallel_loop3A_651 : vector<16xf32> to vector<1x1x16xf32>
          tpu.vector_store %arg11[%parallel_loop3A_652, %parallel_loop3A_653, %parallel_loop3A_654], %parallel_loop3A_657 {strides = array<i32>} : memref<2x8x128xf32, #tpu.memory_space<vmem>>, vector<1x1x16xf32>,
          %parallel_loop3A_658 = arith.constant 7 : i32
          %parallel_loop3A_659 = arith.muli %parallel_loop3A_658, %parallel_loop3A_130 : i32
          %parallel_loop3A_660 = arith.constant 0 : i32
          %parallel_loop3A_661 = arith.addi %parallel_loop3A_659, %parallel_loop3A_660 : i32
          %parallel_loop3A_662 = arith.index_cast %parallel_loop3A_661 : i32 to index
          %parallel_loop3A_663 = arith.index_cast %parallel_loop3A_132 : i32 to index
          %parallel_loop3A_664 = arith.constant 112 : index
          %parallel_loop3A_665 = tpu.vector_load %arg7[%parallel_loop3A_662, %parallel_loop3A_663, %parallel_loop3A_664] {strides = array<i32>} : memref<14x8x128xf32, #tpu.memory_space<vmem>>, vector<1x1x16xf32>,
          %parallel_loop3A_666 = vector.shape_cast %parallel_loop3A_665 : vector<1x1x16xf32> to vector<16xf32>
          %parallel_loop3A_667 = arith.constant 7 : i32
          %parallel_loop3A_668 = arith.muli %parallel_loop3A_667, %parallel_loop3A_130 : i32
          %parallel_loop3A_669 = arith.constant 1 : i32
          %parallel_loop3A_670 = arith.addi %parallel_loop3A_668, %parallel_loop3A_669 : i32
          %parallel_loop3A_671 = arith.index_cast %parallel_loop3A_670 : i32 to index
          %parallel_loop3A_672 = arith.index_cast %parallel_loop3A_132 : i32 to index
          %parallel_loop3A_673 = arith.constant 112 : index
          %parallel_loop3A_674 = tpu.vector_load %arg7[%parallel_loop3A_671, %parallel_loop3A_672, %parallel_loop3A_673] {strides = array<i32>} : memref<14x8x128xf32, #tpu.memory_space<vmem>>, vector<1x1x16xf32>,
          %parallel_loop3A_675 = vector.shape_cast %parallel_loop3A_674 : vector<1x1x16xf32> to vector<16xf32>
          %parallel_loop3A_676 = arith.constant 7 : i32
          %parallel_loop3A_677 = arith.muli %parallel_loop3A_676, %parallel_loop3A_130 : i32
          %parallel_loop3A_678 = arith.constant 2 : i32
          %parallel_loop3A_679 = arith.addi %parallel_loop3A_677, %parallel_loop3A_678 : i32
          %parallel_loop3A_680 = arith.index_cast %parallel_loop3A_679 : i32 to index
          %parallel_loop3A_681 = arith.index_cast %parallel_loop3A_132 : i32 to index
          %parallel_loop3A_682 = arith.constant 112 : index
          %parallel_loop3A_683 = tpu.vector_load %arg7[%parallel_loop3A_680, %parallel_loop3A_681, %parallel_loop3A_682] {strides = array<i32>} : memref<14x8x128xf32, #tpu.memory_space<vmem>>, vector<1x1x16xf32>,
          %parallel_loop3A_684 = vector.shape_cast %parallel_loop3A_683 : vector<1x1x16xf32> to vector<16xf32>
          %parallel_loop3A_685 = arith.constant 7 : i32
          %parallel_loop3A_686 = arith.muli %parallel_loop3A_685, %parallel_loop3A_130 : i32
          %parallel_loop3A_687 = arith.constant 3 : i32
          %parallel_loop3A_688 = arith.addi %parallel_loop3A_686, %parallel_loop3A_687 : i32
          %parallel_loop3A_689 = arith.index_cast %parallel_loop3A_688 : i32 to index
          %parallel_loop3A_690 = arith.index_cast %parallel_loop3A_132 : i32 to index
          %parallel_loop3A_691 = arith.constant 112 : index
          %parallel_loop3A_692 = tpu.vector_load %arg7[%parallel_loop3A_689, %parallel_loop3A_690, %parallel_loop3A_691] {strides = array<i32>} : memref<14x8x128xf32, #tpu.memory_space<vmem>>, vector<1x1x16xf32>,
          %parallel_loop3A_693 = vector.shape_cast %parallel_loop3A_692 : vector<1x1x16xf32> to vector<16xf32>
          %parallel_loop3A_694 = arith.constant 7 : i32
          %parallel_loop3A_695 = arith.muli %parallel_loop3A_694, %parallel_loop3A_130 : i32
          %parallel_loop3A_696 = arith.constant 4 : i32
          %parallel_loop3A_697 = arith.addi %parallel_loop3A_695, %parallel_loop3A_696 : i32
          %parallel_loop3A_698 = arith.index_cast %parallel_loop3A_697 : i32 to index
          %parallel_loop3A_699 = arith.index_cast %parallel_loop3A_132 : i32 to index
          %parallel_loop3A_700 = arith.constant 112 : index
          %parallel_loop3A_701 = tpu.vector_load %arg7[%parallel_loop3A_698, %parallel_loop3A_699, %parallel_loop3A_700] {strides = array<i32>} : memref<14x8x128xf32, #tpu.memory_space<vmem>>, vector<1x1x16xf32>,
          %parallel_loop3A_702 = vector.shape_cast %parallel_loop3A_701 : vector<1x1x16xf32> to vector<16xf32>
          %parallel_loop3A_703 = arith.constant 7 : i32
          %parallel_loop3A_704 = arith.muli %parallel_loop3A_703, %parallel_loop3A_130 : i32
          %parallel_loop3A_705 = arith.constant 5 : i32
          %parallel_loop3A_706 = arith.addi %parallel_loop3A_704, %parallel_loop3A_705 : i32
          %parallel_loop3A_707 = arith.index_cast %parallel_loop3A_706 : i32 to index
          %parallel_loop3A_708 = arith.index_cast %parallel_loop3A_132 : i32 to index
          %parallel_loop3A_709 = arith.constant 112 : index
          %parallel_loop3A_710 = tpu.vector_load %arg7[%parallel_loop3A_707, %parallel_loop3A_708, %parallel_loop3A_709] {strides = array<i32>} : memref<14x8x128xf32, #tpu.memory_space<vmem>>, vector<1x1x16xf32>,
          %parallel_loop3A_711 = vector.shape_cast %parallel_loop3A_710 : vector<1x1x16xf32> to vector<16xf32>
          %parallel_loop3A_712 = arith.constant 7 : i32
          %parallel_loop3A_713 = arith.muli %parallel_loop3A_712, %parallel_loop3A_130 : i32
          %parallel_loop3A_714 = arith.constant 6 : i32
          %parallel_loop3A_715 = arith.addi %parallel_loop3A_713, %parallel_loop3A_714 : i32
          %parallel_loop3A_716 = arith.index_cast %parallel_loop3A_715 : i32 to index
          %parallel_loop3A_717 = arith.index_cast %parallel_loop3A_132 : i32 to index
          %parallel_loop3A_718 = arith.constant 112 : index
          %parallel_loop3A_719 = tpu.vector_load %arg7[%parallel_loop3A_716, %parallel_loop3A_717, %parallel_loop3A_718] {strides = array<i32>} : memref<14x8x128xf32, #tpu.memory_space<vmem>>, vector<1x1x16xf32>,
          %parallel_loop3A_720 = vector.shape_cast %parallel_loop3A_719 : vector<1x1x16xf32> to vector<16xf32>
          %parallel_loop3A_721 = arith.maximumf %parallel_loop3A_666, %parallel_loop3A_675 : vector<16xf32>
          %parallel_loop3A_722 = arith.maximumf %parallel_loop3A_684, %parallel_loop3A_693 : vector<16xf32>
          %parallel_loop3A_723 = arith.maximumf %parallel_loop3A_702, %parallel_loop3A_711 : vector<16xf32>
          %parallel_loop3A_724 = arith.maximumf %parallel_loop3A_721, %parallel_loop3A_722 : vector<16xf32>
          %parallel_loop3A_725 = arith.maximumf %parallel_loop3A_723, %parallel_loop3A_720 : vector<16xf32>
          %parallel_loop3A_726 = arith.maximumf %parallel_loop3A_724, %parallel_loop3A_725 : vector<16xf32>
          %parallel_loop3A_727 = arith.index_cast %parallel_loop3A_130 : i32 to index
          %parallel_loop3A_728 = arith.index_cast %parallel_loop3A_132 : i32 to index
          %parallel_loop3A_729 = arith.constant 112 : index
          %parallel_loop3A_730 = tpu.vector_load %arg11[%parallel_loop3A_727, %parallel_loop3A_728, %parallel_loop3A_729] {strides = array<i32>} : memref<2x8x128xf32, #tpu.memory_space<vmem>>, vector<1x1x16xf32>,
          %parallel_loop3A_731 = vector.shape_cast %parallel_loop3A_730 : vector<1x1x16xf32> to vector<16xf32>
          %parallel_loop3A_732 = vector.shape_cast %parallel_loop3A_726 : vector<16xf32> to vector<1x1x16xf32>
          tpu.vector_store %arg11[%parallel_loop3A_727, %parallel_loop3A_728, %parallel_loop3A_729], %parallel_loop3A_732 {strides = array<i32>} : memref<2x8x128xf32, #tpu.memory_space<vmem>>, vector<1x1x16xf32>,
        } {sc.loop_unroll_factor = 2 : i64, sc.parallel_access}
        %add3A_119 = arith.addi %mul3A_2, %add3A_73 : i32
        %mul3A_120 = arith.constant 2 : i32
        %mul3A_121 = arith.muli %add3A_119, %mul3A_120 : i32
        %dma_start3A_122 = arith.constant 0 : i32
        %dma_start3A_123 = arith.constant 0 : i32
        %dma_start3A_124 = tpu.memref_slice %arg4[%mul3A_121, %dma_start3A_122, %dma_start3A_123] : memref<10242x8x128xf32, #tpu.memory_space<hbm>> -> memref<2x8x128xf32, #tpu.memory_space<hbm>>
        %dma_start3A_125 = arith.constant 0 : i32
        %dma_start3A_126 = arith.constant 0 : i32
        %dma_start3A_127 = tpu.memref_slice %arg4[%mul3A_121, %dma_start3A_125, %dma_start3A_126] : memref<10242x8x128xf32, #tpu.memory_space<hbm>> -> memref<2x8x128xf32, #tpu.memory_space<hbm>>
        tpu.enqueue_dma source(%arg11 : memref<2x8x128xf32, #tpu.memory_space<vmem>>) target(%dma_start3A_127 : memref<2x8x128xf32, #tpu.memory_space<hbm>>) target_semaphore(%arg18 : memref<!tpu.dma_semaphore, #tpu.memory_space<semaphore_mem>>)
      } else {
      }
      %add3A_78 = arith.constant 4 : i32
      %add3A_79 = arith.addi %add3A_73, %add3A_78 : i32
      %lt3A_80 = arith.cmpi slt, %add3A_79, %select_n3A : i32
      %convert_element_type3A_81 = arith.extui %lt3A_80 : i1 to i32
      %cond3A_82 = arith.constant 0 : i32
      %cond3A_83 = arith.cmpi ne, %convert_element_type3A_81, %cond3A_82 : i32
      scf.if %cond3A_83 {
        %add3A_112 = arith.constant 4 : i32
        %add3A_113 = arith.addi %add3A_73, %add3A_112 : i32
        %mul3A_114 = arith.constant 16 : i32
        %mul3A_115 = arith.muli %add3A_113, %mul3A_114 : i32
        %dma_start3A_116 = tpu.memref_slice %arg5[%mul3A_115] : memref<2576xi32, #tpu.memory_space<vmem>> -> memref<14xi32, #tpu.memory_space<vmem>>
        %dma_start3A_117 = arith.constant 0 : i32
        %dma_start3A_118 = arith.constant 0 : i32
        %dma_start3A_119 = arith.constant 0 : i32
        %dma_start3A_120 = tpu.memref_slice %arg2[%dma_start3A_117, %dma_start3A_118, %dma_start3A_119] : memref<40962x8x128xf32, #tpu.memory_space<hbm>> -> memref<40962x8x128xf32, #tpu.memory_space<hbm>>
        tpu.enqueue_indirect_dma source(%dma_start3A_120 : memref<40962x8x128xf32, #tpu.memory_space<hbm>>) target(%arg7 : memref<14x8x128xf32, #tpu.memory_space<vmem>>) offsets(%dma_start3A_116 : memref<14xi32, #tpu.memory_space<vmem>>) semaphore(%arg15 : memref<!tpu.dma_semaphore, #tpu.memory_space<semaphore_mem>>)
      } else {
      }
      %mul3A_84 = arith.constant 4 : i32
      %mul3A_85 = arith.muli %mul3A_84, %scan3A_52 : i32
      %add3A_86 = arith.constant 2 : i32
      %add3A_87 = arith.addi %mul3A_85, %add3A_86 : i32
      %lt3A_88 = arith.cmpi slt, %add3A_87, %select_n3A : i32
      %convert_element_type3A_89 = arith.extui %lt3A_88 : i1 to i32
      %cond3A_90 = arith.constant 0 : i32
      %cond3A_91 = arith.cmpi ne, %convert_element_type3A_89, %cond3A_90 : i32
      scf.if %cond3A_91 {
        %dma_wait3A = arith.constant 0 : i32
        %dma_wait3A_112 = tpu.memref_slice %arg5[%dma_wait3A] : memref<2576xi32, #tpu.memory_space<vmem>> -> memref<14xi32, #tpu.memory_space<vmem>>
        %dma_wait3A_113 = arith.constant 0 : i32
        %dma_wait3A_114 = arith.constant 0 : i32
        %dma_wait3A_115 = arith.constant 0 : i32
        %dma_wait3A_116 = tpu.memref_slice %arg2[%dma_wait3A_113, %dma_wait3A_114, %dma_wait3A_115] : memref<40962x8x128xf32, #tpu.memory_space<hbm>> -> memref<40962x8x128xf32, #tpu.memory_space<hbm>>
        tpu.wait_indirect_dma semaphore(%arg16 : memref<!tpu.dma_semaphore, #tpu.memory_space<semaphore_mem>>) src(%dma_wait3A_116 : memref<40962x8x128xf32, #tpu.memory_space<hbm>>) dst(%arg8 : memref<14x8x128xf32, #tpu.memory_space<vmem>>)
        %parallel_loop3A = arith.constant 0 : i32
        %parallel_loop3A_117 = arith.constant 16 : i32
        %parallel_loop3A_118 = arith.constant 1 : i32
        scf.for %parallel_loop3A_128 = %parallel_loop3A to %parallel_loop3A_117 step %parallel_loop3A_118  : i32 {
          %parallel_loop3A_129 = arith.constant 3 : i32
          %parallel_loop3A_130 = arith.shrui %parallel_loop3A_128, %parallel_loop3A_129 : i32
          %parallel_loop3A_131 = arith.constant 7 : i32
          %parallel_loop3A_132 = arith.andi %parallel_loop3A_128, %parallel_loop3A_131 : i32
          %parallel_loop3A_133 = arith.constant 7 : i32
          %parallel_loop3A_134 = arith.muli %parallel_loop3A_133, %parallel_loop3A_130 : i32
          %parallel_loop3A_135 = arith.constant 0 : i32
          %parallel_loop3A_136 = arith.addi %parallel_loop3A_134, %parallel_loop3A_135 : i32
          %parallel_loop3A_137 = arith.index_cast %parallel_loop3A_136 : i32 to index
          %parallel_loop3A_138 = arith.index_cast %parallel_loop3A_132 : i32 to index
          %parallel_loop3A_139 = arith.constant 0 : index
          %parallel_loop3A_140 = tpu.vector_load %arg8[%parallel_loop3A_137, %parallel_loop3A_138, %parallel_loop3A_139] {strides = array<i32>} : memref<14x8x128xf32, #tpu.memory_space<vmem>>, vector<1x1x16xf32>,
          %parallel_loop3A_141 = vector.shape_cast %parallel_loop3A_140 : vector<1x1x16xf32> to vector<16xf32>
          %parallel_loop3A_142 = arith.constant 7 : i32
          %parallel_loop3A_143 = arith.muli %parallel_loop3A_142, %parallel_loop3A_130 : i32
          %parallel_loop3A_144 = arith.constant 1 : i32
          %parallel_loop3A_145 = arith.addi %parallel_loop3A_143, %parallel_loop3A_144 : i32
          %parallel_loop3A_146 = arith.index_cast %parallel_loop3A_145 : i32 to index
          %parallel_loop3A_147 = arith.index_cast %parallel_loop3A_132 : i32 to index
          %parallel_loop3A_148 = arith.constant 0 : index
          %parallel_loop3A_149 = tpu.vector_load %arg8[%parallel_loop3A_146, %parallel_loop3A_147, %parallel_loop3A_148] {strides = array<i32>} : memref<14x8x128xf32, #tpu.memory_space<vmem>>, vector<1x1x16xf32>,
          %parallel_loop3A_150 = vector.shape_cast %parallel_loop3A_149 : vector<1x1x16xf32> to vector<16xf32>
          %parallel_loop3A_151 = arith.constant 7 : i32
          %parallel_loop3A_152 = arith.muli %parallel_loop3A_151, %parallel_loop3A_130 : i32
          %parallel_loop3A_153 = arith.constant 2 : i32
          %parallel_loop3A_154 = arith.addi %parallel_loop3A_152, %parallel_loop3A_153 : i32
          %parallel_loop3A_155 = arith.index_cast %parallel_loop3A_154 : i32 to index
          %parallel_loop3A_156 = arith.index_cast %parallel_loop3A_132 : i32 to index
          %parallel_loop3A_157 = arith.constant 0 : index
          %parallel_loop3A_158 = tpu.vector_load %arg8[%parallel_loop3A_155, %parallel_loop3A_156, %parallel_loop3A_157] {strides = array<i32>} : memref<14x8x128xf32, #tpu.memory_space<vmem>>, vector<1x1x16xf32>,
          %parallel_loop3A_159 = vector.shape_cast %parallel_loop3A_158 : vector<1x1x16xf32> to vector<16xf32>
          %parallel_loop3A_160 = arith.constant 7 : i32
          %parallel_loop3A_161 = arith.muli %parallel_loop3A_160, %parallel_loop3A_130 : i32
          %parallel_loop3A_162 = arith.constant 3 : i32
          %parallel_loop3A_163 = arith.addi %parallel_loop3A_161, %parallel_loop3A_162 : i32
          %parallel_loop3A_164 = arith.index_cast %parallel_loop3A_163 : i32 to index
          %parallel_loop3A_165 = arith.index_cast %parallel_loop3A_132 : i32 to index
          %parallel_loop3A_166 = arith.constant 0 : index
          %parallel_loop3A_167 = tpu.vector_load %arg8[%parallel_loop3A_164, %parallel_loop3A_165, %parallel_loop3A_166] {strides = array<i32>} : memref<14x8x128xf32, #tpu.memory_space<vmem>>, vector<1x1x16xf32>,
          %parallel_loop3A_168 = vector.shape_cast %parallel_loop3A_167 : vector<1x1x16xf32> to vector<16xf32>
          %parallel_loop3A_169 = arith.constant 7 : i32
          %parallel_loop3A_170 = arith.muli %parallel_loop3A_169, %parallel_loop3A_130 : i32
          %parallel_loop3A_171 = arith.constant 4 : i32
          %parallel_loop3A_172 = arith.addi %parallel_loop3A_170, %parallel_loop3A_171 : i32
          %parallel_loop3A_173 = arith.index_cast %parallel_loop3A_172 : i32 to index
          %parallel_loop3A_174 = arith.index_cast %parallel_loop3A_132 : i32 to index
          %parallel_loop3A_175 = arith.constant 0 : index
          %parallel_loop3A_176 = tpu.vector_load %arg8[%parallel_loop3A_173, %parallel_loop3A_174, %parallel_loop3A_175] {strides = array<i32>} : memref<14x8x128xf32, #tpu.memory_space<vmem>>, vector<1x1x16xf32>,
          %parallel_loop3A_177 = vector.shape_cast %parallel_loop3A_176 : vector<1x1x16xf32> to vector<16xf32>
          %parallel_loop3A_178 = arith.constant 7 : i32
          %parallel_loop3A_179 = arith.muli %parallel_loop3A_178, %parallel_loop3A_130 : i32
          %parallel_loop3A_180 = arith.constant 5 : i32
          %parallel_loop3A_181 = arith.addi %parallel_loop3A_179, %parallel_loop3A_180 : i32
          %parallel_loop3A_182 = arith.index_cast %parallel_loop3A_181 : i32 to index
          %parallel_loop3A_183 = arith.index_cast %parallel_loop3A_132 : i32 to index
          %parallel_loop3A_184 = arith.constant 0 : index
          %parallel_loop3A_185 = tpu.vector_load %arg8[%parallel_loop3A_182, %parallel_loop3A_183, %parallel_loop3A_184] {strides = array<i32>} : memref<14x8x128xf32, #tpu.memory_space<vmem>>, vector<1x1x16xf32>,
          %parallel_loop3A_186 = vector.shape_cast %parallel_loop3A_185 : vector<1x1x16xf32> to vector<16xf32>
          %parallel_loop3A_187 = arith.constant 7 : i32
          %parallel_loop3A_188 = arith.muli %parallel_loop3A_187, %parallel_loop3A_130 : i32
          %parallel_loop3A_189 = arith.constant 6 : i32
          %parallel_loop3A_190 = arith.addi %parallel_loop3A_188, %parallel_loop3A_189 : i32
          %parallel_loop3A_191 = arith.index_cast %parallel_loop3A_190 : i32 to index
          %parallel_loop3A_192 = arith.index_cast %parallel_loop3A_132 : i32 to index
          %parallel_loop3A_193 = arith.constant 0 : index
          %parallel_loop3A_194 = tpu.vector_load %arg8[%parallel_loop3A_191, %parallel_loop3A_192, %parallel_loop3A_193] {strides = array<i32>} : memref<14x8x128xf32, #tpu.memory_space<vmem>>, vector<1x1x16xf32>,
          %parallel_loop3A_195 = vector.shape_cast %parallel_loop3A_194 : vector<1x1x16xf32> to vector<16xf32>
          %parallel_loop3A_196 = arith.maximumf %parallel_loop3A_141, %parallel_loop3A_150 : vector<16xf32>
          %parallel_loop3A_197 = arith.maximumf %parallel_loop3A_159, %parallel_loop3A_168 : vector<16xf32>
          %parallel_loop3A_198 = arith.maximumf %parallel_loop3A_177, %parallel_loop3A_186 : vector<16xf32>
          %parallel_loop3A_199 = arith.maximumf %parallel_loop3A_196, %parallel_loop3A_197 : vector<16xf32>
          %parallel_loop3A_200 = arith.maximumf %parallel_loop3A_198, %parallel_loop3A_195 : vector<16xf32>
          %parallel_loop3A_201 = arith.maximumf %parallel_loop3A_199, %parallel_loop3A_200 : vector<16xf32>
          %parallel_loop3A_202 = arith.index_cast %parallel_loop3A_130 : i32 to index
          %parallel_loop3A_203 = arith.index_cast %parallel_loop3A_132 : i32 to index
          %parallel_loop3A_204 = arith.constant 0 : index
          %parallel_loop3A_205 = tpu.vector_load %arg12[%parallel_loop3A_202, %parallel_loop3A_203, %parallel_loop3A_204] {strides = array<i32>} : memref<2x8x128xf32, #tpu.memory_space<vmem>>, vector<1x1x16xf32>,
          %parallel_loop3A_206 = vector.shape_cast %parallel_loop3A_205 : vector<1x1x16xf32> to vector<16xf32>
          %parallel_loop3A_207 = vector.shape_cast %parallel_loop3A_201 : vector<16xf32> to vector<1x1x16xf32>
          tpu.vector_store %arg12[%parallel_loop3A_202, %parallel_loop3A_203, %parallel_loop3A_204], %parallel_loop3A_207 {strides = array<i32>} : memref<2x8x128xf32, #tpu.memory_space<vmem>>, vector<1x1x16xf32>,
          %parallel_loop3A_208 = arith.constant 7 : i32
          %parallel_loop3A_209 = arith.muli %parallel_loop3A_208, %parallel_loop3A_130 : i32
          %parallel_loop3A_210 = arith.constant 0 : i32
          %parallel_loop3A_211 = arith.addi %parallel_loop3A_209, %parallel_loop3A_210 : i32
          %parallel_loop3A_212 = arith.index_cast %parallel_loop3A_211 : i32 to index
          %parallel_loop3A_213 = arith.index_cast %parallel_loop3A_132 : i32 to index
          %parallel_loop3A_214 = arith.constant 16 : index
          %parallel_loop3A_215 = tpu.vector_load %arg8[%parallel_loop3A_212, %parallel_loop3A_213, %parallel_loop3A_214] {strides = array<i32>} : memref<14x8x128xf32, #tpu.memory_space<vmem>>, vector<1x1x16xf32>,
          %parallel_loop3A_216 = vector.shape_cast %parallel_loop3A_215 : vector<1x1x16xf32> to vector<16xf32>
          %parallel_loop3A_217 = arith.constant 7 : i32
          %parallel_loop3A_218 = arith.muli %parallel_loop3A_217, %parallel_loop3A_130 : i32
          %parallel_loop3A_219 = arith.constant 1 : i32
          %parallel_loop3A_220 = arith.addi %parallel_loop3A_218, %parallel_loop3A_219 : i32
          %parallel_loop3A_221 = arith.index_cast %parallel_loop3A_220 : i32 to index
          %parallel_loop3A_222 = arith.index_cast %parallel_loop3A_132 : i32 to index
          %parallel_loop3A_223 = arith.constant 16 : index
          %parallel_loop3A_224 = tpu.vector_load %arg8[%parallel_loop3A_221, %parallel_loop3A_222, %parallel_loop3A_223] {strides = array<i32>} : memref<14x8x128xf32, #tpu.memory_space<vmem>>, vector<1x1x16xf32>,
          %parallel_loop3A_225 = vector.shape_cast %parallel_loop3A_224 : vector<1x1x16xf32> to vector<16xf32>
          %parallel_loop3A_226 = arith.constant 7 : i32
          %parallel_loop3A_227 = arith.muli %parallel_loop3A_226, %parallel_loop3A_130 : i32
          %parallel_loop3A_228 = arith.constant 2 : i32
          %parallel_loop3A_229 = arith.addi %parallel_loop3A_227, %parallel_loop3A_228 : i32
          %parallel_loop3A_230 = arith.index_cast %parallel_loop3A_229 : i32 to index
          %parallel_loop3A_231 = arith.index_cast %parallel_loop3A_132 : i32 to index
          %parallel_loop3A_232 = arith.constant 16 : index
          %parallel_loop3A_233 = tpu.vector_load %arg8[%parallel_loop3A_230, %parallel_loop3A_231, %parallel_loop3A_232] {strides = array<i32>} : memref<14x8x128xf32, #tpu.memory_space<vmem>>, vector<1x1x16xf32>,
          %parallel_loop3A_234 = vector.shape_cast %parallel_loop3A_233 : vector<1x1x16xf32> to vector<16xf32>
          %parallel_loop3A_235 = arith.constant 7 : i32
          %parallel_loop3A_236 = arith.muli %parallel_loop3A_235, %parallel_loop3A_130 : i32
          %parallel_loop3A_237 = arith.constant 3 : i32
          %parallel_loop3A_238 = arith.addi %parallel_loop3A_236, %parallel_loop3A_237 : i32
          %parallel_loop3A_239 = arith.index_cast %parallel_loop3A_238 : i32 to index
          %parallel_loop3A_240 = arith.index_cast %parallel_loop3A_132 : i32 to index
          %parallel_loop3A_241 = arith.constant 16 : index
          %parallel_loop3A_242 = tpu.vector_load %arg8[%parallel_loop3A_239, %parallel_loop3A_240, %parallel_loop3A_241] {strides = array<i32>} : memref<14x8x128xf32, #tpu.memory_space<vmem>>, vector<1x1x16xf32>,
          %parallel_loop3A_243 = vector.shape_cast %parallel_loop3A_242 : vector<1x1x16xf32> to vector<16xf32>
          %parallel_loop3A_244 = arith.constant 7 : i32
          %parallel_loop3A_245 = arith.muli %parallel_loop3A_244, %parallel_loop3A_130 : i32
          %parallel_loop3A_246 = arith.constant 4 : i32
          %parallel_loop3A_247 = arith.addi %parallel_loop3A_245, %parallel_loop3A_246 : i32
          %parallel_loop3A_248 = arith.index_cast %parallel_loop3A_247 : i32 to index
          %parallel_loop3A_249 = arith.index_cast %parallel_loop3A_132 : i32 to index
          %parallel_loop3A_250 = arith.constant 16 : index
          %parallel_loop3A_251 = tpu.vector_load %arg8[%parallel_loop3A_248, %parallel_loop3A_249, %parallel_loop3A_250] {strides = array<i32>} : memref<14x8x128xf32, #tpu.memory_space<vmem>>, vector<1x1x16xf32>,
          %parallel_loop3A_252 = vector.shape_cast %parallel_loop3A_251 : vector<1x1x16xf32> to vector<16xf32>
          %parallel_loop3A_253 = arith.constant 7 : i32
          %parallel_loop3A_254 = arith.muli %parallel_loop3A_253, %parallel_loop3A_130 : i32
          %parallel_loop3A_255 = arith.constant 5 : i32
          %parallel_loop3A_256 = arith.addi %parallel_loop3A_254, %parallel_loop3A_255 : i32
          %parallel_loop3A_257 = arith.index_cast %parallel_loop3A_256 : i32 to index
          %parallel_loop3A_258 = arith.index_cast %parallel_loop3A_132 : i32 to index
          %parallel_loop3A_259 = arith.constant 16 : index
          %parallel_loop3A_260 = tpu.vector_load %arg8[%parallel_loop3A_257, %parallel_loop3A_258, %parallel_loop3A_259] {strides = array<i32>} : memref<14x8x128xf32, #tpu.memory_space<vmem>>, vector<1x1x16xf32>,
          %parallel_loop3A_261 = vector.shape_cast %parallel_loop3A_260 : vector<1x1x16xf32> to vector<16xf32>
          %parallel_loop3A_262 = arith.constant 7 : i32
          %parallel_loop3A_263 = arith.muli %parallel_loop3A_262, %parallel_loop3A_130 : i32
          %parallel_loop3A_264 = arith.constant 6 : i32
          %parallel_loop3A_265 = arith.addi %parallel_loop3A_263, %parallel_loop3A_264 : i32
          %parallel_loop3A_266 = arith.index_cast %parallel_loop3A_265 : i32 to index
          %parallel_loop3A_267 = arith.index_cast %parallel_loop3A_132 : i32 to index
          %parallel_loop3A_268 = arith.constant 16 : index
          %parallel_loop3A_269 = tpu.vector_load %arg8[%parallel_loop3A_266, %parallel_loop3A_267, %parallel_loop3A_268] {strides = array<i32>} : memref<14x8x128xf32, #tpu.memory_space<vmem>>, vector<1x1x16xf32>,
          %parallel_loop3A_270 = vector.shape_cast %parallel_loop3A_269 : vector<1x1x16xf32> to vector<16xf32>
          %parallel_loop3A_271 = arith.maximumf %parallel_loop3A_216, %parallel_loop3A_225 : vector<16xf32>
          %parallel_loop3A_272 = arith.maximumf %parallel_loop3A_234, %parallel_loop3A_243 : vector<16xf32>
          %parallel_loop3A_273 = arith.maximumf %parallel_loop3A_252, %parallel_loop3A_261 : vector<16xf32>
          %parallel_loop3A_274 = arith.maximumf %parallel_loop3A_271, %parallel_loop3A_272 : vector<16xf32>
          %parallel_loop3A_275 = arith.maximumf %parallel_loop3A_273, %parallel_loop3A_270 : vector<16xf32>
          %parallel_loop3A_276 = arith.maximumf %parallel_loop3A_274, %parallel_loop3A_275 : vector<16xf32>
          %parallel_loop3A_277 = arith.index_cast %parallel_loop3A_130 : i32 to index
          %parallel_loop3A_278 = arith.index_cast %parallel_loop3A_132 : i32 to index
          %parallel_loop3A_279 = arith.constant 16 : index
          %parallel_loop3A_280 = tpu.vector_load %arg12[%parallel_loop3A_277, %parallel_loop3A_278, %parallel_loop3A_279] {strides = array<i32>} : memref<2x8x128xf32, #tpu.memory_space<vmem>>, vector<1x1x16xf32>,
          %parallel_loop3A_281 = vector.shape_cast %parallel_loop3A_280 : vector<1x1x16xf32> to vector<16xf32>
          %parallel_loop3A_282 = vector.shape_cast %parallel_loop3A_276 : vector<16xf32> to vector<1x1x16xf32>
          tpu.vector_store %arg12[%parallel_loop3A_277, %parallel_loop3A_278, %parallel_loop3A_279], %parallel_loop3A_282 {strides = array<i32>} : memref<2x8x128xf32, #tpu.memory_space<vmem>>, vector<1x1x16xf32>,
          %parallel_loop3A_283 = arith.constant 7 : i32
          %parallel_loop3A_284 = arith.muli %parallel_loop3A_283, %parallel_loop3A_130 : i32
          %parallel_loop3A_285 = arith.constant 0 : i32
          %parallel_loop3A_286 = arith.addi %parallel_loop3A_284, %parallel_loop3A_285 : i32
          %parallel_loop3A_287 = arith.index_cast %parallel_loop3A_286 : i32 to index
          %parallel_loop3A_288 = arith.index_cast %parallel_loop3A_132 : i32 to index
          %parallel_loop3A_289 = arith.constant 32 : index
          %parallel_loop3A_290 = tpu.vector_load %arg8[%parallel_loop3A_287, %parallel_loop3A_288, %parallel_loop3A_289] {strides = array<i32>} : memref<14x8x128xf32, #tpu.memory_space<vmem>>, vector<1x1x16xf32>,
          %parallel_loop3A_291 = vector.shape_cast %parallel_loop3A_290 : vector<1x1x16xf32> to vector<16xf32>
          %parallel_loop3A_292 = arith.constant 7 : i32
          %parallel_loop3A_293 = arith.muli %parallel_loop3A_292, %parallel_loop3A_130 : i32
          %parallel_loop3A_294 = arith.constant 1 : i32
          %parallel_loop3A_295 = arith.addi %parallel_loop3A_293, %parallel_loop3A_294 : i32
          %parallel_loop3A_296 = arith.index_cast %parallel_loop3A_295 : i32 to index
          %parallel_loop3A_297 = arith.index_cast %parallel_loop3A_132 : i32 to index
          %parallel_loop3A_298 = arith.constant 32 : index
          %parallel_loop3A_299 = tpu.vector_load %arg8[%parallel_loop3A_296, %parallel_loop3A_297, %parallel_loop3A_298] {strides = array<i32>} : memref<14x8x128xf32, #tpu.memory_space<vmem>>, vector<1x1x16xf32>,
          %parallel_loop3A_300 = vector.shape_cast %parallel_loop3A_299 : vector<1x1x16xf32> to vector<16xf32>
          %parallel_loop3A_301 = arith.constant 7 : i32
          %parallel_loop3A_302 = arith.muli %parallel_loop3A_301, %parallel_loop3A_130 : i32
          %parallel_loop3A_303 = arith.constant 2 : i32
          %parallel_loop3A_304 = arith.addi %parallel_loop3A_302, %parallel_loop3A_303 : i32
          %parallel_loop3A_305 = arith.index_cast %parallel_loop3A_304 : i32 to index
          %parallel_loop3A_306 = arith.index_cast %parallel_loop3A_132 : i32 to index
          %parallel_loop3A_307 = arith.constant 32 : index
          %parallel_loop3A_308 = tpu.vector_load %arg8[%parallel_loop3A_305, %parallel_loop3A_306, %parallel_loop3A_307] {strides = array<i32>} : memref<14x8x128xf32, #tpu.memory_space<vmem>>, vector<1x1x16xf32>,
          %parallel_loop3A_309 = vector.shape_cast %parallel_loop3A_308 : vector<1x1x16xf32> to vector<16xf32>
          %parallel_loop3A_310 = arith.constant 7 : i32
          %parallel_loop3A_311 = arith.muli %parallel_loop3A_310, %parallel_loop3A_130 : i32
          %parallel_loop3A_312 = arith.constant 3 : i32
          %parallel_loop3A_313 = arith.addi %parallel_loop3A_311, %parallel_loop3A_312 : i32
          %parallel_loop3A_314 = arith.index_cast %parallel_loop3A_313 : i32 to index
          %parallel_loop3A_315 = arith.index_cast %parallel_loop3A_132 : i32 to index
          %parallel_loop3A_316 = arith.constant 32 : index
          %parallel_loop3A_317 = tpu.vector_load %arg8[%parallel_loop3A_314, %parallel_loop3A_315, %parallel_loop3A_316] {strides = array<i32>} : memref<14x8x128xf32, #tpu.memory_space<vmem>>, vector<1x1x16xf32>,
          %parallel_loop3A_318 = vector.shape_cast %parallel_loop3A_317 : vector<1x1x16xf32> to vector<16xf32>
          %parallel_loop3A_319 = arith.constant 7 : i32
          %parallel_loop3A_320 = arith.muli %parallel_loop3A_319, %parallel_loop3A_130 : i32
          %parallel_loop3A_321 = arith.constant 4 : i32
          %parallel_loop3A_322 = arith.addi %parallel_loop3A_320, %parallel_loop3A_321 : i32
          %parallel_loop3A_323 = arith.index_cast %parallel_loop3A_322 : i32 to index
          %parallel_loop3A_324 = arith.index_cast %parallel_loop3A_132 : i32 to index
          %parallel_loop3A_325 = arith.constant 32 : index
          %parallel_loop3A_326 = tpu.vector_load %arg8[%parallel_loop3A_323, %parallel_loop3A_324, %parallel_loop3A_325] {strides = array<i32>} : memref<14x8x128xf32, #tpu.memory_space<vmem>>, vector<1x1x16xf32>,
          %parallel_loop3A_327 = vector.shape_cast %parallel_loop3A_326 : vector<1x1x16xf32> to vector<16xf32>
          %parallel_loop3A_328 = arith.constant 7 : i32
          %parallel_loop3A_329 = arith.muli %parallel_loop3A_328, %parallel_loop3A_130 : i32
          %parallel_loop3A_330 = arith.constant 5 : i32
          %parallel_loop3A_331 = arith.addi %parallel_loop3A_329, %parallel_loop3A_330 : i32
          %parallel_loop3A_332 = arith.index_cast %parallel_loop3A_331 : i32 to index
          %parallel_loop3A_333 = arith.index_cast %parallel_loop3A_132 : i32 to index
          %parallel_loop3A_334 = arith.constant 32 : index
          %parallel_loop3A_335 = tpu.vector_load %arg8[%parallel_loop3A_332, %parallel_loop3A_333, %parallel_loop3A_334] {strides = array<i32>} : memref<14x8x128xf32, #tpu.memory_space<vmem>>, vector<1x1x16xf32>,
          %parallel_loop3A_336 = vector.shape_cast %parallel_loop3A_335 : vector<1x1x16xf32> to vector<16xf32>
          %parallel_loop3A_337 = arith.constant 7 : i32
          %parallel_loop3A_338 = arith.muli %parallel_loop3A_337, %parallel_loop3A_130 : i32
          %parallel_loop3A_339 = arith.constant 6 : i32
          %parallel_loop3A_340 = arith.addi %parallel_loop3A_338, %parallel_loop3A_339 : i32
          %parallel_loop3A_341 = arith.index_cast %parallel_loop3A_340 : i32 to index
          %parallel_loop3A_342 = arith.index_cast %parallel_loop3A_132 : i32 to index
          %parallel_loop3A_343 = arith.constant 32 : index
          %parallel_loop3A_344 = tpu.vector_load %arg8[%parallel_loop3A_341, %parallel_loop3A_342, %parallel_loop3A_343] {strides = array<i32>} : memref<14x8x128xf32, #tpu.memory_space<vmem>>, vector<1x1x16xf32>,
          %parallel_loop3A_345 = vector.shape_cast %parallel_loop3A_344 : vector<1x1x16xf32> to vector<16xf32>
          %parallel_loop3A_346 = arith.maximumf %parallel_loop3A_291, %parallel_loop3A_300 : vector<16xf32>
          %parallel_loop3A_347 = arith.maximumf %parallel_loop3A_309, %parallel_loop3A_318 : vector<16xf32>
          %parallel_loop3A_348 = arith.maximumf %parallel_loop3A_327, %parallel_loop3A_336 : vector<16xf32>
          %parallel_loop3A_349 = arith.maximumf %parallel_loop3A_346, %parallel_loop3A_347 : vector<16xf32>
          %parallel_loop3A_350 = arith.maximumf %parallel_loop3A_348, %parallel_loop3A_345 : vector<16xf32>
          %parallel_loop3A_351 = arith.maximumf %parallel_loop3A_349, %parallel_loop3A_350 : vector<16xf32>
          %parallel_loop3A_352 = arith.index_cast %parallel_loop3A_130 : i32 to index
          %parallel_loop3A_353 = arith.index_cast %parallel_loop3A_132 : i32 to index
          %parallel_loop3A_354 = arith.constant 32 : index
          %parallel_loop3A_355 = tpu.vector_load %arg12[%parallel_loop3A_352, %parallel_loop3A_353, %parallel_loop3A_354] {strides = array<i32>} : memref<2x8x128xf32, #tpu.memory_space<vmem>>, vector<1x1x16xf32>,
          %parallel_loop3A_356 = vector.shape_cast %parallel_loop3A_355 : vector<1x1x16xf32> to vector<16xf32>
          %parallel_loop3A_357 = vector.shape_cast %parallel_loop3A_351 : vector<16xf32> to vector<1x1x16xf32>
          tpu.vector_store %arg12[%parallel_loop3A_352, %parallel_loop3A_353, %parallel_loop3A_354], %parallel_loop3A_357 {strides = array<i32>} : memref<2x8x128xf32, #tpu.memory_space<vmem>>, vector<1x1x16xf32>,
          %parallel_loop3A_358 = arith.constant 7 : i32
          %parallel_loop3A_359 = arith.muli %parallel_loop3A_358, %parallel_loop3A_130 : i32
          %parallel_loop3A_360 = arith.constant 0 : i32
          %parallel_loop3A_361 = arith.addi %parallel_loop3A_359, %parallel_loop3A_360 : i32
          %parallel_loop3A_362 = arith.index_cast %parallel_loop3A_361 : i32 to index
          %parallel_loop3A_363 = arith.index_cast %parallel_loop3A_132 : i32 to index
          %parallel_loop3A_364 = arith.constant 48 : index
          %parallel_loop3A_365 = tpu.vector_load %arg8[%parallel_loop3A_362, %parallel_loop3A_363, %parallel_loop3A_364] {strides = array<i32>} : memref<14x8x128xf32, #tpu.memory_space<vmem>>, vector<1x1x16xf32>,
          %parallel_loop3A_366 = vector.shape_cast %parallel_loop3A_365 : vector<1x1x16xf32> to vector<16xf32>
          %parallel_loop3A_367 = arith.constant 7 : i32
          %parallel_loop3A_368 = arith.muli %parallel_loop3A_367, %parallel_loop3A_130 : i32
          %parallel_loop3A_369 = arith.constant 1 : i32
          %parallel_loop3A_370 = arith.addi %parallel_loop3A_368, %parallel_loop3A_369 : i32
          %parallel_loop3A_371 = arith.index_cast %parallel_loop3A_370 : i32 to index
          %parallel_loop3A_372 = arith.index_cast %parallel_loop3A_132 : i32 to index
          %parallel_loop3A_373 = arith.constant 48 : index
          %parallel_loop3A_374 = tpu.vector_load %arg8[%parallel_loop3A_371, %parallel_loop3A_372, %parallel_loop3A_373] {strides = array<i32>} : memref<14x8x128xf32, #tpu.memory_space<vmem>>, vector<1x1x16xf32>,
          %parallel_loop3A_375 = vector.shape_cast %parallel_loop3A_374 : vector<1x1x16xf32> to vector<16xf32>
          %parallel_loop3A_376 = arith.constant 7 : i32
          %parallel_loop3A_377 = arith.muli %parallel_loop3A_376, %parallel_loop3A_130 : i32
          %parallel_loop3A_378 = arith.constant 2 : i32
          %parallel_loop3A_379 = arith.addi %parallel_loop3A_377, %parallel_loop3A_378 : i32
          %parallel_loop3A_380 = arith.index_cast %parallel_loop3A_379 : i32 to index
          %parallel_loop3A_381 = arith.index_cast %parallel_loop3A_132 : i32 to index
          %parallel_loop3A_382 = arith.constant 48 : index
          %parallel_loop3A_383 = tpu.vector_load %arg8[%parallel_loop3A_380, %parallel_loop3A_381, %parallel_loop3A_382] {strides = array<i32>} : memref<14x8x128xf32, #tpu.memory_space<vmem>>, vector<1x1x16xf32>,
          %parallel_loop3A_384 = vector.shape_cast %parallel_loop3A_383 : vector<1x1x16xf32> to vector<16xf32>
          %parallel_loop3A_385 = arith.constant 7 : i32
          %parallel_loop3A_386 = arith.muli %parallel_loop3A_385, %parallel_loop3A_130 : i32
          %parallel_loop3A_387 = arith.constant 3 : i32
          %parallel_loop3A_388 = arith.addi %parallel_loop3A_386, %parallel_loop3A_387 : i32
          %parallel_loop3A_389 = arith.index_cast %parallel_loop3A_388 : i32 to index
          %parallel_loop3A_390 = arith.index_cast %parallel_loop3A_132 : i32 to index
          %parallel_loop3A_391 = arith.constant 48 : index
          %parallel_loop3A_392 = tpu.vector_load %arg8[%parallel_loop3A_389, %parallel_loop3A_390, %parallel_loop3A_391] {strides = array<i32>} : memref<14x8x128xf32, #tpu.memory_space<vmem>>, vector<1x1x16xf32>,
          %parallel_loop3A_393 = vector.shape_cast %parallel_loop3A_392 : vector<1x1x16xf32> to vector<16xf32>
          %parallel_loop3A_394 = arith.constant 7 : i32
          %parallel_loop3A_395 = arith.muli %parallel_loop3A_394, %parallel_loop3A_130 : i32
          %parallel_loop3A_396 = arith.constant 4 : i32
          %parallel_loop3A_397 = arith.addi %parallel_loop3A_395, %parallel_loop3A_396 : i32
          %parallel_loop3A_398 = arith.index_cast %parallel_loop3A_397 : i32 to index
          %parallel_loop3A_399 = arith.index_cast %parallel_loop3A_132 : i32 to index
          %parallel_loop3A_400 = arith.constant 48 : index
          %parallel_loop3A_401 = tpu.vector_load %arg8[%parallel_loop3A_398, %parallel_loop3A_399, %parallel_loop3A_400] {strides = array<i32>} : memref<14x8x128xf32, #tpu.memory_space<vmem>>, vector<1x1x16xf32>,
          %parallel_loop3A_402 = vector.shape_cast %parallel_loop3A_401 : vector<1x1x16xf32> to vector<16xf32>
          %parallel_loop3A_403 = arith.constant 7 : i32
          %parallel_loop3A_404 = arith.muli %parallel_loop3A_403, %parallel_loop3A_130 : i32
          %parallel_loop3A_405 = arith.constant 5 : i32
          %parallel_loop3A_406 = arith.addi %parallel_loop3A_404, %parallel_loop3A_405 : i32
          %parallel_loop3A_407 = arith.index_cast %parallel_loop3A_406 : i32 to index
          %parallel_loop3A_408 = arith.index_cast %parallel_loop3A_132 : i32 to index
          %parallel_loop3A_409 = arith.constant 48 : index
          %parallel_loop3A_410 = tpu.vector_load %arg8[%parallel_loop3A_407, %parallel_loop3A_408, %parallel_loop3A_409] {strides = array<i32>} : memref<14x8x128xf32, #tpu.memory_space<vmem>>, vector<1x1x16xf32>,
          %parallel_loop3A_411 = vector.shape_cast %parallel_loop3A_410 : vector<1x1x16xf32> to vector<16xf32>
          %parallel_loop3A_412 = arith.constant 7 : i32
          %parallel_loop3A_413 = arith.muli %parallel_loop3A_412, %parallel_loop3A_130 : i32
          %parallel_loop3A_414 = arith.constant 6 : i32
          %parallel_loop3A_415 = arith.addi %parallel_loop3A_413, %parallel_loop3A_414 : i32
          %parallel_loop3A_416 = arith.index_cast %parallel_loop3A_415 : i32 to index
          %parallel_loop3A_417 = arith.index_cast %parallel_loop3A_132 : i32 to index
          %parallel_loop3A_418 = arith.constant 48 : index
          %parallel_loop3A_419 = tpu.vector_load %arg8[%parallel_loop3A_416, %parallel_loop3A_417, %parallel_loop3A_418] {strides = array<i32>} : memref<14x8x128xf32, #tpu.memory_space<vmem>>, vector<1x1x16xf32>,
          %parallel_loop3A_420 = vector.shape_cast %parallel_loop3A_419 : vector<1x1x16xf32> to vector<16xf32>
          %parallel_loop3A_421 = arith.maximumf %parallel_loop3A_366, %parallel_loop3A_375 : vector<16xf32>
          %parallel_loop3A_422 = arith.maximumf %parallel_loop3A_384, %parallel_loop3A_393 : vector<16xf32>
          %parallel_loop3A_423 = arith.maximumf %parallel_loop3A_402, %parallel_loop3A_411 : vector<16xf32>
          %parallel_loop3A_424 = arith.maximumf %parallel_loop3A_421, %parallel_loop3A_422 : vector<16xf32>
          %parallel_loop3A_425 = arith.maximumf %parallel_loop3A_423, %parallel_loop3A_420 : vector<16xf32>
          %parallel_loop3A_426 = arith.maximumf %parallel_loop3A_424, %parallel_loop3A_425 : vector<16xf32>
          %parallel_loop3A_427 = arith.index_cast %parallel_loop3A_130 : i32 to index
          %parallel_loop3A_428 = arith.index_cast %parallel_loop3A_132 : i32 to index
          %parallel_loop3A_429 = arith.constant 48 : index
          %parallel_loop3A_430 = tpu.vector_load %arg12[%parallel_loop3A_427, %parallel_loop3A_428, %parallel_loop3A_429] {strides = array<i32>} : memref<2x8x128xf32, #tpu.memory_space<vmem>>, vector<1x1x16xf32>,
          %parallel_loop3A_431 = vector.shape_cast %parallel_loop3A_430 : vector<1x1x16xf32> to vector<16xf32>
          %parallel_loop3A_432 = vector.shape_cast %parallel_loop3A_426 : vector<16xf32> to vector<1x1x16xf32>
          tpu.vector_store %arg12[%parallel_loop3A_427, %parallel_loop3A_428, %parallel_loop3A_429], %parallel_loop3A_432 {strides = array<i32>} : memref<2x8x128xf32, #tpu.memory_space<vmem>>, vector<1x1x16xf32>,
          %parallel_loop3A_433 = arith.constant 7 : i32
          %parallel_loop3A_434 = arith.muli %parallel_loop3A_433, %parallel_loop3A_130 : i32
          %parallel_loop3A_435 = arith.constant 0 : i32
          %parallel_loop3A_436 = arith.addi %parallel_loop3A_434, %parallel_loop3A_435 : i32
          %parallel_loop3A_437 = arith.index_cast %parallel_loop3A_436 : i32 to index
          %parallel_loop3A_438 = arith.index_cast %parallel_loop3A_132 : i32 to index
          %parallel_loop3A_439 = arith.constant 64 : index
          %parallel_loop3A_440 = tpu.vector_load %arg8[%parallel_loop3A_437, %parallel_loop3A_438, %parallel_loop3A_439] {strides = array<i32>} : memref<14x8x128xf32, #tpu.memory_space<vmem>>, vector<1x1x16xf32>,
          %parallel_loop3A_441 = vector.shape_cast %parallel_loop3A_440 : vector<1x1x16xf32> to vector<16xf32>
          %parallel_loop3A_442 = arith.constant 7 : i32
          %parallel_loop3A_443 = arith.muli %parallel_loop3A_442, %parallel_loop3A_130 : i32
          %parallel_loop3A_444 = arith.constant 1 : i32
          %parallel_loop3A_445 = arith.addi %parallel_loop3A_443, %parallel_loop3A_444 : i32
          %parallel_loop3A_446 = arith.index_cast %parallel_loop3A_445 : i32 to index
          %parallel_loop3A_447 = arith.index_cast %parallel_loop3A_132 : i32 to index
          %parallel_loop3A_448 = arith.constant 64 : index
          %parallel_loop3A_449 = tpu.vector_load %arg8[%parallel_loop3A_446, %parallel_loop3A_447, %parallel_loop3A_448] {strides = array<i32>} : memref<14x8x128xf32, #tpu.memory_space<vmem>>, vector<1x1x16xf32>,
          %parallel_loop3A_450 = vector.shape_cast %parallel_loop3A_449 : vector<1x1x16xf32> to vector<16xf32>
          %parallel_loop3A_451 = arith.constant 7 : i32
          %parallel_loop3A_452 = arith.muli %parallel_loop3A_451, %parallel_loop3A_130 : i32
          %parallel_loop3A_453 = arith.constant 2 : i32
          %parallel_loop3A_454 = arith.addi %parallel_loop3A_452, %parallel_loop3A_453 : i32
          %parallel_loop3A_455 = arith.index_cast %parallel_loop3A_454 : i32 to index
          %parallel_loop3A_456 = arith.index_cast %parallel_loop3A_132 : i32 to index
          %parallel_loop3A_457 = arith.constant 64 : index
          %parallel_loop3A_458 = tpu.vector_load %arg8[%parallel_loop3A_455, %parallel_loop3A_456, %parallel_loop3A_457] {strides = array<i32>} : memref<14x8x128xf32, #tpu.memory_space<vmem>>, vector<1x1x16xf32>,
          %parallel_loop3A_459 = vector.shape_cast %parallel_loop3A_458 : vector<1x1x16xf32> to vector<16xf32>
          %parallel_loop3A_460 = arith.constant 7 : i32
          %parallel_loop3A_461 = arith.muli %parallel_loop3A_460, %parallel_loop3A_130 : i32
          %parallel_loop3A_462 = arith.constant 3 : i32
          %parallel_loop3A_463 = arith.addi %parallel_loop3A_461, %parallel_loop3A_462 : i32
          %parallel_loop3A_464 = arith.index_cast %parallel_loop3A_463 : i32 to index
          %parallel_loop3A_465 = arith.index_cast %parallel_loop3A_132 : i32 to index
          %parallel_loop3A_466 = arith.constant 64 : index
          %parallel_loop3A_467 = tpu.vector_load %arg8[%parallel_loop3A_464, %parallel_loop3A_465, %parallel_loop3A_466] {strides = array<i32>} : memref<14x8x128xf32, #tpu.memory_space<vmem>>, vector<1x1x16xf32>,
          %parallel_loop3A_468 = vector.shape_cast %parallel_loop3A_467 : vector<1x1x16xf32> to vector<16xf32>
          %parallel_loop3A_469 = arith.constant 7 : i32
          %parallel_loop3A_470 = arith.muli %parallel_loop3A_469, %parallel_loop3A_130 : i32
          %parallel_loop3A_471 = arith.constant 4 : i32
          %parallel_loop3A_472 = arith.addi %parallel_loop3A_470, %parallel_loop3A_471 : i32
          %parallel_loop3A_473 = arith.index_cast %parallel_loop3A_472 : i32 to index
          %parallel_loop3A_474 = arith.index_cast %parallel_loop3A_132 : i32 to index
          %parallel_loop3A_475 = arith.constant 64 : index
          %parallel_loop3A_476 = tpu.vector_load %arg8[%parallel_loop3A_473, %parallel_loop3A_474, %parallel_loop3A_475] {strides = array<i32>} : memref<14x8x128xf32, #tpu.memory_space<vmem>>, vector<1x1x16xf32>,
          %parallel_loop3A_477 = vector.shape_cast %parallel_loop3A_476 : vector<1x1x16xf32> to vector<16xf32>
          %parallel_loop3A_478 = arith.constant 7 : i32
          %parallel_loop3A_479 = arith.muli %parallel_loop3A_478, %parallel_loop3A_130 : i32
          %parallel_loop3A_480 = arith.constant 5 : i32
          %parallel_loop3A_481 = arith.addi %parallel_loop3A_479, %parallel_loop3A_480 : i32
          %parallel_loop3A_482 = arith.index_cast %parallel_loop3A_481 : i32 to index
          %parallel_loop3A_483 = arith.index_cast %parallel_loop3A_132 : i32 to index
          %parallel_loop3A_484 = arith.constant 64 : index
          %parallel_loop3A_485 = tpu.vector_load %arg8[%parallel_loop3A_482, %parallel_loop3A_483, %parallel_loop3A_484] {strides = array<i32>} : memref<14x8x128xf32, #tpu.memory_space<vmem>>, vector<1x1x16xf32>,
          %parallel_loop3A_486 = vector.shape_cast %parallel_loop3A_485 : vector<1x1x16xf32> to vector<16xf32>
          %parallel_loop3A_487 = arith.constant 7 : i32
          %parallel_loop3A_488 = arith.muli %parallel_loop3A_487, %parallel_loop3A_130 : i32
          %parallel_loop3A_489 = arith.constant 6 : i32
          %parallel_loop3A_490 = arith.addi %parallel_loop3A_488, %parallel_loop3A_489 : i32
          %parallel_loop3A_491 = arith.index_cast %parallel_loop3A_490 : i32 to index
          %parallel_loop3A_492 = arith.index_cast %parallel_loop3A_132 : i32 to index
          %parallel_loop3A_493 = arith.constant 64 : index
          %parallel_loop3A_494 = tpu.vector_load %arg8[%parallel_loop3A_491, %parallel_loop3A_492, %parallel_loop3A_493] {strides = array<i32>} : memref<14x8x128xf32, #tpu.memory_space<vmem>>, vector<1x1x16xf32>,
          %parallel_loop3A_495 = vector.shape_cast %parallel_loop3A_494 : vector<1x1x16xf32> to vector<16xf32>
          %parallel_loop3A_496 = arith.maximumf %parallel_loop3A_441, %parallel_loop3A_450 : vector<16xf32>
          %parallel_loop3A_497 = arith.maximumf %parallel_loop3A_459, %parallel_loop3A_468 : vector<16xf32>
          %parallel_loop3A_498 = arith.maximumf %parallel_loop3A_477, %parallel_loop3A_486 : vector<16xf32>
          %parallel_loop3A_499 = arith.maximumf %parallel_loop3A_496, %parallel_loop3A_497 : vector<16xf32>
          %parallel_loop3A_500 = arith.maximumf %parallel_loop3A_498, %parallel_loop3A_495 : vector<16xf32>
          %parallel_loop3A_501 = arith.maximumf %parallel_loop3A_499, %parallel_loop3A_500 : vector<16xf32>
          %parallel_loop3A_502 = arith.index_cast %parallel_loop3A_130 : i32 to index
          %parallel_loop3A_503 = arith.index_cast %parallel_loop3A_132 : i32 to index
          %parallel_loop3A_504 = arith.constant 64 : index
          %parallel_loop3A_505 = tpu.vector_load %arg12[%parallel_loop3A_502, %parallel_loop3A_503, %parallel_loop3A_504] {strides = array<i32>} : memref<2x8x128xf32, #tpu.memory_space<vmem>>, vector<1x1x16xf32>,
          %parallel_loop3A_506 = vector.shape_cast %parallel_loop3A_505 : vector<1x1x16xf32> to vector<16xf32>
          %parallel_loop3A_507 = vector.shape_cast %parallel_loop3A_501 : vector<16xf32> to vector<1x1x16xf32>
          tpu.vector_store %arg12[%parallel_loop3A_502, %parallel_loop3A_503, %parallel_loop3A_504], %parallel_loop3A_507 {strides = array<i32>} : memref<2x8x128xf32, #tpu.memory_space<vmem>>, vector<1x1x16xf32>,
          %parallel_loop3A_508 = arith.constant 7 : i32
          %parallel_loop3A_509 = arith.muli %parallel_loop3A_508, %parallel_loop3A_130 : i32
          %parallel_loop3A_510 = arith.constant 0 : i32
          %parallel_loop3A_511 = arith.addi %parallel_loop3A_509, %parallel_loop3A_510 : i32
          %parallel_loop3A_512 = arith.index_cast %parallel_loop3A_511 : i32 to index
          %parallel_loop3A_513 = arith.index_cast %parallel_loop3A_132 : i32 to index
          %parallel_loop3A_514 = arith.constant 80 : index
          %parallel_loop3A_515 = tpu.vector_load %arg8[%parallel_loop3A_512, %parallel_loop3A_513, %parallel_loop3A_514] {strides = array<i32>} : memref<14x8x128xf32, #tpu.memory_space<vmem>>, vector<1x1x16xf32>,
          %parallel_loop3A_516 = vector.shape_cast %parallel_loop3A_515 : vector<1x1x16xf32> to vector<16xf32>
          %parallel_loop3A_517 = arith.constant 7 : i32
          %parallel_loop3A_518 = arith.muli %parallel_loop3A_517, %parallel_loop3A_130 : i32
          %parallel_loop3A_519 = arith.constant 1 : i32
          %parallel_loop3A_520 = arith.addi %parallel_loop3A_518, %parallel_loop3A_519 : i32
          %parallel_loop3A_521 = arith.index_cast %parallel_loop3A_520 : i32 to index
          %parallel_loop3A_522 = arith.index_cast %parallel_loop3A_132 : i32 to index
          %parallel_loop3A_523 = arith.constant 80 : index
          %parallel_loop3A_524 = tpu.vector_load %arg8[%parallel_loop3A_521, %parallel_loop3A_522, %parallel_loop3A_523] {strides = array<i32>} : memref<14x8x128xf32, #tpu.memory_space<vmem>>, vector<1x1x16xf32>,
          %parallel_loop3A_525 = vector.shape_cast %parallel_loop3A_524 : vector<1x1x16xf32> to vector<16xf32>
          %parallel_loop3A_526 = arith.constant 7 : i32
          %parallel_loop3A_527 = arith.muli %parallel_loop3A_526, %parallel_loop3A_130 : i32
          %parallel_loop3A_528 = arith.constant 2 : i32
          %parallel_loop3A_529 = arith.addi %parallel_loop3A_527, %parallel_loop3A_528 : i32
          %parallel_loop3A_530 = arith.index_cast %parallel_loop3A_529 : i32 to index
          %parallel_loop3A_531 = arith.index_cast %parallel_loop3A_132 : i32 to index
          %parallel_loop3A_532 = arith.constant 80 : index
          %parallel_loop3A_533 = tpu.vector_load %arg8[%parallel_loop3A_530, %parallel_loop3A_531, %parallel_loop3A_532] {strides = array<i32>} : memref<14x8x128xf32, #tpu.memory_space<vmem>>, vector<1x1x16xf32>,
          %parallel_loop3A_534 = vector.shape_cast %parallel_loop3A_533 : vector<1x1x16xf32> to vector<16xf32>
          %parallel_loop3A_535 = arith.constant 7 : i32
          %parallel_loop3A_536 = arith.muli %parallel_loop3A_535, %parallel_loop3A_130 : i32
          %parallel_loop3A_537 = arith.constant 3 : i32
          %parallel_loop3A_538 = arith.addi %parallel_loop3A_536, %parallel_loop3A_537 : i32
          %parallel_loop3A_539 = arith.index_cast %parallel_loop3A_538 : i32 to index
          %parallel_loop3A_540 = arith.index_cast %parallel_loop3A_132 : i32 to index
          %parallel_loop3A_541 = arith.constant 80 : index
          %parallel_loop3A_542 = tpu.vector_load %arg8[%parallel_loop3A_539, %parallel_loop3A_540, %parallel_loop3A_541] {strides = array<i32>} : memref<14x8x128xf32, #tpu.memory_space<vmem>>, vector<1x1x16xf32>,
          %parallel_loop3A_543 = vector.shape_cast %parallel_loop3A_542 : vector<1x1x16xf32> to vector<16xf32>
          %parallel_loop3A_544 = arith.constant 7 : i32
          %parallel_loop3A_545 = arith.muli %parallel_loop3A_544, %parallel_loop3A_130 : i32
          %parallel_loop3A_546 = arith.constant 4 : i32
          %parallel_loop3A_547 = arith.addi %parallel_loop3A_545, %parallel_loop3A_546 : i32
          %parallel_loop3A_548 = arith.index_cast %parallel_loop3A_547 : i32 to index
          %parallel_loop3A_549 = arith.index_cast %parallel_loop3A_132 : i32 to index
          %parallel_loop3A_550 = arith.constant 80 : index
          %parallel_loop3A_551 = tpu.vector_load %arg8[%parallel_loop3A_548, %parallel_loop3A_549, %parallel_loop3A_550] {strides = array<i32>} : memref<14x8x128xf32, #tpu.memory_space<vmem>>, vector<1x1x16xf32>,
          %parallel_loop3A_552 = vector.shape_cast %parallel_loop3A_551 : vector<1x1x16xf32> to vector<16xf32>
          %parallel_loop3A_553 = arith.constant 7 : i32
          %parallel_loop3A_554 = arith.muli %parallel_loop3A_553, %parallel_loop3A_130 : i32
          %parallel_loop3A_555 = arith.constant 5 : i32
          %parallel_loop3A_556 = arith.addi %parallel_loop3A_554, %parallel_loop3A_555 : i32
          %parallel_loop3A_557 = arith.index_cast %parallel_loop3A_556 : i32 to index
          %parallel_loop3A_558 = arith.index_cast %parallel_loop3A_132 : i32 to index
          %parallel_loop3A_559 = arith.constant 80 : index
          %parallel_loop3A_560 = tpu.vector_load %arg8[%parallel_loop3A_557, %parallel_loop3A_558, %parallel_loop3A_559] {strides = array<i32>} : memref<14x8x128xf32, #tpu.memory_space<vmem>>, vector<1x1x16xf32>,
          %parallel_loop3A_561 = vector.shape_cast %parallel_loop3A_560 : vector<1x1x16xf32> to vector<16xf32>
          %parallel_loop3A_562 = arith.constant 7 : i32
          %parallel_loop3A_563 = arith.muli %parallel_loop3A_562, %parallel_loop3A_130 : i32
          %parallel_loop3A_564 = arith.constant 6 : i32
          %parallel_loop3A_565 = arith.addi %parallel_loop3A_563, %parallel_loop3A_564 : i32
          %parallel_loop3A_566 = arith.index_cast %parallel_loop3A_565 : i32 to index
          %parallel_loop3A_567 = arith.index_cast %parallel_loop3A_132 : i32 to index
          %parallel_loop3A_568 = arith.constant 80 : index
          %parallel_loop3A_569 = tpu.vector_load %arg8[%parallel_loop3A_566, %parallel_loop3A_567, %parallel_loop3A_568] {strides = array<i32>} : memref<14x8x128xf32, #tpu.memory_space<vmem>>, vector<1x1x16xf32>,
          %parallel_loop3A_570 = vector.shape_cast %parallel_loop3A_569 : vector<1x1x16xf32> to vector<16xf32>
          %parallel_loop3A_571 = arith.maximumf %parallel_loop3A_516, %parallel_loop3A_525 : vector<16xf32>
          %parallel_loop3A_572 = arith.maximumf %parallel_loop3A_534, %parallel_loop3A_543 : vector<16xf32>
          %parallel_loop3A_573 = arith.maximumf %parallel_loop3A_552, %parallel_loop3A_561 : vector<16xf32>
          %parallel_loop3A_574 = arith.maximumf %parallel_loop3A_571, %parallel_loop3A_572 : vector<16xf32>
          %parallel_loop3A_575 = arith.maximumf %parallel_loop3A_573, %parallel_loop3A_570 : vector<16xf32>
          %parallel_loop3A_576 = arith.maximumf %parallel_loop3A_574, %parallel_loop3A_575 : vector<16xf32>
          %parallel_loop3A_577 = arith.index_cast %parallel_loop3A_130 : i32 to index
          %parallel_loop3A_578 = arith.index_cast %parallel_loop3A_132 : i32 to index
          %parallel_loop3A_579 = arith.constant 80 : index
          %parallel_loop3A_580 = tpu.vector_load %arg12[%parallel_loop3A_577, %parallel_loop3A_578, %parallel_loop3A_579] {strides = array<i32>} : memref<2x8x128xf32, #tpu.memory_space<vmem>>, vector<1x1x16xf32>,
          %parallel_loop3A_581 = vector.shape_cast %parallel_loop3A_580 : vector<1x1x16xf32> to vector<16xf32>
          %parallel_loop3A_582 = vector.shape_cast %parallel_loop3A_576 : vector<16xf32> to vector<1x1x16xf32>
          tpu.vector_store %arg12[%parallel_loop3A_577, %parallel_loop3A_578, %parallel_loop3A_579], %parallel_loop3A_582 {strides = array<i32>} : memref<2x8x128xf32, #tpu.memory_space<vmem>>, vector<1x1x16xf32>,
          %parallel_loop3A_583 = arith.constant 7 : i32
          %parallel_loop3A_584 = arith.muli %parallel_loop3A_583, %parallel_loop3A_130 : i32
          %parallel_loop3A_585 = arith.constant 0 : i32
          %parallel_loop3A_586 = arith.addi %parallel_loop3A_584, %parallel_loop3A_585 : i32
          %parallel_loop3A_587 = arith.index_cast %parallel_loop3A_586 : i32 to index
          %parallel_loop3A_588 = arith.index_cast %parallel_loop3A_132 : i32 to index
          %parallel_loop3A_589 = arith.constant 96 : index
          %parallel_loop3A_590 = tpu.vector_load %arg8[%parallel_loop3A_587, %parallel_loop3A_588, %parallel_loop3A_589] {strides = array<i32>} : memref<14x8x128xf32, #tpu.memory_space<vmem>>, vector<1x1x16xf32>,
          %parallel_loop3A_591 = vector.shape_cast %parallel_loop3A_590 : vector<1x1x16xf32> to vector<16xf32>
          %parallel_loop3A_592 = arith.constant 7 : i32
          %parallel_loop3A_593 = arith.muli %parallel_loop3A_592, %parallel_loop3A_130 : i32
          %parallel_loop3A_594 = arith.constant 1 : i32
          %parallel_loop3A_595 = arith.addi %parallel_loop3A_593, %parallel_loop3A_594 : i32
          %parallel_loop3A_596 = arith.index_cast %parallel_loop3A_595 : i32 to index
          %parallel_loop3A_597 = arith.index_cast %parallel_loop3A_132 : i32 to index
          %parallel_loop3A_598 = arith.constant 96 : index
          %parallel_loop3A_599 = tpu.vector_load %arg8[%parallel_loop3A_596, %parallel_loop3A_597, %parallel_loop3A_598] {strides = array<i32>} : memref<14x8x128xf32, #tpu.memory_space<vmem>>, vector<1x1x16xf32>,
          %parallel_loop3A_600 = vector.shape_cast %parallel_loop3A_599 : vector<1x1x16xf32> to vector<16xf32>
          %parallel_loop3A_601 = arith.constant 7 : i32
          %parallel_loop3A_602 = arith.muli %parallel_loop3A_601, %parallel_loop3A_130 : i32
          %parallel_loop3A_603 = arith.constant 2 : i32
          %parallel_loop3A_604 = arith.addi %parallel_loop3A_602, %parallel_loop3A_603 : i32
          %parallel_loop3A_605 = arith.index_cast %parallel_loop3A_604 : i32 to index
          %parallel_loop3A_606 = arith.index_cast %parallel_loop3A_132 : i32 to index
          %parallel_loop3A_607 = arith.constant 96 : index
          %parallel_loop3A_608 = tpu.vector_load %arg8[%parallel_loop3A_605, %parallel_loop3A_606, %parallel_loop3A_607] {strides = array<i32>} : memref<14x8x128xf32, #tpu.memory_space<vmem>>, vector<1x1x16xf32>,
          %parallel_loop3A_609 = vector.shape_cast %parallel_loop3A_608 : vector<1x1x16xf32> to vector<16xf32>
          %parallel_loop3A_610 = arith.constant 7 : i32
          %parallel_loop3A_611 = arith.muli %parallel_loop3A_610, %parallel_loop3A_130 : i32
          %parallel_loop3A_612 = arith.constant 3 : i32
          %parallel_loop3A_613 = arith.addi %parallel_loop3A_611, %parallel_loop3A_612 : i32
          %parallel_loop3A_614 = arith.index_cast %parallel_loop3A_613 : i32 to index
          %parallel_loop3A_615 = arith.index_cast %parallel_loop3A_132 : i32 to index
          %parallel_loop3A_616 = arith.constant 96 : index
          %parallel_loop3A_617 = tpu.vector_load %arg8[%parallel_loop3A_614, %parallel_loop3A_615, %parallel_loop3A_616] {strides = array<i32>} : memref<14x8x128xf32, #tpu.memory_space<vmem>>, vector<1x1x16xf32>,
          %parallel_loop3A_618 = vector.shape_cast %parallel_loop3A_617 : vector<1x1x16xf32> to vector<16xf32>
          %parallel_loop3A_619 = arith.constant 7 : i32
          %parallel_loop3A_620 = arith.muli %parallel_loop3A_619, %parallel_loop3A_130 : i32
          %parallel_loop3A_621 = arith.constant 4 : i32
          %parallel_loop3A_622 = arith.addi %parallel_loop3A_620, %parallel_loop3A_621 : i32
          %parallel_loop3A_623 = arith.index_cast %parallel_loop3A_622 : i32 to index
          %parallel_loop3A_624 = arith.index_cast %parallel_loop3A_132 : i32 to index
          %parallel_loop3A_625 = arith.constant 96 : index
          %parallel_loop3A_626 = tpu.vector_load %arg8[%parallel_loop3A_623, %parallel_loop3A_624, %parallel_loop3A_625] {strides = array<i32>} : memref<14x8x128xf32, #tpu.memory_space<vmem>>, vector<1x1x16xf32>,
          %parallel_loop3A_627 = vector.shape_cast %parallel_loop3A_626 : vector<1x1x16xf32> to vector<16xf32>
          %parallel_loop3A_628 = arith.constant 7 : i32
          %parallel_loop3A_629 = arith.muli %parallel_loop3A_628, %parallel_loop3A_130 : i32
          %parallel_loop3A_630 = arith.constant 5 : i32
          %parallel_loop3A_631 = arith.addi %parallel_loop3A_629, %parallel_loop3A_630 : i32
          %parallel_loop3A_632 = arith.index_cast %parallel_loop3A_631 : i32 to index
          %parallel_loop3A_633 = arith.index_cast %parallel_loop3A_132 : i32 to index
          %parallel_loop3A_634 = arith.constant 96 : index
          %parallel_loop3A_635 = tpu.vector_load %arg8[%parallel_loop3A_632, %parallel_loop3A_633, %parallel_loop3A_634] {strides = array<i32>} : memref<14x8x128xf32, #tpu.memory_space<vmem>>, vector<1x1x16xf32>,
          %parallel_loop3A_636 = vector.shape_cast %parallel_loop3A_635 : vector<1x1x16xf32> to vector<16xf32>
          %parallel_loop3A_637 = arith.constant 7 : i32
          %parallel_loop3A_638 = arith.muli %parallel_loop3A_637, %parallel_loop3A_130 : i32
          %parallel_loop3A_639 = arith.constant 6 : i32
          %parallel_loop3A_640 = arith.addi %parallel_loop3A_638, %parallel_loop3A_639 : i32
          %parallel_loop3A_641 = arith.index_cast %parallel_loop3A_640 : i32 to index
          %parallel_loop3A_642 = arith.index_cast %parallel_loop3A_132 : i32 to index
          %parallel_loop3A_643 = arith.constant 96 : index
          %parallel_loop3A_644 = tpu.vector_load %arg8[%parallel_loop3A_641, %parallel_loop3A_642, %parallel_loop3A_643] {strides = array<i32>} : memref<14x8x128xf32, #tpu.memory_space<vmem>>, vector<1x1x16xf32>,
          %parallel_loop3A_645 = vector.shape_cast %parallel_loop3A_644 : vector<1x1x16xf32> to vector<16xf32>
          %parallel_loop3A_646 = arith.maximumf %parallel_loop3A_591, %parallel_loop3A_600 : vector<16xf32>
          %parallel_loop3A_647 = arith.maximumf %parallel_loop3A_609, %parallel_loop3A_618 : vector<16xf32>
          %parallel_loop3A_648 = arith.maximumf %parallel_loop3A_627, %parallel_loop3A_636 : vector<16xf32>
          %parallel_loop3A_649 = arith.maximumf %parallel_loop3A_646, %parallel_loop3A_647 : vector<16xf32>
          %parallel_loop3A_650 = arith.maximumf %parallel_loop3A_648, %parallel_loop3A_645 : vector<16xf32>
          %parallel_loop3A_651 = arith.maximumf %parallel_loop3A_649, %parallel_loop3A_650 : vector<16xf32>
          %parallel_loop3A_652 = arith.index_cast %parallel_loop3A_130 : i32 to index
          %parallel_loop3A_653 = arith.index_cast %parallel_loop3A_132 : i32 to index
          %parallel_loop3A_654 = arith.constant 96 : index
          %parallel_loop3A_655 = tpu.vector_load %arg12[%parallel_loop3A_652, %parallel_loop3A_653, %parallel_loop3A_654] {strides = array<i32>} : memref<2x8x128xf32, #tpu.memory_space<vmem>>, vector<1x1x16xf32>,
          %parallel_loop3A_656 = vector.shape_cast %parallel_loop3A_655 : vector<1x1x16xf32> to vector<16xf32>
          %parallel_loop3A_657 = vector.shape_cast %parallel_loop3A_651 : vector<16xf32> to vector<1x1x16xf32>
          tpu.vector_store %arg12[%parallel_loop3A_652, %parallel_loop3A_653, %parallel_loop3A_654], %parallel_loop3A_657 {strides = array<i32>} : memref<2x8x128xf32, #tpu.memory_space<vmem>>, vector<1x1x16xf32>,
          %parallel_loop3A_658 = arith.constant 7 : i32
          %parallel_loop3A_659 = arith.muli %parallel_loop3A_658, %parallel_loop3A_130 : i32
          %parallel_loop3A_660 = arith.constant 0 : i32
          %parallel_loop3A_661 = arith.addi %parallel_loop3A_659, %parallel_loop3A_660 : i32
          %parallel_loop3A_662 = arith.index_cast %parallel_loop3A_661 : i32 to index
          %parallel_loop3A_663 = arith.index_cast %parallel_loop3A_132 : i32 to index
          %parallel_loop3A_664 = arith.constant 112 : index
          %parallel_loop3A_665 = tpu.vector_load %arg8[%parallel_loop3A_662, %parallel_loop3A_663, %parallel_loop3A_664] {strides = array<i32>} : memref<14x8x128xf32, #tpu.memory_space<vmem>>, vector<1x1x16xf32>,
          %parallel_loop3A_666 = vector.shape_cast %parallel_loop3A_665 : vector<1x1x16xf32> to vector<16xf32>
          %parallel_loop3A_667 = arith.constant 7 : i32
          %parallel_loop3A_668 = arith.muli %parallel_loop3A_667, %parallel_loop3A_130 : i32
          %parallel_loop3A_669 = arith.constant 1 : i32
          %parallel_loop3A_670 = arith.addi %parallel_loop3A_668, %parallel_loop3A_669 : i32
          %parallel_loop3A_671 = arith.index_cast %parallel_loop3A_670 : i32 to index
          %parallel_loop3A_672 = arith.index_cast %parallel_loop3A_132 : i32 to index
          %parallel_loop3A_673 = arith.constant 112 : index
          %parallel_loop3A_674 = tpu.vector_load %arg8[%parallel_loop3A_671, %parallel_loop3A_672, %parallel_loop3A_673] {strides = array<i32>} : memref<14x8x128xf32, #tpu.memory_space<vmem>>, vector<1x1x16xf32>,
          %parallel_loop3A_675 = vector.shape_cast %parallel_loop3A_674 : vector<1x1x16xf32> to vector<16xf32>
          %parallel_loop3A_676 = arith.constant 7 : i32
          %parallel_loop3A_677 = arith.muli %parallel_loop3A_676, %parallel_loop3A_130 : i32
          %parallel_loop3A_678 = arith.constant 2 : i32
          %parallel_loop3A_679 = arith.addi %parallel_loop3A_677, %parallel_loop3A_678 : i32
          %parallel_loop3A_680 = arith.index_cast %parallel_loop3A_679 : i32 to index
          %parallel_loop3A_681 = arith.index_cast %parallel_loop3A_132 : i32 to index
          %parallel_loop3A_682 = arith.constant 112 : index
          %parallel_loop3A_683 = tpu.vector_load %arg8[%parallel_loop3A_680, %parallel_loop3A_681, %parallel_loop3A_682] {strides = array<i32>} : memref<14x8x128xf32, #tpu.memory_space<vmem>>, vector<1x1x16xf32>,
          %parallel_loop3A_684 = vector.shape_cast %parallel_loop3A_683 : vector<1x1x16xf32> to vector<16xf32>
          %parallel_loop3A_685 = arith.constant 7 : i32
          %parallel_loop3A_686 = arith.muli %parallel_loop3A_685, %parallel_loop3A_130 : i32
          %parallel_loop3A_687 = arith.constant 3 : i32
          %parallel_loop3A_688 = arith.addi %parallel_loop3A_686, %parallel_loop3A_687 : i32
          %parallel_loop3A_689 = arith.index_cast %parallel_loop3A_688 : i32 to index
          %parallel_loop3A_690 = arith.index_cast %parallel_loop3A_132 : i32 to index
          %parallel_loop3A_691 = arith.constant 112 : index
          %parallel_loop3A_692 = tpu.vector_load %arg8[%parallel_loop3A_689, %parallel_loop3A_690, %parallel_loop3A_691] {strides = array<i32>} : memref<14x8x128xf32, #tpu.memory_space<vmem>>, vector<1x1x16xf32>,
          %parallel_loop3A_693 = vector.shape_cast %parallel_loop3A_692 : vector<1x1x16xf32> to vector<16xf32>
          %parallel_loop3A_694 = arith.constant 7 : i32
          %parallel_loop3A_695 = arith.muli %parallel_loop3A_694, %parallel_loop3A_130 : i32
          %parallel_loop3A_696 = arith.constant 4 : i32
          %parallel_loop3A_697 = arith.addi %parallel_loop3A_695, %parallel_loop3A_696 : i32
          %parallel_loop3A_698 = arith.index_cast %parallel_loop3A_697 : i32 to index
          %parallel_loop3A_699 = arith.index_cast %parallel_loop3A_132 : i32 to index
          %parallel_loop3A_700 = arith.constant 112 : index
          %parallel_loop3A_701 = tpu.vector_load %arg8[%parallel_loop3A_698, %parallel_loop3A_699, %parallel_loop3A_700] {strides = array<i32>} : memref<14x8x128xf32, #tpu.memory_space<vmem>>, vector<1x1x16xf32>,
          %parallel_loop3A_702 = vector.shape_cast %parallel_loop3A_701 : vector<1x1x16xf32> to vector<16xf32>
          %parallel_loop3A_703 = arith.constant 7 : i32
          %parallel_loop3A_704 = arith.muli %parallel_loop3A_703, %parallel_loop3A_130 : i32
          %parallel_loop3A_705 = arith.constant 5 : i32
          %parallel_loop3A_706 = arith.addi %parallel_loop3A_704, %parallel_loop3A_705 : i32
          %parallel_loop3A_707 = arith.index_cast %parallel_loop3A_706 : i32 to index
          %parallel_loop3A_708 = arith.index_cast %parallel_loop3A_132 : i32 to index
          %parallel_loop3A_709 = arith.constant 112 : index
          %parallel_loop3A_710 = tpu.vector_load %arg8[%parallel_loop3A_707, %parallel_loop3A_708, %parallel_loop3A_709] {strides = array<i32>} : memref<14x8x128xf32, #tpu.memory_space<vmem>>, vector<1x1x16xf32>,
          %parallel_loop3A_711 = vector.shape_cast %parallel_loop3A_710 : vector<1x1x16xf32> to vector<16xf32>
          %parallel_loop3A_712 = arith.constant 7 : i32
          %parallel_loop3A_713 = arith.muli %parallel_loop3A_712, %parallel_loop3A_130 : i32
          %parallel_loop3A_714 = arith.constant 6 : i32
          %parallel_loop3A_715 = arith.addi %parallel_loop3A_713, %parallel_loop3A_714 : i32
          %parallel_loop3A_716 = arith.index_cast %parallel_loop3A_715 : i32 to index
          %parallel_loop3A_717 = arith.index_cast %parallel_loop3A_132 : i32 to index
          %parallel_loop3A_718 = arith.constant 112 : index
          %parallel_loop3A_719 = tpu.vector_load %arg8[%parallel_loop3A_716, %parallel_loop3A_717, %parallel_loop3A_718] {strides = array<i32>} : memref<14x8x128xf32, #tpu.memory_space<vmem>>, vector<1x1x16xf32>,
          %parallel_loop3A_720 = vector.shape_cast %parallel_loop3A_719 : vector<1x1x16xf32> to vector<16xf32>
          %parallel_loop3A_721 = arith.maximumf %parallel_loop3A_666, %parallel_loop3A_675 : vector<16xf32>
          %parallel_loop3A_722 = arith.maximumf %parallel_loop3A_684, %parallel_loop3A_693 : vector<16xf32>
          %parallel_loop3A_723 = arith.maximumf %parallel_loop3A_702, %parallel_loop3A_711 : vector<16xf32>
          %parallel_loop3A_724 = arith.maximumf %parallel_loop3A_721, %parallel_loop3A_722 : vector<16xf32>
          %parallel_loop3A_725 = arith.maximumf %parallel_loop3A_723, %parallel_loop3A_720 : vector<16xf32>
          %parallel_loop3A_726 = arith.maximumf %parallel_loop3A_724, %parallel_loop3A_725 : vector<16xf32>
          %parallel_loop3A_727 = arith.index_cast %parallel_loop3A_130 : i32 to index
          %parallel_loop3A_728 = arith.index_cast %parallel_loop3A_132 : i32 to index
          %parallel_loop3A_729 = arith.constant 112 : index
          %parallel_loop3A_730 = tpu.vector_load %arg12[%parallel_loop3A_727, %parallel_loop3A_728, %parallel_loop3A_729] {strides = array<i32>} : memref<2x8x128xf32, #tpu.memory_space<vmem>>, vector<1x1x16xf32>,
          %parallel_loop3A_731 = vector.shape_cast %parallel_loop3A_730 : vector<1x1x16xf32> to vector<16xf32>
          %parallel_loop3A_732 = vector.shape_cast %parallel_loop3A_726 : vector<16xf32> to vector<1x1x16xf32>
          tpu.vector_store %arg12[%parallel_loop3A_727, %parallel_loop3A_728, %parallel_loop3A_729], %parallel_loop3A_732 {strides = array<i32>} : memref<2x8x128xf32, #tpu.memory_space<vmem>>, vector<1x1x16xf32>,
        } {sc.loop_unroll_factor = 2 : i64, sc.parallel_access}
        %add3A_119 = arith.addi %mul3A_2, %add3A_87 : i32
        %mul3A_120 = arith.constant 2 : i32
        %mul3A_121 = arith.muli %add3A_119, %mul3A_120 : i32
        %dma_start3A_122 = arith.constant 0 : i32
        %dma_start3A_123 = arith.constant 0 : i32
        %dma_start3A_124 = tpu.memref_slice %arg4[%mul3A_121, %dma_start3A_122, %dma_start3A_123] : memref<10242x8x128xf32, #tpu.memory_space<hbm>> -> memref<2x8x128xf32, #tpu.memory_space<hbm>>
        %dma_start3A_125 = arith.constant 0 : i32
        %dma_start3A_126 = arith.constant 0 : i32
        %dma_start3A_127 = tpu.memref_slice %arg4[%mul3A_121, %dma_start3A_125, %dma_start3A_126] : memref<10242x8x128xf32, #tpu.memory_space<hbm>> -> memref<2x8x128xf32, #tpu.memory_space<hbm>>
        tpu.enqueue_dma source(%arg12 : memref<2x8x128xf32, #tpu.memory_space<vmem>>) target(%dma_start3A_127 : memref<2x8x128xf32, #tpu.memory_space<hbm>>) target_semaphore(%arg18 : memref<!tpu.dma_semaphore, #tpu.memory_space<semaphore_mem>>)
      } else {
      }
      %add3A_92 = arith.constant 4 : i32
      %add3A_93 = arith.addi %add3A_87, %add3A_92 : i32
      %lt3A_94 = arith.cmpi slt, %add3A_93, %select_n3A : i32
      %convert_element_type3A_95 = arith.extui %lt3A_94 : i1 to i32
      %cond3A_96 = arith.constant 0 : i32
      %cond3A_97 = arith.cmpi ne, %convert_element_type3A_95, %cond3A_96 : i32
      scf.if %cond3A_97 {
        %add3A_112 = arith.constant 4 : i32
        %add3A_113 = arith.addi %add3A_87, %add3A_112 : i32
        %mul3A_114 = arith.constant 16 : i32
        %mul3A_115 = arith.muli %add3A_113, %mul3A_114 : i32
        %dma_start3A_116 = tpu.memref_slice %arg5[%mul3A_115] : memref<2576xi32, #tpu.memory_space<vmem>> -> memref<14xi32, #tpu.memory_space<vmem>>
        %dma_start3A_117 = arith.constant 0 : i32
        %dma_start3A_118 = arith.constant 0 : i32
        %dma_start3A_119 = arith.constant 0 : i32
        %dma_start3A_120 = tpu.memref_slice %arg2[%dma_start3A_117, %dma_start3A_118, %dma_start3A_119] : memref<40962x8x128xf32, #tpu.memory_space<hbm>> -> memref<40962x8x128xf32, #tpu.memory_space<hbm>>
        tpu.enqueue_indirect_dma source(%dma_start3A_120 : memref<40962x8x128xf32, #tpu.memory_space<hbm>>) target(%arg8 : memref<14x8x128xf32, #tpu.memory_space<vmem>>) offsets(%dma_start3A_116 : memref<14xi32, #tpu.memory_space<vmem>>) semaphore(%arg16 : memref<!tpu.dma_semaphore, #tpu.memory_space<semaphore_mem>>)
      } else {
      }
      %mul3A_98 = arith.constant 4 : i32
      %mul3A_99 = arith.muli %mul3A_98, %scan3A_52 : i32
      %add3A_100 = arith.constant 3 : i32
      %add3A_101 = arith.addi %mul3A_99, %add3A_100 : i32
      %lt3A_102 = arith.cmpi slt, %add3A_101, %select_n3A : i32
      %convert_element_type3A_103 = arith.extui %lt3A_102 : i1 to i32
      %cond3A_104 = arith.constant 0 : i32
      %cond3A_105 = arith.cmpi ne, %convert_element_type3A_103, %cond3A_104 : i32
      scf.if %cond3A_105 {
        %dma_wait3A = arith.constant 0 : i32
        %dma_wait3A_112 = tpu.memref_slice %arg5[%dma_wait3A] : memref<2576xi32, #tpu.memory_space<vmem>> -> memref<14xi32, #tpu.memory_space<vmem>>
        %dma_wait3A_113 = arith.constant 0 : i32
        %dma_wait3A_114 = arith.constant 0 : i32
        %dma_wait3A_115 = arith.constant 0 : i32
        %dma_wait3A_116 = tpu.memref_slice %arg2[%dma_wait3A_113, %dma_wait3A_114, %dma_wait3A_115] : memref<40962x8x128xf32, #tpu.memory_space<hbm>> -> memref<40962x8x128xf32, #tpu.memory_space<hbm>>
        tpu.wait_indirect_dma semaphore(%arg17 : memref<!tpu.dma_semaphore, #tpu.memory_space<semaphore_mem>>) src(%dma_wait3A_116 : memref<40962x8x128xf32, #tpu.memory_space<hbm>>) dst(%arg9 : memref<14x8x128xf32, #tpu.memory_space<vmem>>)
        %parallel_loop3A = arith.constant 0 : i32
        %parallel_loop3A_117 = arith.constant 16 : i32
        %parallel_loop3A_118 = arith.constant 1 : i32
        scf.for %parallel_loop3A_128 = %parallel_loop3A to %parallel_loop3A_117 step %parallel_loop3A_118  : i32 {
          %parallel_loop3A_129 = arith.constant 3 : i32
          %parallel_loop3A_130 = arith.shrui %parallel_loop3A_128, %parallel_loop3A_129 : i32
          %parallel_loop3A_131 = arith.constant 7 : i32
          %parallel_loop3A_132 = arith.andi %parallel_loop3A_128, %parallel_loop3A_131 : i32
          %parallel_loop3A_133 = arith.constant 7 : i32
          %parallel_loop3A_134 = arith.muli %parallel_loop3A_133, %parallel_loop3A_130 : i32
          %parallel_loop3A_135 = arith.constant 0 : i32
          %parallel_loop3A_136 = arith.addi %parallel_loop3A_134, %parallel_loop3A_135 : i32
          %parallel_loop3A_137 = arith.index_cast %parallel_loop3A_136 : i32 to index
          %parallel_loop3A_138 = arith.index_cast %parallel_loop3A_132 : i32 to index
          %parallel_loop3A_139 = arith.constant 0 : index
          %parallel_loop3A_140 = tpu.vector_load %arg9[%parallel_loop3A_137, %parallel_loop3A_138, %parallel_loop3A_139] {strides = array<i32>} : memref<14x8x128xf32, #tpu.memory_space<vmem>>, vector<1x1x16xf32>,
          %parallel_loop3A_141 = vector.shape_cast %parallel_loop3A_140 : vector<1x1x16xf32> to vector<16xf32>
          %parallel_loop3A_142 = arith.constant 7 : i32
          %parallel_loop3A_143 = arith.muli %parallel_loop3A_142, %parallel_loop3A_130 : i32
          %parallel_loop3A_144 = arith.constant 1 : i32
          %parallel_loop3A_145 = arith.addi %parallel_loop3A_143, %parallel_loop3A_144 : i32
          %parallel_loop3A_146 = arith.index_cast %parallel_loop3A_145 : i32 to index
          %parallel_loop3A_147 = arith.index_cast %parallel_loop3A_132 : i32 to index
          %parallel_loop3A_148 = arith.constant 0 : index
          %parallel_loop3A_149 = tpu.vector_load %arg9[%parallel_loop3A_146, %parallel_loop3A_147, %parallel_loop3A_148] {strides = array<i32>} : memref<14x8x128xf32, #tpu.memory_space<vmem>>, vector<1x1x16xf32>,
          %parallel_loop3A_150 = vector.shape_cast %parallel_loop3A_149 : vector<1x1x16xf32> to vector<16xf32>
          %parallel_loop3A_151 = arith.constant 7 : i32
          %parallel_loop3A_152 = arith.muli %parallel_loop3A_151, %parallel_loop3A_130 : i32
          %parallel_loop3A_153 = arith.constant 2 : i32
          %parallel_loop3A_154 = arith.addi %parallel_loop3A_152, %parallel_loop3A_153 : i32
          %parallel_loop3A_155 = arith.index_cast %parallel_loop3A_154 : i32 to index
          %parallel_loop3A_156 = arith.index_cast %parallel_loop3A_132 : i32 to index
          %parallel_loop3A_157 = arith.constant 0 : index
          %parallel_loop3A_158 = tpu.vector_load %arg9[%parallel_loop3A_155, %parallel_loop3A_156, %parallel_loop3A_157] {strides = array<i32>} : memref<14x8x128xf32, #tpu.memory_space<vmem>>, vector<1x1x16xf32>,
          %parallel_loop3A_159 = vector.shape_cast %parallel_loop3A_158 : vector<1x1x16xf32> to vector<16xf32>
          %parallel_loop3A_160 = arith.constant 7 : i32
          %parallel_loop3A_161 = arith.muli %parallel_loop3A_160, %parallel_loop3A_130 : i32
          %parallel_loop3A_162 = arith.constant 3 : i32
          %parallel_loop3A_163 = arith.addi %parallel_loop3A_161, %parallel_loop3A_162 : i32
          %parallel_loop3A_164 = arith.index_cast %parallel_loop3A_163 : i32 to index
          %parallel_loop3A_165 = arith.index_cast %parallel_loop3A_132 : i32 to index
          %parallel_loop3A_166 = arith.constant 0 : index
          %parallel_loop3A_167 = tpu.vector_load %arg9[%parallel_loop3A_164, %parallel_loop3A_165, %parallel_loop3A_166] {strides = array<i32>} : memref<14x8x128xf32, #tpu.memory_space<vmem>>, vector<1x1x16xf32>,
          %parallel_loop3A_168 = vector.shape_cast %parallel_loop3A_167 : vector<1x1x16xf32> to vector<16xf32>
          %parallel_loop3A_169 = arith.constant 7 : i32
          %parallel_loop3A_170 = arith.muli %parallel_loop3A_169, %parallel_loop3A_130 : i32
          %parallel_loop3A_171 = arith.constant 4 : i32
          %parallel_loop3A_172 = arith.addi %parallel_loop3A_170, %parallel_loop3A_171 : i32
          %parallel_loop3A_173 = arith.index_cast %parallel_loop3A_172 : i32 to index
          %parallel_loop3A_174 = arith.index_cast %parallel_loop3A_132 : i32 to index
          %parallel_loop3A_175 = arith.constant 0 : index
          %parallel_loop3A_176 = tpu.vector_load %arg9[%parallel_loop3A_173, %parallel_loop3A_174, %parallel_loop3A_175] {strides = array<i32>} : memref<14x8x128xf32, #tpu.memory_space<vmem>>, vector<1x1x16xf32>,
          %parallel_loop3A_177 = vector.shape_cast %parallel_loop3A_176 : vector<1x1x16xf32> to vector<16xf32>
          %parallel_loop3A_178 = arith.constant 7 : i32
          %parallel_loop3A_179 = arith.muli %parallel_loop3A_178, %parallel_loop3A_130 : i32
          %parallel_loop3A_180 = arith.constant 5 : i32
          %parallel_loop3A_181 = arith.addi %parallel_loop3A_179, %parallel_loop3A_180 : i32
          %parallel_loop3A_182 = arith.index_cast %parallel_loop3A_181 : i32 to index
          %parallel_loop3A_183 = arith.index_cast %parallel_loop3A_132 : i32 to index
          %parallel_loop3A_184 = arith.constant 0 : index
          %parallel_loop3A_185 = tpu.vector_load %arg9[%parallel_loop3A_182, %parallel_loop3A_183, %parallel_loop3A_184] {strides = array<i32>} : memref<14x8x128xf32, #tpu.memory_space<vmem>>, vector<1x1x16xf32>,
          %parallel_loop3A_186 = vector.shape_cast %parallel_loop3A_185 : vector<1x1x16xf32> to vector<16xf32>
          %parallel_loop3A_187 = arith.constant 7 : i32
          %parallel_loop3A_188 = arith.muli %parallel_loop3A_187, %parallel_loop3A_130 : i32
          %parallel_loop3A_189 = arith.constant 6 : i32
          %parallel_loop3A_190 = arith.addi %parallel_loop3A_188, %parallel_loop3A_189 : i32
          %parallel_loop3A_191 = arith.index_cast %parallel_loop3A_190 : i32 to index
          %parallel_loop3A_192 = arith.index_cast %parallel_loop3A_132 : i32 to index
          %parallel_loop3A_193 = arith.constant 0 : index
          %parallel_loop3A_194 = tpu.vector_load %arg9[%parallel_loop3A_191, %parallel_loop3A_192, %parallel_loop3A_193] {strides = array<i32>} : memref<14x8x128xf32, #tpu.memory_space<vmem>>, vector<1x1x16xf32>,
          %parallel_loop3A_195 = vector.shape_cast %parallel_loop3A_194 : vector<1x1x16xf32> to vector<16xf32>
          %parallel_loop3A_196 = arith.maximumf %parallel_loop3A_141, %parallel_loop3A_150 : vector<16xf32>
          %parallel_loop3A_197 = arith.maximumf %parallel_loop3A_159, %parallel_loop3A_168 : vector<16xf32>
          %parallel_loop3A_198 = arith.maximumf %parallel_loop3A_177, %parallel_loop3A_186 : vector<16xf32>
          %parallel_loop3A_199 = arith.maximumf %parallel_loop3A_196, %parallel_loop3A_197 : vector<16xf32>
          %parallel_loop3A_200 = arith.maximumf %parallel_loop3A_198, %parallel_loop3A_195 : vector<16xf32>
          %parallel_loop3A_201 = arith.maximumf %parallel_loop3A_199, %parallel_loop3A_200 : vector<16xf32>
          %parallel_loop3A_202 = arith.index_cast %parallel_loop3A_130 : i32 to index
          %parallel_loop3A_203 = arith.index_cast %parallel_loop3A_132 : i32 to index
          %parallel_loop3A_204 = arith.constant 0 : index
          %parallel_loop3A_205 = tpu.vector_load %arg13[%parallel_loop3A_202, %parallel_loop3A_203, %parallel_loop3A_204] {strides = array<i32>} : memref<2x8x128xf32, #tpu.memory_space<vmem>>, vector<1x1x16xf32>,
          %parallel_loop3A_206 = vector.shape_cast %parallel_loop3A_205 : vector<1x1x16xf32> to vector<16xf32>
          %parallel_loop3A_207 = vector.shape_cast %parallel_loop3A_201 : vector<16xf32> to vector<1x1x16xf32>
          tpu.vector_store %arg13[%parallel_loop3A_202, %parallel_loop3A_203, %parallel_loop3A_204], %parallel_loop3A_207 {strides = array<i32>} : memref<2x8x128xf32, #tpu.memory_space<vmem>>, vector<1x1x16xf32>,
          %parallel_loop3A_208 = arith.constant 7 : i32
          %parallel_loop3A_209 = arith.muli %parallel_loop3A_208, %parallel_loop3A_130 : i32
          %parallel_loop3A_210 = arith.constant 0 : i32
          %parallel_loop3A_211 = arith.addi %parallel_loop3A_209, %parallel_loop3A_210 : i32
          %parallel_loop3A_212 = arith.index_cast %parallel_loop3A_211 : i32 to index
          %parallel_loop3A_213 = arith.index_cast %parallel_loop3A_132 : i32 to index
          %parallel_loop3A_214 = arith.constant 16 : index
          %parallel_loop3A_215 = tpu.vector_load %arg9[%parallel_loop3A_212, %parallel_loop3A_213, %parallel_loop3A_214] {strides = array<i32>} : memref<14x8x128xf32, #tpu.memory_space<vmem>>, vector<1x1x16xf32>,
          %parallel_loop3A_216 = vector.shape_cast %parallel_loop3A_215 : vector<1x1x16xf32> to vector<16xf32>
          %parallel_loop3A_217 = arith.constant 7 : i32
          %parallel_loop3A_218 = arith.muli %parallel_loop3A_217, %parallel_loop3A_130 : i32
          %parallel_loop3A_219 = arith.constant 1 : i32
          %parallel_loop3A_220 = arith.addi %parallel_loop3A_218, %parallel_loop3A_219 : i32
          %parallel_loop3A_221 = arith.index_cast %parallel_loop3A_220 : i32 to index
          %parallel_loop3A_222 = arith.index_cast %parallel_loop3A_132 : i32 to index
          %parallel_loop3A_223 = arith.constant 16 : index
          %parallel_loop3A_224 = tpu.vector_load %arg9[%parallel_loop3A_221, %parallel_loop3A_222, %parallel_loop3A_223] {strides = array<i32>} : memref<14x8x128xf32, #tpu.memory_space<vmem>>, vector<1x1x16xf32>,
          %parallel_loop3A_225 = vector.shape_cast %parallel_loop3A_224 : vector<1x1x16xf32> to vector<16xf32>
          %parallel_loop3A_226 = arith.constant 7 : i32
          %parallel_loop3A_227 = arith.muli %parallel_loop3A_226, %parallel_loop3A_130 : i32
          %parallel_loop3A_228 = arith.constant 2 : i32
          %parallel_loop3A_229 = arith.addi %parallel_loop3A_227, %parallel_loop3A_228 : i32
          %parallel_loop3A_230 = arith.index_cast %parallel_loop3A_229 : i32 to index
          %parallel_loop3A_231 = arith.index_cast %parallel_loop3A_132 : i32 to index
          %parallel_loop3A_232 = arith.constant 16 : index
          %parallel_loop3A_233 = tpu.vector_load %arg9[%parallel_loop3A_230, %parallel_loop3A_231, %parallel_loop3A_232] {strides = array<i32>} : memref<14x8x128xf32, #tpu.memory_space<vmem>>, vector<1x1x16xf32>,
          %parallel_loop3A_234 = vector.shape_cast %parallel_loop3A_233 : vector<1x1x16xf32> to vector<16xf32>
          %parallel_loop3A_235 = arith.constant 7 : i32
          %parallel_loop3A_236 = arith.muli %parallel_loop3A_235, %parallel_loop3A_130 : i32
          %parallel_loop3A_237 = arith.constant 3 : i32
          %parallel_loop3A_238 = arith.addi %parallel_loop3A_236, %parallel_loop3A_237 : i32
          %parallel_loop3A_239 = arith.index_cast %parallel_loop3A_238 : i32 to index
          %parallel_loop3A_240 = arith.index_cast %parallel_loop3A_132 : i32 to index
          %parallel_loop3A_241 = arith.constant 16 : index
          %parallel_loop3A_242 = tpu.vector_load %arg9[%parallel_loop3A_239, %parallel_loop3A_240, %parallel_loop3A_241] {strides = array<i32>} : memref<14x8x128xf32, #tpu.memory_space<vmem>>, vector<1x1x16xf32>,
          %parallel_loop3A_243 = vector.shape_cast %parallel_loop3A_242 : vector<1x1x16xf32> to vector<16xf32>
          %parallel_loop3A_244 = arith.constant 7 : i32
          %parallel_loop3A_245 = arith.muli %parallel_loop3A_244, %parallel_loop3A_130 : i32
          %parallel_loop3A_246 = arith.constant 4 : i32
          %parallel_loop3A_247 = arith.addi %parallel_loop3A_245, %parallel_loop3A_246 : i32
          %parallel_loop3A_248 = arith.index_cast %parallel_loop3A_247 : i32 to index
          %parallel_loop3A_249 = arith.index_cast %parallel_loop3A_132 : i32 to index
          %parallel_loop3A_250 = arith.constant 16 : index
          %parallel_loop3A_251 = tpu.vector_load %arg9[%parallel_loop3A_248, %parallel_loop3A_249, %parallel_loop3A_250] {strides = array<i32>} : memref<14x8x128xf32, #tpu.memory_space<vmem>>, vector<1x1x16xf32>,
          %parallel_loop3A_252 = vector.shape_cast %parallel_loop3A_251 : vector<1x1x16xf32> to vector<16xf32>
          %parallel_loop3A_253 = arith.constant 7 : i32
          %parallel_loop3A_254 = arith.muli %parallel_loop3A_253, %parallel_loop3A_130 : i32
          %parallel_loop3A_255 = arith.constant 5 : i32
          %parallel_loop3A_256 = arith.addi %parallel_loop3A_254, %parallel_loop3A_255 : i32
          %parallel_loop3A_257 = arith.index_cast %parallel_loop3A_256 : i32 to index
          %parallel_loop3A_258 = arith.index_cast %parallel_loop3A_132 : i32 to index
          %parallel_loop3A_259 = arith.constant 16 : index
          %parallel_loop3A_260 = tpu.vector_load %arg9[%parallel_loop3A_257, %parallel_loop3A_258, %parallel_loop3A_259] {strides = array<i32>} : memref<14x8x128xf32, #tpu.memory_space<vmem>>, vector<1x1x16xf32>,
          %parallel_loop3A_261 = vector.shape_cast %parallel_loop3A_260 : vector<1x1x16xf32> to vector<16xf32>
          %parallel_loop3A_262 = arith.constant 7 : i32
          %parallel_loop3A_263 = arith.muli %parallel_loop3A_262, %parallel_loop3A_130 : i32
          %parallel_loop3A_264 = arith.constant 6 : i32
          %parallel_loop3A_265 = arith.addi %parallel_loop3A_263, %parallel_loop3A_264 : i32
          %parallel_loop3A_266 = arith.index_cast %parallel_loop3A_265 : i32 to index
          %parallel_loop3A_267 = arith.index_cast %parallel_loop3A_132 : i32 to index
          %parallel_loop3A_268 = arith.constant 16 : index
          %parallel_loop3A_269 = tpu.vector_load %arg9[%parallel_loop3A_266, %parallel_loop3A_267, %parallel_loop3A_268] {strides = array<i32>} : memref<14x8x128xf32, #tpu.memory_space<vmem>>, vector<1x1x16xf32>,
          %parallel_loop3A_270 = vector.shape_cast %parallel_loop3A_269 : vector<1x1x16xf32> to vector<16xf32>
          %parallel_loop3A_271 = arith.maximumf %parallel_loop3A_216, %parallel_loop3A_225 : vector<16xf32>
          %parallel_loop3A_272 = arith.maximumf %parallel_loop3A_234, %parallel_loop3A_243 : vector<16xf32>
          %parallel_loop3A_273 = arith.maximumf %parallel_loop3A_252, %parallel_loop3A_261 : vector<16xf32>
          %parallel_loop3A_274 = arith.maximumf %parallel_loop3A_271, %parallel_loop3A_272 : vector<16xf32>
          %parallel_loop3A_275 = arith.maximumf %parallel_loop3A_273, %parallel_loop3A_270 : vector<16xf32>
          %parallel_loop3A_276 = arith.maximumf %parallel_loop3A_274, %parallel_loop3A_275 : vector<16xf32>
          %parallel_loop3A_277 = arith.index_cast %parallel_loop3A_130 : i32 to index
          %parallel_loop3A_278 = arith.index_cast %parallel_loop3A_132 : i32 to index
          %parallel_loop3A_279 = arith.constant 16 : index
          %parallel_loop3A_280 = tpu.vector_load %arg13[%parallel_loop3A_277, %parallel_loop3A_278, %parallel_loop3A_279] {strides = array<i32>} : memref<2x8x128xf32, #tpu.memory_space<vmem>>, vector<1x1x16xf32>,
          %parallel_loop3A_281 = vector.shape_cast %parallel_loop3A_280 : vector<1x1x16xf32> to vector<16xf32>
          %parallel_loop3A_282 = vector.shape_cast %parallel_loop3A_276 : vector<16xf32> to vector<1x1x16xf32>
          tpu.vector_store %arg13[%parallel_loop3A_277, %parallel_loop3A_278, %parallel_loop3A_279], %parallel_loop3A_282 {strides = array<i32>} : memref<2x8x128xf32, #tpu.memory_space<vmem>>, vector<1x1x16xf32>,
          %parallel_loop3A_283 = arith.constant 7 : i32
          %parallel_loop3A_284 = arith.muli %parallel_loop3A_283, %parallel_loop3A_130 : i32
          %parallel_loop3A_285 = arith.constant 0 : i32
          %parallel_loop3A_286 = arith.addi %parallel_loop3A_284, %parallel_loop3A_285 : i32
          %parallel_loop3A_287 = arith.index_cast %parallel_loop3A_286 : i32 to index
          %parallel_loop3A_288 = arith.index_cast %parallel_loop3A_132 : i32 to index
          %parallel_loop3A_289 = arith.constant 32 : index
          %parallel_loop3A_290 = tpu.vector_load %arg9[%parallel_loop3A_287, %parallel_loop3A_288, %parallel_loop3A_289] {strides = array<i32>} : memref<14x8x128xf32, #tpu.memory_space<vmem>>, vector<1x1x16xf32>,
          %parallel_loop3A_291 = vector.shape_cast %parallel_loop3A_290 : vector<1x1x16xf32> to vector<16xf32>
          %parallel_loop3A_292 = arith.constant 7 : i32
          %parallel_loop3A_293 = arith.muli %parallel_loop3A_292, %parallel_loop3A_130 : i32
          %parallel_loop3A_294 = arith.constant 1 : i32
          %parallel_loop3A_295 = arith.addi %parallel_loop3A_293, %parallel_loop3A_294 : i32
          %parallel_loop3A_296 = arith.index_cast %parallel_loop3A_295 : i32 to index
          %parallel_loop3A_297 = arith.index_cast %parallel_loop3A_132 : i32 to index
          %parallel_loop3A_298 = arith.constant 32 : index
          %parallel_loop3A_299 = tpu.vector_load %arg9[%parallel_loop3A_296, %parallel_loop3A_297, %parallel_loop3A_298] {strides = array<i32>} : memref<14x8x128xf32, #tpu.memory_space<vmem>>, vector<1x1x16xf32>,
          %parallel_loop3A_300 = vector.shape_cast %parallel_loop3A_299 : vector<1x1x16xf32> to vector<16xf32>
          %parallel_loop3A_301 = arith.constant 7 : i32
          %parallel_loop3A_302 = arith.muli %parallel_loop3A_301, %parallel_loop3A_130 : i32
          %parallel_loop3A_303 = arith.constant 2 : i32
          %parallel_loop3A_304 = arith.addi %parallel_loop3A_302, %parallel_loop3A_303 : i32
          %parallel_loop3A_305 = arith.index_cast %parallel_loop3A_304 : i32 to index
          %parallel_loop3A_306 = arith.index_cast %parallel_loop3A_132 : i32 to index
          %parallel_loop3A_307 = arith.constant 32 : index
          %parallel_loop3A_308 = tpu.vector_load %arg9[%parallel_loop3A_305, %parallel_loop3A_306, %parallel_loop3A_307] {strides = array<i32>} : memref<14x8x128xf32, #tpu.memory_space<vmem>>, vector<1x1x16xf32>,
          %parallel_loop3A_309 = vector.shape_cast %parallel_loop3A_308 : vector<1x1x16xf32> to vector<16xf32>
          %parallel_loop3A_310 = arith.constant 7 : i32
          %parallel_loop3A_311 = arith.muli %parallel_loop3A_310, %parallel_loop3A_130 : i32
          %parallel_loop3A_312 = arith.constant 3 : i32
          %parallel_loop3A_313 = arith.addi %parallel_loop3A_311, %parallel_loop3A_312 : i32
          %parallel_loop3A_314 = arith.index_cast %parallel_loop3A_313 : i32 to index
          %parallel_loop3A_315 = arith.index_cast %parallel_loop3A_132 : i32 to index
          %parallel_loop3A_316 = arith.constant 32 : index
          %parallel_loop3A_317 = tpu.vector_load %arg9[%parallel_loop3A_314, %parallel_loop3A_315, %parallel_loop3A_316] {strides = array<i32>} : memref<14x8x128xf32, #tpu.memory_space<vmem>>, vector<1x1x16xf32>,
          %parallel_loop3A_318 = vector.shape_cast %parallel_loop3A_317 : vector<1x1x16xf32> to vector<16xf32>
          %parallel_loop3A_319 = arith.constant 7 : i32
          %parallel_loop3A_320 = arith.muli %parallel_loop3A_319, %parallel_loop3A_130 : i32
          %parallel_loop3A_321 = arith.constant 4 : i32
          %parallel_loop3A_322 = arith.addi %parallel_loop3A_320, %parallel_loop3A_321 : i32
          %parallel_loop3A_323 = arith.index_cast %parallel_loop3A_322 : i32 to index
          %parallel_loop3A_324 = arith.index_cast %parallel_loop3A_132 : i32 to index
          %parallel_loop3A_325 = arith.constant 32 : index
          %parallel_loop3A_326 = tpu.vector_load %arg9[%parallel_loop3A_323, %parallel_loop3A_324, %parallel_loop3A_325] {strides = array<i32>} : memref<14x8x128xf32, #tpu.memory_space<vmem>>, vector<1x1x16xf32>,
          %parallel_loop3A_327 = vector.shape_cast %parallel_loop3A_326 : vector<1x1x16xf32> to vector<16xf32>
          %parallel_loop3A_328 = arith.constant 7 : i32
          %parallel_loop3A_329 = arith.muli %parallel_loop3A_328, %parallel_loop3A_130 : i32
          %parallel_loop3A_330 = arith.constant 5 : i32
          %parallel_loop3A_331 = arith.addi %parallel_loop3A_329, %parallel_loop3A_330 : i32
          %parallel_loop3A_332 = arith.index_cast %parallel_loop3A_331 : i32 to index
          %parallel_loop3A_333 = arith.index_cast %parallel_loop3A_132 : i32 to index
          %parallel_loop3A_334 = arith.constant 32 : index
          %parallel_loop3A_335 = tpu.vector_load %arg9[%parallel_loop3A_332, %parallel_loop3A_333, %parallel_loop3A_334] {strides = array<i32>} : memref<14x8x128xf32, #tpu.memory_space<vmem>>, vector<1x1x16xf32>,
          %parallel_loop3A_336 = vector.shape_cast %parallel_loop3A_335 : vector<1x1x16xf32> to vector<16xf32>
          %parallel_loop3A_337 = arith.constant 7 : i32
          %parallel_loop3A_338 = arith.muli %parallel_loop3A_337, %parallel_loop3A_130 : i32
          %parallel_loop3A_339 = arith.constant 6 : i32
          %parallel_loop3A_340 = arith.addi %parallel_loop3A_338, %parallel_loop3A_339 : i32
          %parallel_loop3A_341 = arith.index_cast %parallel_loop3A_340 : i32 to index
          %parallel_loop3A_342 = arith.index_cast %parallel_loop3A_132 : i32 to index
          %parallel_loop3A_343 = arith.constant 32 : index
          %parallel_loop3A_344 = tpu.vector_load %arg9[%parallel_loop3A_341, %parallel_loop3A_342, %parallel_loop3A_343] {strides = array<i32>} : memref<14x8x128xf32, #tpu.memory_space<vmem>>, vector<1x1x16xf32>,
          %parallel_loop3A_345 = vector.shape_cast %parallel_loop3A_344 : vector<1x1x16xf32> to vector<16xf32>
          %parallel_loop3A_346 = arith.maximumf %parallel_loop3A_291, %parallel_loop3A_300 : vector<16xf32>
          %parallel_loop3A_347 = arith.maximumf %parallel_loop3A_309, %parallel_loop3A_318 : vector<16xf32>
          %parallel_loop3A_348 = arith.maximumf %parallel_loop3A_327, %parallel_loop3A_336 : vector<16xf32>
          %parallel_loop3A_349 = arith.maximumf %parallel_loop3A_346, %parallel_loop3A_347 : vector<16xf32>
          %parallel_loop3A_350 = arith.maximumf %parallel_loop3A_348, %parallel_loop3A_345 : vector<16xf32>
          %parallel_loop3A_351 = arith.maximumf %parallel_loop3A_349, %parallel_loop3A_350 : vector<16xf32>
          %parallel_loop3A_352 = arith.index_cast %parallel_loop3A_130 : i32 to index
          %parallel_loop3A_353 = arith.index_cast %parallel_loop3A_132 : i32 to index
          %parallel_loop3A_354 = arith.constant 32 : index
          %parallel_loop3A_355 = tpu.vector_load %arg13[%parallel_loop3A_352, %parallel_loop3A_353, %parallel_loop3A_354] {strides = array<i32>} : memref<2x8x128xf32, #tpu.memory_space<vmem>>, vector<1x1x16xf32>,
          %parallel_loop3A_356 = vector.shape_cast %parallel_loop3A_355 : vector<1x1x16xf32> to vector<16xf32>
          %parallel_loop3A_357 = vector.shape_cast %parallel_loop3A_351 : vector<16xf32> to vector<1x1x16xf32>
          tpu.vector_store %arg13[%parallel_loop3A_352, %parallel_loop3A_353, %parallel_loop3A_354], %parallel_loop3A_357 {strides = array<i32>} : memref<2x8x128xf32, #tpu.memory_space<vmem>>, vector<1x1x16xf32>,
          %parallel_loop3A_358 = arith.constant 7 : i32
          %parallel_loop3A_359 = arith.muli %parallel_loop3A_358, %parallel_loop3A_130 : i32
          %parallel_loop3A_360 = arith.constant 0 : i32
          %parallel_loop3A_361 = arith.addi %parallel_loop3A_359, %parallel_loop3A_360 : i32
          %parallel_loop3A_362 = arith.index_cast %parallel_loop3A_361 : i32 to index
          %parallel_loop3A_363 = arith.index_cast %parallel_loop3A_132 : i32 to index
          %parallel_loop3A_364 = arith.constant 48 : index
          %parallel_loop3A_365 = tpu.vector_load %arg9[%parallel_loop3A_362, %parallel_loop3A_363, %parallel_loop3A_364] {strides = array<i32>} : memref<14x8x128xf32, #tpu.memory_space<vmem>>, vector<1x1x16xf32>,
          %parallel_loop3A_366 = vector.shape_cast %parallel_loop3A_365 : vector<1x1x16xf32> to vector<16xf32>
          %parallel_loop3A_367 = arith.constant 7 : i32
          %parallel_loop3A_368 = arith.muli %parallel_loop3A_367, %parallel_loop3A_130 : i32
          %parallel_loop3A_369 = arith.constant 1 : i32
          %parallel_loop3A_370 = arith.addi %parallel_loop3A_368, %parallel_loop3A_369 : i32
          %parallel_loop3A_371 = arith.index_cast %parallel_loop3A_370 : i32 to index
          %parallel_loop3A_372 = arith.index_cast %parallel_loop3A_132 : i32 to index
          %parallel_loop3A_373 = arith.constant 48 : index
          %parallel_loop3A_374 = tpu.vector_load %arg9[%parallel_loop3A_371, %parallel_loop3A_372, %parallel_loop3A_373] {strides = array<i32>} : memref<14x8x128xf32, #tpu.memory_space<vmem>>, vector<1x1x16xf32>,
          %parallel_loop3A_375 = vector.shape_cast %parallel_loop3A_374 : vector<1x1x16xf32> to vector<16xf32>
          %parallel_loop3A_376 = arith.constant 7 : i32
          %parallel_loop3A_377 = arith.muli %parallel_loop3A_376, %parallel_loop3A_130 : i32
          %parallel_loop3A_378 = arith.constant 2 : i32
          %parallel_loop3A_379 = arith.addi %parallel_loop3A_377, %parallel_loop3A_378 : i32
          %parallel_loop3A_380 = arith.index_cast %parallel_loop3A_379 : i32 to index
          %parallel_loop3A_381 = arith.index_cast %parallel_loop3A_132 : i32 to index
          %parallel_loop3A_382 = arith.constant 48 : index
          %parallel_loop3A_383 = tpu.vector_load %arg9[%parallel_loop3A_380, %parallel_loop3A_381, %parallel_loop3A_382] {strides = array<i32>} : memref<14x8x128xf32, #tpu.memory_space<vmem>>, vector<1x1x16xf32>,
          %parallel_loop3A_384 = vector.shape_cast %parallel_loop3A_383 : vector<1x1x16xf32> to vector<16xf32>
          %parallel_loop3A_385 = arith.constant 7 : i32
          %parallel_loop3A_386 = arith.muli %parallel_loop3A_385, %parallel_loop3A_130 : i32
          %parallel_loop3A_387 = arith.constant 3 : i32
          %parallel_loop3A_388 = arith.addi %parallel_loop3A_386, %parallel_loop3A_387 : i32
          %parallel_loop3A_389 = arith.index_cast %parallel_loop3A_388 : i32 to index
          %parallel_loop3A_390 = arith.index_cast %parallel_loop3A_132 : i32 to index
          %parallel_loop3A_391 = arith.constant 48 : index
          %parallel_loop3A_392 = tpu.vector_load %arg9[%parallel_loop3A_389, %parallel_loop3A_390, %parallel_loop3A_391] {strides = array<i32>} : memref<14x8x128xf32, #tpu.memory_space<vmem>>, vector<1x1x16xf32>,
          %parallel_loop3A_393 = vector.shape_cast %parallel_loop3A_392 : vector<1x1x16xf32> to vector<16xf32>
          %parallel_loop3A_394 = arith.constant 7 : i32
          %parallel_loop3A_395 = arith.muli %parallel_loop3A_394, %parallel_loop3A_130 : i32
          %parallel_loop3A_396 = arith.constant 4 : i32
          %parallel_loop3A_397 = arith.addi %parallel_loop3A_395, %parallel_loop3A_396 : i32
          %parallel_loop3A_398 = arith.index_cast %parallel_loop3A_397 : i32 to index
          %parallel_loop3A_399 = arith.index_cast %parallel_loop3A_132 : i32 to index
          %parallel_loop3A_400 = arith.constant 48 : index
          %parallel_loop3A_401 = tpu.vector_load %arg9[%parallel_loop3A_398, %parallel_loop3A_399, %parallel_loop3A_400] {strides = array<i32>} : memref<14x8x128xf32, #tpu.memory_space<vmem>>, vector<1x1x16xf32>,
          %parallel_loop3A_402 = vector.shape_cast %parallel_loop3A_401 : vector<1x1x16xf32> to vector<16xf32>
          %parallel_loop3A_403 = arith.constant 7 : i32
          %parallel_loop3A_404 = arith.muli %parallel_loop3A_403, %parallel_loop3A_130 : i32
          %parallel_loop3A_405 = arith.constant 5 : i32
          %parallel_loop3A_406 = arith.addi %parallel_loop3A_404, %parallel_loop3A_405 : i32
          %parallel_loop3A_407 = arith.index_cast %parallel_loop3A_406 : i32 to index
          %parallel_loop3A_408 = arith.index_cast %parallel_loop3A_132 : i32 to index
          %parallel_loop3A_409 = arith.constant 48 : index
          %parallel_loop3A_410 = tpu.vector_load %arg9[%parallel_loop3A_407, %parallel_loop3A_408, %parallel_loop3A_409] {strides = array<i32>} : memref<14x8x128xf32, #tpu.memory_space<vmem>>, vector<1x1x16xf32>,
          %parallel_loop3A_411 = vector.shape_cast %parallel_loop3A_410 : vector<1x1x16xf32> to vector<16xf32>
          %parallel_loop3A_412 = arith.constant 7 : i32
          %parallel_loop3A_413 = arith.muli %parallel_loop3A_412, %parallel_loop3A_130 : i32
          %parallel_loop3A_414 = arith.constant 6 : i32
          %parallel_loop3A_415 = arith.addi %parallel_loop3A_413, %parallel_loop3A_414 : i32
          %parallel_loop3A_416 = arith.index_cast %parallel_loop3A_415 : i32 to index
          %parallel_loop3A_417 = arith.index_cast %parallel_loop3A_132 : i32 to index
          %parallel_loop3A_418 = arith.constant 48 : index
          %parallel_loop3A_419 = tpu.vector_load %arg9[%parallel_loop3A_416, %parallel_loop3A_417, %parallel_loop3A_418] {strides = array<i32>} : memref<14x8x128xf32, #tpu.memory_space<vmem>>, vector<1x1x16xf32>,
          %parallel_loop3A_420 = vector.shape_cast %parallel_loop3A_419 : vector<1x1x16xf32> to vector<16xf32>
          %parallel_loop3A_421 = arith.maximumf %parallel_loop3A_366, %parallel_loop3A_375 : vector<16xf32>
          %parallel_loop3A_422 = arith.maximumf %parallel_loop3A_384, %parallel_loop3A_393 : vector<16xf32>
          %parallel_loop3A_423 = arith.maximumf %parallel_loop3A_402, %parallel_loop3A_411 : vector<16xf32>
          %parallel_loop3A_424 = arith.maximumf %parallel_loop3A_421, %parallel_loop3A_422 : vector<16xf32>
          %parallel_loop3A_425 = arith.maximumf %parallel_loop3A_423, %parallel_loop3A_420 : vector<16xf32>
          %parallel_loop3A_426 = arith.maximumf %parallel_loop3A_424, %parallel_loop3A_425 : vector<16xf32>
          %parallel_loop3A_427 = arith.index_cast %parallel_loop3A_130 : i32 to index
          %parallel_loop3A_428 = arith.index_cast %parallel_loop3A_132 : i32 to index
          %parallel_loop3A_429 = arith.constant 48 : index
          %parallel_loop3A_430 = tpu.vector_load %arg13[%parallel_loop3A_427, %parallel_loop3A_428, %parallel_loop3A_429] {strides = array<i32>} : memref<2x8x128xf32, #tpu.memory_space<vmem>>, vector<1x1x16xf32>,
          %parallel_loop3A_431 = vector.shape_cast %parallel_loop3A_430 : vector<1x1x16xf32> to vector<16xf32>
          %parallel_loop3A_432 = vector.shape_cast %parallel_loop3A_426 : vector<16xf32> to vector<1x1x16xf32>
          tpu.vector_store %arg13[%parallel_loop3A_427, %parallel_loop3A_428, %parallel_loop3A_429], %parallel_loop3A_432 {strides = array<i32>} : memref<2x8x128xf32, #tpu.memory_space<vmem>>, vector<1x1x16xf32>,
          %parallel_loop3A_433 = arith.constant 7 : i32
          %parallel_loop3A_434 = arith.muli %parallel_loop3A_433, %parallel_loop3A_130 : i32
          %parallel_loop3A_435 = arith.constant 0 : i32
          %parallel_loop3A_436 = arith.addi %parallel_loop3A_434, %parallel_loop3A_435 : i32
          %parallel_loop3A_437 = arith.index_cast %parallel_loop3A_436 : i32 to index
          %parallel_loop3A_438 = arith.index_cast %parallel_loop3A_132 : i32 to index
          %parallel_loop3A_439 = arith.constant 64 : index
          %parallel_loop3A_440 = tpu.vector_load %arg9[%parallel_loop3A_437, %parallel_loop3A_438, %parallel_loop3A_439] {strides = array<i32>} : memref<14x8x128xf32, #tpu.memory_space<vmem>>, vector<1x1x16xf32>,
          %parallel_loop3A_441 = vector.shape_cast %parallel_loop3A_440 : vector<1x1x16xf32> to vector<16xf32>
          %parallel_loop3A_442 = arith.constant 7 : i32
          %parallel_loop3A_443 = arith.muli %parallel_loop3A_442, %parallel_loop3A_130 : i32
          %parallel_loop3A_444 = arith.constant 1 : i32
          %parallel_loop3A_445 = arith.addi %parallel_loop3A_443, %parallel_loop3A_444 : i32
          %parallel_loop3A_446 = arith.index_cast %parallel_loop3A_445 : i32 to index
          %parallel_loop3A_447 = arith.index_cast %parallel_loop3A_132 : i32 to index
          %parallel_loop3A_448 = arith.constant 64 : index
          %parallel_loop3A_449 = tpu.vector_load %arg9[%parallel_loop3A_446, %parallel_loop3A_447, %parallel_loop3A_448] {strides = array<i32>} : memref<14x8x128xf32, #tpu.memory_space<vmem>>, vector<1x1x16xf32>,
          %parallel_loop3A_450 = vector.shape_cast %parallel_loop3A_449 : vector<1x1x16xf32> to vector<16xf32>
          %parallel_loop3A_451 = arith.constant 7 : i32
          %parallel_loop3A_452 = arith.muli %parallel_loop3A_451, %parallel_loop3A_130 : i32
          %parallel_loop3A_453 = arith.constant 2 : i32
          %parallel_loop3A_454 = arith.addi %parallel_loop3A_452, %parallel_loop3A_453 : i32
          %parallel_loop3A_455 = arith.index_cast %parallel_loop3A_454 : i32 to index
          %parallel_loop3A_456 = arith.index_cast %parallel_loop3A_132 : i32 to index
          %parallel_loop3A_457 = arith.constant 64 : index
          %parallel_loop3A_458 = tpu.vector_load %arg9[%parallel_loop3A_455, %parallel_loop3A_456, %parallel_loop3A_457] {strides = array<i32>} : memref<14x8x128xf32, #tpu.memory_space<vmem>>, vector<1x1x16xf32>,
          %parallel_loop3A_459 = vector.shape_cast %parallel_loop3A_458 : vector<1x1x16xf32> to vector<16xf32>
          %parallel_loop3A_460 = arith.constant 7 : i32
          %parallel_loop3A_461 = arith.muli %parallel_loop3A_460, %parallel_loop3A_130 : i32
          %parallel_loop3A_462 = arith.constant 3 : i32
          %parallel_loop3A_463 = arith.addi %parallel_loop3A_461, %parallel_loop3A_462 : i32
          %parallel_loop3A_464 = arith.index_cast %parallel_loop3A_463 : i32 to index
          %parallel_loop3A_465 = arith.index_cast %parallel_loop3A_132 : i32 to index
          %parallel_loop3A_466 = arith.constant 64 : index
          %parallel_loop3A_467 = tpu.vector_load %arg9[%parallel_loop3A_464, %parallel_loop3A_465, %parallel_loop3A_466] {strides = array<i32>} : memref<14x8x128xf32, #tpu.memory_space<vmem>>, vector<1x1x16xf32>,
          %parallel_loop3A_468 = vector.shape_cast %parallel_loop3A_467 : vector<1x1x16xf32> to vector<16xf32>
          %parallel_loop3A_469 = arith.constant 7 : i32
          %parallel_loop3A_470 = arith.muli %parallel_loop3A_469, %parallel_loop3A_130 : i32
          %parallel_loop3A_471 = arith.constant 4 : i32
          %parallel_loop3A_472 = arith.addi %parallel_loop3A_470, %parallel_loop3A_471 : i32
          %parallel_loop3A_473 = arith.index_cast %parallel_loop3A_472 : i32 to index
          %parallel_loop3A_474 = arith.index_cast %parallel_loop3A_132 : i32 to index
          %parallel_loop3A_475 = arith.constant 64 : index
          %parallel_loop3A_476 = tpu.vector_load %arg9[%parallel_loop3A_473, %parallel_loop3A_474, %parallel_loop3A_475] {strides = array<i32>} : memref<14x8x128xf32, #tpu.memory_space<vmem>>, vector<1x1x16xf32>,
          %parallel_loop3A_477 = vector.shape_cast %parallel_loop3A_476 : vector<1x1x16xf32> to vector<16xf32>
          %parallel_loop3A_478 = arith.constant 7 : i32
          %parallel_loop3A_479 = arith.muli %parallel_loop3A_478, %parallel_loop3A_130 : i32
          %parallel_loop3A_480 = arith.constant 5 : i32
          %parallel_loop3A_481 = arith.addi %parallel_loop3A_479, %parallel_loop3A_480 : i32
          %parallel_loop3A_482 = arith.index_cast %parallel_loop3A_481 : i32 to index
          %parallel_loop3A_483 = arith.index_cast %parallel_loop3A_132 : i32 to index
          %parallel_loop3A_484 = arith.constant 64 : index
          %parallel_loop3A_485 = tpu.vector_load %arg9[%parallel_loop3A_482, %parallel_loop3A_483, %parallel_loop3A_484] {strides = array<i32>} : memref<14x8x128xf32, #tpu.memory_space<vmem>>, vector<1x1x16xf32>,
          %parallel_loop3A_486 = vector.shape_cast %parallel_loop3A_485 : vector<1x1x16xf32> to vector<16xf32>
          %parallel_loop3A_487 = arith.constant 7 : i32
          %parallel_loop3A_488 = arith.muli %parallel_loop3A_487, %parallel_loop3A_130 : i32
          %parallel_loop3A_489 = arith.constant 6 : i32
          %parallel_loop3A_490 = arith.addi %parallel_loop3A_488, %parallel_loop3A_489 : i32
          %parallel_loop3A_491 = arith.index_cast %parallel_loop3A_490 : i32 to index
          %parallel_loop3A_492 = arith.index_cast %parallel_loop3A_132 : i32 to index
          %parallel_loop3A_493 = arith.constant 64 : index
          %parallel_loop3A_494 = tpu.vector_load %arg9[%parallel_loop3A_491, %parallel_loop3A_492, %parallel_loop3A_493] {strides = array<i32>} : memref<14x8x128xf32, #tpu.memory_space<vmem>>, vector<1x1x16xf32>,
          %parallel_loop3A_495 = vector.shape_cast %parallel_loop3A_494 : vector<1x1x16xf32> to vector<16xf32>
          %parallel_loop3A_496 = arith.maximumf %parallel_loop3A_441, %parallel_loop3A_450 : vector<16xf32>
          %parallel_loop3A_497 = arith.maximumf %parallel_loop3A_459, %parallel_loop3A_468 : vector<16xf32>
          %parallel_loop3A_498 = arith.maximumf %parallel_loop3A_477, %parallel_loop3A_486 : vector<16xf32>
          %parallel_loop3A_499 = arith.maximumf %parallel_loop3A_496, %parallel_loop3A_497 : vector<16xf32>
          %parallel_loop3A_500 = arith.maximumf %parallel_loop3A_498, %parallel_loop3A_495 : vector<16xf32>
          %parallel_loop3A_501 = arith.maximumf %parallel_loop3A_499, %parallel_loop3A_500 : vector<16xf32>
          %parallel_loop3A_502 = arith.index_cast %parallel_loop3A_130 : i32 to index
          %parallel_loop3A_503 = arith.index_cast %parallel_loop3A_132 : i32 to index
          %parallel_loop3A_504 = arith.constant 64 : index
          %parallel_loop3A_505 = tpu.vector_load %arg13[%parallel_loop3A_502, %parallel_loop3A_503, %parallel_loop3A_504] {strides = array<i32>} : memref<2x8x128xf32, #tpu.memory_space<vmem>>, vector<1x1x16xf32>,
          %parallel_loop3A_506 = vector.shape_cast %parallel_loop3A_505 : vector<1x1x16xf32> to vector<16xf32>
          %parallel_loop3A_507 = vector.shape_cast %parallel_loop3A_501 : vector<16xf32> to vector<1x1x16xf32>
          tpu.vector_store %arg13[%parallel_loop3A_502, %parallel_loop3A_503, %parallel_loop3A_504], %parallel_loop3A_507 {strides = array<i32>} : memref<2x8x128xf32, #tpu.memory_space<vmem>>, vector<1x1x16xf32>,
          %parallel_loop3A_508 = arith.constant 7 : i32
          %parallel_loop3A_509 = arith.muli %parallel_loop3A_508, %parallel_loop3A_130 : i32
          %parallel_loop3A_510 = arith.constant 0 : i32
          %parallel_loop3A_511 = arith.addi %parallel_loop3A_509, %parallel_loop3A_510 : i32
          %parallel_loop3A_512 = arith.index_cast %parallel_loop3A_511 : i32 to index
          %parallel_loop3A_513 = arith.index_cast %parallel_loop3A_132 : i32 to index
          %parallel_loop3A_514 = arith.constant 80 : index
          %parallel_loop3A_515 = tpu.vector_load %arg9[%parallel_loop3A_512, %parallel_loop3A_513, %parallel_loop3A_514] {strides = array<i32>} : memref<14x8x128xf32, #tpu.memory_space<vmem>>, vector<1x1x16xf32>,
          %parallel_loop3A_516 = vector.shape_cast %parallel_loop3A_515 : vector<1x1x16xf32> to vector<16xf32>
          %parallel_loop3A_517 = arith.constant 7 : i32
          %parallel_loop3A_518 = arith.muli %parallel_loop3A_517, %parallel_loop3A_130 : i32
          %parallel_loop3A_519 = arith.constant 1 : i32
          %parallel_loop3A_520 = arith.addi %parallel_loop3A_518, %parallel_loop3A_519 : i32
          %parallel_loop3A_521 = arith.index_cast %parallel_loop3A_520 : i32 to index
          %parallel_loop3A_522 = arith.index_cast %parallel_loop3A_132 : i32 to index
          %parallel_loop3A_523 = arith.constant 80 : index
          %parallel_loop3A_524 = tpu.vector_load %arg9[%parallel_loop3A_521, %parallel_loop3A_522, %parallel_loop3A_523] {strides = array<i32>} : memref<14x8x128xf32, #tpu.memory_space<vmem>>, vector<1x1x16xf32>,
          %parallel_loop3A_525 = vector.shape_cast %parallel_loop3A_524 : vector<1x1x16xf32> to vector<16xf32>
          %parallel_loop3A_526 = arith.constant 7 : i32
          %parallel_loop3A_527 = arith.muli %parallel_loop3A_526, %parallel_loop3A_130 : i32
          %parallel_loop3A_528 = arith.constant 2 : i32
          %parallel_loop3A_529 = arith.addi %parallel_loop3A_527, %parallel_loop3A_528 : i32
          %parallel_loop3A_530 = arith.index_cast %parallel_loop3A_529 : i32 to index
          %parallel_loop3A_531 = arith.index_cast %parallel_loop3A_132 : i32 to index
          %parallel_loop3A_532 = arith.constant 80 : index
          %parallel_loop3A_533 = tpu.vector_load %arg9[%parallel_loop3A_530, %parallel_loop3A_531, %parallel_loop3A_532] {strides = array<i32>} : memref<14x8x128xf32, #tpu.memory_space<vmem>>, vector<1x1x16xf32>,
          %parallel_loop3A_534 = vector.shape_cast %parallel_loop3A_533 : vector<1x1x16xf32> to vector<16xf32>
          %parallel_loop3A_535 = arith.constant 7 : i32
          %parallel_loop3A_536 = arith.muli %parallel_loop3A_535, %parallel_loop3A_130 : i32
          %parallel_loop3A_537 = arith.constant 3 : i32
          %parallel_loop3A_538 = arith.addi %parallel_loop3A_536, %parallel_loop3A_537 : i32
          %parallel_loop3A_539 = arith.index_cast %parallel_loop3A_538 : i32 to index
          %parallel_loop3A_540 = arith.index_cast %parallel_loop3A_132 : i32 to index
          %parallel_loop3A_541 = arith.constant 80 : index
          %parallel_loop3A_542 = tpu.vector_load %arg9[%parallel_loop3A_539, %parallel_loop3A_540, %parallel_loop3A_541] {strides = array<i32>} : memref<14x8x128xf32, #tpu.memory_space<vmem>>, vector<1x1x16xf32>,
          %parallel_loop3A_543 = vector.shape_cast %parallel_loop3A_542 : vector<1x1x16xf32> to vector<16xf32>
          %parallel_loop3A_544 = arith.constant 7 : i32
          %parallel_loop3A_545 = arith.muli %parallel_loop3A_544, %parallel_loop3A_130 : i32
          %parallel_loop3A_546 = arith.constant 4 : i32
          %parallel_loop3A_547 = arith.addi %parallel_loop3A_545, %parallel_loop3A_546 : i32
          %parallel_loop3A_548 = arith.index_cast %parallel_loop3A_547 : i32 to index
          %parallel_loop3A_549 = arith.index_cast %parallel_loop3A_132 : i32 to index
          %parallel_loop3A_550 = arith.constant 80 : index
          %parallel_loop3A_551 = tpu.vector_load %arg9[%parallel_loop3A_548, %parallel_loop3A_549, %parallel_loop3A_550] {strides = array<i32>} : memref<14x8x128xf32, #tpu.memory_space<vmem>>, vector<1x1x16xf32>,
          %parallel_loop3A_552 = vector.shape_cast %parallel_loop3A_551 : vector<1x1x16xf32> to vector<16xf32>
          %parallel_loop3A_553 = arith.constant 7 : i32
          %parallel_loop3A_554 = arith.muli %parallel_loop3A_553, %parallel_loop3A_130 : i32
          %parallel_loop3A_555 = arith.constant 5 : i32
          %parallel_loop3A_556 = arith.addi %parallel_loop3A_554, %parallel_loop3A_555 : i32
          %parallel_loop3A_557 = arith.index_cast %parallel_loop3A_556 : i32 to index
          %parallel_loop3A_558 = arith.index_cast %parallel_loop3A_132 : i32 to index
          %parallel_loop3A_559 = arith.constant 80 : index
          %parallel_loop3A_560 = tpu.vector_load %arg9[%parallel_loop3A_557, %parallel_loop3A_558, %parallel_loop3A_559] {strides = array<i32>} : memref<14x8x128xf32, #tpu.memory_space<vmem>>, vector<1x1x16xf32>,
          %parallel_loop3A_561 = vector.shape_cast %parallel_loop3A_560 : vector<1x1x16xf32> to vector<16xf32>
          %parallel_loop3A_562 = arith.constant 7 : i32
          %parallel_loop3A_563 = arith.muli %parallel_loop3A_562, %parallel_loop3A_130 : i32
          %parallel_loop3A_564 = arith.constant 6 : i32
          %parallel_loop3A_565 = arith.addi %parallel_loop3A_563, %parallel_loop3A_564 : i32
          %parallel_loop3A_566 = arith.index_cast %parallel_loop3A_565 : i32 to index
          %parallel_loop3A_567 = arith.index_cast %parallel_loop3A_132 : i32 to index
          %parallel_loop3A_568 = arith.constant 80 : index
          %parallel_loop3A_569 = tpu.vector_load %arg9[%parallel_loop3A_566, %parallel_loop3A_567, %parallel_loop3A_568] {strides = array<i32>} : memref<14x8x128xf32, #tpu.memory_space<vmem>>, vector<1x1x16xf32>,
          %parallel_loop3A_570 = vector.shape_cast %parallel_loop3A_569 : vector<1x1x16xf32> to vector<16xf32>
          %parallel_loop3A_571 = arith.maximumf %parallel_loop3A_516, %parallel_loop3A_525 : vector<16xf32>
          %parallel_loop3A_572 = arith.maximumf %parallel_loop3A_534, %parallel_loop3A_543 : vector<16xf32>
          %parallel_loop3A_573 = arith.maximumf %parallel_loop3A_552, %parallel_loop3A_561 : vector<16xf32>
          %parallel_loop3A_574 = arith.maximumf %parallel_loop3A_571, %parallel_loop3A_572 : vector<16xf32>
          %parallel_loop3A_575 = arith.maximumf %parallel_loop3A_573, %parallel_loop3A_570 : vector<16xf32>
          %parallel_loop3A_576 = arith.maximumf %parallel_loop3A_574, %parallel_loop3A_575 : vector<16xf32>
          %parallel_loop3A_577 = arith.index_cast %parallel_loop3A_130 : i32 to index
          %parallel_loop3A_578 = arith.index_cast %parallel_loop3A_132 : i32 to index
          %parallel_loop3A_579 = arith.constant 80 : index
          %parallel_loop3A_580 = tpu.vector_load %arg13[%parallel_loop3A_577, %parallel_loop3A_578, %parallel_loop3A_579] {strides = array<i32>} : memref<2x8x128xf32, #tpu.memory_space<vmem>>, vector<1x1x16xf32>,
          %parallel_loop3A_581 = vector.shape_cast %parallel_loop3A_580 : vector<1x1x16xf32> to vector<16xf32>
          %parallel_loop3A_582 = vector.shape_cast %parallel_loop3A_576 : vector<16xf32> to vector<1x1x16xf32>
          tpu.vector_store %arg13[%parallel_loop3A_577, %parallel_loop3A_578, %parallel_loop3A_579], %parallel_loop3A_582 {strides = array<i32>} : memref<2x8x128xf32, #tpu.memory_space<vmem>>, vector<1x1x16xf32>,
          %parallel_loop3A_583 = arith.constant 7 : i32
          %parallel_loop3A_584 = arith.muli %parallel_loop3A_583, %parallel_loop3A_130 : i32
          %parallel_loop3A_585 = arith.constant 0 : i32
          %parallel_loop3A_586 = arith.addi %parallel_loop3A_584, %parallel_loop3A_585 : i32
          %parallel_loop3A_587 = arith.index_cast %parallel_loop3A_586 : i32 to index
          %parallel_loop3A_588 = arith.index_cast %parallel_loop3A_132 : i32 to index
          %parallel_loop3A_589 = arith.constant 96 : index
          %parallel_loop3A_590 = tpu.vector_load %arg9[%parallel_loop3A_587, %parallel_loop3A_588, %parallel_loop3A_589] {strides = array<i32>} : memref<14x8x128xf32, #tpu.memory_space<vmem>>, vector<1x1x16xf32>,
          %parallel_loop3A_591 = vector.shape_cast %parallel_loop3A_590 : vector<1x1x16xf32> to vector<16xf32>
          %parallel_loop3A_592 = arith.constant 7 : i32
          %parallel_loop3A_593 = arith.muli %parallel_loop3A_592, %parallel_loop3A_130 : i32
          %parallel_loop3A_594 = arith.constant 1 : i32
          %parallel_loop3A_595 = arith.addi %parallel_loop3A_593, %parallel_loop3A_594 : i32
          %parallel_loop3A_596 = arith.index_cast %parallel_loop3A_595 : i32 to index
          %parallel_loop3A_597 = arith.index_cast %parallel_loop3A_132 : i32 to index
          %parallel_loop3A_598 = arith.constant 96 : index
          %parallel_loop3A_599 = tpu.vector_load %arg9[%parallel_loop3A_596, %parallel_loop3A_597, %parallel_loop3A_598] {strides = array<i32>} : memref<14x8x128xf32, #tpu.memory_space<vmem>>, vector<1x1x16xf32>,
          %parallel_loop3A_600 = vector.shape_cast %parallel_loop3A_599 : vector<1x1x16xf32> to vector<16xf32>
          %parallel_loop3A_601 = arith.constant 7 : i32
          %parallel_loop3A_602 = arith.muli %parallel_loop3A_601, %parallel_loop3A_130 : i32
          %parallel_loop3A_603 = arith.constant 2 : i32
          %parallel_loop3A_604 = arith.addi %parallel_loop3A_602, %parallel_loop3A_603 : i32
          %parallel_loop3A_605 = arith.index_cast %parallel_loop3A_604 : i32 to index
          %parallel_loop3A_606 = arith.index_cast %parallel_loop3A_132 : i32 to index
          %parallel_loop3A_607 = arith.constant 96 : index
          %parallel_loop3A_608 = tpu.vector_load %arg9[%parallel_loop3A_605, %parallel_loop3A_606, %parallel_loop3A_607] {strides = array<i32>} : memref<14x8x128xf32, #tpu.memory_space<vmem>>, vector<1x1x16xf32>,
          %parallel_loop3A_609 = vector.shape_cast %parallel_loop3A_608 : vector<1x1x16xf32> to vector<16xf32>
          %parallel_loop3A_610 = arith.constant 7 : i32
          %parallel_loop3A_611 = arith.muli %parallel_loop3A_610, %parallel_loop3A_130 : i32
          %parallel_loop3A_612 = arith.constant 3 : i32
          %parallel_loop3A_613 = arith.addi %parallel_loop3A_611, %parallel_loop3A_612 : i32
          %parallel_loop3A_614 = arith.index_cast %parallel_loop3A_613 : i32 to index
          %parallel_loop3A_615 = arith.index_cast %parallel_loop3A_132 : i32 to index
          %parallel_loop3A_616 = arith.constant 96 : index
          %parallel_loop3A_617 = tpu.vector_load %arg9[%parallel_loop3A_614, %parallel_loop3A_615, %parallel_loop3A_616] {strides = array<i32>} : memref<14x8x128xf32, #tpu.memory_space<vmem>>, vector<1x1x16xf32>,
          %parallel_loop3A_618 = vector.shape_cast %parallel_loop3A_617 : vector<1x1x16xf32> to vector<16xf32>
          %parallel_loop3A_619 = arith.constant 7 : i32
          %parallel_loop3A_620 = arith.muli %parallel_loop3A_619, %parallel_loop3A_130 : i32
          %parallel_loop3A_621 = arith.constant 4 : i32
          %parallel_loop3A_622 = arith.addi %parallel_loop3A_620, %parallel_loop3A_621 : i32
          %parallel_loop3A_623 = arith.index_cast %parallel_loop3A_622 : i32 to index
          %parallel_loop3A_624 = arith.index_cast %parallel_loop3A_132 : i32 to index
          %parallel_loop3A_625 = arith.constant 96 : index
          %parallel_loop3A_626 = tpu.vector_load %arg9[%parallel_loop3A_623, %parallel_loop3A_624, %parallel_loop3A_625] {strides = array<i32>} : memref<14x8x128xf32, #tpu.memory_space<vmem>>, vector<1x1x16xf32>,
          %parallel_loop3A_627 = vector.shape_cast %parallel_loop3A_626 : vector<1x1x16xf32> to vector<16xf32>
          %parallel_loop3A_628 = arith.constant 7 : i32
          %parallel_loop3A_629 = arith.muli %parallel_loop3A_628, %parallel_loop3A_130 : i32
          %parallel_loop3A_630 = arith.constant 5 : i32
          %parallel_loop3A_631 = arith.addi %parallel_loop3A_629, %parallel_loop3A_630 : i32
          %parallel_loop3A_632 = arith.index_cast %parallel_loop3A_631 : i32 to index
          %parallel_loop3A_633 = arith.index_cast %parallel_loop3A_132 : i32 to index
          %parallel_loop3A_634 = arith.constant 96 : index
          %parallel_loop3A_635 = tpu.vector_load %arg9[%parallel_loop3A_632, %parallel_loop3A_633, %parallel_loop3A_634] {strides = array<i32>} : memref<14x8x128xf32, #tpu.memory_space<vmem>>, vector<1x1x16xf32>,
          %parallel_loop3A_636 = vector.shape_cast %parallel_loop3A_635 : vector<1x1x16xf32> to vector<16xf32>
          %parallel_loop3A_637 = arith.constant 7 : i32
          %parallel_loop3A_638 = arith.muli %parallel_loop3A_637, %parallel_loop3A_130 : i32
          %parallel_loop3A_639 = arith.constant 6 : i32
          %parallel_loop3A_640 = arith.addi %parallel_loop3A_638, %parallel_loop3A_639 : i32
          %parallel_loop3A_641 = arith.index_cast %parallel_loop3A_640 : i32 to index
          %parallel_loop3A_642 = arith.index_cast %parallel_loop3A_132 : i32 to index
          %parallel_loop3A_643 = arith.constant 96 : index
          %parallel_loop3A_644 = tpu.vector_load %arg9[%parallel_loop3A_641, %parallel_loop3A_642, %parallel_loop3A_643] {strides = array<i32>} : memref<14x8x128xf32, #tpu.memory_space<vmem>>, vector<1x1x16xf32>,
          %parallel_loop3A_645 = vector.shape_cast %parallel_loop3A_644 : vector<1x1x16xf32> to vector<16xf32>
          %parallel_loop3A_646 = arith.maximumf %parallel_loop3A_591, %parallel_loop3A_600 : vector<16xf32>
          %parallel_loop3A_647 = arith.maximumf %parallel_loop3A_609, %parallel_loop3A_618 : vector<16xf32>
          %parallel_loop3A_648 = arith.maximumf %parallel_loop3A_627, %parallel_loop3A_636 : vector<16xf32>
          %parallel_loop3A_649 = arith.maximumf %parallel_loop3A_646, %parallel_loop3A_647 : vector<16xf32>
          %parallel_loop3A_650 = arith.maximumf %parallel_loop3A_648, %parallel_loop3A_645 : vector<16xf32>
          %parallel_loop3A_651 = arith.maximumf %parallel_loop3A_649, %parallel_loop3A_650 : vector<16xf32>
          %parallel_loop3A_652 = arith.index_cast %parallel_loop3A_130 : i32 to index
          %parallel_loop3A_653 = arith.index_cast %parallel_loop3A_132 : i32 to index
          %parallel_loop3A_654 = arith.constant 96 : index
          %parallel_loop3A_655 = tpu.vector_load %arg13[%parallel_loop3A_652, %parallel_loop3A_653, %parallel_loop3A_654] {strides = array<i32>} : memref<2x8x128xf32, #tpu.memory_space<vmem>>, vector<1x1x16xf32>,
          %parallel_loop3A_656 = vector.shape_cast %parallel_loop3A_655 : vector<1x1x16xf32> to vector<16xf32>
          %parallel_loop3A_657 = vector.shape_cast %parallel_loop3A_651 : vector<16xf32> to vector<1x1x16xf32>
          tpu.vector_store %arg13[%parallel_loop3A_652, %parallel_loop3A_653, %parallel_loop3A_654], %parallel_loop3A_657 {strides = array<i32>} : memref<2x8x128xf32, #tpu.memory_space<vmem>>, vector<1x1x16xf32>,
          %parallel_loop3A_658 = arith.constant 7 : i32
          %parallel_loop3A_659 = arith.muli %parallel_loop3A_658, %parallel_loop3A_130 : i32
          %parallel_loop3A_660 = arith.constant 0 : i32
          %parallel_loop3A_661 = arith.addi %parallel_loop3A_659, %parallel_loop3A_660 : i32
          %parallel_loop3A_662 = arith.index_cast %parallel_loop3A_661 : i32 to index
          %parallel_loop3A_663 = arith.index_cast %parallel_loop3A_132 : i32 to index
          %parallel_loop3A_664 = arith.constant 112 : index
          %parallel_loop3A_665 = tpu.vector_load %arg9[%parallel_loop3A_662, %parallel_loop3A_663, %parallel_loop3A_664] {strides = array<i32>} : memref<14x8x128xf32, #tpu.memory_space<vmem>>, vector<1x1x16xf32>,
          %parallel_loop3A_666 = vector.shape_cast %parallel_loop3A_665 : vector<1x1x16xf32> to vector<16xf32>
          %parallel_loop3A_667 = arith.constant 7 : i32
          %parallel_loop3A_668 = arith.muli %parallel_loop3A_667, %parallel_loop3A_130 : i32
          %parallel_loop3A_669 = arith.constant 1 : i32
          %parallel_loop3A_670 = arith.addi %parallel_loop3A_668, %parallel_loop3A_669 : i32
          %parallel_loop3A_671 = arith.index_cast %parallel_loop3A_670 : i32 to index
          %parallel_loop3A_672 = arith.index_cast %parallel_loop3A_132 : i32 to index
          %parallel_loop3A_673 = arith.constant 112 : index
          %parallel_loop3A_674 = tpu.vector_load %arg9[%parallel_loop3A_671, %parallel_loop3A_672, %parallel_loop3A_673] {strides = array<i32>} : memref<14x8x128xf32, #tpu.memory_space<vmem>>, vector<1x1x16xf32>,
          %parallel_loop3A_675 = vector.shape_cast %parallel_loop3A_674 : vector<1x1x16xf32> to vector<16xf32>
          %parallel_loop3A_676 = arith.constant 7 : i32
          %parallel_loop3A_677 = arith.muli %parallel_loop3A_676, %parallel_loop3A_130 : i32
          %parallel_loop3A_678 = arith.constant 2 : i32
          %parallel_loop3A_679 = arith.addi %parallel_loop3A_677, %parallel_loop3A_678 : i32
          %parallel_loop3A_680 = arith.index_cast %parallel_loop3A_679 : i32 to index
          %parallel_loop3A_681 = arith.index_cast %parallel_loop3A_132 : i32 to index
          %parallel_loop3A_682 = arith.constant 112 : index
          %parallel_loop3A_683 = tpu.vector_load %arg9[%parallel_loop3A_680, %parallel_loop3A_681, %parallel_loop3A_682] {strides = array<i32>} : memref<14x8x128xf32, #tpu.memory_space<vmem>>, vector<1x1x16xf32>,
          %parallel_loop3A_684 = vector.shape_cast %parallel_loop3A_683 : vector<1x1x16xf32> to vector<16xf32>
          %parallel_loop3A_685 = arith.constant 7 : i32
          %parallel_loop3A_686 = arith.muli %parallel_loop3A_685, %parallel_loop3A_130 : i32
          %parallel_loop3A_687 = arith.constant 3 : i32
          %parallel_loop3A_688 = arith.addi %parallel_loop3A_686, %parallel_loop3A_687 : i32
          %parallel_loop3A_689 = arith.index_cast %parallel_loop3A_688 : i32 to index
          %parallel_loop3A_690 = arith.index_cast %parallel_loop3A_132 : i32 to index
          %parallel_loop3A_691 = arith.constant 112 : index
          %parallel_loop3A_692 = tpu.vector_load %arg9[%parallel_loop3A_689, %parallel_loop3A_690, %parallel_loop3A_691] {strides = array<i32>} : memref<14x8x128xf32, #tpu.memory_space<vmem>>, vector<1x1x16xf32>,
          %parallel_loop3A_693 = vector.shape_cast %parallel_loop3A_692 : vector<1x1x16xf32> to vector<16xf32>
          %parallel_loop3A_694 = arith.constant 7 : i32
          %parallel_loop3A_695 = arith.muli %parallel_loop3A_694, %parallel_loop3A_130 : i32
          %parallel_loop3A_696 = arith.constant 4 : i32
          %parallel_loop3A_697 = arith.addi %parallel_loop3A_695, %parallel_loop3A_696 : i32
          %parallel_loop3A_698 = arith.index_cast %parallel_loop3A_697 : i32 to index
          %parallel_loop3A_699 = arith.index_cast %parallel_loop3A_132 : i32 to index
          %parallel_loop3A_700 = arith.constant 112 : index
          %parallel_loop3A_701 = tpu.vector_load %arg9[%parallel_loop3A_698, %parallel_loop3A_699, %parallel_loop3A_700] {strides = array<i32>} : memref<14x8x128xf32, #tpu.memory_space<vmem>>, vector<1x1x16xf32>,
          %parallel_loop3A_702 = vector.shape_cast %parallel_loop3A_701 : vector<1x1x16xf32> to vector<16xf32>
          %parallel_loop3A_703 = arith.constant 7 : i32
          %parallel_loop3A_704 = arith.muli %parallel_loop3A_703, %parallel_loop3A_130 : i32
          %parallel_loop3A_705 = arith.constant 5 : i32
          %parallel_loop3A_706 = arith.addi %parallel_loop3A_704, %parallel_loop3A_705 : i32
          %parallel_loop3A_707 = arith.index_cast %parallel_loop3A_706 : i32 to index
          %parallel_loop3A_708 = arith.index_cast %parallel_loop3A_132 : i32 to index
          %parallel_loop3A_709 = arith.constant 112 : index
          %parallel_loop3A_710 = tpu.vector_load %arg9[%parallel_loop3A_707, %parallel_loop3A_708, %parallel_loop3A_709] {strides = array<i32>} : memref<14x8x128xf32, #tpu.memory_space<vmem>>, vector<1x1x16xf32>,
          %parallel_loop3A_711 = vector.shape_cast %parallel_loop3A_710 : vector<1x1x16xf32> to vector<16xf32>
          %parallel_loop3A_712 = arith.constant 7 : i32
          %parallel_loop3A_713 = arith.muli %parallel_loop3A_712, %parallel_loop3A_130 : i32
          %parallel_loop3A_714 = arith.constant 6 : i32
          %parallel_loop3A_715 = arith.addi %parallel_loop3A_713, %parallel_loop3A_714 : i32
          %parallel_loop3A_716 = arith.index_cast %parallel_loop3A_715 : i32 to index
          %parallel_loop3A_717 = arith.index_cast %parallel_loop3A_132 : i32 to index
          %parallel_loop3A_718 = arith.constant 112 : index
          %parallel_loop3A_719 = tpu.vector_load %arg9[%parallel_loop3A_716, %parallel_loop3A_717, %parallel_loop3A_718] {strides = array<i32>} : memref<14x8x128xf32, #tpu.memory_space<vmem>>, vector<1x1x16xf32>,
          %parallel_loop3A_720 = vector.shape_cast %parallel_loop3A_719 : vector<1x1x16xf32> to vector<16xf32>
          %parallel_loop3A_721 = arith.maximumf %parallel_loop3A_666, %parallel_loop3A_675 : vector<16xf32>
          %parallel_loop3A_722 = arith.maximumf %parallel_loop3A_684, %parallel_loop3A_693 : vector<16xf32>
          %parallel_loop3A_723 = arith.maximumf %parallel_loop3A_702, %parallel_loop3A_711 : vector<16xf32>
          %parallel_loop3A_724 = arith.maximumf %parallel_loop3A_721, %parallel_loop3A_722 : vector<16xf32>
          %parallel_loop3A_725 = arith.maximumf %parallel_loop3A_723, %parallel_loop3A_720 : vector<16xf32>
          %parallel_loop3A_726 = arith.maximumf %parallel_loop3A_724, %parallel_loop3A_725 : vector<16xf32>
          %parallel_loop3A_727 = arith.index_cast %parallel_loop3A_130 : i32 to index
          %parallel_loop3A_728 = arith.index_cast %parallel_loop3A_132 : i32 to index
          %parallel_loop3A_729 = arith.constant 112 : index
          %parallel_loop3A_730 = tpu.vector_load %arg13[%parallel_loop3A_727, %parallel_loop3A_728, %parallel_loop3A_729] {strides = array<i32>} : memref<2x8x128xf32, #tpu.memory_space<vmem>>, vector<1x1x16xf32>,
          %parallel_loop3A_731 = vector.shape_cast %parallel_loop3A_730 : vector<1x1x16xf32> to vector<16xf32>
          %parallel_loop3A_732 = vector.shape_cast %parallel_loop3A_726 : vector<16xf32> to vector<1x1x16xf32>
          tpu.vector_store %arg13[%parallel_loop3A_727, %parallel_loop3A_728, %parallel_loop3A_729], %parallel_loop3A_732 {strides = array<i32>} : memref<2x8x128xf32, #tpu.memory_space<vmem>>, vector<1x1x16xf32>,
        } {sc.loop_unroll_factor = 2 : i64, sc.parallel_access}
        %add3A_119 = arith.addi %mul3A_2, %add3A_101 : i32
        %mul3A_120 = arith.constant 2 : i32
        %mul3A_121 = arith.muli %add3A_119, %mul3A_120 : i32
        %dma_start3A_122 = arith.constant 0 : i32
        %dma_start3A_123 = arith.constant 0 : i32
        %dma_start3A_124 = tpu.memref_slice %arg4[%mul3A_121, %dma_start3A_122, %dma_start3A_123] : memref<10242x8x128xf32, #tpu.memory_space<hbm>> -> memref<2x8x128xf32, #tpu.memory_space<hbm>>
        %dma_start3A_125 = arith.constant 0 : i32
        %dma_start3A_126 = arith.constant 0 : i32
        %dma_start3A_127 = tpu.memref_slice %arg4[%mul3A_121, %dma_start3A_125, %dma_start3A_126] : memref<10242x8x128xf32, #tpu.memory_space<hbm>> -> memref<2x8x128xf32, #tpu.memory_space<hbm>>
        tpu.enqueue_dma source(%arg13 : memref<2x8x128xf32, #tpu.memory_space<vmem>>) target(%dma_start3A_127 : memref<2x8x128xf32, #tpu.memory_space<hbm>>) target_semaphore(%arg18 : memref<!tpu.dma_semaphore, #tpu.memory_space<semaphore_mem>>)
      } else {
      }
      %add3A_106 = arith.constant 4 : i32
      %add3A_107 = arith.addi %add3A_101, %add3A_106 : i32
      %lt3A_108 = arith.cmpi slt, %add3A_107, %select_n3A : i32
      %convert_element_type3A_109 = arith.extui %lt3A_108 : i1 to i32
      %cond3A_110 = arith.constant 0 : i32
      %cond3A_111 = arith.cmpi ne, %convert_element_type3A_109, %cond3A_110 : i32
      scf.if %cond3A_111 {
        %add3A_112 = arith.constant 4 : i32
        %add3A_113 = arith.addi %add3A_101, %add3A_112 : i32
        %mul3A_114 = arith.constant 16 : i32
        %mul3A_115 = arith.muli %add3A_113, %mul3A_114 : i32
        %dma_start3A_116 = tpu.memref_slice %arg5[%mul3A_115] : memref<2576xi32, #tpu.memory_space<vmem>> -> memref<14xi32, #tpu.memory_space<vmem>>
        %dma_start3A_117 = arith.constant 0 : i32
        %dma_start3A_118 = arith.constant 0 : i32
        %dma_start3A_119 = arith.constant 0 : i32
        %dma_start3A_120 = tpu.memref_slice %arg2[%dma_start3A_117, %dma_start3A_118, %dma_start3A_119] : memref<40962x8x128xf32, #tpu.memory_space<hbm>> -> memref<40962x8x128xf32, #tpu.memory_space<hbm>>
        tpu.enqueue_indirect_dma source(%dma_start3A_120 : memref<40962x8x128xf32, #tpu.memory_space<hbm>>) target(%arg9 : memref<14x8x128xf32, #tpu.memory_space<vmem>>) offsets(%dma_start3A_116 : memref<14xi32, #tpu.memory_space<vmem>>) semaphore(%arg17 : memref<!tpu.dma_semaphore, #tpu.memory_space<semaphore_mem>>)
      } else {
      }
    }
    %scan3A_34 = arith.constant 41 : i32
    %gt3A = arith.constant 160 : i32
    %gt3A_35 = arith.cmpi sgt, %select_n3A, %gt3A : i32
    %convert_element_type3A = arith.extui %gt3A_35 : i1 to i32
    %cond3A = arith.constant 0 : i32
    %cond3A_36 = arith.cmpi ne, %convert_element_type3A, %cond3A : i32
    scf.if %cond3A_36 {
      %dma_wait3A = arith.constant 0 : i32
      %dma_wait3A_52 = arith.constant 0 : i32
      %dma_wait3A_53 = arith.constant 0 : i32
      %dma_wait3A_54 = tpu.memref_slice %arg4[%dma_wait3A, %dma_wait3A_52, %dma_wait3A_53] : memref<10242x8x128xf32, #tpu.memory_space<hbm>> -> memref<2x8x128xf32, #tpu.memory_space<hbm>>
      %dma_wait3A_55 = arith.constant 0 : i32
      %dma_wait3A_56 = arith.constant 0 : i32
      %dma_wait3A_57 = arith.constant 0 : i32
      %dma_wait3A_58 = tpu.memref_slice %arg4[%dma_wait3A_55, %dma_wait3A_56, %dma_wait3A_57] : memref<10242x8x128xf32, #tpu.memory_space<hbm>> -> memref<2x8x128xf32, #tpu.memory_space<hbm>>
      tpu.wait_dma2 semaphore(%arg18 : memref<!tpu.dma_semaphore, #tpu.memory_space<semaphore_mem>>) src(%arg10 : memref<2x8x128xf32, #tpu.memory_space<vmem>>) dst(%dma_wait3A_58 : memref<2x8x128xf32, #tpu.memory_space<hbm>>)
    } else {
    }
    %gt3A_37 = arith.constant 161 : i32
    %gt3A_38 = arith.cmpi sgt, %select_n3A, %gt3A_37 : i32
    %convert_element_type3A_39 = arith.extui %gt3A_38 : i1 to i32
    %cond3A_40 = arith.constant 0 : i32
    %cond3A_41 = arith.cmpi ne, %convert_element_type3A_39, %cond3A_40 : i32
    scf.if %cond3A_41 {
      %dma_wait3A = arith.constant 0 : i32
      %dma_wait3A_52 = arith.constant 0 : i32
      %dma_wait3A_53 = arith.constant 0 : i32
      %dma_wait3A_54 = tpu.memref_slice %arg4[%dma_wait3A, %dma_wait3A_52, %dma_wait3A_53] : memref<10242x8x128xf32, #tpu.memory_space<hbm>> -> memref<2x8x128xf32, #tpu.memory_space<hbm>>
      %dma_wait3A_55 = arith.constant 0 : i32
      %dma_wait3A_56 = arith.constant 0 : i32
      %dma_wait3A_57 = arith.constant 0 : i32
      %dma_wait3A_58 = tpu.memref_slice %arg4[%dma_wait3A_55, %dma_wait3A_56, %dma_wait3A_57] : memref<10242x8x128xf32, #tpu.memory_space<hbm>> -> memref<2x8x128xf32, #tpu.memory_space<hbm>>
      tpu.wait_dma2 semaphore(%arg18 : memref<!tpu.dma_semaphore, #tpu.memory_space<semaphore_mem>>) src(%arg11 : memref<2x8x128xf32, #tpu.memory_space<vmem>>) dst(%dma_wait3A_58 : memref<2x8x128xf32, #tpu.memory_space<hbm>>)
    } else {
    }
    %gt3A_42 = arith.constant 162 : i32
    %gt3A_43 = arith.cmpi sgt, %select_n3A, %gt3A_42 : i32
    %convert_element_type3A_44 = arith.extui %gt3A_43 : i1 to i32
    %cond3A_45 = arith.constant 0 : i32
    %cond3A_46 = arith.cmpi ne, %convert_element_type3A_44, %cond3A_45 : i32
    scf.if %cond3A_46 {
      %dma_wait3A = arith.constant 0 : i32
      %dma_wait3A_52 = arith.constant 0 : i32
      %dma_wait3A_53 = arith.constant 0 : i32
      %dma_wait3A_54 = tpu.memref_slice %arg4[%dma_wait3A, %dma_wait3A_52, %dma_wait3A_53] : memref<10242x8x128xf32, #tpu.memory_space<hbm>> -> memref<2x8x128xf32, #tpu.memory_space<hbm>>
      %dma_wait3A_55 = arith.constant 0 : i32
      %dma_wait3A_56 = arith.constant 0 : i32
      %dma_wait3A_57 = arith.constant 0 : i32
      %dma_wait3A_58 = tpu.memref_slice %arg4[%dma_wait3A_55, %dma_wait3A_56, %dma_wait3A_57] : memref<10242x8x128xf32, #tpu.memory_space<hbm>> -> memref<2x8x128xf32, #tpu.memory_space<hbm>>
      tpu.wait_dma2 semaphore(%arg18 : memref<!tpu.dma_semaphore, #tpu.memory_space<semaphore_mem>>) src(%arg12 : memref<2x8x128xf32, #tpu.memory_space<vmem>>) dst(%dma_wait3A_58 : memref<2x8x128xf32, #tpu.memory_space<hbm>>)
    } else {
    }
    %gt3A_47 = arith.constant 163 : i32
    %gt3A_48 = arith.cmpi sgt, %select_n3A, %gt3A_47 : i32
    %convert_element_type3A_49 = arith.extui %gt3A_48 : i1 to i32
    %cond3A_50 = arith.constant 0 : i32
    %cond3A_51 = arith.cmpi ne, %convert_element_type3A_49, %cond3A_50 : i32
    scf.if %cond3A_51 {
      %dma_wait3A = arith.constant 0 : i32
      %dma_wait3A_52 = arith.constant 0 : i32
      %dma_wait3A_53 = arith.constant 0 : i32
      %dma_wait3A_54 = tpu.memref_slice %arg4[%dma_wait3A, %dma_wait3A_52, %dma_wait3A_53] : memref<10242x8x128xf32, #tpu.memory_space<hbm>> -> memref<2x8x128xf32, #tpu.memory_space<hbm>>
      %dma_wait3A_55 = arith.constant 0 : i32
      %dma_wait3A_56 = arith.constant 0 : i32
      %dma_wait3A_57 = arith.constant 0 : i32
      %dma_wait3A_58 = tpu.memref_slice %arg4[%dma_wait3A_55, %dma_wait3A_56, %dma_wait3A_57] : memref<10242x8x128xf32, #tpu.memory_space<hbm>> -> memref<2x8x128xf32, #tpu.memory_space<hbm>>
      tpu.wait_dma2 semaphore(%arg18 : memref<!tpu.dma_semaphore, #tpu.memory_space<semaphore_mem>>) src(%arg13 : memref<2x8x128xf32, #tpu.memory_space<vmem>>) dst(%dma_wait3A_58 : memref<2x8x128xf32, #tpu.memory_space<hbm>>)
    } else {
    }
    return
  }
}

</mosaic_0001>

<sc_bundles>
// kernel: kernel.3.cloned.1.call-start
scs
__scs_entry_jumppad:
0x0: {  	(pc) =	sbr.rel $0x88, $3  }
0x1: {  	(tag) =	ssettag $0x0;
	lr =	simm.s32 $0x1  }
0x2: {  	[smem:$0x3F9F] =	sst lr;
	_ =	strace $0xD0000000  }
0x3: {  	_ = 	snop  }
0x4: {  	_ = 	snop  }
0x5: {  	_ = 	snop  }
0x6: {  	_ = 	snop  }
0x7: {  	_ = 	snop  }
__scs_overlays_trampoline_lowered:
0x8: {  	[smem:$0x3FAE] =	sst s0  }
0x9: {  	[smem:$0x3FAF] =	sst s1  }
0xa: {  	[smem:$0x3FB0] =	sst s2  }
0xb: {  	[smem:$0x3FB1] =	sst s3  }
0xc: {  	[smem:$0x3FB2] =	sst s4  }
0xd: {  	[smem:$0x3FB3] =	sst s5  }
0xe: {  	[smem:$0x3FB4] =	sst s6  }
0xf: {  	[smem:$0x3FB5] =	sst s7  }
0x10: {  	[smem:$0x3FB6] =	sst s8  }
0x11: {  	[smem:$0x3FB7] =	sst s9;
	s0 =	simm.s32 @!p0 $0x0  }
0x12: {  	s1 =	sld [smem:$0x3F9D];
	s0 =	simm.s32 @p0 $0x1  }
0x13: {  	[smem:$0x3FB8] =	sst s0;
	s0 =	simm.s32 @!p1 $0x0  }
0x14: {  	s2 =	sld [smem:$0x3F9C];
	s0 =	simm.s32 @p1 $0x1  }
0x15: {  	[smem:$0x3FB9] =	sst s0;
	s0 =	simm.s32 @!p2 $0x0  }
0x16: {  	s3 =	sld [smem:$0x3FDB];
	s0 =	simm.s32 @p2 $0x1  }
0x17: {  	s4 =	simm.s32 $0x1BF5;
	[smem:$0x3FBB] =	sst s0  }
0x18: {  	s0 =	sld [smem:$0x3F9E];
	_ =	swait.ge [sflag:s4], $0x0  }
0x19: {  	s7 =	sld [smem:$0x3F9F]  }
0x1a: {  	s8 =	sadd.s32 $0xFFFFE003, lr  }
0x1b: {  	s9 =	sadd.s32 $0xFFFFFEF7, lr;
	s5 =	simm.s32 $0xFFFFFFFF;
	p2 =	slt.u32 s8, $0xFFFFF086  }
0x1c: {  	p1 =	slt.u32 s9, $0xF7A;
	s5 =	simm.s32 @!p2 $0x0  }
0x1d: {  	s5 =	simm.s32 @p1 $0x1;
	p0 =	seq.s32 s7, s2  }
0x1e: {  	s7 =	smul.u32 @!p0 $0xF7A, s2;
	p2 =	seq.s32 @!p0 s5, $0x0  }
0x1f: {  	s9 =	smul.u32 $0xF7A, s1;
	s8 =	simm.s32 @!p0 $0x1BF5;
	p2 =	por !p2, p0  }
0x20: {  	[sflag:s8] =	ssyncset.s32 @!p0 $0xFFFFF086;
	s6 =	sadd.s32 @!p0 s3, s7;
	s7 =	simm.s32 @!p0 $0x108  }
0x21: {  	s3 =	sadd.s32 s3, s9;
	s6 =	sadd.s32 @!p0 $0x88, s6;
	s7 =	simm.s32 @p2 $0x1082  }
0x22: {  	[simem:s7], [sflag:s8] =	dma.local @!p0 [hbm:s6], $0xF7A  }
0x23: {  	s9 =	sor.u32 $0xD0000000, s2;
	s6 =	simm.s32 $0x108;
	_ =	swait.ge @!p0 [sflag:s8], $0x0  }
0x24: {  	s3 =	sadd.s32 $0x88, s3;
	s6 =	simm.s32 @!p1 $0x1082;
	[sflag:s4] =	ssyncset.s32 $0xFFFFF086  }
0x25: {  	[simem:s6], [sflag:s4] =	dma.local [hbm:s3], $0xF7A  }
0x26: {  	[smem:$0x3F9F] =	sst s1;
	(tag) =	ssettag s2;
	_ =	strace s9  }
0x27: {  	s1 =	sld [smem:$0x3FAF]  }
0x28: {  	s2 =	sld [smem:$0x3FB0]  }
0x29: {  	s4 =	sld [smem:$0x3FB2]  }
0x2a: {  	p0 =	seq.s32 s5, $0x0;
	s5 =	sld [smem:$0x3FB3]  }
0x2b: {  	s6 =	sld [smem:$0x3FB4]  }
0x2c: {  	s7 =	sld [smem:$0x3FB5]  }
0x2d: {  	s3 =	simm.s32 $0x108;
	s8 =	sld [smem:$0x3FB6]  }
0x2e: {  	s3 =	simm.s32 @!p0 $0x1082;
	s9 =	sld [smem:$0x3FB7]  }
0x2f: {  	lr =	sadd.s32 s0, s3;
	s0 =	sld [smem:$0x3FAE]  }
0x30: {  	s3 =	sld [smem:$0x3FB1]  }
0x31: {  	[smem:$0x3FBA] =	sst s10  }
0x32: {  	s10 =	sld [smem:$0x3FB8];
	_ =	sdelay $0x3  }
0x33: {  	p0 =	seq.s32 s10, $0x1;
	s10 =	sld [smem:$0x3FBA];
	_ =	sdelay $0x3  }
0x34: {  	[smem:$0x3FBA] =	sst s10  }
0x35: {  	s10 =	sld [smem:$0x3FB9];
	_ =	sdelay $0x3  }
0x36: {  	p1 =	seq.s32 s10, $0x1;
	s10 =	sld [smem:$0x3FBA];
	_ =	sdelay $0x3  }
0x37: {  	[smem:$0x3FBA] =	sst s10  }
0x38: {  	s10 =	sld [smem:$0x3FBB]  }
0x39: {  	_ = 	snop;
	(pc) =	sbr.ind lr, $3  }
0x3a: {  	_ = 	snop  }
0x3b: {  	_ = 	snop  }
0x3c: {  	p2 =	seq.s32 s10, $0x1;
	s10 =	sld [smem:$0x3FBA]  }
0x3d: {  	_ =	shalt  }
0x3e: {  	_ =	shalt  }
0x3f: {  	_ =	shalt  }
0x40: {  	_ =	shalt  }
0x41: {  	_ =	shalt  }
0x42: {  	_ =	shalt  }
0x43: {  	_ =	shalt  }
0x44: {  	_ =	shalt  }
0x45: {  	_ =	shalt  }
0x46: {  	_ =	shalt  }
0x47: {  	_ =	shalt  }
0x48: {  	_ =	shalt  }
0x49: {  	_ =	shalt  }
0x4a: {  	_ =	shalt  }
0x4b: {  	_ =	shalt  }
0x4c: {  	_ =	shalt  }
0x4d: {  	_ =	shalt  }
0x4e: {  	_ =	shalt  }
0x4f: {  	_ =	shalt  }
0x50: {  	_ =	shalt  }
0x51: {  	_ =	shalt  }
0x52: {  	_ =	shalt  }
0x53: {  	_ =	shalt  }
0x54: {  	_ =	shalt  }
0x55: {  	_ =	shalt  }
0x56: {  	_ =	shalt  }
0x57: {  	_ =	shalt  }
0x58: {  	_ =	shalt  }
0x59: {  	_ =	shalt  }
0x5a: {  	_ =	shalt  }
0x5b: {  	_ =	shalt  }
0x5c: {  	_ =	shalt  }
0x5d: {  	_ =	shalt  }
0x5e: {  	_ =	shalt  }
0x5f: {  	_ =	shalt  }
0x60: {  	_ =	shalt  }
0x61: {  	_ =	shalt  }
0x62: {  	_ =	shalt  }
0x63: {  	_ =	shalt  }
0x64: {  	_ =	shalt  }
0x65: {  	_ =	shalt  }
0x66: {  	_ =	shalt  }
0x67: {  	_ =	shalt  }
0x68: {  	_ =	shalt  }
0x69: {  	_ =	shalt  }
0x6a: {  	_ =	shalt  }
0x6b: {  	_ =	shalt  }
0x6c: {  	_ =	shalt  }
0x6d: {  	_ =	shalt  }
0x6e: {  	_ =	shalt  }
0x6f: {  	_ =	shalt  }
0x70: {  	_ =	shalt  }
0x71: {  	_ =	shalt  }
0x72: {  	_ =	shalt  }
0x73: {  	_ =	shalt  }
0x74: {  	_ =	shalt  }
0x75: {  	_ =	shalt  }
0x76: {  	_ =	shalt  }
0x77: {  	_ =	shalt  }
0x78: {  	_ =	shalt  }
0x79: {  	_ =	shalt  }
0x7a: {  	_ =	shalt  }
0x7b: {  	_ =	shalt  }
0x7c: {  	_ =	shalt  }
0x7d: {  	_ =	shalt  }
0x7e: {  	_ =	shalt  }
0x7f: {  	_ =	shalt  }
0x80: {  	_ =	shalt  }
0x81: {  	_ =	shalt  }
0x82: {  	_ =	shalt  }
0x83: {  	_ =	shalt  }
0x84: {  	_ =	shalt  }
0x85: {  	_ =	shalt  }
0x86: {  	_ =	shalt  }
0x87: {  	_ =	shalt  }
.Lfunc_end0:
.L_simem_size_0:
called_computation_lowered:
.L_overlay_start_0:
0x88: {  	s2 =	sld [smem:$0x3FD9]  }
0x89: {  	s3 =	sld [smem:$0x3FFE];
	_ =	sdelay $0x1  }
0x8a: {  	s1 =	srdreg.scid  }
0x8b: {  	s0 =	sand.u32 $0x1, s1  }
0x8c: {  	s17 =	sshll.u32 s0, $0xA;
	s2 =	sadd.s32 s3, s2  }
0x8d: {  	s2 =	sadd.s32 s2, s17  }
0x8e: {  	[smem:$0x3FC6] =	sst s2  }
0x8f: {  	_ = 	snop  }
0x90: {  	s2 =	sld [smem:$0x3FC9]  }
0x91: {  	s18 =	sld [smem:$0x3FD0];
	(tm) =	ssettm $0x1  }
0x92: {  	s4 =	sld [smem:$0x3FFB];
	_ =	sdelay $0x3  }
0x93: {  	_ =	strace s4  }
0x94: {  	s4 =	sld [smem:$0x3FFC];
	_ =	sdelay $0x3  }
0x95: {  	_ =	strace s4  }
0x96: {  	s4 =	sld [smem:$0x3FFD];
	_ =	sdelay $0x3  }
0x97: {  	_ =	strace s4  }
0x98: {  	_ =	strace $0x8FFFFFFF  }
0x99: {  	s19 =	sld [smem:$0x3FDB];
	_ =	sdelay $0x1  }
0x9a: {  	s5 =	simm.s32 $_scs_section_size  }
0x9b: {  	s6 =	simm.s32 $_size__tile_overlayer_lowered;
	s7 =	simm.s32 $_tile_overlayer_lowered  }
0x9c: {  	s22 =	simm.s32 $0x1BFF;
	s21 =	sshll.u32 s7, $0x1;
	s4 =	sadd.s32 s5, s19  }
0x9d: {  	s8 =	simm.s32 $0x0;
	s20 =	sshll.u32 s6, $0x1;
	s6 =	sadd.s32 s21, s4  }
0x9e: {  	[timem:s8], [sflag:s22] =	dma.local [hbm:s6], s20  }
0x9f: {  	_ =	swait.ge [sflag:s22], s20  }
0xa0: {  	s5 =	ssub.s32 $0x0, s20;
	[sflag:s22] =	ssyncset.done $0x0  }
0xa1: {  	[sflag:s22] =	ssyncadd.s32 s5;
	_ =	sdelay $0x1  }
0xa2: {  	s23 =	simm.s32 $0x1B8B  }
0xa3: {  	_ =	swait.ge [sflag:s23], $0x1  }
0xa4: {  	[sflag:s23] =	ssyncset.done $0x0  }
0xa5: {  	s25 =	simm.s32 $0x1B8E;
	s24 =	sld [smem:$0x3FFE];
	[sflag:s23] =	ssyncadd.s32 $0xFFFFFFFF  }
0xa6: {  	s26 =	simm.s32 $execute0_lowered;
	[smem:$0x3FD2] =	sst s25  }
0xa7: {  	s6 =	sshll.u32 s26, $0x1;
	_ =	strace $0x80000046;
	[dreg:$0x1] =	wrdreg $0xFFFFFFFF  }
0xa8: {  	s28 =	simm.s32 $_size_execute0_lowered;
	s4 =	sadd.s32 s4, s6;
	[dreg:$0x0] =	wrdreg $0x0  }
0xa9: {  	s6 =	sshll.u32 s28, $0x1;
	[dreg:$0x2] =	wrdreg s4  }
0xaa: {  	[dreg:$0x3] =	wrdreg s6  }
0xab: {  	[dreg:$0x4] =	wrdreg $0xC0  }
0xac: {  	_ =	task [dreg:s8], $0x5FFFF  }
0xad: {  	[dreg:$0x1] =	wrdreg $0xFFFFFFFF  }
0xae: {  	[dreg:$0x0] =	wrdreg $0x60  }
0xaf: {  	[dreg:$0x2] =	wrdreg s2  }
0xb0: {  	[dreg:$0x3] =	wrdreg s24  }
0xb1: {  	[dreg:$0x4] =	wrdreg s18  }
0xb2: {  	[dreg:$0x5] =	wrdreg $0x9  }
0xb3: {  	_ =	task.clear_ibuf [dreg:s8], $0x6FFFF;
	_ =	strace $0x90000046  }
0xb4: {  	s29 =	simm.s32 $0x9;
	_ =	strace $0x80000048  }
0xb5: {  	_ =	swait.ge [sflag:s29], $0x1  }
0xb6: {  	[sflag:s29] =	ssyncadd.s32 $0xFFFFFFFF  }
0xb7: {  	_ =	strace $0x90000048  }
0xb8: {  	_ =	sfence  }
0xb9: {  	s30 =	sld [smem:$0x0];
	_ =	sdelay $0x2  }
0xba: {  	s31 =	sshll.u32 s1, $0xD;
	s1 =	sshrl.u32 s1, $0x2  }
0xbb: {  	s3 =	sand.u32 $0x4000, s31;
	s1 =	sadd.s32 s1, s30  }
0xbc: {  	s0 =	sor.u32 s3, s0;
	s1 =	sshll.u32 s1, $0x11  }
0xbd: {  	s0 =	sor.u32 s1, s0  }
0xbe: {  	s0 =	sadd.s32 $0x8F2B, s0  }
0xbf: {  	[sflag:s0] =	ssyncadd.remote.s32 $0x1  }
0xc0: {  	_ =	sfence.sel $0xFFFF  }
0xc1: {  	[dreg:$0x0] =	wrdreg $0xFFFFFFFF;
	(pc) =	sbr.abs _section_cstart, $3  }
0xc2: {  	[dreg:$0x1] =	wrdreg $0xFFFFFFFF  }
0xc3: {  	_ =	task.clear_ibuf [dreg:s8], $0x2FFFF;
	_ =	strace $0x9FFFFFFF  }
0xc4: {  	(tm) =	ssettm $0x7FFFFFFF  }
0xc5: {  	_ =	shalt  }
tec
execute0_lowered:
.L_overlay_start_1:
0x0: {  	(tag) =	ssettag $0x1  }
0x1: {  	s1 =	rddreg [dreg:$0x0]  }
0x2: {  	s0 =	srdreg.scid;
	s3 =	stileid.u32  }
0x3: {  	s2 =	rddreg [dreg:$0x1];
	s20 =	simm.s32 $0x2;
	s22 =	simm.s32 $0x3  }
0x4: {  	s24 =	simm.s32 $0x4;
	s0 =	sand.u32 $0x1, s0;
	s4 =	sshll.u32 s3, $0x1  }
0x5: {  	s3 =	rddreg [dreg:$0x2];
	s7 =	sor.u32 s0, s4;
	s4 =	simm.s32 $0x0  }
0x6: {  	s0 =	ssub.s32 $0x2, s0;
	s5 =	smul.u32 $0x140, s7;
	[smem:$0x7FF] =	sst s4  }
.Ltmp0:
0x7: {  	s6 =	sshrl.u32 s0, $0x1;
	p0 =	seq.s32 s7, $0x1F;
	(pc) =	sbr.rel .LBB2_1-.Ltmp0, $4  }
0x8: {  	_ =	strace $0x80000047;
	s0 =	ssub.s32 s0, s6;
	s6 =	smul.u32 $0xA0, s7  }
0x9: {  	s2 =	sadd.s32 s5, s2;
	s5 =	simm.s32 $0xA1;
	s0 =	smax.u32 s0, $0x1  }
0xa: {  	s5 =	simm.s32 @!p0 $0xA0;
	s2 =	sadd.s32 $0x400, s2;
	[dreg:$0x5] =	wrdreg s0  }
0xb: {  	p0 =	sne.s32 s7, $0x1F;
	s7 =	simm.s32 $0x0;
	[dreg:$0x4] =	wrdreg s2  }
.LBB2_19:
0xc: {  	s0 =	simm.s32 @!p0 $0x5  }
0xd: {  	_ =	swait.ge @!p0 [sflag:s0], $0x800  }
0xe: {  	s7 =	rddreg [dreg:$0x6]  }
0xf: {  	s2 =	rddreg [dreg:$0x5];
	s7 =	sadd.s32 $0x1, s7  }
0x10: {  	p1 =	sne.s32 s7, s2  }
.Ltmp1:
0x11: {  	_ = 	snop;
	(pc) =	sbr.rel @!p1 .LBB2_20-.Ltmp1, $3  }
0x12: {  	_ =	sdelay $0x1  }
0x13: {  	[sflag:s0] =	ssyncset.done @!p0 $0x0  }
0x14: {  	[sflag:s0] =	ssyncadd.s32 @!p0 $0xFFFFF800  }
.LBB2_1:
0x15: {  	[dreg:$0x6] =	wrdreg s7  }
0x16: {  	s0 =	rddreg [dreg:$0x4];
	s19 =	simm.s32 $0x6  }
0x17: {  	[tilespmem:s4], [sflag:$0x6] =	stream.linear.gather [hbm4b:s0+s4], $0xA10, $0x38;
	[tilespmem:$0x10A80] =	vst v63  }
0x18: {  	_ =	swait.ge [sflag:s19], $0xA10  }
0x19: {  	[sflag:s19] =	ssyncset.done $0x0  }
0x1a: {  	s21 =	simm.s32 $0xE;
	s2 =	simm.s32 $0xA80;
	[sflag:s19] =	ssyncadd.s32 $0xFFFFF5F0  }
0x1b: {  	[tilespmem:s2], [sflag:$0x1] =	stream.indirect.gather [hbm4b:s1+s21], $0x400, s4, s21, $0xb8;
	[tilespmem:$0x10A80] =	vst v63  }
0x1c: {  	s23 =	simm.s32 $0x10;
	s25 =	simm.s32 $0x4280  }
0x1d: {  	[tilespmem:s25], [sflag:$0x2] =	stream.indirect.gather [hbm4b:s1+s21], $0x400, s23, s21, $0xb8;
	[tilespmem:$0x10A80] =	vst v63  }
.Ltmp2:
0x1e: {  	_ = 	snop;
	(pc) =	sbr.rel .LBB2_2-.Ltmp2, $4  }
0x1f: {  	s26 =	simm.s32 $0x20;
	s29 =	simm.s32 $0x7A80  }
0x20: {  	[tilespmem:s29], [sflag:$0x3] =	stream.indirect.gather [hbm4b:s1+s21], $0x400, s26, s21, $0xb8;
	[tilespmem:$0x10A80] =	vst v63  }
0x21: {  	s30 =	simm.s32 $0x30;
	s31 =	simm.s32 $0xB280;
	s28 =	simm.s32 $0x0  }
0x22: {  	[tilespmem:s31], [sflag:$0x4] =	stream.indirect.gather [hbm4b:s1+s21], $0x400, s30, s21, $0xb8;
	[tilespmem:$0x10A80] =	vst v63  }
.LBB2_18:
0x23: {  	s0 =	sadd.s32 $0x7, s29  }
0x24: {  	p1 =	sge.u32 s0, s5  }
0x25: {  	s28 =	sadd.s32 $0x1, s28;
	s0 =	sshll.u32 @!p1 s0, $0x4  }
0x26: {  	s2 =	simm.s32 @!p1 $0xE;
	s7 =	simm.s32 @!p1 $0xB280;
	s0 =	sand.u32 @!p1 $0x3FFFFFF0, s0  }
0x27: {  	[tilespmem:s7], [sflag:$0x4] =	stream.indirect.gather @!p1 [hbm4b:s1+s2], $0x400, s0, s2, $0xb8;
	[tilespmem:$0x10A80] =	vst v63  }
0x28: {  	p1 =	sne.s32 s28, $0x29  }
.Ltmp3:
0x29: {  	_ = 	snop;
	(pc) =	sbr.rel @!p1 .LBB2_19-.Ltmp3, $1  }
0x2a: {  	_ =	sdelay $0x3  }
.LBB2_2:
0x2b: {  	p1 =	seq.s32 s28, $0x0  }
0x2c: {  	s0 =	simm.s32 @!p1 $0x5  }
0x2d: {  	_ =	swait.ge @!p1 [sflag:s0], $0x800  }
0x2e: {  	[sflag:s0] =	ssyncset.done @!p1 $0x0  }
0x2f: {  	[sflag:s0] =	ssyncadd.s32 @!p1 $0xFFFFF800  }
0x30: {  	_ =	swait.ge @!p1 [sflag:s0], $0x800  }
0x31: {  	[sflag:s0] =	ssyncset.done @!p1 $0x0  }
0x32: {  	s29 =	sshll.u32 s28, $0x2;
	[sflag:s0] =	ssyncadd.s32 @!p1 $0xFFFFF800  }
0x33: {  	p2 =	sge.u32 s29, s5;
	_ =	swait.ge @!p1 [sflag:s0], $0x800  }
.Ltmp4:
0x34: {  	[sflag:s0] =	ssyncset.done @!p1 $0x0;
	(pc) =	sbr.rel @p2 .LBB2_6-.Ltmp4, $4  }
0x35: {  	[sflag:s0] =	ssyncadd.s32 @!p1 $0xFFFFF800  }
0x36: {  	_ =	swait.ge @!p1 [sflag:s0], $0x800  }
0x37: {  	[sflag:s0] =	ssyncset.done @!p1 $0x0  }
0x38: {  	[sflag:s0] =	ssyncadd.s32 @!p1 $0xFFFFF800  }
0x39: {  	s0 =	simm.s32 $0x0  }
0x3a: {  	s0 =	smul.u32 $0x7000, s0  }
0x3b: {  	s30 =	simm.s32 $0x0;
	s7 =	simm.s32 $0x1  }
0x3c: {  	_ =	swait.ge [sflag:s7], $0x3800;
	s11 =	sand.u32 $0x300, s30;
	s0 =	sshra.s32 s0, $0x2  }
0x3d: {  	[sflag:s7] =	ssyncset.done $0x0;
	s16 =	sor.u32 $0x80, s11;
	s2 =	sadd.s32 $0xA80, s0  }
0x3e: {  	[sflag:s7] =	ssyncadd.s32 $0xFFFFC800;
	s12 =	sadd.s32 $0xE80, s0;
	s7 =	sadd.s32 s16, s2  }
0x3f: {  	s13 =	sadd.s32 $0x1280, s0;
	s8 =	sadd.s32 s16, s12;
	v0 =	vld [tilespmem:s7+$0x0]  }
0x40: {  	s14 =	sadd.s32 $0x1680, s0;
	s17 =	sadd.s32 s16, s13;
	v1 =	vld [tilespmem:s8+$0x0]  }
0x41: {  	s15 =	sadd.s32 $0x1A80, s0;
	s9 =	sadd.s32 s16, s14;
	v2 =	vld [tilespmem:s17+$0x0]  }
0x42: {  	s18 =	sadd.s32 $0x1E80, s0;
	s10 =	sadd.s32 s16, s15;
	v3 =	vld [tilespmem:s9+$0x0]  }
0x43: {  	s23 =	sadd.s32 $0x2280, s0;
	s21 =	sadd.s32 s16, s18;
	v4 =	vld [tilespmem:s10+$0x0]  }
0x44: {  	s19 =	sadd.s32 s16, s23;
	v5 =	vld [tilespmem:s21+$0x0]  }
0x45: {  	s31 =	sadd.s32 s11, s2;
	v6 =	vld [tilespmem:s19+$0x0]  }
0x46: {  	s2 =	sadd.s32 s11, s12;
	v7 =	vld [tilespmem:s31+$0x0]  }
0x47: {  	s0 =	sadd.s32 s11, s13;
	v8 =	vld [tilespmem:s2+$0x0]  }
0x48: {  	s26 =	simm.s32 $0x0;
	s12 =	sadd.s32 s11, s14;
	v9 =	vld [tilespmem:s0+$0x0]  }
0x49: {  	s25 =	sand.u32 $0x3FFFFC00, s26;
	s13 =	sadd.s32 s11, s15;
	v10 =	vld [tilespmem:s12+$0x0];
	v0 =	vmax.f32 v0, v1;
	v1 =	vmax.f32 v2, v3;
	v2 =	vmax.f32 v4, v5  }
0x4a: {  	s26 =	sadd.s32 $0xEA80, s25;
	s14 =	sadd.s32 s11, s18;
	v3 =	vld [tilespmem:s13+$0x0];
	v0 =	vmax.f32 v0, v1;
	v1 =	vmax.f32 v2, v6  }
0x4b: {  	s15 =	sadd.s32 s11, s23;
	s16 =	sadd.s32 s16, s26;
	v2 =	vld [tilespmem:s14+$0x0];
	v0 =	vmax.f32 v0, v1  }
0x4c: {  	v1 =	vld [tilespmem:s15+$0x0];
	[tilespmem:s16+$0x0] =	vst v0  }
0x4d: {  	v0 =	vld [tilespmem:s7+$0x10]  }
0x4e: {  	v4 =	vld [tilespmem:s8+$0x10]  }
0x4f: {  	v5 =	vld [tilespmem:s17+$0x10]  }
0x50: {  	v6 =	vmax.f32 v7, v8;
	v7 =	vmax.f32 v9, v10;
	v2 =	vmax.f32 v3, v2;
	v3 =	vld [tilespmem:s9+$0x10]  }
0x51: {  	v6 =	vmax.f32 v6, v7;
	v1 =	vmax.f32 v2, v1;
	v2 =	vld [tilespmem:s10+$0x10]  }
0x52: {  	s11 =	sadd.s32 s11, s26;
	v1 =	vmax.f32 v6, v1;
	v6 =	vld [tilespmem:s21+$0x10]  }
0x53: {  	[tilespmem:s11+$0x0] =	vst v1;
	v1 =	vld [tilespmem:s19+$0x10]  }
0x54: {  	v7 =	vld [tilespmem:s31+$0x10]  }
0x55: {  	v8 =	vld [tilespmem:s2+$0x10]  }
0x56: {  	v52 =	vld [tilespmem:s0+$0x10]  }
0x57: {  	v0 =	vmax.f32 v0, v4;
	v53 =	vld [tilespmem:s12+$0x10];
	v3 =	vmax.f32 v5, v3;
	v2 =	vmax.f32 v2, v6  }
0x58: {  	v4 =	vld [tilespmem:s13+$0x10];
	v0 =	vmax.f32 v0, v3;
	v1 =	vmax.f32 v2, v1  }
0x59: {  	v2 =	vld [tilespmem:s14+$0x10];
	v0 =	vmax.f32 v0, v1  }
0x5a: {  	v1 =	vld [tilespmem:s15+$0x10];
	[tilespmem:s16+$0x10] =	vst v0  }
0x5b: {  	v0 =	vld [tilespmem:s7+$0x20]  }
0x5c: {  	v3 =	vld [tilespmem:s8+$0x20]  }
0x5d: {  	v5 =	vld [tilespmem:s17+$0x20]  }
0x5e: {  	v6 =	vmax.f32 v7, v8;
	v7 =	vmax.f32 v52, v53;
	v2 =	vmax.f32 v4, v2;
	v4 =	vld [tilespmem:s9+$0x20]  }
0x5f: {  	v6 =	vmax.f32 v6, v7;
	v1 =	vmax.f32 v2, v1;
	v2 =	vld [tilespmem:s10+$0x20]  }
0x60: {  	v1 =	vmax.f32 v6, v1;
	v6 =	vld [tilespmem:s21+$0x20]  }
0x61: {  	[tilespmem:s11+$0x10] =	vst v1;
	v1 =	vld [tilespmem:s19+$0x20]  }
0x62: {  	v7 =	vld [tilespmem:s31+$0x20]  }
0x63: {  	v8 =	vld [tilespmem:s2+$0x20]  }
0x64: {  	v54 =	vld [tilespmem:s0+$0x20]  }
0x65: {  	v0 =	vmax.f32 v0, v3;
	v55 =	vld [tilespmem:s12+$0x20];
	v3 =	vmax.f32 v5, v4;
	v2 =	vmax.f32 v2, v6  }
0x66: {  	v4 =	vld [tilespmem:s13+$0x20];
	v0 =	vmax.f32 v0, v3;
	v1 =	vmax.f32 v2, v1  }
0x67: {  	v2 =	vld [tilespmem:s14+$0x20];
	v0 =	vmax.f32 v0, v1  }
0x68: {  	v1 =	vld [tilespmem:s15+$0x20];
	[tilespmem:s16+$0x20] =	vst v0  }
0x69: {  	v0 =	vld [tilespmem:s7+$0x30]  }
0x6a: {  	v3 =	vld [tilespmem:s8+$0x30]  }
0x6b: {  	v5 =	vld [tilespmem:s17+$0x30]  }
0x6c: {  	v6 =	vmax.f32 v7, v8;
	v7 =	vmax.f32 v54, v55;
	v2 =	vmax.f32 v4, v2;
	v4 =	vld [tilespmem:s9+$0x30]  }
0x6d: {  	v6 =	vmax.f32 v6, v7;
	v1 =	vmax.f32 v2, v1;
	v2 =	vld [tilespmem:s10+$0x30]  }
0x6e: {  	v1 =	vmax.f32 v6, v1;
	v6 =	vld [tilespmem:s21+$0x30]  }
0x6f: {  	[tilespmem:s11+$0x20] =	vst v1;
	v1 =	vld [tilespmem:s19+$0x30]  }
0x70: {  	v7 =	vld [tilespmem:s31+$0x30]  }
0x71: {  	v8 =	vld [tilespmem:s2+$0x30]  }
0x72: {  	v56 =	vld [tilespmem:s0+$0x30]  }
0x73: {  	v0 =	vmax.f32 v0, v3;
	v57 =	vld [tilespmem:s12+$0x30];
	v3 =	vmax.f32 v5, v4;
	v2 =	vmax.f32 v2, v6  }
0x74: {  	v4 =	vld [tilespmem:s13+$0x30];
	v0 =	vmax.f32 v0, v3;
	v1 =	vmax.f32 v2, v1  }
0x75: {  	v2 =	vld [tilespmem:s14+$0x30];
	v0 =	vmax.f32 v0, v1  }
0x76: {  	v1 =	vld [tilespmem:s15+$0x30];
	[tilespmem:s16+$0x30] =	vst v0  }
0x77: {  	v0 =	vld [tilespmem:s7+$0x40]  }
0x78: {  	v3 =	vld [tilespmem:s8+$0x40]  }
0x79: {  	v5 =	vld [tilespmem:s17+$0x40]  }
0x7a: {  	v6 =	vmax.f32 v7, v8;
	v7 =	vmax.f32 v56, v57;
	v2 =	vmax.f32 v4, v2;
	v4 =	vld [tilespmem:s9+$0x40]  }
0x7b: {  	v6 =	vmax.f32 v6, v7;
	v1 =	vmax.f32 v2, v1;
	v2 =	vld [tilespmem:s10+$0x40]  }
0x7c: {  	v1 =	vmax.f32 v6, v1;
	v6 =	vld [tilespmem:s21+$0x40]  }
0x7d: {  	[tilespmem:s11+$0x30] =	vst v1;
	v1 =	vld [tilespmem:s19+$0x40]  }
0x7e: {  	v7 =	vld [tilespmem:s31+$0x40]  }
0x7f: {  	v8 =	vld [tilespmem:s2+$0x40]  }
0x80: {  	v58 =	vld [tilespmem:s0+$0x40]  }
0x81: {  	v0 =	vmax.f32 v0, v3;
	v59 =	vld [tilespmem:s12+$0x40];
	v3 =	vmax.f32 v5, v4;
	v2 =	vmax.f32 v2, v6  }
0x82: {  	v4 =	vld [tilespmem:s13+$0x40];
	v0 =	vmax.f32 v0, v3;
	v1 =	vmax.f32 v2, v1  }
0x83: {  	v2 =	vld [tilespmem:s14+$0x40];
	v0 =	vmax.f32 v0, v1  }
0x84: {  	v1 =	vld [tilespmem:s15+$0x40];
	[tilespmem:s16+$0x40] =	vst v0  }
0x85: {  	v0 =	vld [tilespmem:s7+$0x50]  }
0x86: {  	v3 =	vld [tilespmem:s8+$0x50]  }
0x87: {  	v5 =	vld [tilespmem:s17+$0x50]  }
0x88: {  	v6 =	vmax.f32 v7, v8;
	v7 =	vmax.f32 v58, v59;
	v2 =	vmax.f32 v4, v2;
	v4 =	vld [tilespmem:s9+$0x50]  }
0x89: {  	v6 =	vmax.f32 v6, v7;
	v1 =	vmax.f32 v2, v1;
	v2 =	vld [tilespmem:s10+$0x50]  }
0x8a: {  	v1 =	vmax.f32 v6, v1;
	v6 =	vld [tilespmem:s21+$0x50]  }
0x8b: {  	[tilespmem:s11+$0x40] =	vst v1;
	v1 =	vld [tilespmem:s19+$0x50]  }
0x8c: {  	v7 =	vld [tilespmem:s31+$0x50]  }
0x8d: {  	v8 =	vld [tilespmem:s2+$0x50]  }
0x8e: {  	v60 =	vld [tilespmem:s0+$0x50]  }
0x8f: {  	v0 =	vmax.f32 v0, v3;
	v61 =	vld [tilespmem:s12+$0x50];
	v3 =	vmax.f32 v5, v4;
	v2 =	vmax.f32 v2, v6  }
0x90: {  	v4 =	vld [tilespmem:s13+$0x50];
	v0 =	vmax.f32 v0, v3;
	v1 =	vmax.f32 v2, v1  }
0x91: {  	v2 =	vld [tilespmem:s14+$0x50];
	v0 =	vmax.f32 v0, v1  }
0x92: {  	v1 =	vld [tilespmem:s15+$0x50];
	[tilespmem:s16+$0x50] =	vst v0  }
0x93: {  	v0 =	vld [tilespmem:s7+$0x60]  }
0x94: {  	v3 =	vld [tilespmem:s8+$0x60]  }
0x95: {  	v5 =	vld [tilespmem:s17+$0x60]  }
0x96: {  	v6 =	vmax.f32 v7, v8;
	v7 =	vmax.f32 v60, v61;
	v2 =	vmax.f32 v4, v2;
	v4 =	vld [tilespmem:s9+$0x60]  }
0x97: {  	v6 =	vmax.f32 v6, v7;
	v1 =	vmax.f32 v2, v1;
	v2 =	vld [tilespmem:s10+$0x60]  }
0x98: {  	v1 =	vmax.f32 v6, v1;
	v6 =	vld [tilespmem:s21+$0x60]  }
0x99: {  	[tilespmem:s11+$0x50] =	vst v1;
	v1 =	vld [tilespmem:s19+$0x60]  }
0x9a: {  	v7 =	vld [tilespmem:s31+$0x60]  }
0x9b: {  	v8 =	vld [tilespmem:s2+$0x60]  }
0x9c: {  	v62 =	vld [tilespmem:s0+$0x60]  }
0x9d: {  	v0 =	vmax.f32 v0, v3;
	v63 =	vld [tilespmem:s12+$0x60];
	v3 =	vmax.f32 v5, v4;
	v2 =	vmax.f32 v2, v6  }
0x9e: {  	v4 =	vld [tilespmem:s13+$0x60];
	v0 =	vmax.f32 v0, v3;
	v1 =	vmax.f32 v2, v1  }
0x9f: {  	v3 =	vld [tilespmem:s14+$0x60];
	v0 =	vmax.f32 v0, v1  }
0xa0: {  	v5 =	vld [tilespmem:s15+$0x60];
	[tilespmem:s16+$0x60] =	vst v0  }
0xa1: {  	v0 =	vld [tilespmem:s7+$0x70]  }
0xa2: {  	v1 =	vld [tilespmem:s8+$0x70]  }
0xa3: {  	v2 =	vld [tilespmem:s17+$0x70]  }
0xa4: {  	v6 =	vmax.f32 v7, v8;
	v7 =	vmax.f32 v62, v63;
	v4 =	vmax.f32 v4, v3;
	v3 =	vld [tilespmem:s9+$0x70]  }
0xa5: {  	v6 =	vmax.f32 v6, v7;
	v5 =	vmax.f32 v4, v5;
	v4 =	vld [tilespmem:s10+$0x70]  }
0xa6: {  	v5 =	vmax.f32 v6, v5;
	v6 =	vld [tilespmem:s21+$0x70]  }
0xa7: {  	s17 =	simm.s32 $0x0;
	[tilespmem:s11+$0x60] =	vst v5;
	v5 =	vld [tilespmem:s19+$0x70]  }
.LBB2_4:
0xa8: {  	s17 =	sadd.s32 $0x2, s17;
	v7 =	vld [tilespmem:s31+$0x70]  }
0xa9: {  	s7 =	sshrl.u32 s17, $0x3;
	p1 =	slt.u32 s17, $0xE;
	v8 =	vld [tilespmem:s2+$0x70]  }
0xaa: {  	s2 =	smul.u32 $0x7000, s7;
	v9 =	vld [tilespmem:s0+$0x70]  }
0xab: {  	v0 =	vmax.f32 v0, v1;
	s30 =	sadd.s32 $0x100, s30;
	v1 =	vmax.f32 v2, v3;
	v10 =	vld [tilespmem:s12+$0x70];
	v2 =	vmax.f32 v4, v6  }
0xac: {  	s23 =	sand.u32 $0x300, s30;
	v0 =	vmax.f32 v0, v1;
	s18 =	sshra.s32 s2, $0x2;
	v3 =	vld [tilespmem:s13+$0x70];
	v1 =	vmax.f32 v2, v5  }
0xad: {  	s25 =	sor.u32 $0x80, s23;
	s0 =	sadd.s32 $0xA80, s18;
	v2 =	vld [tilespmem:s14+$0x70];
	v0 =	vmax.f32 v0, v1  }
0xae: {  	s8 =	sadd.s32 $0xE80, s18;
	s31 =	sadd.s32 s23, s0;
	s7 =	sadd.s32 s25, s0;
	v1 =	vld [tilespmem:s15+$0x70];
	v4 =	vmax.f32 v7, v8;
	[tilespmem:s16+$0x70] =	vst v0  }
0xaf: {  	s9 =	sadd.s32 $0x1280, s18;
	s2 =	sadd.s32 s23, s8;
	s8 =	sadd.s32 s25, s8;
	v0 =	vld [tilespmem:s7+$0x0]  }
0xb0: {  	s10 =	sadd.s32 $0x1680, s18;
	s0 =	sadd.s32 s23, s9;
	s9 =	sadd.s32 s25, s9;
	v5 =	vld [tilespmem:s8+$0x0];
	v6 =	vmax.f32 v9, v10  }
0xb1: {  	s14 =	sadd.s32 $0x1A80, s18;
	s12 =	sadd.s32 s23, s10;
	s10 =	sadd.s32 s25, s10;
	v7 =	vld [tilespmem:s9+$0x0];
	v4 =	vmax.f32 v4, v6  }
0xb2: {  	s13 =	sadd.s32 s23, s14;
	s15 =	sadd.s32 $0x1E80, s18;
	s26 =	sadd.s32 s25, s14;
	v6 =	vld [tilespmem:s10+$0x0];
	v2 =	vmax.f32 v3, v2  }
0xb3: {  	s16 =	sadd.s32 $0x2280, s18;
	s14 =	sadd.s32 s23, s15;
	s19 =	sadd.s32 s25, s15;
	v3 =	vld [tilespmem:s26+$0x0];
	v1 =	vmax.f32 v2, v1  }
0xb4: {  	s15 =	sadd.s32 s23, s16;
	s21 =	sadd.s32 s25, s16;
	v2 =	vld [tilespmem:s19+$0x0];
	v1 =	vmax.f32 v4, v1  }
0xb5: {  	v4 =	vld [tilespmem:s21+$0x0];
	[tilespmem:s11+$0x70] =	vst v1  }
0xb6: {  	v1 =	vld [tilespmem:s31+$0x0]  }
0xb7: {  	v8 =	vld [tilespmem:s2+$0x0]  }
0xb8: {  	s11 =	sshll.u32 s17, $0x7;
	v9 =	vld [tilespmem:s0+$0x0]  }
0xb9: {  	v0 =	vmax.f32 v0, v5;
	s11 =	sand.u32 $0x3FFFFC00, s11;
	v5 =	vmax.f32 v7, v6;
	v10 =	vld [tilespmem:s12+$0x0];
	v2 =	vmax.f32 v3, v2  }
0xba: {  	s16 =	sadd.s32 $0xEA80, s11;
	v0 =	vmax.f32 v0, v5;
	v3 =	vld [tilespmem:s13+$0x0];
	v2 =	vmax.f32 v2, v4  }
0xbb: {  	s11 =	sadd.s32 s23, s16;
	s16 =	sadd.s32 s25, s16;
	v4 =	vld [tilespmem:s14+$0x0];
	v0 =	vmax.f32 v0, v2  }
0xbc: {  	v2 =	vld [tilespmem:s15+$0x0];
	v1 =	vmax.f32 v1, v8;
	[tilespmem:s16+$0x0] =	vst v0  }
0xbd: {  	v0 =	vld [tilespmem:s7+$0x10]  }
0xbe: {  	v5 =	vmax.f32 v9, v10;
	v6 =	vld [tilespmem:s8+$0x10]  }
0xbf: {  	v1 =	vmax.f32 v1, v5;
	v5 =	vld [tilespmem:s9+$0x10]  }
0xc0: {  	v3 =	vmax.f32 v3, v4;
	v4 =	vld [tilespmem:s10+$0x10]  }
0xc1: {  	v2 =	vmax.f32 v3, v2;
	v3 =	vld [tilespmem:s26+$0x10]  }
0xc2: {  	v1 =	vmax.f32 v1, v2;
	v2 =	vld [tilespmem:s19+$0x10]  }
0xc3: {  	[tilespmem:s11+$0x0] =	vst v1;
	v1 =	vld [tilespmem:s21+$0x10]  }
0xc4: {  	v7 =	vld [tilespmem:s31+$0x10]  }
0xc5: {  	v8 =	vld [tilespmem:s2+$0x10]  }
0xc6: {  	v9 =	vld [tilespmem:s0+$0x10]  }
0xc7: {  	v0 =	vmax.f32 v0, v6;
	v4 =	vmax.f32 v5, v4;
	v10 =	vld [tilespmem:s12+$0x10];
	v2 =	vmax.f32 v3, v2  }
0xc8: {  	v0 =	vmax.f32 v0, v4;
	v3 =	vld [tilespmem:s13+$0x10];
	v1 =	vmax.f32 v2, v1  }
0xc9: {  	v2 =	vld [tilespmem:s14+$0x10];
	v0 =	vmax.f32 v0, v1  }
0xca: {  	v1 =	vld [tilespmem:s15+$0x10];
	v4 =	vmax.f32 v7, v8;
	[tilespmem:s16+$0x10] =	vst v0  }
0xcb: {  	v0 =	vld [tilespmem:s7+$0x20]  }
0xcc: {  	v5 =	vmax.f32 v9, v10;
	v6 =	vld [tilespmem:s8+$0x20]  }
0xcd: {  	v4 =	vmax.f32 v4, v5;
	v5 =	vld [tilespmem:s9+$0x20]  }
0xce: {  	v2 =	vmax.f32 v3, v2;
	v3 =	vld [tilespmem:s10+$0x20]  }
0xcf: {  	v1 =	vmax.f32 v2, v1;
	v2 =	vld [tilespmem:s26+$0x20]  }
0xd0: {  	v1 =	vmax.f32 v4, v1;
	v4 =	vld [tilespmem:s19+$0x20]  }
0xd1: {  	[tilespmem:s11+$0x10] =	vst v1;
	v1 =	vld [tilespmem:s21+$0x20]  }
0xd2: {  	v7 =	vld [tilespmem:s31+$0x20]  }
0xd3: {  	v8 =	vld [tilespmem:s2+$0x20]  }
0xd4: {  	v9 =	vld [tilespmem:s0+$0x20]  }
0xd5: {  	v0 =	vmax.f32 v0, v6;
	v3 =	vmax.f32 v5, v3;
	v10 =	vld [tilespmem:s12+$0x20];
	v2 =	vmax.f32 v2, v4  }
0xd6: {  	v0 =	vmax.f32 v0, v3;
	v4 =	vld [tilespmem:s13+$0x20];
	v1 =	vmax.f32 v2, v1  }
0xd7: {  	v2 =	vld [tilespmem:s14+$0x20];
	v0 =	vmax.f32 v0, v1  }
0xd8: {  	v1 =	vld [tilespmem:s15+$0x20];
	v3 =	vmax.f32 v7, v8;
	[tilespmem:s16+$0x20] =	vst v0  }
0xd9: {  	v0 =	vld [tilespmem:s7+$0x30]  }
0xda: {  	v5 =	vmax.f32 v9, v10;
	v6 =	vld [tilespmem:s8+$0x30]  }
0xdb: {  	v3 =	vmax.f32 v3, v5;
	v5 =	vld [tilespmem:s9+$0x30]  }
0xdc: {  	v2 =	vmax.f32 v4, v2;
	v4 =	vld [tilespmem:s10+$0x30]  }
0xdd: {  	v1 =	vmax.f32 v2, v1;
	v2 =	vld [tilespmem:s26+$0x30]  }
0xde: {  	v1 =	vmax.f32 v3, v1;
	v3 =	vld [tilespmem:s19+$0x30]  }
0xdf: {  	[tilespmem:s11+$0x20] =	vst v1;
	v1 =	vld [tilespmem:s21+$0x30]  }
0xe0: {  	v7 =	vld [tilespmem:s31+$0x30]  }
0xe1: {  	v8 =	vld [tilespmem:s2+$0x30]  }
0xe2: {  	v9 =	vld [tilespmem:s0+$0x30]  }
0xe3: {  	v0 =	vmax.f32 v0, v6;
	v4 =	vmax.f32 v5, v4;
	v10 =	vld [tilespmem:s12+$0x30];
	v2 =	vmax.f32 v2, v3  }
0xe4: {  	v0 =	vmax.f32 v0, v4;
	v3 =	vld [tilespmem:s13+$0x30];
	v1 =	vmax.f32 v2, v1  }
0xe5: {  	v2 =	vld [tilespmem:s14+$0x30];
	v0 =	vmax.f32 v0, v1  }
0xe6: {  	v1 =	vld [tilespmem:s15+$0x30];
	v4 =	vmax.f32 v7, v8;
	[tilespmem:s16+$0x30] =	vst v0  }
0xe7: {  	v0 =	vld [tilespmem:s7+$0x40]  }
0xe8: {  	v5 =	vmax.f32 v9, v10;
	v6 =	vld [tilespmem:s8+$0x40]  }
0xe9: {  	v4 =	vmax.f32 v4, v5;
	v5 =	vld [tilespmem:s9+$0x40]  }
0xea: {  	v2 =	vmax.f32 v3, v2;
	v3 =	vld [tilespmem:s10+$0x40]  }
0xeb: {  	v1 =	vmax.f32 v2, v1;
	v2 =	vld [tilespmem:s26+$0x40]  }
0xec: {  	v1 =	vmax.f32 v4, v1;
	v4 =	vld [tilespmem:s19+$0x40]  }
0xed: {  	[tilespmem:s11+$0x30] =	vst v1;
	v1 =	vld [tilespmem:s21+$0x40]  }
0xee: {  	v7 =	vld [tilespmem:s31+$0x40]  }
0xef: {  	v8 =	vld [tilespmem:s2+$0x40]  }
0xf0: {  	v9 =	vld [tilespmem:s0+$0x40]  }
0xf1: {  	v0 =	vmax.f32 v0, v6;
	v3 =	vmax.f32 v5, v3;
	v10 =	vld [tilespmem:s12+$0x40];
	v2 =	vmax.f32 v2, v4  }
0xf2: {  	v0 =	vmax.f32 v0, v3;
	v4 =	vld [tilespmem:s13+$0x40];
	v1 =	vmax.f32 v2, v1  }
0xf3: {  	v2 =	vld [tilespmem:s14+$0x40];
	v0 =	vmax.f32 v0, v1  }
0xf4: {  	v1 =	vld [tilespmem:s15+$0x40];
	v3 =	vmax.f32 v7, v8;
	[tilespmem:s16+$0x40] =	vst v0  }
0xf5: {  	v0 =	vld [tilespmem:s7+$0x50]  }
0xf6: {  	v5 =	vmax.f32 v9, v10;
	v6 =	vld [tilespmem:s8+$0x50]  }
0xf7: {  	v3 =	vmax.f32 v3, v5;
	v5 =	vld [tilespmem:s9+$0x50]  }
0xf8: {  	v2 =	vmax.f32 v4, v2;
	v4 =	vld [tilespmem:s10+$0x50]  }
0xf9: {  	v1 =	vmax.f32 v2, v1;
	v2 =	vld [tilespmem:s26+$0x50]  }
0xfa: {  	v1 =	vmax.f32 v3, v1;
	v3 =	vld [tilespmem:s19+$0x50]  }
0xfb: {  	[tilespmem:s11+$0x40] =	vst v1;
	v1 =	vld [tilespmem:s21+$0x50]  }
0xfc: {  	v7 =	vld [tilespmem:s31+$0x50]  }
0xfd: {  	v8 =	vld [tilespmem:s2+$0x50]  }
0xfe: {  	v9 =	vld [tilespmem:s0+$0x50]  }
0xff: {  	v0 =	vmax.f32 v0, v6;
	v4 =	vmax.f32 v5, v4;
	v10 =	vld [tilespmem:s12+$0x50];
	v2 =	vmax.f32 v2, v3  }
0x100: {  	v0 =	vmax.f32 v0, v4;
	v3 =	vld [tilespmem:s13+$0x50];
	v1 =	vmax.f32 v2, v1  }
0x101: {  	v2 =	vld [tilespmem:s14+$0x50];
	v0 =	vmax.f32 v0, v1  }
0x102: {  	v1 =	vld [tilespmem:s15+$0x50];
	v4 =	vmax.f32 v7, v8;
	[tilespmem:s16+$0x50] =	vst v0  }
0x103: {  	v0 =	vld [tilespmem:s7+$0x60]  }
0x104: {  	v5 =	vmax.f32 v9, v10;
	v6 =	vld [tilespmem:s8+$0x60]  }
0x105: {  	v4 =	vmax.f32 v4, v5;
	v5 =	vld [tilespmem:s9+$0x60]  }
0x106: {  	v2 =	vmax.f32 v3, v2;
	v3 =	vld [tilespmem:s10+$0x60]  }
0x107: {  	v1 =	vmax.f32 v2, v1;
	v2 =	vld [tilespmem:s26+$0x60]  }
0x108: {  	v1 =	vmax.f32 v4, v1;
	v4 =	vld [tilespmem:s19+$0x60]  }
0x109: {  	[tilespmem:s11+$0x50] =	vst v1;
	v1 =	vld [tilespmem:s21+$0x60]  }
0x10a: {  	v7 =	vld [tilespmem:s31+$0x60]  }
0x10b: {  	v8 =	vld [tilespmem:s2+$0x60]  }
0x10c: {  	v9 =	vld [tilespmem:s0+$0x60]  }
0x10d: {  	v0 =	vmax.f32 v0, v6;
	v3 =	vmax.f32 v5, v3;
	v10 =	vld [tilespmem:s12+$0x60];
	v2 =	vmax.f32 v2, v4  }
0x10e: {  	v0 =	vmax.f32 v0, v3;
	v4 =	vld [tilespmem:s13+$0x60];
	v1 =	vmax.f32 v2, v1  }
0x10f: {  	v3 =	vld [tilespmem:s14+$0x60];
	v0 =	vmax.f32 v0, v1  }
0x110: {  	v5 =	vld [tilespmem:s15+$0x60];
	v2 =	vmax.f32 v7, v8;
	[tilespmem:s16+$0x60] =	vst v0  }
0x111: {  	v0 =	vld [tilespmem:s7+$0x70]  }
0x112: {  	v6 =	vmax.f32 v9, v10;
	v1 =	vld [tilespmem:s8+$0x70]  }
.Ltmp5:
0x113: {  	v6 =	vmax.f32 v2, v6;
	v2 =	vld [tilespmem:s9+$0x70];
	(pc) =	sbr.rel @p1 .LBB2_4-.Ltmp5, $4  }
0x114: {  	v4 =	vmax.f32 v4, v3;
	v3 =	vld [tilespmem:s10+$0x70]  }
0x115: {  	v5 =	vmax.f32 v4, v5;
	v4 =	vld [tilespmem:s26+$0x70]  }
0x116: {  	v5 =	vmax.f32 v6, v5;
	v6 =	vld [tilespmem:s19+$0x70]  }
0x117: {  	[tilespmem:s11+$0x60] =	vst v5;
	v5 =	vld [tilespmem:s21+$0x70]  }
0x118: {  	v7 =	vld [tilespmem:s31+$0x70]  }
0x119: {  	v8 =	vld [tilespmem:s2+$0x70]  }
0x11a: {  	v9 =	vld [tilespmem:s0+$0x70]  }
0x11b: {  	v10 =	vld [tilespmem:s12+$0x70]  }
0x11c: {  	v11 =	vld [tilespmem:s13+$0x70]  }
0x11d: {  	v12 =	vld [tilespmem:s14+$0x70]  }
0x11e: {  	v13 =	vld [tilespmem:s15+$0x70];
	_ =	sdelay $0x1  }
0x11f: {  	v0 =	vmax.f32 v0, v1;
	v55 =	vmax.f32 v2, v3;
	v56 =	vmax.f32 v4, v6  }
0x120: {  	v0 =	vmax.f32 v0, v55;
	v57 =	vmax.f32 v56, v5  }
0x121: {  	v58 =	vmax.f32 v7, v8;
	v59 =	vmax.f32 v9, v10;
	v60 =	vmax.f32 v11, v12  }
0x122: {  	s30 =	sadd.s32 s6, s29;
	v0 =	vmax.f32 v0, v57;
	v61 =	vmax.f32 v58, v59;
	v62 =	vmax.f32 v60, v13  }
0x123: {  	s0 =	sshll.u32 s30, $0x8;
	[tilespmem:s16+$0x70] =	vst v0;
	v63 =	vmax.f32 v61, v62  }
0x124: {  	s31 =	simm.s32 $0xEA80;
	s0 =	sadd.s32 s3, s0;
	[tilespmem:s11+$0x70] =	vst v63  }
0x125: {  	[hbm4b:s0+s4] =	stream.linear.scatter [tilespmem:s31], [sflag:$0x5], $0x800, $0x38;
	[tilespmem:$0x10A80] =	vst v63  }
.LBB2_6:
0x126: {  	s0 =	sadd.s32 $0x4, s29  }
0x127: {  	p1 =	sge.u32 s0, s5  }
0x128: {  	s30 =	sor.u32 $0x1, s29;
	s0 =	sshll.u32 @!p1 s0, $0x4  }
0x129: {  	s2 =	simm.s32 @!p1 $0xE;
	s7 =	simm.s32 @!p1 $0xA80;
	s0 =	sand.u32 @!p1 $0x3FFFFFF0, s0  }
0x12a: {  	[tilespmem:s7], [sflag:$0x1] =	stream.indirect.gather @!p1 [hbm4b:s1+s2], $0x400, s0, s2, $0xb8;
	[tilespmem:$0x10A80] =	vst v63  }
0x12b: {  	p1 =	sge.u32 s30, s5  }
.Ltmp6:
0x12c: {  	_ = 	snop;
	(pc) =	sbr.rel @p1 .LBB2_10-.Ltmp6, $1  }
0x12d: {  	_ =	sdelay $0x3  }
0x12e: {  	s0 =	simm.s32 $0x0  }
0x12f: {  	s0 =	smul.u32 $0x7000, s0  }
0x130: {  	s31 =	simm.s32 $0x0  }
0x131: {  	_ =	swait.ge [sflag:s20], $0x3800;
	s12 =	sand.u32 $0x300, s31;
	s0 =	sshra.s32 s0, $0x2  }
0x132: {  	[sflag:s20] =	ssyncset.done $0x0;
	s17 =	sor.u32 $0x80, s12;
	s2 =	sadd.s32 $0x4280, s0  }
0x133: {  	[sflag:s20] =	ssyncadd.s32 $0xFFFFC800;
	s11 =	sadd.s32 $0x4680, s0;
	s7 =	sadd.s32 s17, s2  }
0x134: {  	s13 =	sadd.s32 $0x4A80, s0;
	s8 =	sadd.s32 s17, s11;
	v0 =	vld [tilespmem:s7+$0x0]  }
0x135: {  	s14 =	sadd.s32 $0x4E80, s0;
	s21 =	sadd.s32 s17, s13;
	v1 =	vld [tilespmem:s8+$0x0]  }
0x136: {  	s15 =	sadd.s32 $0x5280, s0;
	s9 =	sadd.s32 s17, s14;
	v2 =	vld [tilespmem:s21+$0x0]  }
0x137: {  	s16 =	sadd.s32 $0x5680, s0;
	s10 =	sadd.s32 s17, s15;
	v3 =	vld [tilespmem:s9+$0x0]  }
0x138: {  	s18 =	sadd.s32 $0x5A80, s0;
	s23 =	sadd.s32 s17, s16;
	v4 =	vld [tilespmem:s10+$0x0]  }
0x139: {  	s19 =	sadd.s32 s17, s18;
	v5 =	vld [tilespmem:s23+$0x0]  }
0x13a: {  	s2 =	sadd.s32 s12, s2;
	v6 =	vld [tilespmem:s19+$0x0]  }
0x13b: {  	s0 =	sadd.s32 s12, s11;
	v7 =	vld [tilespmem:s2+$0x0]  }
0x13c: {  	s11 =	sadd.s32 s12, s13;
	v8 =	vld [tilespmem:s0+$0x0]  }
0x13d: {  	s25 =	simm.s32 $0x0;
	s13 =	sadd.s32 s12, s14;
	v9 =	vld [tilespmem:s11+$0x0]  }
0x13e: {  	s25 =	sand.u32 $0x3FFFFC00, s25;
	s14 =	sadd.s32 s12, s15;
	v10 =	vld [tilespmem:s13+$0x0];
	v0 =	vmax.f32 v0, v1;
	v1 =	vmax.f32 v2, v3;
	v2 =	vmax.f32 v4, v5  }
0x13f: {  	s25 =	sadd.s32 $0xF280, s25;
	s15 =	sadd.s32 s12, s16;
	v3 =	vld [tilespmem:s14+$0x0];
	v0 =	vmax.f32 v0, v1;
	v1 =	vmax.f32 v2, v6  }
0x140: {  	s16 =	sadd.s32 s12, s18;
	s17 =	sadd.s32 s17, s25;
	v2 =	vld [tilespmem:s15+$0x0];
	v0 =	vmax.f32 v0, v1  }
0x141: {  	v1 =	vld [tilespmem:s16+$0x0];
	[tilespmem:s17+$0x0] =	vst v0  }
0x142: {  	v0 =	vld [tilespmem:s7+$0x10]  }
0x143: {  	v4 =	vld [tilespmem:s8+$0x10]  }
0x144: {  	v5 =	vld [tilespmem:s21+$0x10]  }
0x145: {  	v6 =	vmax.f32 v7, v8;
	v7 =	vmax.f32 v9, v10;
	v2 =	vmax.f32 v3, v2;
	v3 =	vld [tilespmem:s9+$0x10]  }
0x146: {  	v6 =	vmax.f32 v6, v7;
	v1 =	vmax.f32 v2, v1;
	v2 =	vld [tilespmem:s10+$0x10]  }
0x147: {  	s12 =	sadd.s32 s12, s25;
	v1 =	vmax.f32 v6, v1;
	v6 =	vld [tilespmem:s23+$0x10]  }
0x148: {  	[tilespmem:s12+$0x0] =	vst v1;
	v1 =	vld [tilespmem:s19+$0x10]  }
0x149: {  	v7 =	vld [tilespmem:s2+$0x10]  }
0x14a: {  	v8 =	vld [tilespmem:s0+$0x10]  }
0x14b: {  	v52 =	vld [tilespmem:s11+$0x10]  }
0x14c: {  	v0 =	vmax.f32 v0, v4;
	v53 =	vld [tilespmem:s13+$0x10];
	v3 =	vmax.f32 v5, v3;
	v2 =	vmax.f32 v2, v6  }
0x14d: {  	v4 =	vld [tilespmem:s14+$0x10];
	v0 =	vmax.f32 v0, v3;
	v1 =	vmax.f32 v2, v1  }
0x14e: {  	v2 =	vld [tilespmem:s15+$0x10];
	v0 =	vmax.f32 v0, v1  }
0x14f: {  	v1 =	vld [tilespmem:s16+$0x10];
	[tilespmem:s17+$0x10] =	vst v0  }
0x150: {  	v0 =	vld [tilespmem:s7+$0x20]  }
0x151: {  	v3 =	vld [tilespmem:s8+$0x20]  }
0x152: {  	v5 =	vld [tilespmem:s21+$0x20]  }
0x153: {  	v6 =	vmax.f32 v7, v8;
	v7 =	vmax.f32 v52, v53;
	v2 =	vmax.f32 v4, v2;
	v4 =	vld [tilespmem:s9+$0x20]  }
0x154: {  	v6 =	vmax.f32 v6, v7;
	v1 =	vmax.f32 v2, v1;
	v2 =	vld [tilespmem:s10+$0x20]  }
0x155: {  	v1 =	vmax.f32 v6, v1;
	v6 =	vld [tilespmem:s23+$0x20]  }
0x156: {  	[tilespmem:s12+$0x10] =	vst v1;
	v1 =	vld [tilespmem:s19+$0x20]  }
0x157: {  	v7 =	vld [tilespmem:s2+$0x20]  }
0x158: {  	v8 =	vld [tilespmem:s0+$0x20]  }
0x159: {  	v54 =	vld [tilespmem:s11+$0x20]  }
0x15a: {  	v0 =	vmax.f32 v0, v3;
	v55 =	vld [tilespmem:s13+$0x20];
	v3 =	vmax.f32 v5, v4;
	v2 =	vmax.f32 v2, v6  }
0x15b: {  	v4 =	vld [tilespmem:s14+$0x20];
	v0 =	vmax.f32 v0, v3;
	v1 =	vmax.f32 v2, v1  }
0x15c: {  	v2 =	vld [tilespmem:s15+$0x20];
	v0 =	vmax.f32 v0, v1  }
0x15d: {  	v1 =	vld [tilespmem:s16+$0x20];
	[tilespmem:s17+$0x20] =	vst v0  }
0x15e: {  	v0 =	vld [tilespmem:s7+$0x30]  }
0x15f: {  	v3 =	vld [tilespmem:s8+$0x30]  }
0x160: {  	v5 =	vld [tilespmem:s21+$0x30]  }
0x161: {  	v6 =	vmax.f32 v7, v8;
	v7 =	vmax.f32 v54, v55;
	v2 =	vmax.f32 v4, v2;
	v4 =	vld [tilespmem:s9+$0x30]  }
0x162: {  	v6 =	vmax.f32 v6, v7;
	v1 =	vmax.f32 v2, v1;
	v2 =	vld [tilespmem:s10+$0x30]  }
0x163: {  	v1 =	vmax.f32 v6, v1;
	v6 =	vld [tilespmem:s23+$0x30]  }
0x164: {  	[tilespmem:s12+$0x20] =	vst v1;
	v1 =	vld [tilespmem:s19+$0x30]  }
0x165: {  	v7 =	vld [tilespmem:s2+$0x30]  }
0x166: {  	v8 =	vld [tilespmem:s0+$0x30]  }
0x167: {  	v56 =	vld [tilespmem:s11+$0x30]  }
0x168: {  	v0 =	vmax.f32 v0, v3;
	v57 =	vld [tilespmem:s13+$0x30];
	v3 =	vmax.f32 v5, v4;
	v2 =	vmax.f32 v2, v6  }
0x169: {  	v4 =	vld [tilespmem:s14+$0x30];
	v0 =	vmax.f32 v0, v3;
	v1 =	vmax.f32 v2, v1  }
0x16a: {  	v2 =	vld [tilespmem:s15+$0x30];
	v0 =	vmax.f32 v0, v1  }
0x16b: {  	v1 =	vld [tilespmem:s16+$0x30];
	[tilespmem:s17+$0x30] =	vst v0  }
0x16c: {  	v0 =	vld [tilespmem:s7+$0x40]  }
0x16d: {  	v3 =	vld [tilespmem:s8+$0x40]  }
0x16e: {  	v5 =	vld [tilespmem:s21+$0x40]  }
0x16f: {  	v6 =	vmax.f32 v7, v8;
	v7 =	vmax.f32 v56, v57;
	v2 =	vmax.f32 v4, v2;
	v4 =	vld [tilespmem:s9+$0x40]  }
0x170: {  	v6 =	vmax.f32 v6, v7;
	v1 =	vmax.f32 v2, v1;
	v2 =	vld [tilespmem:s10+$0x40]  }
0x171: {  	v1 =	vmax.f32 v6, v1;
	v6 =	vld [tilespmem:s23+$0x40]  }
0x172: {  	[tilespmem:s12+$0x30] =	vst v1;
	v1 =	vld [tilespmem:s19+$0x40]  }
0x173: {  	v7 =	vld [tilespmem:s2+$0x40]  }
0x174: {  	v8 =	vld [tilespmem:s0+$0x40]  }
0x175: {  	v58 =	vld [tilespmem:s11+$0x40]  }
0x176: {  	v0 =	vmax.f32 v0, v3;
	v59 =	vld [tilespmem:s13+$0x40];
	v3 =	vmax.f32 v5, v4;
	v2 =	vmax.f32 v2, v6  }
0x177: {  	v4 =	vld [tilespmem:s14+$0x40];
	v0 =	vmax.f32 v0, v3;
	v1 =	vmax.f32 v2, v1  }
0x178: {  	v2 =	vld [tilespmem:s15+$0x40];
	v0 =	vmax.f32 v0, v1  }
0x179: {  	v1 =	vld [tilespmem:s16+$0x40];
	[tilespmem:s17+$0x40] =	vst v0  }
0x17a: {  	v0 =	vld [tilespmem:s7+$0x50]  }
0x17b: {  	v3 =	vld [tilespmem:s8+$0x50]  }
0x17c: {  	v5 =	vld [tilespmem:s21+$0x50]  }
0x17d: {  	v6 =	vmax.f32 v7, v8;
	v7 =	vmax.f32 v58, v59;
	v2 =	vmax.f32 v4, v2;
	v4 =	vld [tilespmem:s9+$0x50]  }
0x17e: {  	v6 =	vmax.f32 v6, v7;
	v1 =	vmax.f32 v2, v1;
	v2 =	vld [tilespmem:s10+$0x50]  }
0x17f: {  	v1 =	vmax.f32 v6, v1;
	v6 =	vld [tilespmem:s23+$0x50]  }
0x180: {  	[tilespmem:s12+$0x40] =	vst v1;
	v1 =	vld [tilespmem:s19+$0x50]  }
0x181: {  	v7 =	vld [tilespmem:s2+$0x50]  }
0x182: {  	v8 =	vld [tilespmem:s0+$0x50]  }
0x183: {  	v60 =	vld [tilespmem:s11+$0x50]  }
0x184: {  	v0 =	vmax.f32 v0, v3;
	v61 =	vld [tilespmem:s13+$0x50];
	v3 =	vmax.f32 v5, v4;
	v2 =	vmax.f32 v2, v6  }
0x185: {  	v4 =	vld [tilespmem:s14+$0x50];
	v0 =	vmax.f32 v0, v3;
	v1 =	vmax.f32 v2, v1  }
0x186: {  	v2 =	vld [tilespmem:s15+$0x50];
	v0 =	vmax.f32 v0, v1  }
0x187: {  	v1 =	vld [tilespmem:s16+$0x50];
	[tilespmem:s17+$0x50] =	vst v0  }
0x188: {  	v0 =	vld [tilespmem:s7+$0x60]  }
0x189: {  	v3 =	vld [tilespmem:s8+$0x60]  }
0x18a: {  	v5 =	vld [tilespmem:s21+$0x60]  }
0x18b: {  	v6 =	vmax.f32 v7, v8;
	v7 =	vmax.f32 v60, v61;
	v2 =	vmax.f32 v4, v2;
	v4 =	vld [tilespmem:s9+$0x60]  }
0x18c: {  	v6 =	vmax.f32 v6, v7;
	v1 =	vmax.f32 v2, v1;
	v2 =	vld [tilespmem:s10+$0x60]  }
0x18d: {  	v1 =	vmax.f32 v6, v1;
	v6 =	vld [tilespmem:s23+$0x60]  }
0x18e: {  	[tilespmem:s12+$0x50] =	vst v1;
	v1 =	vld [tilespmem:s19+$0x60]  }
0x18f: {  	v7 =	vld [tilespmem:s2+$0x60]  }
0x190: {  	v8 =	vld [tilespmem:s0+$0x60]  }
0x191: {  	v62 =	vld [tilespmem:s11+$0x60]  }
0x192: {  	v0 =	vmax.f32 v0, v3;
	v63 =	vld [tilespmem:s13+$0x60];
	v3 =	vmax.f32 v5, v4;
	v2 =	vmax.f32 v2, v6  }
0x193: {  	v4 =	vld [tilespmem:s14+$0x60];
	v0 =	vmax.f32 v0, v3;
	v1 =	vmax.f32 v2, v1  }
0x194: {  	v3 =	vld [tilespmem:s15+$0x60];
	v0 =	vmax.f32 v0, v1  }
0x195: {  	v5 =	vld [tilespmem:s16+$0x60];
	[tilespmem:s17+$0x60] =	vst v0  }
0x196: {  	v0 =	vld [tilespmem:s7+$0x70]  }
0x197: {  	v1 =	vld [tilespmem:s8+$0x70]  }
0x198: {  	v2 =	vld [tilespmem:s21+$0x70]  }
0x199: {  	v6 =	vmax.f32 v7, v8;
	v7 =	vmax.f32 v62, v63;
	v4 =	vmax.f32 v4, v3;
	v3 =	vld [tilespmem:s9+$0x70]  }
0x19a: {  	v6 =	vmax.f32 v6, v7;
	v5 =	vmax.f32 v4, v5;
	v4 =	vld [tilespmem:s10+$0x70]  }
0x19b: {  	v5 =	vmax.f32 v6, v5;
	v6 =	vld [tilespmem:s23+$0x70]  }
0x19c: {  	s7 =	simm.s32 $0x0;
	[tilespmem:s12+$0x60] =	vst v5;
	v5 =	vld [tilespmem:s19+$0x70]  }
.LBB2_8:
0x19d: {  	s7 =	sadd.s32 $0x2, s7;
	v7 =	vld [tilespmem:s2+$0x70]  }
0x19e: {  	s2 =	sshrl.u32 s7, $0x3;
	p1 =	slt.u32 s7, $0xE;
	v8 =	vld [tilespmem:s0+$0x70]  }
0x19f: {  	s0 =	smul.u32 $0x7000, s2;
	v9 =	vld [tilespmem:s11+$0x70]  }
0x1a0: {  	v0 =	vmax.f32 v0, v1;
	s31 =	sadd.s32 $0x100, s31;
	v1 =	vmax.f32 v2, v3;
	v10 =	vld [tilespmem:s13+$0x70];
	v2 =	vmax.f32 v4, v6  }
0x1a1: {  	s25 =	sand.u32 $0x300, s31;
	v0 =	vmax.f32 v0, v1;
	s21 =	sshra.s32 s0, $0x2;
	v3 =	vld [tilespmem:s14+$0x70];
	v1 =	vmax.f32 v2, v5  }
0x1a2: {  	s18 =	sor.u32 $0x80, s25;
	s0 =	sadd.s32 $0x4280, s21;
	v2 =	vld [tilespmem:s15+$0x70];
	v0 =	vmax.f32 v0, v1  }
0x1a3: {  	s9 =	sadd.s32 $0x4680, s21;
	s2 =	sadd.s32 s25, s0;
	s8 =	sadd.s32 s18, s0;
	v1 =	vld [tilespmem:s16+$0x70];
	v4 =	vmax.f32 v7, v8;
	[tilespmem:s17+$0x70] =	vst v0  }
0x1a4: {  	s10 =	sadd.s32 $0x4A80, s21;
	s0 =	sadd.s32 s25, s9;
	s9 =	sadd.s32 s18, s9;
	v0 =	vld [tilespmem:s8+$0x0]  }
0x1a5: {  	s14 =	sadd.s32 $0x4E80, s21;
	s11 =	sadd.s32 s25, s10;
	s10 =	sadd.s32 s18, s10;
	v5 =	vld [tilespmem:s9+$0x0];
	v6 =	vmax.f32 v9, v10  }
0x1a6: {  	s15 =	sadd.s32 $0x5280, s21;
	s13 =	sadd.s32 s25, s14;
	s26 =	sadd.s32 s18, s14;
	v7 =	vld [tilespmem:s10+$0x0];
	v4 =	vmax.f32 v4, v6  }
0x1a7: {  	s14 =	sadd.s32 s25, s15;
	s16 =	sadd.s32 $0x5680, s21;
	s19 =	sadd.s32 s18, s15;
	v6 =	vld [tilespmem:s26+$0x0];
	v2 =	vmax.f32 v3, v2  }
0x1a8: {  	s17 =	sadd.s32 $0x5A80, s21;
	s15 =	sadd.s32 s25, s16;
	s21 =	sadd.s32 s18, s16;
	v3 =	vld [tilespmem:s19+$0x0];
	v1 =	vmax.f32 v2, v1  }
0x1a9: {  	s16 =	sadd.s32 s25, s17;
	s23 =	sadd.s32 s18, s17;
	v2 =	vld [tilespmem:s21+$0x0];
	v1 =	vmax.f32 v4, v1  }
0x1aa: {  	v4 =	vld [tilespmem:s23+$0x0];
	[tilespmem:s12+$0x70] =	vst v1  }
0x1ab: {  	v1 =	vld [tilespmem:s2+$0x0]  }
0x1ac: {  	v8 =	vld [tilespmem:s0+$0x0]  }
0x1ad: {  	s12 =	sshll.u32 s7, $0x7;
	v9 =	vld [tilespmem:s11+$0x0]  }
0x1ae: {  	v0 =	vmax.f32 v0, v5;
	s12 =	sand.u32 $0x3FFFFC00, s12;
	v5 =	vmax.f32 v7, v6;
	v10 =	vld [tilespmem:s13+$0x0];
	v2 =	vmax.f32 v3, v2  }
0x1af: {  	s17 =	sadd.s32 $0xF280, s12;
	v0 =	vmax.f32 v0, v5;
	v3 =	vld [tilespmem:s14+$0x0];
	v2 =	vmax.f32 v2, v4  }
0x1b0: {  	s12 =	sadd.s32 s25, s17;
	s17 =	sadd.s32 s18, s17;
	v4 =	vld [tilespmem:s15+$0x0];
	v0 =	vmax.f32 v0, v2  }
0x1b1: {  	v2 =	vld [tilespmem:s16+$0x0];
	v1 =	vmax.f32 v1, v8;
	[tilespmem:s17+$0x0] =	vst v0  }
0x1b2: {  	v0 =	vld [tilespmem:s8+$0x10]  }
0x1b3: {  	v5 =	vmax.f32 v9, v10;
	v6 =	vld [tilespmem:s9+$0x10]  }
0x1b4: {  	v1 =	vmax.f32 v1, v5;
	v5 =	vld [tilespmem:s10+$0x10]  }
0x1b5: {  	v3 =	vmax.f32 v3, v4;
	v4 =	vld [tilespmem:s26+$0x10]  }
0x1b6: {  	v2 =	vmax.f32 v3, v2;
	v3 =	vld [tilespmem:s19+$0x10]  }
0x1b7: {  	v1 =	vmax.f32 v1, v2;
	v2 =	vld [tilespmem:s21+$0x10]  }
0x1b8: {  	[tilespmem:s12+$0x0] =	vst v1;
	v1 =	vld [tilespmem:s23+$0x10]  }
0x1b9: {  	v7 =	vld [tilespmem:s2+$0x10]  }
0x1ba: {  	v8 =	vld [tilespmem:s0+$0x10]  }
0x1bb: {  	v9 =	vld [tilespmem:s11+$0x10]  }
0x1bc: {  	v0 =	vmax.f32 v0, v6;
	v4 =	vmax.f32 v5, v4;
	v10 =	vld [tilespmem:s13+$0x10];
	v2 =	vmax.f32 v3, v2  }
0x1bd: {  	v0 =	vmax.f32 v0, v4;
	v3 =	vld [tilespmem:s14+$0x10];
	v1 =	vmax.f32 v2, v1  }
0x1be: {  	v2 =	vld [tilespmem:s15+$0x10];
	v0 =	vmax.f32 v0, v1  }
0x1bf: {  	v1 =	vld [tilespmem:s16+$0x10];
	v4 =	vmax.f32 v7, v8;
	[tilespmem:s17+$0x10] =	vst v0  }
0x1c0: {  	v0 =	vld [tilespmem:s8+$0x20]  }
0x1c1: {  	v5 =	vmax.f32 v9, v10;
	v6 =	vld [tilespmem:s9+$0x20]  }
0x1c2: {  	v4 =	vmax.f32 v4, v5;
	v5 =	vld [tilespmem:s10+$0x20]  }
0x1c3: {  	v2 =	vmax.f32 v3, v2;
	v3 =	vld [tilespmem:s26+$0x20]  }
0x1c4: {  	v1 =	vmax.f32 v2, v1;
	v2 =	vld [tilespmem:s19+$0x20]  }
0x1c5: {  	v1 =	vmax.f32 v4, v1;
	v4 =	vld [tilespmem:s21+$0x20]  }
0x1c6: {  	[tilespmem:s12+$0x10] =	vst v1;
	v1 =	vld [tilespmem:s23+$0x20]  }
0x1c7: {  	v7 =	vld [tilespmem:s2+$0x20]  }
0x1c8: {  	v8 =	vld [tilespmem:s0+$0x20]  }
0x1c9: {  	v9 =	vld [tilespmem:s11+$0x20]  }
0x1ca: {  	v0 =	vmax.f32 v0, v6;
	v3 =	vmax.f32 v5, v3;
	v10 =	vld [tilespmem:s13+$0x20];
	v2 =	vmax.f32 v2, v4  }
0x1cb: {  	v0 =	vmax.f32 v0, v3;
	v4 =	vld [tilespmem:s14+$0x20];
	v1 =	vmax.f32 v2, v1  }
0x1cc: {  	v2 =	vld [tilespmem:s15+$0x20];
	v0 =	vmax.f32 v0, v1  }
0x1cd: {  	v1 =	vld [tilespmem:s16+$0x20];
	v3 =	vmax.f32 v7, v8;
	[tilespmem:s17+$0x20] =	vst v0  }
0x1ce: {  	v0 =	vld [tilespmem:s8+$0x30]  }
0x1cf: {  	v5 =	vmax.f32 v9, v10;
	v6 =	vld [tilespmem:s9+$0x30]  }
0x1d0: {  	v3 =	vmax.f32 v3, v5;
	v5 =	vld [tilespmem:s10+$0x30]  }
0x1d1: {  	v2 =	vmax.f32 v4, v2;
	v4 =	vld [tilespmem:s26+$0x30]  }
0x1d2: {  	v1 =	vmax.f32 v2, v1;
	v2 =	vld [tilespmem:s19+$0x30]  }
0x1d3: {  	v1 =	vmax.f32 v3, v1;
	v3 =	vld [tilespmem:s21+$0x30]  }
0x1d4: {  	[tilespmem:s12+$0x20] =	vst v1;
	v1 =	vld [tilespmem:s23+$0x30]  }
0x1d5: {  	v7 =	vld [tilespmem:s2+$0x30]  }
0x1d6: {  	v8 =	vld [tilespmem:s0+$0x30]  }
0x1d7: {  	v9 =	vld [tilespmem:s11+$0x30]  }
0x1d8: {  	v0 =	vmax.f32 v0, v6;
	v4 =	vmax.f32 v5, v4;
	v10 =	vld [tilespmem:s13+$0x30];
	v2 =	vmax.f32 v2, v3  }
0x1d9: {  	v0 =	vmax.f32 v0, v4;
	v3 =	vld [tilespmem:s14+$0x30];
	v1 =	vmax.f32 v2, v1  }
0x1da: {  	v2 =	vld [tilespmem:s15+$0x30];
	v0 =	vmax.f32 v0, v1  }
0x1db: {  	v1 =	vld [tilespmem:s16+$0x30];
	v4 =	vmax.f32 v7, v8;
	[tilespmem:s17+$0x30] =	vst v0  }
0x1dc: {  	v0 =	vld [tilespmem:s8+$0x40]  }
0x1dd: {  	v5 =	vmax.f32 v9, v10;
	v6 =	vld [tilespmem:s9+$0x40]  }
0x1de: {  	v4 =	vmax.f32 v4, v5;
	v5 =	vld [tilespmem:s10+$0x40]  }
0x1df: {  	v2 =	vmax.f32 v3, v2;
	v3 =	vld [tilespmem:s26+$0x40]  }
0x1e0: {  	v1 =	vmax.f32 v2, v1;
	v2 =	vld [tilespmem:s19+$0x40]  }
0x1e1: {  	v1 =	vmax.f32 v4, v1;
	v4 =	vld [tilespmem:s21+$0x40]  }
0x1e2: {  	[tilespmem:s12+$0x30] =	vst v1;
	v1 =	vld [tilespmem:s23+$0x40]  }
0x1e3: {  	v7 =	vld [tilespmem:s2+$0x40]  }
0x1e4: {  	v8 =	vld [tilespmem:s0+$0x40]  }
0x1e5: {  	v9 =	vld [tilespmem:s11+$0x40]  }
0x1e6: {  	v0 =	vmax.f32 v0, v6;
	v3 =	vmax.f32 v5, v3;
	v10 =	vld [tilespmem:s13+$0x40];
	v2 =	vmax.f32 v2, v4  }
0x1e7: {  	v0 =	vmax.f32 v0, v3;
	v4 =	vld [tilespmem:s14+$0x40];
	v1 =	vmax.f32 v2, v1  }
0x1e8: {  	v2 =	vld [tilespmem:s15+$0x40];
	v0 =	vmax.f32 v0, v1  }
0x1e9: {  	v1 =	vld [tilespmem:s16+$0x40];
	v3 =	vmax.f32 v7, v8;
	[tilespmem:s17+$0x40] =	vst v0  }
0x1ea: {  	v0 =	vld [tilespmem:s8+$0x50]  }
0x1eb: {  	v5 =	vmax.f32 v9, v10;
	v6 =	vld [tilespmem:s9+$0x50]  }
0x1ec: {  	v3 =	vmax.f32 v3, v5;
	v5 =	vld [tilespmem:s10+$0x50]  }
0x1ed: {  	v2 =	vmax.f32 v4, v2;
	v4 =	vld [tilespmem:s26+$0x50]  }
0x1ee: {  	v1 =	vmax.f32 v2, v1;
	v2 =	vld [tilespmem:s19+$0x50]  }
0x1ef: {  	v1 =	vmax.f32 v3, v1;
	v3 =	vld [tilespmem:s21+$0x50]  }
0x1f0: {  	[tilespmem:s12+$0x40] =	vst v1;
	v1 =	vld [tilespmem:s23+$0x50]  }
0x1f1: {  	v7 =	vld [tilespmem:s2+$0x50]  }
0x1f2: {  	v8 =	vld [tilespmem:s0+$0x50]  }
0x1f3: {  	v9 =	vld [tilespmem:s11+$0x50]  }
0x1f4: {  	v0 =	vmax.f32 v0, v6;
	v4 =	vmax.f32 v5, v4;
	v10 =	vld [tilespmem:s13+$0x50];
	v2 =	vmax.f32 v2, v3  }
0x1f5: {  	v0 =	vmax.f32 v0, v4;
	v3 =	vld [tilespmem:s14+$0x50];
	v1 =	vmax.f32 v2, v1  }
0x1f6: {  	v2 =	vld [tilespmem:s15+$0x50];
	v0 =	vmax.f32 v0, v1  }
0x1f7: {  	v1 =	vld [tilespmem:s16+$0x50];
	v4 =	vmax.f32 v7, v8;
	[tilespmem:s17+$0x50] =	vst v0  }
0x1f8: {  	v0 =	vld [tilespmem:s8+$0x60]  }
0x1f9: {  	v5 =	vmax.f32 v9, v10;
	v6 =	vld [tilespmem:s9+$0x60]  }
0x1fa: {  	v4 =	vmax.f32 v4, v5;
	v5 =	vld [tilespmem:s10+$0x60]  }
0x1fb: {  	v2 =	vmax.f32 v3, v2;
	v3 =	vld [tilespmem:s26+$0x60]  }
0x1fc: {  	v1 =	vmax.f32 v2, v1;
	v2 =	vld [tilespmem:s19+$0x60]  }
0x1fd: {  	v1 =	vmax.f32 v4, v1;
	v4 =	vld [tilespmem:s21+$0x60]  }
0x1fe: {  	[tilespmem:s12+$0x50] =	vst v1;
	v1 =	vld [tilespmem:s23+$0x60]  }
0x1ff: {  	v7 =	vld [tilespmem:s2+$0x60]  }
0x200: {  	v8 =	vld [tilespmem:s0+$0x60]  }
0x201: {  	v9 =	vld [tilespmem:s11+$0x60]  }
0x202: {  	v0 =	vmax.f32 v0, v6;
	v3 =	vmax.f32 v5, v3;
	v10 =	vld [tilespmem:s13+$0x60];
	v2 =	vmax.f32 v2, v4  }
0x203: {  	v0 =	vmax.f32 v0, v3;
	v4 =	vld [tilespmem:s14+$0x60];
	v1 =	vmax.f32 v2, v1  }
0x204: {  	v3 =	vld [tilespmem:s15+$0x60];
	v0 =	vmax.f32 v0, v1  }
0x205: {  	v5 =	vld [tilespmem:s16+$0x60];
	v2 =	vmax.f32 v7, v8;
	[tilespmem:s17+$0x60] =	vst v0  }
0x206: {  	v0 =	vld [tilespmem:s8+$0x70]  }
0x207: {  	v6 =	vmax.f32 v9, v10;
	v1 =	vld [tilespmem:s9+$0x70]  }
.Ltmp7:
0x208: {  	v6 =	vmax.f32 v2, v6;
	v2 =	vld [tilespmem:s10+$0x70];
	(pc) =	sbr.rel @p1 .LBB2_8-.Ltmp7, $4  }
0x209: {  	v4 =	vmax.f32 v4, v3;
	v3 =	vld [tilespmem:s26+$0x70]  }
0x20a: {  	v5 =	vmax.f32 v4, v5;
	v4 =	vld [tilespmem:s19+$0x70]  }
0x20b: {  	v5 =	vmax.f32 v6, v5;
	v6 =	vld [tilespmem:s21+$0x70]  }
0x20c: {  	[tilespmem:s12+$0x60] =	vst v5;
	v5 =	vld [tilespmem:s23+$0x70]  }
0x20d: {  	v7 =	vld [tilespmem:s2+$0x70]  }
0x20e: {  	v8 =	vld [tilespmem:s0+$0x70]  }
0x20f: {  	v9 =	vld [tilespmem:s11+$0x70]  }
0x210: {  	v10 =	vld [tilespmem:s13+$0x70]  }
0x211: {  	v11 =	vld [tilespmem:s14+$0x70]  }
0x212: {  	v12 =	vld [tilespmem:s15+$0x70]  }
0x213: {  	v13 =	vld [tilespmem:s16+$0x70];
	_ =	sdelay $0x1  }
0x214: {  	v0 =	vmax.f32 v0, v1;
	v55 =	vmax.f32 v2, v3;
	v56 =	vmax.f32 v4, v6  }
0x215: {  	v0 =	vmax.f32 v0, v55;
	v57 =	vmax.f32 v56, v5  }
0x216: {  	s30 =	sadd.s32 s6, s30;
	v58 =	vmax.f32 v7, v8;
	v59 =	vmax.f32 v9, v10;
	v60 =	vmax.f32 v11, v12  }
0x217: {  	s0 =	sshll.u32 s30, $0x8;
	v0 =	vmax.f32 v0, v57;
	v61 =	vmax.f32 v58, v59;
	v62 =	vmax.f32 v60, v13  }
0x218: {  	s0 =	sand.u32 $0x1FFFFD00, s0;
	[tilespmem:s17+$0x70] =	vst v0;
	v63 =	vmax.f32 v61, v62  }
0x219: {  	s31 =	simm.s32 $0xF280;
	s0 =	sadd.s32 s3, s0;
	[tilespmem:s12+$0x70] =	vst v63  }
0x21a: {  	[hbm4b:s0+s4] =	stream.linear.scatter [tilespmem:s31], [sflag:$0x5], $0x800, $0x38;
	[tilespmem:$0x10A80] =	vst v63  }
.LBB2_10:
0x21b: {  	s0 =	sadd.s32 $0x5, s29  }
0x21c: {  	p1 =	sge.u32 s0, s5  }
0x21d: {  	s30 =	sor.u32 $0x2, s29;
	s0 =	sshll.u32 @!p1 s0, $0x4  }
0x21e: {  	s2 =	simm.s32 @!p1 $0xE;
	s7 =	simm.s32 @!p1 $0x4280;
	s0 =	sand.u32 @!p1 $0x3FFFFFF0, s0  }
0x21f: {  	[tilespmem:s7], [sflag:$0x2] =	stream.indirect.gather @!p1 [hbm4b:s1+s2], $0x400, s0, s2, $0xb8;
	[tilespmem:$0x10A80] =	vst v63  }
0x220: {  	p1 =	sge.u32 s30, s5  }
.Ltmp8:
0x221: {  	_ = 	snop;
	(pc) =	sbr.rel @p1 .LBB2_14-.Ltmp8, $1  }
0x222: {  	_ =	sdelay $0x3  }
0x223: {  	s0 =	simm.s32 $0x0  }
0x224: {  	s0 =	smul.u32 $0x7000, s0  }
0x225: {  	s31 =	simm.s32 $0x0  }
0x226: {  	_ =	swait.ge [sflag:s22], $0x3800;
	s12 =	sand.u32 $0x300, s31;
	s0 =	sshra.s32 s0, $0x2  }
0x227: {  	[sflag:s22] =	ssyncset.done $0x0;
	s17 =	sor.u32 $0x80, s12;
	s2 =	sadd.s32 $0x7A80, s0  }
0x228: {  	[sflag:s22] =	ssyncadd.s32 $0xFFFFC800;
	s11 =	sadd.s32 $0x7E80, s0;
	s7 =	sadd.s32 s17, s2  }
0x229: {  	s13 =	sadd.s32 $0x8280, s0;
	s8 =	sadd.s32 s17, s11;
	v0 =	vld [tilespmem:s7+$0x0]  }
0x22a: {  	s14 =	sadd.s32 $0x8680, s0;
	s21 =	sadd.s32 s17, s13;
	v1 =	vld [tilespmem:s8+$0x0]  }
0x22b: {  	s15 =	sadd.s32 $0x8A80, s0;
	s9 =	sadd.s32 s17, s14;
	v2 =	vld [tilespmem:s21+$0x0]  }
0x22c: {  	s16 =	sadd.s32 $0x8E80, s0;
	s10 =	sadd.s32 s17, s15;
	v3 =	vld [tilespmem:s9+$0x0]  }
0x22d: {  	s18 =	sadd.s32 $0x9280, s0;
	s23 =	sadd.s32 s17, s16;
	v4 =	vld [tilespmem:s10+$0x0]  }
0x22e: {  	s19 =	sadd.s32 s17, s18;
	v5 =	vld [tilespmem:s23+$0x0]  }
0x22f: {  	s2 =	sadd.s32 s12, s2;
	v6 =	vld [tilespmem:s19+$0x0]  }
0x230: {  	s0 =	sadd.s32 s12, s11;
	v7 =	vld [tilespmem:s2+$0x0]  }
0x231: {  	s11 =	sadd.s32 s12, s13;
	v8 =	vld [tilespmem:s0+$0x0]  }
0x232: {  	s25 =	simm.s32 $0x0;
	s13 =	sadd.s32 s12, s14;
	v9 =	vld [tilespmem:s11+$0x0]  }
0x233: {  	s25 =	sand.u32 $0x3FFFFC00, s25;
	s14 =	sadd.s32 s12, s15;
	v10 =	vld [tilespmem:s13+$0x0];
	v0 =	vmax.f32 v0, v1;
	v1 =	vmax.f32 v2, v3;
	v2 =	vmax.f32 v4, v5  }
0x234: {  	s25 =	sadd.s32 $0xFA80, s25;
	s15 =	sadd.s32 s12, s16;
	v3 =	vld [tilespmem:s14+$0x0];
	v0 =	vmax.f32 v0, v1;
	v1 =	vmax.f32 v2, v6  }
0x235: {  	s16 =	sadd.s32 s12, s18;
	s17 =	sadd.s32 s17, s25;
	v2 =	vld [tilespmem:s15+$0x0];
	v0 =	vmax.f32 v0, v1  }
0x236: {  	v1 =	vld [tilespmem:s16+$0x0];
	[tilespmem:s17+$0x0] =	vst v0  }
0x237: {  	v0 =	vld [tilespmem:s7+$0x10]  }
0x238: {  	v4 =	vld [tilespmem:s8+$0x10]  }
0x239: {  	v5 =	vld [tilespmem:s21+$0x10]  }
0x23a: {  	v6 =	vmax.f32 v7, v8;
	v7 =	vmax.f32 v9, v10;
	v2 =	vmax.f32 v3, v2;
	v3 =	vld [tilespmem:s9+$0x10]  }
0x23b: {  	v6 =	vmax.f32 v6, v7;
	v1 =	vmax.f32 v2, v1;
	v2 =	vld [tilespmem:s10+$0x10]  }
0x23c: {  	s12 =	sadd.s32 s12, s25;
	v1 =	vmax.f32 v6, v1;
	v6 =	vld [tilespmem:s23+$0x10]  }
0x23d: {  	[tilespmem:s12+$0x0] =	vst v1;
	v1 =	vld [tilespmem:s19+$0x10]  }
0x23e: {  	v7 =	vld [tilespmem:s2+$0x10]  }
0x23f: {  	v8 =	vld [tilespmem:s0+$0x10]  }
0x240: {  	v52 =	vld [tilespmem:s11+$0x10]  }
0x241: {  	v0 =	vmax.f32 v0, v4;
	v53 =	vld [tilespmem:s13+$0x10];
	v3 =	vmax.f32 v5, v3;
	v2 =	vmax.f32 v2, v6  }
0x242: {  	v4 =	vld [tilespmem:s14+$0x10];
	v0 =	vmax.f32 v0, v3;
	v1 =	vmax.f32 v2, v1  }
0x243: {  	v2 =	vld [tilespmem:s15+$0x10];
	v0 =	vmax.f32 v0, v1  }
0x244: {  	v1 =	vld [tilespmem:s16+$0x10];
	[tilespmem:s17+$0x10] =	vst v0  }
0x245: {  	v0 =	vld [tilespmem:s7+$0x20]  }
0x246: {  	v3 =	vld [tilespmem:s8+$0x20]  }
0x247: {  	v5 =	vld [tilespmem:s21+$0x20]  }
0x248: {  	v6 =	vmax.f32 v7, v8;
	v7 =	vmax.f32 v52, v53;
	v2 =	vmax.f32 v4, v2;
	v4 =	vld [tilespmem:s9+$0x20]  }
0x249: {  	v6 =	vmax.f32 v6, v7;
	v1 =	vmax.f32 v2, v1;
	v2 =	vld [tilespmem:s10+$0x20]  }
0x24a: {  	v1 =	vmax.f32 v6, v1;
	v6 =	vld [tilespmem:s23+$0x20]  }
0x24b: {  	[tilespmem:s12+$0x10] =	vst v1;
	v1 =	vld [tilespmem:s19+$0x20]  }
0x24c: {  	v7 =	vld [tilespmem:s2+$0x20]  }
0x24d: {  	v8 =	vld [tilespmem:s0+$0x20]  }
0x24e: {  	v54 =	vld [tilespmem:s11+$0x20]  }
0x24f: {  	v0 =	vmax.f32 v0, v3;
	v55 =	vld [tilespmem:s13+$0x20];
	v3 =	vmax.f32 v5, v4;
	v2 =	vmax.f32 v2, v6  }
0x250: {  	v4 =	vld [tilespmem:s14+$0x20];
	v0 =	vmax.f32 v0, v3;
	v1 =	vmax.f32 v2, v1  }
0x251: {  	v2 =	vld [tilespmem:s15+$0x20];
	v0 =	vmax.f32 v0, v1  }
0x252: {  	v1 =	vld [tilespmem:s16+$0x20];
	[tilespmem:s17+$0x20] =	vst v0  }
0x253: {  	v0 =	vld [tilespmem:s7+$0x30]  }
0x254: {  	v3 =	vld [tilespmem:s8+$0x30]  }
0x255: {  	v5 =	vld [tilespmem:s21+$0x30]  }
0x256: {  	v6 =	vmax.f32 v7, v8;
	v7 =	vmax.f32 v54, v55;
	v2 =	vmax.f32 v4, v2;
	v4 =	vld [tilespmem:s9+$0x30]  }
0x257: {  	v6 =	vmax.f32 v6, v7;
	v1 =	vmax.f32 v2, v1;
	v2 =	vld [tilespmem:s10+$0x30]  }
0x258: {  	v1 =	vmax.f32 v6, v1;
	v6 =	vld [tilespmem:s23+$0x30]  }
0x259: {  	[tilespmem:s12+$0x20] =	vst v1;
	v1 =	vld [tilespmem:s19+$0x30]  }
0x25a: {  	v7 =	vld [tilespmem:s2+$0x30]  }
0x25b: {  	v8 =	vld [tilespmem:s0+$0x30]  }
0x25c: {  	v56 =	vld [tilespmem:s11+$0x30]  }
0x25d: {  	v0 =	vmax.f32 v0, v3;
	v57 =	vld [tilespmem:s13+$0x30];
	v3 =	vmax.f32 v5, v4;
	v2 =	vmax.f32 v2, v6  }
0x25e: {  	v4 =	vld [tilespmem:s14+$0x30];
	v0 =	vmax.f32 v0, v3;
	v1 =	vmax.f32 v2, v1  }
0x25f: {  	v2 =	vld [tilespmem:s15+$0x30];
	v0 =	vmax.f32 v0, v1  }
0x260: {  	v1 =	vld [tilespmem:s16+$0x30];
	[tilespmem:s17+$0x30] =	vst v0  }
0x261: {  	v0 =	vld [tilespmem:s7+$0x40]  }
0x262: {  	v3 =	vld [tilespmem:s8+$0x40]  }
0x263: {  	v5 =	vld [tilespmem:s21+$0x40]  }
0x264: {  	v6 =	vmax.f32 v7, v8;
	v7 =	vmax.f32 v56, v57;
	v2 =	vmax.f32 v4, v2;
	v4 =	vld [tilespmem:s9+$0x40]  }
0x265: {  	v6 =	vmax.f32 v6, v7;
	v1 =	vmax.f32 v2, v1;
	v2 =	vld [tilespmem:s10+$0x40]  }
0x266: {  	v1 =	vmax.f32 v6, v1;
	v6 =	vld [tilespmem:s23+$0x40]  }
0x267: {  	[tilespmem:s12+$0x30] =	vst v1;
	v1 =	vld [tilespmem:s19+$0x40]  }
0x268: {  	v7 =	vld [tilespmem:s2+$0x40]  }
0x269: {  	v8 =	vld [tilespmem:s0+$0x40]  }
0x26a: {  	v58 =	vld [tilespmem:s11+$0x40]  }
0x26b: {  	v0 =	vmax.f32 v0, v3;
	v59 =	vld [tilespmem:s13+$0x40];
	v3 =	vmax.f32 v5, v4;
	v2 =	vmax.f32 v2, v6  }
0x26c: {  	v4 =	vld [tilespmem:s14+$0x40];
	v0 =	vmax.f32 v0, v3;
	v1 =	vmax.f32 v2, v1  }
0x26d: {  	v2 =	vld [tilespmem:s15+$0x40];
	v0 =	vmax.f32 v0, v1  }
0x26e: {  	v1 =	vld [tilespmem:s16+$0x40];
	[tilespmem:s17+$0x40] =	vst v0  }
0x26f: {  	v0 =	vld [tilespmem:s7+$0x50]  }
0x270: {  	v3 =	vld [tilespmem:s8+$0x50]  }
0x271: {  	v5 =	vld [tilespmem:s21+$0x50]  }
0x272: {  	v6 =	vmax.f32 v7, v8;
	v7 =	vmax.f32 v58, v59;
	v2 =	vmax.f32 v4, v2;
	v4 =	vld [tilespmem:s9+$0x50]  }
0x273: {  	v6 =	vmax.f32 v6, v7;
	v1 =	vmax.f32 v2, v1;
	v2 =	vld [tilespmem:s10+$0x50]  }
0x274: {  	v1 =	vmax.f32 v6, v1;
	v6 =	vld [tilespmem:s23+$0x50]  }
0x275: {  	[tilespmem:s12+$0x40] =	vst v1;
	v1 =	vld [tilespmem:s19+$0x50]  }
0x276: {  	v7 =	vld [tilespmem:s2+$0x50]  }
0x277: {  	v8 =	vld [tilespmem:s0+$0x50]  }
0x278: {  	v60 =	vld [tilespmem:s11+$0x50]  }
0x279: {  	v0 =	vmax.f32 v0, v3;
	v61 =	vld [tilespmem:s13+$0x50];
	v3 =	vmax.f32 v5, v4;
	v2 =	vmax.f32 v2, v6  }
0x27a: {  	v4 =	vld [tilespmem:s14+$0x50];
	v0 =	vmax.f32 v0, v3;
	v1 =	vmax.f32 v2, v1  }
0x27b: {  	v2 =	vld [tilespmem:s15+$0x50];
	v0 =	vmax.f32 v0, v1  }
0x27c: {  	v1 =	vld [tilespmem:s16+$0x50];
	[tilespmem:s17+$0x50] =	vst v0  }
0x27d: {  	v0 =	vld [tilespmem:s7+$0x60]  }
0x27e: {  	v3 =	vld [tilespmem:s8+$0x60]  }
0x27f: {  	v5 =	vld [tilespmem:s21+$0x60]  }
0x280: {  	v6 =	vmax.f32 v7, v8;
	v7 =	vmax.f32 v60, v61;
	v2 =	vmax.f32 v4, v2;
	v4 =	vld [tilespmem:s9+$0x60]  }
0x281: {  	v6 =	vmax.f32 v6, v7;
	v1 =	vmax.f32 v2, v1;
	v2 =	vld [tilespmem:s10+$0x60]  }
0x282: {  	v1 =	vmax.f32 v6, v1;
	v6 =	vld [tilespmem:s23+$0x60]  }
0x283: {  	[tilespmem:s12+$0x50] =	vst v1;
	v1 =	vld [tilespmem:s19+$0x60]  }
0x284: {  	v7 =	vld [tilespmem:s2+$0x60]  }
0x285: {  	v8 =	vld [tilespmem:s0+$0x60]  }
0x286: {  	v62 =	vld [tilespmem:s11+$0x60]  }
0x287: {  	v0 =	vmax.f32 v0, v3;
	v63 =	vld [tilespmem:s13+$0x60];
	v3 =	vmax.f32 v5, v4;
	v2 =	vmax.f32 v2, v6  }
0x288: {  	v4 =	vld [tilespmem:s14+$0x60];
	v0 =	vmax.f32 v0, v3;
	v1 =	vmax.f32 v2, v1  }
0x289: {  	v3 =	vld [tilespmem:s15+$0x60];
	v0 =	vmax.f32 v0, v1  }
0x28a: {  	v5 =	vld [tilespmem:s16+$0x60];
	[tilespmem:s17+$0x60] =	vst v0  }
0x28b: {  	v0 =	vld [tilespmem:s7+$0x70]  }
0x28c: {  	v1 =	vld [tilespmem:s8+$0x70]  }
0x28d: {  	v2 =	vld [tilespmem:s21+$0x70]  }
0x28e: {  	v6 =	vmax.f32 v7, v8;
	v7 =	vmax.f32 v62, v63;
	v4 =	vmax.f32 v4, v3;
	v3 =	vld [tilespmem:s9+$0x70]  }
0x28f: {  	v6 =	vmax.f32 v6, v7;
	v5 =	vmax.f32 v4, v5;
	v4 =	vld [tilespmem:s10+$0x70]  }
0x290: {  	v5 =	vmax.f32 v6, v5;
	v6 =	vld [tilespmem:s23+$0x70]  }
0x291: {  	s7 =	simm.s32 $0x0;
	[tilespmem:s12+$0x60] =	vst v5;
	v5 =	vld [tilespmem:s19+$0x70]  }
.LBB2_12:
0x292: {  	s7 =	sadd.s32 $0x2, s7;
	v7 =	vld [tilespmem:s2+$0x70]  }
0x293: {  	s2 =	sshrl.u32 s7, $0x3;
	p1 =	slt.u32 s7, $0xE;
	v8 =	vld [tilespmem:s0+$0x70]  }
0x294: {  	s0 =	smul.u32 $0x7000, s2;
	v9 =	vld [tilespmem:s11+$0x70]  }
0x295: {  	v0 =	vmax.f32 v0, v1;
	s31 =	sadd.s32 $0x100, s31;
	v1 =	vmax.f32 v2, v3;
	v10 =	vld [tilespmem:s13+$0x70];
	v2 =	vmax.f32 v4, v6  }
0x296: {  	s25 =	sand.u32 $0x300, s31;
	v0 =	vmax.f32 v0, v1;
	s21 =	sshra.s32 s0, $0x2;
	v3 =	vld [tilespmem:s14+$0x70];
	v1 =	vmax.f32 v2, v5  }
0x297: {  	s18 =	sor.u32 $0x80, s25;
	s0 =	sadd.s32 $0x7A80, s21;
	v2 =	vld [tilespmem:s15+$0x70];
	v0 =	vmax.f32 v0, v1  }
0x298: {  	s9 =	sadd.s32 $0x7E80, s21;
	s2 =	sadd.s32 s25, s0;
	s8 =	sadd.s32 s18, s0;
	v1 =	vld [tilespmem:s16+$0x70];
	v4 =	vmax.f32 v7, v8;
	[tilespmem:s17+$0x70] =	vst v0  }
0x299: {  	s10 =	sadd.s32 $0x8280, s21;
	s0 =	sadd.s32 s25, s9;
	s9 =	sadd.s32 s18, s9;
	v0 =	vld [tilespmem:s8+$0x0]  }
0x29a: {  	s14 =	sadd.s32 $0x8680, s21;
	s11 =	sadd.s32 s25, s10;
	s10 =	sadd.s32 s18, s10;
	v5 =	vld [tilespmem:s9+$0x0];
	v6 =	vmax.f32 v9, v10  }
0x29b: {  	s15 =	sadd.s32 $0x8A80, s21;
	s13 =	sadd.s32 s25, s14;
	s26 =	sadd.s32 s18, s14;
	v7 =	vld [tilespmem:s10+$0x0];
	v4 =	vmax.f32 v4, v6  }
0x29c: {  	s14 =	sadd.s32 s25, s15;
	s16 =	sadd.s32 $0x8E80, s21;
	s19 =	sadd.s32 s18, s15;
	v6 =	vld [tilespmem:s26+$0x0];
	v2 =	vmax.f32 v3, v2  }
0x29d: {  	s17 =	sadd.s32 $0x9280, s21;
	s15 =	sadd.s32 s25, s16;
	s21 =	sadd.s32 s18, s16;
	v3 =	vld [tilespmem:s19+$0x0];
	v1 =	vmax.f32 v2, v1  }
0x29e: {  	s16 =	sadd.s32 s25, s17;
	s23 =	sadd.s32 s18, s17;
	v2 =	vld [tilespmem:s21+$0x0];
	v1 =	vmax.f32 v4, v1  }
0x29f: {  	v4 =	vld [tilespmem:s23+$0x0];
	[tilespmem:s12+$0x70] =	vst v1  }
0x2a0: {  	v1 =	vld [tilespmem:s2+$0x0]  }
0x2a1: {  	v8 =	vld [tilespmem:s0+$0x0]  }
0x2a2: {  	s12 =	sshll.u32 s7, $0x7;
	v9 =	vld [tilespmem:s11+$0x0]  }
0x2a3: {  	v0 =	vmax.f32 v0, v5;
	s12 =	sand.u32 $0x3FFFFC00, s12;
	v5 =	vmax.f32 v7, v6;
	v10 =	vld [tilespmem:s13+$0x0];
	v2 =	vmax.f32 v3, v2  }
0x2a4: {  	s17 =	sadd.s32 $0xFA80, s12;
	v0 =	vmax.f32 v0, v5;
	v3 =	vld [tilespmem:s14+$0x0];
	v2 =	vmax.f32 v2, v4  }
0x2a5: {  	s12 =	sadd.s32 s25, s17;
	s17 =	sadd.s32 s18, s17;
	v4 =	vld [tilespmem:s15+$0x0];
	v0 =	vmax.f32 v0, v2  }
0x2a6: {  	v2 =	vld [tilespmem:s16+$0x0];
	v1 =	vmax.f32 v1, v8;
	[tilespmem:s17+$0x0] =	vst v0  }
0x2a7: {  	v0 =	vld [tilespmem:s8+$0x10]  }
0x2a8: {  	v5 =	vmax.f32 v9, v10;
	v6 =	vld [tilespmem:s9+$0x10]  }
0x2a9: {  	v1 =	vmax.f32 v1, v5;
	v5 =	vld [tilespmem:s10+$0x10]  }
0x2aa: {  	v3 =	vmax.f32 v3, v4;
	v4 =	vld [tilespmem:s26+$0x10]  }
0x2ab: {  	v2 =	vmax.f32 v3, v2;
	v3 =	vld [tilespmem:s19+$0x10]  }
0x2ac: {  	v1 =	vmax.f32 v1, v2;
	v2 =	vld [tilespmem:s21+$0x10]  }
0x2ad: {  	[tilespmem:s12+$0x0] =	vst v1;
	v1 =	vld [tilespmem:s23+$0x10]  }
0x2ae: {  	v7 =	vld [tilespmem:s2+$0x10]  }
0x2af: {  	v8 =	vld [tilespmem:s0+$0x10]  }
0x2b0: {  	v9 =	vld [tilespmem:s11+$0x10]  }
0x2b1: {  	v0 =	vmax.f32 v0, v6;
	v4 =	vmax.f32 v5, v4;
	v10 =	vld [tilespmem:s13+$0x10];
	v2 =	vmax.f32 v3, v2  }
0x2b2: {  	v0 =	vmax.f32 v0, v4;
	v3 =	vld [tilespmem:s14+$0x10];
	v1 =	vmax.f32 v2, v1  }
0x2b3: {  	v2 =	vld [tilespmem:s15+$0x10];
	v0 =	vmax.f32 v0, v1  }
0x2b4: {  	v1 =	vld [tilespmem:s16+$0x10];
	v4 =	vmax.f32 v7, v8;
	[tilespmem:s17+$0x10] =	vst v0  }
0x2b5: {  	v0 =	vld [tilespmem:s8+$0x20]  }
0x2b6: {  	v5 =	vmax.f32 v9, v10;
	v6 =	vld [tilespmem:s9+$0x20]  }
0x2b7: {  	v4 =	vmax.f32 v4, v5;
	v5 =	vld [tilespmem:s10+$0x20]  }
0x2b8: {  	v2 =	vmax.f32 v3, v2;
	v3 =	vld [tilespmem:s26+$0x20]  }
0x2b9: {  	v1 =	vmax.f32 v2, v1;
	v2 =	vld [tilespmem:s19+$0x20]  }
0x2ba: {  	v1 =	vmax.f32 v4, v1;
	v4 =	vld [tilespmem:s21+$0x20]  }
0x2bb: {  	[tilespmem:s12+$0x10] =	vst v1;
	v1 =	vld [tilespmem:s23+$0x20]  }
0x2bc: {  	v7 =	vld [tilespmem:s2+$0x20]  }
0x2bd: {  	v8 =	vld [tilespmem:s0+$0x20]  }
0x2be: {  	v9 =	vld [tilespmem:s11+$0x20]  }
0x2bf: {  	v0 =	vmax.f32 v0, v6;
	v3 =	vmax.f32 v5, v3;
	v10 =	vld [tilespmem:s13+$0x20];
	v2 =	vmax.f32 v2, v4  }
0x2c0: {  	v0 =	vmax.f32 v0, v3;
	v4 =	vld [tilespmem:s14+$0x20];
	v1 =	vmax.f32 v2, v1  }
0x2c1: {  	v2 =	vld [tilespmem:s15+$0x20];
	v0 =	vmax.f32 v0, v1  }
0x2c2: {  	v1 =	vld [tilespmem:s16+$0x20];
	v3 =	vmax.f32 v7, v8;
	[tilespmem:s17+$0x20] =	vst v0  }
0x2c3: {  	v0 =	vld [tilespmem:s8+$0x30]  }
0x2c4: {  	v5 =	vmax.f32 v9, v10;
	v6 =	vld [tilespmem:s9+$0x30]  }
0x2c5: {  	v3 =	vmax.f32 v3, v5;
	v5 =	vld [tilespmem:s10+$0x30]  }
0x2c6: {  	v2 =	vmax.f32 v4, v2;
	v4 =	vld [tilespmem:s26+$0x30]  }
0x2c7: {  	v1 =	vmax.f32 v2, v1;
	v2 =	vld [tilespmem:s19+$0x30]  }
0x2c8: {  	v1 =	vmax.f32 v3, v1;
	v3 =	vld [tilespmem:s21+$0x30]  }
0x2c9: {  	[tilespmem:s12+$0x20] =	vst v1;
	v1 =	vld [tilespmem:s23+$0x30]  }
0x2ca: {  	v7 =	vld [tilespmem:s2+$0x30]  }
0x2cb: {  	v8 =	vld [tilespmem:s0+$0x30]  }
0x2cc: {  	v9 =	vld [tilespmem:s11+$0x30]  }
0x2cd: {  	v0 =	vmax.f32 v0, v6;
	v4 =	vmax.f32 v5, v4;
	v10 =	vld [tilespmem:s13+$0x30];
	v2 =	vmax.f32 v2, v3  }
0x2ce: {  	v0 =	vmax.f32 v0, v4;
	v3 =	vld [tilespmem:s14+$0x30];
	v1 =	vmax.f32 v2, v1  }
0x2cf: {  	v2 =	vld [tilespmem:s15+$0x30];
	v0 =	vmax.f32 v0, v1  }
0x2d0: {  	v1 =	vld [tilespmem:s16+$0x30];
	v4 =	vmax.f32 v7, v8;
	[tilespmem:s17+$0x30] =	vst v0  }
0x2d1: {  	v0 =	vld [tilespmem:s8+$0x40]  }
0x2d2: {  	v5 =	vmax.f32 v9, v10;
	v6 =	vld [tilespmem:s9+$0x40]  }
0x2d3: {  	v4 =	vmax.f32 v4, v5;
	v5 =	vld [tilespmem:s10+$0x40]  }
0x2d4: {  	v2 =	vmax.f32 v3, v2;
	v3 =	vld [tilespmem:s26+$0x40]  }
0x2d5: {  	v1 =	vmax.f32 v2, v1;
	v2 =	vld [tilespmem:s19+$0x40]  }
0x2d6: {  	v1 =	vmax.f32 v4, v1;
	v4 =	vld [tilespmem:s21+$0x40]  }
0x2d7: {  	[tilespmem:s12+$0x30] =	vst v1;
	v1 =	vld [tilespmem:s23+$0x40]  }
0x2d8: {  	v7 =	vld [tilespmem:s2+$0x40]  }
0x2d9: {  	v8 =	vld [tilespmem:s0+$0x40]  }
0x2da: {  	v9 =	vld [tilespmem:s11+$0x40]  }
0x2db: {  	v0 =	vmax.f32 v0, v6;
	v3 =	vmax.f32 v5, v3;
	v10 =	vld [tilespmem:s13+$0x40];
	v2 =	vmax.f32 v2, v4  }
0x2dc: {  	v0 =	vmax.f32 v0, v3;
	v4 =	vld [tilespmem:s14+$0x40];
	v1 =	vmax.f32 v2, v1  }
0x2dd: {  	v2 =	vld [tilespmem:s15+$0x40];
	v0 =	vmax.f32 v0, v1  }
0x2de: {  	v1 =	vld [tilespmem:s16+$0x40];
	v3 =	vmax.f32 v7, v8;
	[tilespmem:s17+$0x40] =	vst v0  }
0x2df: {  	v0 =	vld [tilespmem:s8+$0x50]  }
0x2e0: {  	v5 =	vmax.f32 v9, v10;
	v6 =	vld [tilespmem:s9+$0x50]  }
0x2e1: {  	v3 =	vmax.f32 v3, v5;
	v5 =	vld [tilespmem:s10+$0x50]  }
0x2e2: {  	v2 =	vmax.f32 v4, v2;
	v4 =	vld [tilespmem:s26+$0x50]  }
0x2e3: {  	v1 =	vmax.f32 v2, v1;
	v2 =	vld [tilespmem:s19+$0x50]  }
0x2e4: {  	v1 =	vmax.f32 v3, v1;
	v3 =	vld [tilespmem:s21+$0x50]  }
0x2e5: {  	[tilespmem:s12+$0x40] =	vst v1;
	v1 =	vld [tilespmem:s23+$0x50]  }
0x2e6: {  	v7 =	vld [tilespmem:s2+$0x50]  }
0x2e7: {  	v8 =	vld [tilespmem:s0+$0x50]  }
0x2e8: {  	v9 =	vld [tilespmem:s11+$0x50]  }
0x2e9: {  	v0 =	vmax.f32 v0, v6;
	v4 =	vmax.f32 v5, v4;
	v10 =	vld [tilespmem:s13+$0x50];
	v2 =	vmax.f32 v2, v3  }
0x2ea: {  	v0 =	vmax.f32 v0, v4;
	v3 =	vld [tilespmem:s14+$0x50];
	v1 =	vmax.f32 v2, v1  }
0x2eb: {  	v2 =	vld [tilespmem:s15+$0x50];
	v0 =	vmax.f32 v0, v1  }
0x2ec: {  	v1 =	vld [tilespmem:s16+$0x50];
	v4 =	vmax.f32 v7, v8;
	[tilespmem:s17+$0x50] =	vst v0  }
0x2ed: {  	v0 =	vld [tilespmem:s8+$0x60]  }
0x2ee: {  	v5 =	vmax.f32 v9, v10;
	v6 =	vld [tilespmem:s9+$0x60]  }
0x2ef: {  	v4 =	vmax.f32 v4, v5;
	v5 =	vld [tilespmem:s10+$0x60]  }
0x2f0: {  	v2 =	vmax.f32 v3, v2;
	v3 =	vld [tilespmem:s26+$0x60]  }
0x2f1: {  	v1 =	vmax.f32 v2, v1;
	v2 =	vld [tilespmem:s19+$0x60]  }
0x2f2: {  	v1 =	vmax.f32 v4, v1;
	v4 =	vld [tilespmem:s21+$0x60]  }
0x2f3: {  	[tilespmem:s12+$0x50] =	vst v1;
	v1 =	vld [tilespmem:s23+$0x60]  }
0x2f4: {  	v7 =	vld [tilespmem:s2+$0x60]  }
0x2f5: {  	v8 =	vld [tilespmem:s0+$0x60]  }
0x2f6: {  	v9 =	vld [tilespmem:s11+$0x60]  }
0x2f7: {  	v0 =	vmax.f32 v0, v6;
	v3 =	vmax.f32 v5, v3;
	v10 =	vld [tilespmem:s13+$0x60];
	v2 =	vmax.f32 v2, v4  }
0x2f8: {  	v0 =	vmax.f32 v0, v3;
	v4 =	vld [tilespmem:s14+$0x60];
	v1 =	vmax.f32 v2, v1  }
0x2f9: {  	v3 =	vld [tilespmem:s15+$0x60];
	v0 =	vmax.f32 v0, v1  }
0x2fa: {  	v5 =	vld [tilespmem:s16+$0x60];
	v2 =	vmax.f32 v7, v8;
	[tilespmem:s17+$0x60] =	vst v0  }
0x2fb: {  	v0 =	vld [tilespmem:s8+$0x70]  }
0x2fc: {  	v6 =	vmax.f32 v9, v10;
	v1 =	vld [tilespmem:s9+$0x70]  }
.Ltmp9:
0x2fd: {  	v6 =	vmax.f32 v2, v6;
	v2 =	vld [tilespmem:s10+$0x70];
	(pc) =	sbr.rel @p1 .LBB2_12-.Ltmp9, $4  }
0x2fe: {  	v4 =	vmax.f32 v4, v3;
	v3 =	vld [tilespmem:s26+$0x70]  }
0x2ff: {  	v5 =	vmax.f32 v4, v5;
	v4 =	vld [tilespmem:s19+$0x70]  }
0x300: {  	v5 =	vmax.f32 v6, v5;
	v6 =	vld [tilespmem:s21+$0x70]  }
0x301: {  	[tilespmem:s12+$0x60] =	vst v5;
	v5 =	vld [tilespmem:s23+$0x70]  }
0x302: {  	v7 =	vld [tilespmem:s2+$0x70]  }
0x303: {  	v8 =	vld [tilespmem:s0+$0x70]  }
0x304: {  	v9 =	vld [tilespmem:s11+$0x70]  }
0x305: {  	v10 =	vld [tilespmem:s13+$0x70]  }
0x306: {  	v11 =	vld [tilespmem:s14+$0x70]  }
0x307: {  	v12 =	vld [tilespmem:s15+$0x70]  }
0x308: {  	v13 =	vld [tilespmem:s16+$0x70];
	_ =	sdelay $0x1  }
0x309: {  	v0 =	vmax.f32 v0, v1;
	v55 =	vmax.f32 v2, v3;
	v56 =	vmax.f32 v4, v6  }
0x30a: {  	v0 =	vmax.f32 v0, v55;
	v57 =	vmax.f32 v56, v5  }
0x30b: {  	s30 =	sadd.s32 s6, s30;
	v58 =	vmax.f32 v7, v8;
	v59 =	vmax.f32 v9, v10;
	v60 =	vmax.f32 v11, v12  }
0x30c: {  	s0 =	sshll.u32 s30, $0x8;
	v0 =	vmax.f32 v0, v57;
	v61 =	vmax.f32 v58, v59;
	v62 =	vmax.f32 v60, v13  }
0x30d: {  	s0 =	sand.u32 $0x1FFFFE00, s0;
	[tilespmem:s17+$0x70] =	vst v0;
	v63 =	vmax.f32 v61, v62  }
0x30e: {  	s31 =	simm.s32 $0xFA80;
	s0 =	sadd.s32 s3, s0;
	[tilespmem:s12+$0x70] =	vst v63  }
0x30f: {  	[hbm4b:s0+s4] =	stream.linear.scatter [tilespmem:s31], [sflag:$0x5], $0x800, $0x38;
	[tilespmem:$0x10A80] =	vst v63  }
.LBB2_14:
0x310: {  	s0 =	sadd.s32 $0x6, s29  }
0x311: {  	p1 =	sge.u32 s0, s5  }
0x312: {  	s30 =	sor.u32 $0x3, s29;
	s0 =	sshll.u32 @!p1 s0, $0x4  }
0x313: {  	s2 =	simm.s32 @!p1 $0xE;
	s7 =	simm.s32 @!p1 $0x7A80;
	s0 =	sand.u32 @!p1 $0x3FFFFFF0, s0  }
0x314: {  	[tilespmem:s7], [sflag:$0x3] =	stream.indirect.gather @!p1 [hbm4b:s1+s2], $0x400, s0, s2, $0xb8;
	[tilespmem:$0x10A80] =	vst v63  }
0x315: {  	p1 =	sge.u32 s30, s5  }
.Ltmp10:
0x316: {  	_ = 	snop;
	(pc) =	sbr.rel @p1 .LBB2_18-.Ltmp10, $1  }
0x317: {  	_ =	sdelay $0x3  }
0x318: {  	s0 =	simm.s32 $0x0  }
0x319: {  	s0 =	smul.u32 $0x7000, s0  }
0x31a: {  	s31 =	simm.s32 $0x0  }
0x31b: {  	_ =	swait.ge [sflag:s24], $0x3800;
	s12 =	sand.u32 $0x300, s31;
	s0 =	sshra.s32 s0, $0x2  }
0x31c: {  	[sflag:s24] =	ssyncset.done $0x0;
	s17 =	sor.u32 $0x80, s12;
	s2 =	sadd.s32 $0xB280, s0  }
0x31d: {  	[sflag:s24] =	ssyncadd.s32 $0xFFFFC800;
	s11 =	sadd.s32 $0xB680, s0;
	s7 =	sadd.s32 s17, s2  }
0x31e: {  	s13 =	sadd.s32 $0xBA80, s0;
	s8 =	sadd.s32 s17, s11;
	v0 =	vld [tilespmem:s7+$0x0]  }
0x31f: {  	s14 =	sadd.s32 $0xBE80, s0;
	s21 =	sadd.s32 s17, s13;
	v1 =	vld [tilespmem:s8+$0x0]  }
0x320: {  	s15 =	sadd.s32 $0xC280, s0;
	s9 =	sadd.s32 s17, s14;
	v2 =	vld [tilespmem:s21+$0x0]  }
0x321: {  	s16 =	sadd.s32 $0xC680, s0;
	s10 =	sadd.s32 s17, s15;
	v3 =	vld [tilespmem:s9+$0x0]  }
0x322: {  	s18 =	sadd.s32 $0xCA80, s0;
	s23 =	sadd.s32 s17, s16;
	v4 =	vld [tilespmem:s10+$0x0]  }
0x323: {  	s19 =	sadd.s32 s17, s18;
	v5 =	vld [tilespmem:s23+$0x0]  }
0x324: {  	s2 =	sadd.s32 s12, s2;
	v6 =	vld [tilespmem:s19+$0x0]  }
0x325: {  	s0 =	sadd.s32 s12, s11;
	v7 =	vld [tilespmem:s2+$0x0]  }
0x326: {  	s11 =	sadd.s32 s12, s13;
	v8 =	vld [tilespmem:s0+$0x0]  }
0x327: {  	s25 =	simm.s32 $0x0;
	s13 =	sadd.s32 s12, s14;
	v9 =	vld [tilespmem:s11+$0x0]  }
0x328: {  	s25 =	sand.u32 $0x3FFFFC00, s25;
	s14 =	sadd.s32 s12, s15;
	v10 =	vld [tilespmem:s13+$0x0];
	v0 =	vmax.f32 v0, v1;
	v1 =	vmax.f32 v2, v3;
	v2 =	vmax.f32 v4, v5  }
0x329: {  	s25 =	sadd.s32 $0x10280, s25;
	s15 =	sadd.s32 s12, s16;
	v3 =	vld [tilespmem:s14+$0x0];
	v0 =	vmax.f32 v0, v1;
	v1 =	vmax.f32 v2, v6  }
0x32a: {  	s16 =	sadd.s32 s12, s18;
	s17 =	sadd.s32 s17, s25;
	v2 =	vld [tilespmem:s15+$0x0];
	v0 =	vmax.f32 v0, v1  }
0x32b: {  	v1 =	vld [tilespmem:s16+$0x0];
	[tilespmem:s17+$0x0] =	vst v0  }
0x32c: {  	v0 =	vld [tilespmem:s7+$0x10]  }
0x32d: {  	v4 =	vld [tilespmem:s8+$0x10]  }
0x32e: {  	v5 =	vld [tilespmem:s21+$0x10]  }
0x32f: {  	v6 =	vmax.f32 v7, v8;
	v7 =	vmax.f32 v9, v10;
	v2 =	vmax.f32 v3, v2;
	v3 =	vld [tilespmem:s9+$0x10]  }
0x330: {  	v6 =	vmax.f32 v6, v7;
	v1 =	vmax.f32 v2, v1;
	v2 =	vld [tilespmem:s10+$0x10]  }
0x331: {  	s12 =	sadd.s32 s12, s25;
	v1 =	vmax.f32 v6, v1;
	v6 =	vld [tilespmem:s23+$0x10]  }
0x332: {  	[tilespmem:s12+$0x0] =	vst v1;
	v1 =	vld [tilespmem:s19+$0x10]  }
0x333: {  	v7 =	vld [tilespmem:s2+$0x10]  }
0x334: {  	v8 =	vld [tilespmem:s0+$0x10]  }
0x335: {  	v52 =	vld [tilespmem:s11+$0x10]  }
0x336: {  	v0 =	vmax.f32 v0, v4;
	v53 =	vld [tilespmem:s13+$0x10];
	v3 =	vmax.f32 v5, v3;
	v2 =	vmax.f32 v2, v6  }
0x337: {  	v4 =	vld [tilespmem:s14+$0x10];
	v0 =	vmax.f32 v0, v3;
	v1 =	vmax.f32 v2, v1  }
0x338: {  	v2 =	vld [tilespmem:s15+$0x10];
	v0 =	vmax.f32 v0, v1  }
0x339: {  	v1 =	vld [tilespmem:s16+$0x10];
	[tilespmem:s17+$0x10] =	vst v0  }
0x33a: {  	v0 =	vld [tilespmem:s7+$0x20]  }
0x33b: {  	v3 =	vld [tilespmem:s8+$0x20]  }
0x33c: {  	v5 =	vld [tilespmem:s21+$0x20]  }
0x33d: {  	v6 =	vmax.f32 v7, v8;
	v7 =	vmax.f32 v52, v53;
	v2 =	vmax.f32 v4, v2;
	v4 =	vld [tilespmem:s9+$0x20]  }
0x33e: {  	v6 =	vmax.f32 v6, v7;
	v1 =	vmax.f32 v2, v1;
	v2 =	vld [tilespmem:s10+$0x20]  }
0x33f: {  	v1 =	vmax.f32 v6, v1;
	v6 =	vld [tilespmem:s23+$0x20]  }
0x340: {  	[tilespmem:s12+$0x10] =	vst v1;
	v1 =	vld [tilespmem:s19+$0x20]  }
0x341: {  	v7 =	vld [tilespmem:s2+$0x20]  }
0x342: {  	v8 =	vld [tilespmem:s0+$0x20]  }
0x343: {  	v54 =	vld [tilespmem:s11+$0x20]  }
0x344: {  	v0 =	vmax.f32 v0, v3;
	v55 =	vld [tilespmem:s13+$0x20];
	v3 =	vmax.f32 v5, v4;
	v2 =	vmax.f32 v2, v6  }
0x345: {  	v4 =	vld [tilespmem:s14+$0x20];
	v0 =	vmax.f32 v0, v3;
	v1 =	vmax.f32 v2, v1  }
0x346: {  	v2 =	vld [tilespmem:s15+$0x20];
	v0 =	vmax.f32 v0, v1  }
0x347: {  	v1 =	vld [tilespmem:s16+$0x20];
	[tilespmem:s17+$0x20] =	vst v0  }
0x348: {  	v0 =	vld [tilespmem:s7+$0x30]  }
0x349: {  	v3 =	vld [tilespmem:s8+$0x30]  }
0x34a: {  	v5 =	vld [tilespmem:s21+$0x30]  }
0x34b: {  	v6 =	vmax.f32 v7, v8;
	v7 =	vmax.f32 v54, v55;
	v2 =	vmax.f32 v4, v2;
	v4 =	vld [tilespmem:s9+$0x30]  }
0x34c: {  	v6 =	vmax.f32 v6, v7;
	v1 =	vmax.f32 v2, v1;
	v2 =	vld [tilespmem:s10+$0x30]  }
0x34d: {  	v1 =	vmax.f32 v6, v1;
	v6 =	vld [tilespmem:s23+$0x30]  }
0x34e: {  	[tilespmem:s12+$0x20] =	vst v1;
	v1 =	vld [tilespmem:s19+$0x30]  }
0x34f: {  	v7 =	vld [tilespmem:s2+$0x30]  }
0x350: {  	v8 =	vld [tilespmem:s0+$0x30]  }
0x351: {  	v56 =	vld [tilespmem:s11+$0x30]  }
0x352: {  	v0 =	vmax.f32 v0, v3;
	v57 =	vld [tilespmem:s13+$0x30];
	v3 =	vmax.f32 v5, v4;
	v2 =	vmax.f32 v2, v6  }
0x353: {  	v4 =	vld [tilespmem:s14+$0x30];
	v0 =	vmax.f32 v0, v3;
	v1 =	vmax.f32 v2, v1  }
0x354: {  	v2 =	vld [tilespmem:s15+$0x30];
	v0 =	vmax.f32 v0, v1  }
0x355: {  	v1 =	vld [tilespmem:s16+$0x30];
	[tilespmem:s17+$0x30] =	vst v0  }
0x356: {  	v0 =	vld [tilespmem:s7+$0x40]  }
0x357: {  	v3 =	vld [tilespmem:s8+$0x40]  }
0x358: {  	v5 =	vld [tilespmem:s21+$0x40]  }
0x359: {  	v6 =	vmax.f32 v7, v8;
	v7 =	vmax.f32 v56, v57;
	v2 =	vmax.f32 v4, v2;
	v4 =	vld [tilespmem:s9+$0x40]  }
0x35a: {  	v6 =	vmax.f32 v6, v7;
	v1 =	vmax.f32 v2, v1;
	v2 =	vld [tilespmem:s10+$0x40]  }
0x35b: {  	v1 =	vmax.f32 v6, v1;
	v6 =	vld [tilespmem:s23+$0x40]  }
0x35c: {  	[tilespmem:s12+$0x30] =	vst v1;
	v1 =	vld [tilespmem:s19+$0x40]  }
0x35d: {  	v7 =	vld [tilespmem:s2+$0x40]  }
0x35e: {  	v8 =	vld [tilespmem:s0+$0x40]  }
0x35f: {  	v58 =	vld [tilespmem:s11+$0x40]  }
0x360: {  	v0 =	vmax.f32 v0, v3;
	v59 =	vld [tilespmem:s13+$0x40];
	v3 =	vmax.f32 v5, v4;
	v2 =	vmax.f32 v2, v6  }
0x361: {  	v4 =	vld [tilespmem:s14+$0x40];
	v0 =	vmax.f32 v0, v3;
	v1 =	vmax.f32 v2, v1  }
0x362: {  	v2 =	vld [tilespmem:s15+$0x40];
	v0 =	vmax.f32 v0, v1  }
0x363: {  	v1 =	vld [tilespmem:s16+$0x40];
	[tilespmem:s17+$0x40] =	vst v0  }
0x364: {  	v0 =	vld [tilespmem:s7+$0x50]  }
0x365: {  	v3 =	vld [tilespmem:s8+$0x50]  }
0x366: {  	v5 =	vld [tilespmem:s21+$0x50]  }
0x367: {  	v6 =	vmax.f32 v7, v8;
	v7 =	vmax.f32 v58, v59;
	v2 =	vmax.f32 v4, v2;
	v4 =	vld [tilespmem:s9+$0x50]  }
0x368: {  	v6 =	vmax.f32 v6, v7;
	v1 =	vmax.f32 v2, v1;
	v2 =	vld [tilespmem:s10+$0x50]  }
0x369: {  	v1 =	vmax.f32 v6, v1;
	v6 =	vld [tilespmem:s23+$0x50]  }
0x36a: {  	[tilespmem:s12+$0x40] =	vst v1;
	v1 =	vld [tilespmem:s19+$0x50]  }
0x36b: {  	v7 =	vld [tilespmem:s2+$0x50]  }
0x36c: {  	v8 =	vld [tilespmem:s0+$0x50]  }
0x36d: {  	v60 =	vld [tilespmem:s11+$0x50]  }
0x36e: {  	v0 =	vmax.f32 v0, v3;
	v61 =	vld [tilespmem:s13+$0x50];
	v3 =	vmax.f32 v5, v4;
	v2 =	vmax.f32 v2, v6  }
0x36f: {  	v4 =	vld [tilespmem:s14+$0x50];
	v0 =	vmax.f32 v0, v3;
	v1 =	vmax.f32 v2, v1  }
0x370: {  	v2 =	vld [tilespmem:s15+$0x50];
	v0 =	vmax.f32 v0, v1  }
0x371: {  	v1 =	vld [tilespmem:s16+$0x50];
	[tilespmem:s17+$0x50] =	vst v0  }
0x372: {  	v0 =	vld [tilespmem:s7+$0x60]  }
0x373: {  	v3 =	vld [tilespmem:s8+$0x60]  }
0x374: {  	v5 =	vld [tilespmem:s21+$0x60]  }
0x375: {  	v6 =	vmax.f32 v7, v8;
	v7 =	vmax.f32 v60, v61;
	v2 =	vmax.f32 v4, v2;
	v4 =	vld [tilespmem:s9+$0x60]  }
0x376: {  	v6 =	vmax.f32 v6, v7;
	v1 =	vmax.f32 v2, v1;
	v2 =	vld [tilespmem:s10+$0x60]  }
0x377: {  	v1 =	vmax.f32 v6, v1;
	v6 =	vld [tilespmem:s23+$0x60]  }
0x378: {  	[tilespmem:s12+$0x50] =	vst v1;
	v1 =	vld [tilespmem:s19+$0x60]  }
0x379: {  	v7 =	vld [tilespmem:s2+$0x60]  }
0x37a: {  	v8 =	vld [tilespmem:s0+$0x60]  }
0x37b: {  	v62 =	vld [tilespmem:s11+$0x60]  }
0x37c: {  	v0 =	vmax.f32 v0, v3;
	v63 =	vld [tilespmem:s13+$0x60];
	v3 =	vmax.f32 v5, v4;
	v2 =	vmax.f32 v2, v6  }
0x37d: {  	v4 =	vld [tilespmem:s14+$0x60];
	v0 =	vmax.f32 v0, v3;
	v1 =	vmax.f32 v2, v1  }
0x37e: {  	v3 =	vld [tilespmem:s15+$0x60];
	v0 =	vmax.f32 v0, v1  }
0x37f: {  	v5 =	vld [tilespmem:s16+$0x60];
	[tilespmem:s17+$0x60] =	vst v0  }
0x380: {  	v0 =	vld [tilespmem:s7+$0x70]  }
0x381: {  	v1 =	vld [tilespmem:s8+$0x70]  }
0x382: {  	v2 =	vld [tilespmem:s21+$0x70]  }
0x383: {  	v6 =	vmax.f32 v7, v8;
	v7 =	vmax.f32 v62, v63;
	v4 =	vmax.f32 v4, v3;
	v3 =	vld [tilespmem:s9+$0x70]  }
0x384: {  	v6 =	vmax.f32 v6, v7;
	v5 =	vmax.f32 v4, v5;
	v4 =	vld [tilespmem:s10+$0x70]  }
0x385: {  	v5 =	vmax.f32 v6, v5;
	v6 =	vld [tilespmem:s23+$0x70]  }
0x386: {  	s7 =	simm.s32 $0x0;
	[tilespmem:s12+$0x60] =	vst v5;
	v5 =	vld [tilespmem:s19+$0x70]  }
.LBB2_16:
0x387: {  	s7 =	sadd.s32 $0x2, s7;
	v7 =	vld [tilespmem:s2+$0x70]  }
0x388: {  	s2 =	sshrl.u32 s7, $0x3;
	p1 =	slt.u32 s7, $0xE;
	v8 =	vld [tilespmem:s0+$0x70]  }
0x389: {  	s0 =	smul.u32 $0x7000, s2;
	v9 =	vld [tilespmem:s11+$0x70]  }
0x38a: {  	v0 =	vmax.f32 v0, v1;
	s31 =	sadd.s32 $0x100, s31;
	v1 =	vmax.f32 v2, v3;
	v10 =	vld [tilespmem:s13+$0x70];
	v2 =	vmax.f32 v4, v6  }
0x38b: {  	s25 =	sand.u32 $0x300, s31;
	v0 =	vmax.f32 v0, v1;
	s21 =	sshra.s32 s0, $0x2;
	v3 =	vld [tilespmem:s14+$0x70];
	v1 =	vmax.f32 v2, v5  }
0x38c: {  	s18 =	sor.u32 $0x80, s25;
	s0 =	sadd.s32 $0xB280, s21;
	v2 =	vld [tilespmem:s15+$0x70];
	v0 =	vmax.f32 v0, v1  }
0x38d: {  	s9 =	sadd.s32 $0xB680, s21;
	s2 =	sadd.s32 s25, s0;
	s8 =	sadd.s32 s18, s0;
	v1 =	vld [tilespmem:s16+$0x70];
	v4 =	vmax.f32 v7, v8;
	[tilespmem:s17+$0x70] =	vst v0  }
0x38e: {  	s10 =	sadd.s32 $0xBA80, s21;
	s0 =	sadd.s32 s25, s9;
	s9 =	sadd.s32 s18, s9;
	v0 =	vld [tilespmem:s8+$0x0]  }
0x38f: {  	s14 =	sadd.s32 $0xBE80, s21;
	s11 =	sadd.s32 s25, s10;
	s10 =	sadd.s32 s18, s10;
	v5 =	vld [tilespmem:s9+$0x0];
	v6 =	vmax.f32 v9, v10  }
0x390: {  	s15 =	sadd.s32 $0xC280, s21;
	s13 =	sadd.s32 s25, s14;
	s26 =	sadd.s32 s18, s14;
	v7 =	vld [tilespmem:s10+$0x0];
	v4 =	vmax.f32 v4, v6  }
0x391: {  	s14 =	sadd.s32 s25, s15;
	s16 =	sadd.s32 $0xC680, s21;
	s19 =	sadd.s32 s18, s15;
	v6 =	vld [tilespmem:s26+$0x0];
	v2 =	vmax.f32 v3, v2  }
0x392: {  	s17 =	sadd.s32 $0xCA80, s21;
	s15 =	sadd.s32 s25, s16;
	s21 =	sadd.s32 s18, s16;
	v3 =	vld [tilespmem:s19+$0x0];
	v1 =	vmax.f32 v2, v1  }
0x393: {  	s16 =	sadd.s32 s25, s17;
	s23 =	sadd.s32 s18, s17;
	v2 =	vld [tilespmem:s21+$0x0];
	v1 =	vmax.f32 v4, v1  }
0x394: {  	v4 =	vld [tilespmem:s23+$0x0];
	[tilespmem:s12+$0x70] =	vst v1  }
0x395: {  	v1 =	vld [tilespmem:s2+$0x0]  }
0x396: {  	v8 =	vld [tilespmem:s0+$0x0]  }
0x397: {  	s12 =	sshll.u32 s7, $0x7;
	v9 =	vld [tilespmem:s11+$0x0]  }
0x398: {  	v0 =	vmax.f32 v0, v5;
	s12 =	sand.u32 $0x3FFFFC00, s12;
	v5 =	vmax.f32 v7, v6;
	v10 =	vld [tilespmem:s13+$0x0];
	v2 =	vmax.f32 v3, v2  }
0x399: {  	s17 =	sadd.s32 $0x10280, s12;
	v0 =	vmax.f32 v0, v5;
	v3 =	vld [tilespmem:s14+$0x0];
	v2 =	vmax.f32 v2, v4  }
0x39a: {  	s12 =	sadd.s32 s25, s17;
	s17 =	sadd.s32 s18, s17;
	v4 =	vld [tilespmem:s15+$0x0];
	v0 =	vmax.f32 v0, v2  }
0x39b: {  	v2 =	vld [tilespmem:s16+$0x0];
	v1 =	vmax.f32 v1, v8;
	[tilespmem:s17+$0x0] =	vst v0  }
0x39c: {  	v0 =	vld [tilespmem:s8+$0x10]  }
0x39d: {  	v5 =	vmax.f32 v9, v10;
	v6 =	vld [tilespmem:s9+$0x10]  }
0x39e: {  	v1 =	vmax.f32 v1, v5;
	v5 =	vld [tilespmem:s10+$0x10]  }
0x39f: {  	v3 =	vmax.f32 v3, v4;
	v4 =	vld [tilespmem:s26+$0x10]  }
0x3a0: {  	v2 =	vmax.f32 v3, v2;
	v3 =	vld [tilespmem:s19+$0x10]  }
0x3a1: {  	v1 =	vmax.f32 v1, v2;
	v2 =	vld [tilespmem:s21+$0x10]  }
0x3a2: {  	[tilespmem:s12+$0x0] =	vst v1;
	v1 =	vld [tilespmem:s23+$0x10]  }
0x3a3: {  	v7 =	vld [tilespmem:s2+$0x10]  }
0x3a4: {  	v8 =	vld [tilespmem:s0+$0x10]  }
0x3a5: {  	v9 =	vld [tilespmem:s11+$0x10]  }
0x3a6: {  	v0 =	vmax.f32 v0, v6;
	v4 =	vmax.f32 v5, v4;
	v10 =	vld [tilespmem:s13+$0x10];
	v2 =	vmax.f32 v3, v2  }
0x3a7: {  	v0 =	vmax.f32 v0, v4;
	v3 =	vld [tilespmem:s14+$0x10];
	v1 =	vmax.f32 v2, v1  }
0x3a8: {  	v2 =	vld [tilespmem:s15+$0x10];
	v0 =	vmax.f32 v0, v1  }
0x3a9: {  	v1 =	vld [tilespmem:s16+$0x10];
	v4 =	vmax.f32 v7, v8;
	[tilespmem:s17+$0x10] =	vst v0  }
0x3aa: {  	v0 =	vld [tilespmem:s8+$0x20]  }
0x3ab: {  	v5 =	vmax.f32 v9, v10;
	v6 =	vld [tilespmem:s9+$0x20]  }
0x3ac: {  	v4 =	vmax.f32 v4, v5;
	v5 =	vld [tilespmem:s10+$0x20]  }
0x3ad: {  	v2 =	vmax.f32 v3, v2;
	v3 =	vld [tilespmem:s26+$0x20]  }
0x3ae: {  	v1 =	vmax.f32 v2, v1;
	v2 =	vld [tilespmem:s19+$0x20]  }
0x3af: {  	v1 =	vmax.f32 v4, v1;
	v4 =	vld [tilespmem:s21+$0x20]  }
0x3b0: {  	[tilespmem:s12+$0x10] =	vst v1;
	v1 =	vld [tilespmem:s23+$0x20]  }
0x3b1: {  	v7 =	vld [tilespmem:s2+$0x20]  }
0x3b2: {  	v8 =	vld [tilespmem:s0+$0x20]  }
0x3b3: {  	v9 =	vld [tilespmem:s11+$0x20]  }
0x3b4: {  	v0 =	vmax.f32 v0, v6;
	v3 =	vmax.f32 v5, v3;
	v10 =	vld [tilespmem:s13+$0x20];
	v2 =	vmax.f32 v2, v4  }
0x3b5: {  	v0 =	vmax.f32 v0, v3;
	v4 =	vld [tilespmem:s14+$0x20];
	v1 =	vmax.f32 v2, v1  }
0x3b6: {  	v2 =	vld [tilespmem:s15+$0x20];
	v0 =	vmax.f32 v0, v1  }
0x3b7: {  	v1 =	vld [tilespmem:s16+$0x20];
	v3 =	vmax.f32 v7, v8;
	[tilespmem:s17+$0x20] =	vst v0  }
0x3b8: {  	v0 =	vld [tilespmem:s8+$0x30]  }
0x3b9: {  	v5 =	vmax.f32 v9, v10;
	v6 =	vld [tilespmem:s9+$0x30]  }
0x3ba: {  	v3 =	vmax.f32 v3, v5;
	v5 =	vld [tilespmem:s10+$0x30]  }
0x3bb: {  	v2 =	vmax.f32 v4, v2;
	v4 =	vld [tilespmem:s26+$0x30]  }
0x3bc: {  	v1 =	vmax.f32 v2, v1;
	v2 =	vld [tilespmem:s19+$0x30]  }
0x3bd: {  	v1 =	vmax.f32 v3, v1;
	v3 =	vld [tilespmem:s21+$0x30]  }
0x3be: {  	[tilespmem:s12+$0x20] =	vst v1;
	v1 =	vld [tilespmem:s23+$0x30]  }
0x3bf: {  	v7 =	vld [tilespmem:s2+$0x30]  }
0x3c0: {  	v8 =	vld [tilespmem:s0+$0x30]  }
0x3c1: {  	v9 =	vld [tilespmem:s11+$0x30]  }
0x3c2: {  	v0 =	vmax.f32 v0, v6;
	v4 =	vmax.f32 v5, v4;
	v10 =	vld [tilespmem:s13+$0x30];
	v2 =	vmax.f32 v2, v3  }
0x3c3: {  	v0 =	vmax.f32 v0, v4;
	v3 =	vld [tilespmem:s14+$0x30];
	v1 =	vmax.f32 v2, v1  }
0x3c4: {  	v2 =	vld [tilespmem:s15+$0x30];
	v0 =	vmax.f32 v0, v1  }
0x3c5: {  	v1 =	vld [tilespmem:s16+$0x30];
	v4 =	vmax.f32 v7, v8;
	[tilespmem:s17+$0x30] =	vst v0  }
0x3c6: {  	v0 =	vld [tilespmem:s8+$0x40]  }
0x3c7: {  	v5 =	vmax.f32 v9, v10;
	v6 =	vld [tilespmem:s9+$0x40]  }
0x3c8: {  	v4 =	vmax.f32 v4, v5;
	v5 =	vld [tilespmem:s10+$0x40]  }
0x3c9: {  	v2 =	vmax.f32 v3, v2;
	v3 =	vld [tilespmem:s26+$0x40]  }
0x3ca: {  	v1 =	vmax.f32 v2, v1;
	v2 =	vld [tilespmem:s19+$0x40]  }
0x3cb: {  	v1 =	vmax.f32 v4, v1;
	v4 =	vld [tilespmem:s21+$0x40]  }
0x3cc: {  	[tilespmem:s12+$0x30] =	vst v1;
	v1 =	vld [tilespmem:s23+$0x40]  }
0x3cd: {  	v7 =	vld [tilespmem:s2+$0x40]  }
0x3ce: {  	v8 =	vld [tilespmem:s0+$0x40]  }
0x3cf: {  	v9 =	vld [tilespmem:s11+$0x40]  }
0x3d0: {  	v0 =	vmax.f32 v0, v6;
	v3 =	vmax.f32 v5, v3;
	v10 =	vld [tilespmem:s13+$0x40];
	v2 =	vmax.f32 v2, v4  }
0x3d1: {  	v0 =	vmax.f32 v0, v3;
	v4 =	vld [tilespmem:s14+$0x40];
	v1 =	vmax.f32 v2, v1  }
0x3d2: {  	v2 =	vld [tilespmem:s15+$0x40];
	v0 =	vmax.f32 v0, v1  }
0x3d3: {  	v1 =	vld [tilespmem:s16+$0x40];
	v3 =	vmax.f32 v7, v8;
	[tilespmem:s17+$0x40] =	vst v0  }
0x3d4: {  	v0 =	vld [tilespmem:s8+$0x50]  }
0x3d5: {  	v5 =	vmax.f32 v9, v10;
	v6 =	vld [tilespmem:s9+$0x50]  }
0x3d6: {  	v3 =	vmax.f32 v3, v5;
	v5 =	vld [tilespmem:s10+$0x50]  }
0x3d7: {  	v2 =	vmax.f32 v4, v2;
	v4 =	vld [tilespmem:s26+$0x50]  }
0x3d8: {  	v1 =	vmax.f32 v2, v1;
	v2 =	vld [tilespmem:s19+$0x50]  }
0x3d9: {  	v1 =	vmax.f32 v3, v1;
	v3 =	vld [tilespmem:s21+$0x50]  }
0x3da: {  	[tilespmem:s12+$0x40] =	vst v1;
	v1 =	vld [tilespmem:s23+$0x50]  }
0x3db: {  	v7 =	vld [tilespmem:s2+$0x50]  }
0x3dc: {  	v8 =	vld [tilespmem:s0+$0x50]  }
0x3dd: {  	v9 =	vld [tilespmem:s11+$0x50]  }
0x3de: {  	v0 =	vmax.f32 v0, v6;
	v4 =	vmax.f32 v5, v4;
	v10 =	vld [tilespmem:s13+$0x50];
	v2 =	vmax.f32 v2, v3  }
0x3df: {  	v0 =	vmax.f32 v0, v4;
	v3 =	vld [tilespmem:s14+$0x50];
	v1 =	vmax.f32 v2, v1  }
0x3e0: {  	v2 =	vld [tilespmem:s15+$0x50];
	v0 =	vmax.f32 v0, v1  }
0x3e1: {  	v1 =	vld [tilespmem:s16+$0x50];
	v4 =	vmax.f32 v7, v8;
	[tilespmem:s17+$0x50] =	vst v0  }
0x3e2: {  	v0 =	vld [tilespmem:s8+$0x60]  }
0x3e3: {  	v5 =	vmax.f32 v9, v10;
	v6 =	vld [tilespmem:s9+$0x60]  }
0x3e4: {  	v4 =	vmax.f32 v4, v5;
	v5 =	vld [tilespmem:s10+$0x60]  }
0x3e5: {  	v2 =	vmax.f32 v3, v2;
	v3 =	vld [tilespmem:s26+$0x60]  }
0x3e6: {  	v1 =	vmax.f32 v2, v1;
	v2 =	vld [tilespmem:s19+$0x60]  }
0x3e7: {  	v1 =	vmax.f32 v4, v1;
	v4 =	vld [tilespmem:s21+$0x60]  }
0x3e8: {  	[tilespmem:s12+$0x50] =	vst v1;
	v1 =	vld [tilespmem:s23+$0x60]  }
0x3e9: {  	v7 =	vld [tilespmem:s2+$0x60]  }
0x3ea: {  	v8 =	vld [tilespmem:s0+$0x60]  }
0x3eb: {  	v9 =	vld [tilespmem:s11+$0x60]  }
0x3ec: {  	v0 =	vmax.f32 v0, v6;
	v3 =	vmax.f32 v5, v3;
	v10 =	vld [tilespmem:s13+$0x60];
	v2 =	vmax.f32 v2, v4  }
0x3ed: {  	v0 =	vmax.f32 v0, v3;
	v4 =	vld [tilespmem:s14+$0x60];
	v1 =	vmax.f32 v2, v1  }
0x3ee: {  	v3 =	vld [tilespmem:s15+$0x60];
	v0 =	vmax.f32 v0, v1  }
0x3ef: {  	v5 =	vld [tilespmem:s16+$0x60];
	v2 =	vmax.f32 v7, v8;
	[tilespmem:s17+$0x60] =	vst v0  }
0x3f0: {  	v0 =	vld [tilespmem:s8+$0x70]  }
0x3f1: {  	v6 =	vmax.f32 v9, v10;
	v1 =	vld [tilespmem:s9+$0x70]  }
.Ltmp11:
0x3f2: {  	v6 =	vmax.f32 v2, v6;
	v2 =	vld [tilespmem:s10+$0x70];
	(pc) =	sbr.rel @p1 .LBB2_16-.Ltmp11, $4  }
0x3f3: {  	v4 =	vmax.f32 v4, v3;
	v3 =	vld [tilespmem:s26+$0x70]  }
0x3f4: {  	v5 =	vmax.f32 v4, v5;
	v4 =	vld [tilespmem:s19+$0x70]  }
0x3f5: {  	v5 =	vmax.f32 v6, v5;
	v6 =	vld [tilespmem:s21+$0x70]  }
0x3f6: {  	[tilespmem:s12+$0x60] =	vst v5;
	v5 =	vld [tilespmem:s23+$0x70]  }
0x3f7: {  	v7 =	vld [tilespmem:s2+$0x70]  }
0x3f8: {  	v8 =	vld [tilespmem:s0+$0x70]  }
0x3f9: {  	v9 =	vld [tilespmem:s11+$0x70]  }
0x3fa: {  	v10 =	vld [tilespmem:s13+$0x70]  }
0x3fb: {  	v11 =	vld [tilespmem:s14+$0x70]  }
0x3fc: {  	v12 =	vld [tilespmem:s15+$0x70]  }
0x3fd: {  	v13 =	vld [tilespmem:s16+$0x70];
	_ =	sdelay $0x1  }
0x3fe: {  	v0 =	vmax.f32 v0, v1;
	v55 =	vmax.f32 v2, v3;
	v56 =	vmax.f32 v4, v6  }
0x3ff: {  	v0 =	vmax.f32 v0, v55;
	v57 =	vmax.f32 v56, v5  }
.Ltmp12:
0x400: {  	s30 =	sadd.s32 s6, s30;
	v58 =	vmax.f32 v7, v8;
	v59 =	vmax.f32 v9, v10;
	v60 =	vmax.f32 v11, v12;
	(pc) =	sbr.rel .LBB2_18-.Ltmp12, $4  }
0x401: {  	s0 =	sshll.u32 s30, $0x8;
	v0 =	vmax.f32 v0, v57;
	v61 =	vmax.f32 v58, v59;
	v62 =	vmax.f32 v60, v13  }
0x402: {  	s0 =	sand.u32 $0x1FFFFF00, s0;
	[tilespmem:s17+$0x70] =	vst v0;
	v63 =	vmax.f32 v61, v62  }
0x403: {  	s31 =	simm.s32 $0x10280;
	s0 =	sadd.s32 s3, s0;
	[tilespmem:s12+$0x70] =	vst v63  }
0x404: {  	[hbm4b:s0+s4] =	stream.linear.scatter [tilespmem:s31], [sflag:$0x5], $0x800, $0x38;
	[tilespmem:$0x10A80] =	vst v63  }
.LBB2_20:
0x405: {  	_ =	sfence.sel $0x180000  }
0x406: {  	[bflag:$0x0] =	sbarrier.arrive $0xFFFF  }
0x407: {  	_ =	strace $0x90000047  }
0x408: {  	s0 =	stileid.u32;
	[bflag:$0x2] =	sbarrier.arrive $0xFFFF  }
0x409: {  	p0 =	sne.s32 s0, $0x0;
	s0 =	rddreg [dreg:$0x3]  }
0x40a: {  	s0 =	sadd.s32 @!p0 $0x100000, s0  }
0x40b: {  	[sflag:s0] =	ssyncadd.tile.s32 @!p0 $0x1;
	_ =	shalt  }
.Lfunc_end2:
_tile_overlayer_lowered:
.L_overlay_start_2:
0x40c: {  	(tag) =	ssettag $0x2  }
0x40d: {  	s0 =	rddreg [dreg:$0x0];
	s2 =	stileid.u32  }
0x40e: {  	s1 =	rddreg [dreg:$0x1];
	p0 =	sne.s32 s2, $0x0  }
0x40f: {  	s3 =	rddreg [dreg:$0x2];
	[bflag:$0x3] =	sbarrier.arrive $0xFFFF;
	s2 =	simm.s32 @!p0 $0x1C06  }
0x410: {  	[timem:s3], [sflag:s2] =	dma.local @!p0 [hbm:s0], s1  }
0x411: {  	s0 =	simm.s32 @!p0 $0x6  }
0x412: {  	_ =	swait.ge @!p0 [sflag:s0], s1  }
0x413: {  	s1 =	ssub.s32 @!p0 $0x0, s1;
	[sflag:s0] =	ssyncset.done @!p0 $0x0  }
0x414: {  	[sflag:s0] =	ssyncadd.s32 @!p0 s1  }
0x415: {  	[bflag:$0x3] =	sbarrier.arrive $0xFFFF  }
0x416: {  	_ =	shalt  }

</sc_bundles>
